<compile_context>
chip_gen: v7x
topology: tpu7x:2x2x1
jax: 0.10.2.dev20260603
libtpu: 0.0.44.dev20260713+nightly
codegen_flags: <defaults>
</compile_context>

<pallas_src>
import functools

import jax
import jax.numpy as jnp
from jax import lax
from jax.experimental import pallas as pl
from jax.experimental.pallas import tpu as pltpu
from jax.experimental.pallas import tpu_sc as plsc

N = 50000
NP = 51200
E = 800000
B = 16
H = 16

CH = 128
NCHUNK = E // CH
NW = 32
CPW = -(-NCHUNK // NW)
RPS = NP // 16
RCH = 640
NB_ENC = 1024
NB_UPD = 2000
EB = 6400

_mesh = plsc.VectorSubcoreMesh(core_axis_name="c", subcore_axis_name="s")
_sc_params = pltpu.CompilerParams(use_tc_tiling_on_sc=False)


def _sc_gather_body(h_hbm, src_hbm, out_hbm, idx_v, rows_v, sem):
    c = lax.axis_index("c")
    s = lax.axis_index("s")
    wid = s * 2 + c

    def body(j, _):
        cid = wid * CPW + j

        @pl.when(cid < NCHUNK)
        def _():
            pltpu.sync_copy(src_hbm.at[cid], idx_v)
            pltpu.async_copy(h_hbm.at[idx_v], rows_v, sem).wait()
            pltpu.sync_copy(rows_v, out_hbm.at[pl.ds(cid * CH, CH), :])

        return 0

    lax.fori_loop(0, CPW, body, 0)


def _gather_call():
    return pl.kernel(
        _sc_gather_body,
        mesh=_mesh,
        out_type=jax.ShapeDtypeStruct((E, H), jnp.float32),
        scratch_types=[
            pltpu.VMEM((CH,), jnp.int32),
            pltpu.VMEM((CH, H), jnp.float32),
            pltpu.SemaphoreType.DMA,
        ],
        compiler_params=_sc_params,
    )


def _make_scatter(load_vals):
    def body(vals_hbm, dst_hbm, out_hbm, idx_v, rows_v, obuf, agg_sh, sem):
        del sem
        c = lax.axis_index("c")
        s = lax.axis_index("s")
        wid = s * 2 + c

        def zrow(i, _):
            obuf[i, :] = jnp.zeros((H,), jnp.float32)
            return 0

        lax.fori_loop(0, RCH, zrow, 0)
        if not load_vals:
            def orow(i, _):
                rows_v[i, :] = jnp.ones((H,), jnp.float32)
                return 0

            lax.fori_loop(0, CH, orow, 0)

        def zcp(k, _):
            pltpu.sync_copy(obuf, agg_sh.at[pl.ds(s * RPS + k * RCH, RCH), :])
            return 0

        lax.fori_loop(0, RPS // RCH, zcp, 0)
        plsc.subcore_barrier()

        def body_j(j, _):
            cid = wid * CPW + j

            @pl.when(cid < NCHUNK)
            def _():
                pltpu.sync_copy(dst_hbm.at[cid], idx_v)
                if load_vals:
                    pltpu.sync_copy(vals_hbm.at[pl.ds(cid * CH, CH), :], rows_v)
                pltpu.sync_copy(rows_v, agg_sh.at[idx_v], add=True)

            return 0

        lax.fori_loop(0, CPW, body_j, 0)
        plsc.subcore_barrier()

        def ocp(k, _):
            r0 = s * RPS + k * RCH
            pltpu.sync_copy(agg_sh.at[pl.ds(r0, RCH), :], obuf)
            pltpu.sync_copy(obuf, out_hbm.at[c].at[pl.ds(r0, RCH), :])
            return 0

        lax.fori_loop(0, RPS // RCH, ocp, 0)

    return pl.kernel(
        body,
        mesh=_mesh,
        out_type=jax.ShapeDtypeStruct((2, NP, H), jnp.float32),
        scratch_types=[
            pltpu.VMEM((CH,), jnp.int32),
            pltpu.VMEM((CH, H), jnp.float32),
            pltpu.VMEM((RCH, H), jnp.float32),
            pltpu.VMEM_SHARED((NP, H), jnp.float32),
            pltpu.SemaphoreType.DMA,
        ],
        compiler_params=_sc_params,
    )


def _encode_body(x_ref, bt_ref, nw1, nb1, nw2, nb2, cs_ref, cst_ref,
                 cw1, cb1, cw1t, cb1c, cw2, cb2, cw2t, cb2c,
                 ht_ref, u_ref, ut_ref, cnt_ref):
    i = pl.program_id(0)
    t = jnp.maximum(jnp.dot(x_ref[...], nw1[...],
                            preferred_element_type=jnp.float32) + nb1[...], 0.0)
    hb = jnp.dot(t, nw2[...], preferred_element_type=jnp.float32) + nb2[...]
    ht_ref[:, pl.ds(i * NB_ENC, NB_ENC)] = hb.T

    @pl.when(i == 0)
    def _():
        oh = (bt_ref[...] == lax.broadcasted_iota(jnp.int32, (B, 1), 0)
              ).astype(jnp.float32)
        cnt_ref[...] = jnp.dot(oh, jnp.ones((N, 1), jnp.float32),
                               preferred_element_type=jnp.float32)
        ub = jnp.maximum(jnp.dot(cs_ref[...], cw1[...],
                                 preferred_element_type=jnp.float32) + cb1[...], 0.0)
        u_ref[...] = jnp.dot(ub, cw2[...], preferred_element_type=jnp.float32) + cb2[...]
        ubt = jnp.maximum(jnp.dot(cw1t[...], cst_ref[...],
                                  preferred_element_type=jnp.float32) + cb1c[...], 0.0)
        ut_ref[...] = jnp.dot(cw2t[...], ubt, preferred_element_type=jnp.float32) + cb2c[...]


def _khnet_body(eat_ref, st_ref, cnt_ref, ut_ref, w1at, w1bt, b1c, w2t, b2c,
                sl_ref, out_ref):
    dthr = jnp.dot(sl_ref[...], cnt_ref[...],
                   preferred_element_type=jnp.float32)
    g01 = (st_ref[...].astype(jnp.float32) >= dthr).astype(jnp.float32)
    oht = g01 - jnp.concatenate(
        [g01[1:], jnp.zeros((1, EB), jnp.float32)], axis=0)
    uet = jnp.dot(ut_ref[...], oht, preferred_element_type=jnp.float32)
    a1 = jnp.maximum(
        jnp.dot(w1at[...], eat_ref[...], preferred_element_type=jnp.float32)
        + jnp.dot(w1bt[...], uet, preferred_element_type=jnp.float32)
        + b1c[...], 0.0)
    out_ref[...] = jnp.maximum(
        jnp.dot(w2t[...], a1, preferred_element_type=jnp.float32) + b2c[...], 0.0)


def _msg_body(kh2t_ref, xjt_ref, w3t, b3c, out_ref):
    kwft = jnp.dot(w3t[...], kh2t_ref[...],
                   preferred_element_type=jnp.float32) + b3c[...]
    xjt = xjt_ref[...]
    acc = xjt[0:1, :] * kwft[0:H, :]
    for i in range(1, H):
        acc = acc + xjt[i:i + 1, :] * kwft[i * H:(i + 1) * H, :]
    out_ref[...] = acc


def _upd_body(p0, p1, d0, d1, ht_ref, roott, cbc, fowt, fobc, hnt_ref, outt_ref):
    deg = jnp.maximum(d0[...] + d1[...], 1.0)
    hnt = jnp.maximum(
        (p0[...] + p1[...]) / deg
        + jnp.dot(roott[...], ht_ref[...], preferred_element_type=jnp.float32)
        + cbc[...], 0.0)
    hnt_ref[...] = hnt
    outt_ref[...] = jnp.dot(fowt[...], hnt, preferred_element_type=jnp.float32) + fobc[...]


def _full(shape):
    nd = len(shape)
    return pl.BlockSpec(shape, lambda i, _nd=nd: (0,) * _nd)


def kernel(x, edge_index, edge_attr, conditions, scale, batch,
           ne_W1, ne_b1, ne_W2, ne_b2,
           ce_W1, ce_b1, ce_W2, ce_b2,
           k_W1, k_b1, k_W2, k_b2, k_W3, k_b3,
           root, conv_b, fo_W, fo_b):
    f32 = jnp.float32
    src = edge_index[0]
    src2d = src.reshape(NCHUNK, CH)
    dst2d = edge_index[1].reshape(NCHUNK, CH)
    srcT = src.reshape(1, E)
    batchT = batch.reshape(1, N)
    eaT = edge_attr.T
    cs = jnp.concatenate([conditions, scale], axis=1)
    csT = cs.T

    ne_b1r = ne_b1.reshape(1, -1); ne_b2r = ne_b2.reshape(1, -1)
    ce_b1r = ce_b1.reshape(1, -1); ce_b2r = ce_b2.reshape(1, -1)
    ce_b1c = ce_b1.reshape(-1, 1); ce_b2c = ce_b2.reshape(-1, 1)
    ce_W1t = ce_W1.T; ce_W2t = ce_W2.T
    w1at = k_W1[:4].T; w1bt = k_W1[4:].T
    b1c = k_b1.reshape(-1, 1); b2c = k_b2.reshape(-1, 1); b3c = k_b3.reshape(-1, 1)
    w2t = k_W2.T; w3t = k_W3.T
    roott = root.T; cbc = conv_b.reshape(-1, 1)
    fowt = fo_W.T; fobc = fo_b.reshape(1, 1)
    sl = (jnp.arange(16)[:, None] > jnp.arange(16)[None, :]).astype(f32)

    x_p = jnp.pad(x, ((0, NP - N), (0, 0)))
    hT, u, uT, cnt = pl.pallas_call(
        _encode_body,
        grid=(NP // NB_ENC,),
        in_specs=[
            pl.BlockSpec((NB_ENC, 128), lambda i: (i, 0)),
            _full((1, N)),
            _full(ne_W1.shape), _full(ne_b1r.shape),
            _full(ne_W2.shape), _full(ne_b2r.shape),
            _full(cs.shape), _full(csT.shape),
            _full(ce_W1.shape), _full(ce_b1r.shape),
            _full(ce_W1t.shape), _full(ce_b1c.shape),
            _full(ce_W2.shape), _full(ce_b2r.shape),
            _full(ce_W2t.shape), _full(ce_b2c.shape),
        ],
        out_specs=[
            _full((H, NP)),
            pl.BlockSpec((B, H), lambda i: (0, 0)),
            pl.BlockSpec((B, H), lambda i: (0, 0)),
            pl.BlockSpec((B, 1), lambda i: (0, 0)),
        ],
        out_shape=[
            jax.ShapeDtypeStruct((H, NP), f32),
            jax.ShapeDtypeStruct((B, H), f32),
            jax.ShapeDtypeStruct((B, H), f32),
            jax.ShapeDtypeStruct((B, 1), f32),
        ],
    )(x_p, batchT, ne_W1, ne_b1r, ne_W2, ne_b2r, cs, csT,
      ce_W1, ce_b1r, ce_W1t, ce_b1c, ce_W2, ce_b2r, ce_W2t, ce_b2c)

    degp = _make_scatter(False)(jnp.zeros((8, H), f32), dst2d)
    dT0 = degp[0].T
    dT1 = degp[1].T

    kh2T = pl.pallas_call(
        _khnet_body,
        grid=(E // EB,),
        in_specs=[
            pl.BlockSpec((4, EB), lambda i: (0, i)),
            pl.BlockSpec((1, EB), lambda i: (0, i)),
            _full((B, 1)), _full((B, H)),
            _full(w1at.shape), _full(w1bt.shape), _full(b1c.shape),
            _full(w2t.shape), _full(b2c.shape), _full(sl.shape),
        ],
        out_specs=pl.BlockSpec((64, EB), lambda i: (0, i)),
        out_shape=jax.ShapeDtypeStruct((64, E), f32),
    )(eaT, srcT, cnt, uT, w1at, w1bt, b1c, w2t, b2c, sl)

    msg_call = pl.pallas_call(
        _msg_body,
        grid=(E // EB,),
        in_specs=[
            pl.BlockSpec((64, EB), lambda i: (0, i)),
            pl.BlockSpec((H, EB), lambda i: (0, i)),
            _full(w3t.shape), _full(b3c.shape),
        ],
        out_specs=pl.BlockSpec((H, EB), lambda i: (0, i)),
        out_shape=jax.ShapeDtypeStruct((H, E), f32),
    )

    upd_call = pl.pallas_call(
        _upd_body,
        out_shape=[
            jax.ShapeDtypeStruct((H, NP), f32),
            jax.ShapeDtypeStruct((1, NP), f32),
        ],
    )

    outT = None
    for _ in range(3):
        h_nm = hT.T
        xj = _gather_call()(h_nm, src2d)
        msgT = msg_call(kh2T, xj.T, w3t, b3c)
        aggp = _make_scatter(True)(msgT.T, dst2d)
        hT, outT = upd_call(aggp[0].T, aggp[1].T, dT0, dT1, hT,
                            roott, cbc, fowt, fobc)
    return (outT[:, :N].T, u)

# --- scband reference (transcript-rebuilt; emitter-appended) ---
"""Pipeline reference for scband-conditional-graph-kernel-network-5428838662519 (READ-ONLY COPY).

The authoritative reference and input builder live on the scoring server;
editing this copy changes nothing except your own understanding.
"""

import jax, jax.numpy as jnp
import numpy as np

N = 50000
E = 800000
B = 16
NODE_IN = 128
EDGE_IN = 4
COND_IN = 8
SCALE_DIM = 4
H = 16
KW = 64
OUT = 1
NUM_LAYERS = 3


def setup_inputs(seed: int = 0) -> dict:
    key = jax.random.key(seed)
    ks = jax.random.split(key, 32)

    def w(k, i, o):
        return jax.random.normal(k, (i, o), dtype=jnp.float32) * (1.0 / np.sqrt(i))

    inp = {}
    inp["x"] = jax.random.normal(ks[0], (N, NODE_IN), dtype=jnp.float32)
    inp["edge_index"] = jax.random.randint(ks[1], (2, E), 0, N, dtype=jnp.int32)
    inp["edge_attr"] = jax.random.normal(ks[2], (E, EDGE_IN), dtype=jnp.float32)
    inp["conditions"] = jax.random.normal(ks[3], (B, COND_IN), dtype=jnp.float32)
    inp["scale"] = jax.random.normal(ks[4], (B, SCALE_DIM), dtype=jnp.float32)
    inp["batch"] = jnp.sort(jax.random.randint(ks[5], (N,), 0, B, dtype=jnp.int32))
    # node_encoder params
    inp["ne_W1"] = w(ks[6], NODE_IN, H); inp["ne_b1"] = jnp.zeros((H,), jnp.float32)
    inp["ne_W2"] = w(ks[7], H, H); inp["ne_b2"] = jnp.zeros((H,), jnp.float32)
    # cond_encoder params
    inp["ce_W1"] = w(ks[8], COND_IN + SCALE_DIM, H); inp["ce_b1"] = jnp.zeros((H,), jnp.float32)
    inp["ce_W2"] = w(ks[9], H, H); inp["ce_b2"] = jnp.zeros((H,), jnp.float32)
    # kernel network (DenseNet [EDGE_IN+H, KW//2, KW, H*H], ReLU between layers, none after last)
    inp["k_W1"] = w(ks[10], EDGE_IN + H, KW // 2); inp["k_b1"] = jnp.zeros((KW // 2,), jnp.float32)
    inp["k_W2"] = w(ks[11], KW // 2, KW); inp["k_b2"] = jnp.zeros((KW,), jnp.float32)
    inp["k_W3"] = w(ks[12], KW, H * H) * 0.1; inp["k_b3"] = jnp.zeros((H * H,), jnp.float32)
    # NNConv_old root weight + bias
    inp["root"] = w(ks[13], H, H)
    inp["conv_b"] = jnp.zeros((H,), jnp.float32)
    # fc_out
    inp["fo_W"] = w(ks[14], H, OUT); inp["fo_b"] = jnp.zeros((OUT,), jnp.float32)
    return inp


def reference(x, edge_index, edge_attr, conditions, scale, batch,
              ne_W1, ne_b1, ne_W2, ne_b2,
              ce_W1, ce_b1, ce_W2, ce_b2,
              k_W1, k_b1, k_W2, k_b2, k_W3, k_b3,
              root, conv_b, fo_W, fo_b):
    src = edge_index[0]
    dst = edge_index[1]
    # node encoder
    h = jax.nn.relu(x @ ne_W1 + ne_b1) @ ne_W2 + ne_b2
    # condition encoder
    cs = jnp.concatenate([conditions, scale], axis=1)
    u = jax.nn.relu(cs @ ce_W1 + ce_b1) @ ce_W2 + ce_b2
    # per-edge conditioned edge attributes (gather by graph id of source node)
    u_edge = u[batch[src]]
    ea = jnp.concatenate([edge_attr, u_edge], axis=1)
    # kernel network -> per-edge [H, H] weight matrices (same every layer, compute once)
    kh = jax.nn.relu(ea @ k_W1 + k_b1)
    kh = jax.nn.relu(kh @ k_W2 + k_b2)
    kw = (kh @ k_W3 + k_b3).reshape(-1, H, H)
    # mean-aggregation degree over destination nodes
    deg = jax.ops.segment_sum(jnp.ones((E,), jnp.float32), dst, num_segments=N)
    deg = jnp.maximum(deg, 1.0)
    for _ in range(NUM_LAYERS):
        xj = h[src]
        msg = jnp.einsum('ei,eio->eo', xj, kw)
        agg = jax.ops.segment_sum(msg, dst, num_segments=N) / deg[:, None]
        h = jax.nn.relu(agg + h @ root + conv_b)
    out = h @ fo_W + fo_b
    return (out, u)

if __name__ == "__main__":
    import jax
    _d = setup_inputs()
    print(jax.jit(kernel)(*tuple(_d.values())))

</pallas_src>

<mosaic_0001>
#map = affine_map<(d0, d1) -> (0, 0)>
module attributes {stable_mosaic.version = 14 : i64} {
  func.func @_sc_gather_body(%arg0: i32, %arg1: i32, %arg2: memref<51200x16xf32, #tpu.memory_space<hbm>>, %arg3: memref<6250x128xi32, #tpu.memory_space<hbm>>, %arg4: memref<800000x16xf32, #tpu.memory_space<hbm>>, %arg5: memref<128xi32, #tpu.memory_space<vmem>>, %arg6: memref<128x16xf32, #tpu.memory_space<vmem>>, %arg7: memref<!tpu.dma_semaphore, #tpu.memory_space<semaphore_mem>>) attributes {dimension_semantics = [#tpu.dimension_semantics<core_parallel>, #tpu.dimension_semantics<subcore_parallel>], iteration_bounds = array<i64: 2, 16>, scalar_prefetch = 0 : i64, scratch_operands = 3 : i64, tpu.core_type = #tpu.core_type<sc_vector_subcore>, window_params = [{transform_indices = #map}, {transform_indices = #map}, {transform_indices = #map}]} {
    %mul3A = arith.constant 2 : i32
    %mul3A_0 = arith.muli %arg1, %mul3A : i32
    %add3A = arith.addi %mul3A_0, %arg0 : i32
    %scan3A = arith.constant 0 : i32
    %scan3A_1 = arith.constant 0 : i32
    %scan3A_2 = arith.constant 196 : i32
    %scan3A_3 = arith.addi %scan3A_1, %scan3A_2 : i32
    %scan3A_4 = arith.constant 1 : i32
    %scan3A_5 = scf.for %scan3A_7 = %scan3A_1 to %scan3A_3 step %scan3A_4 iter_args(%scan3A_8 = %scan3A) -> (i32)  : i32 {
      %mul3A_9 = arith.constant 196 : i32
      %mul3A_10 = arith.muli %add3A, %mul3A_9 : i32
      %add3A_11 = arith.addi %mul3A_10, %scan3A_7 : i32
      %lt3A = arith.constant 6250 : i32
      %lt3A_12 = arith.cmpi slt, %add3A_11, %lt3A : i32
      %convert_element_type3A = arith.extui %lt3A_12 : i1 to i32
      %cond3A = arith.constant 0 : i32
      %cond3A_13 = arith.cmpi ne, %convert_element_type3A, %cond3A : i32
      scf.if %cond3A_13 {
        "tpu.region"() ({
          %run_scoped3A = tpu.sem_alloc : memref<!tpu.dma_semaphore, #tpu.memory_space<semaphore_mem>>
          %dma_start3A_21 = arith.constant 0 : i32
          %dma_start3A_22 = tpu.memref_slice %arg3[%add3A_11, %dma_start3A_21] : memref<6250x128xi32, #tpu.memory_space<hbm>> -> memref<1x128xi32, #tpu.memory_space<hbm>>
          %dma_start3A_23 = tpu.memref_squeeze %dma_start3A_22 : memref<1x128xi32, #tpu.memory_space<hbm>> -> memref<128xi32, #tpu.memory_space<hbm>>
          %dma_start3A_24 = arith.constant 0 : i32
          %dma_start3A_25 = tpu.memref_slice %arg3[%add3A_11, %dma_start3A_24] : memref<6250x128xi32, #tpu.memory_space<hbm>> -> memref<1x128xi32, #tpu.memory_space<hbm>>
          %dma_start3A_26 = tpu.memref_squeeze %dma_start3A_25 : memref<1x128xi32, #tpu.memory_space<hbm>> -> memref<128xi32, #tpu.memory_space<hbm>>
          tpu.enqueue_dma source(%dma_start3A_26 : memref<128xi32, #tpu.memory_space<hbm>>) target(%arg5 : memref<128xi32, #tpu.memory_space<vmem>>) target_semaphore(%run_scoped3A : memref<!tpu.dma_semaphore, #tpu.memory_space<semaphore_mem>>)
          %dma_wait3A_27 = arith.constant 0 : i32
          %dma_wait3A_28 = tpu.memref_slice %arg3[%add3A_11, %dma_wait3A_27] : memref<6250x128xi32, #tpu.memory_space<hbm>> -> memref<1x128xi32, #tpu.memory_space<hbm>>
          %dma_wait3A_29 = tpu.memref_squeeze %dma_wait3A_28 : memref<1x128xi32, #tpu.memory_space<hbm>> -> memref<128xi32, #tpu.memory_space<hbm>>
          %dma_wait3A_30 = arith.constant 0 : i32
          %dma_wait3A_31 = tpu.memref_slice %arg3[%add3A_11, %dma_wait3A_30] : memref<6250x128xi32, #tpu.memory_space<hbm>> -> memref<1x128xi32, #tpu.memory_space<hbm>>
          %dma_wait3A_32 = tpu.memref_squeeze %dma_wait3A_31 : memref<1x128xi32, #tpu.memory_space<hbm>> -> memref<128xi32, #tpu.memory_space<hbm>>
          tpu.wait_dma2 semaphore(%run_scoped3A : memref<!tpu.dma_semaphore, #tpu.memory_space<semaphore_mem>>) src(%dma_wait3A_32 : memref<128xi32, #tpu.memory_space<hbm>>) dst(%arg5 : memref<128xi32, #tpu.memory_space<vmem>>)
          tpu.yield
        }) : () -> ()
        %dma_start3A = arith.constant 0 : i32
        %dma_start3A_15 = arith.constant 0 : i32
        %dma_start3A_16 = tpu.memref_slice %arg2[%dma_start3A, %dma_start3A_15] : memref<51200x16xf32, #tpu.memory_space<hbm>> -> memref<51200x16xf32, #tpu.memory_space<hbm>>
        tpu.enqueue_indirect_dma source(%dma_start3A_16 : memref<51200x16xf32, #tpu.memory_space<hbm>>) target(%arg6 : memref<128x16xf32, #tpu.memory_space<vmem>>) offsets(%arg5 : memref<128xi32, #tpu.memory_space<vmem>>) semaphore(%arg7 : memref<!tpu.dma_semaphore, #tpu.memory_space<semaphore_mem>>)
        %dma_wait3A = arith.constant 0 : i32
        %dma_wait3A_17 = arith.constant 0 : i32
        %dma_wait3A_18 = tpu.memref_slice %arg2[%dma_wait3A, %dma_wait3A_17] : memref<51200x16xf32, #tpu.memory_space<hbm>> -> memref<51200x16xf32, #tpu.memory_space<hbm>>
        tpu.wait_indirect_dma semaphore(%arg7 : memref<!tpu.dma_semaphore, #tpu.memory_space<semaphore_mem>>) src(%dma_wait3A_18 : memref<51200x16xf32, #tpu.memory_space<hbm>>) dst(%arg6 : memref<128x16xf32, #tpu.memory_space<vmem>>)
        %mul3A_19 = arith.constant 128 : i32
        %mul3A_20 = arith.muli %add3A_11, %mul3A_19 : i32
        "tpu.region"() ({
          %run_scoped3A = tpu.sem_alloc : memref<!tpu.dma_semaphore, #tpu.memory_space<semaphore_mem>>
          %dma_start3A_21 = arith.constant 0 : i32
          %dma_start3A_22 = tpu.memref_slice %arg4[%mul3A_20, %dma_start3A_21] : memref<800000x16xf32, #tpu.memory_space<hbm>> -> memref<128x16xf32, #tpu.memory_space<hbm>>
          %dma_start3A_23 = arith.constant 0 : i32
          %dma_start3A_24 = tpu.memref_slice %arg4[%mul3A_20, %dma_start3A_23] : memref<800000x16xf32, #tpu.memory_space<hbm>> -> memref<128x16xf32, #tpu.memory_space<hbm>>
          tpu.enqueue_dma source(%arg6 : memref<128x16xf32, #tpu.memory_space<vmem>>) target(%dma_start3A_24 : memref<128x16xf32, #tpu.memory_space<hbm>>) target_semaphore(%run_scoped3A : memref<!tpu.dma_semaphore, #tpu.memory_space<semaphore_mem>>)
          %dma_wait3A_25 = arith.constant 0 : i32
          %dma_wait3A_26 = tpu.memref_slice %arg4[%mul3A_20, %dma_wait3A_25] : memref<800000x16xf32, #tpu.memory_space<hbm>> -> memref<128x16xf32, #tpu.memory_space<hbm>>
          %dma_wait3A_27 = arith.constant 0 : i32
          %dma_wait3A_28 = tpu.memref_slice %arg4[%mul3A_20, %dma_wait3A_27] : memref<800000x16xf32, #tpu.memory_space<hbm>> -> memref<128x16xf32, #tpu.memory_space<hbm>>
          tpu.wait_dma2 semaphore(%run_scoped3A : memref<!tpu.dma_semaphore, #tpu.memory_space<semaphore_mem>>) src(%arg6 : memref<128x16xf32, #tpu.memory_space<vmem>>) dst(%dma_wait3A_28 : memref<128x16xf32, #tpu.memory_space<hbm>>)
          tpu.yield
        }) : () -> ()
      } else {
      }
      %scan3A_14 = arith.constant 0 : i32
      scf.yield %scan3A_14 : i32
    }
    %scan3A_6 = arith.constant 196 : i32
    return
  }
}

#map = affine_map<(d0, d1) -> (0, 0)>
#map1 = affine_map<(d0, d1) -> (0, 0, 0)>
module attributes {stable_mosaic.version = 14 : i64} {
  func.func @body(%arg0: i32, %arg1: i32, %arg2: memref<8x16xf32, #tpu.memory_space<hbm>>, %arg3: memref<6250x128xi32, #tpu.memory_space<hbm>>, %arg4: memref<2x51200x16xf32, #tpu.memory_space<hbm>>, %arg5: memref<128xi32, #tpu.memory_space<vmem>>, %arg6: memref<128x16xf32, #tpu.memory_space<vmem>>, %arg7: memref<640x16xf32, #tpu.memory_space<vmem>>, %arg8: memref<51200x16xf32, #tpu.memory_space<vmem_shared>>, %arg9: memref<!tpu.dma_semaphore, #tpu.memory_space<semaphore_mem>>) attributes {dimension_semantics = [#tpu.dimension_semantics<core_parallel>, #tpu.dimension_semantics<subcore_parallel>], iteration_bounds = array<i64: 2, 16>, scalar_prefetch = 0 : i64, scratch_operands = 5 : i64, tpu.core_type = #tpu.core_type<sc_vector_subcore>, window_params = [{transform_indices = #map}, {transform_indices = #map}, {transform_indices = #map1}]} {
    %mul3A = arith.constant 2 : i32
    %mul3A_0 = arith.muli %arg1, %mul3A : i32
    %add3A = arith.addi %mul3A_0, %arg0 : i32
    %scan3A = arith.constant 0 : i32
    %scan3A_1 = arith.constant 0 : i32
    %scan3A_2 = arith.constant 640 : i32
    %scan3A_3 = arith.addi %scan3A_1, %scan3A_2 : i32
    %scan3A_4 = arith.constant 1 : i32
    %scan3A_5 = scf.for %scan3A_36 = %scan3A_1 to %scan3A_3 step %scan3A_4 iter_args(%scan3A_37 = %scan3A) -> (i32)  : i32 {
      %broadcast_in_dim3A = arith.constant 0.000000e+00 : f32
      %broadcast_in_dim3A_38 = vector.broadcast %broadcast_in_dim3A : f32 to vector<16xf32>
      %swap3A = arith.index_cast %scan3A_36 : i32 to index
      %swap3A_39 = arith.constant 0 : index
      %swap3A_40 = tpu.vector_load %arg7[%swap3A, %swap3A_39] {strides = array<i32>} : memref<640x16xf32, #tpu.memory_space<vmem>>, vector<1x16xf32>,
      %swap3A_41 = vector.shape_cast %swap3A_40 : vector<1x16xf32> to vector<16xf32>
      %swap3A_42 = vector.shape_cast %broadcast_in_dim3A_38 : vector<16xf32> to vector<1x16xf32>
      tpu.vector_store %arg7[%swap3A, %swap3A_39], %swap3A_42 {strides = array<i32>} : memref<640x16xf32, #tpu.memory_space<vmem>>, vector<1x16xf32>,
      %scan3A_43 = arith.constant 0 : i32
      scf.yield %scan3A_43 : i32
    }
    %scan3A_6 = arith.constant 640 : i32
    %scan3A_7 = arith.constant 0 : i32
    %scan3A_8 = arith.constant 0 : i32
    %scan3A_9 = arith.constant 128 : i32
    %scan3A_10 = arith.addi %scan3A_8, %scan3A_9 : i32
    %scan3A_11 = arith.constant 1 : i32
    %scan3A_12 = scf.for %scan3A_36 = %scan3A_8 to %scan3A_10 step %scan3A_11 iter_args(%scan3A_37 = %scan3A_7) -> (i32)  : i32 {
      %broadcast_in_dim3A = arith.constant 1.000000e+00 : f32
      %broadcast_in_dim3A_38 = vector.broadcast %broadcast_in_dim3A : f32 to vector<16xf32>
      %swap3A = arith.index_cast %scan3A_36 : i32 to index
      %swap3A_39 = arith.constant 0 : index
      %swap3A_40 = tpu.vector_load %arg6[%swap3A, %swap3A_39] {strides = array<i32>} : memref<128x16xf32, #tpu.memory_space<vmem>>, vector<1x16xf32>,
      %swap3A_41 = vector.shape_cast %swap3A_40 : vector<1x16xf32> to vector<16xf32>
      %swap3A_42 = vector.shape_cast %broadcast_in_dim3A_38 : vector<16xf32> to vector<1x16xf32>
      tpu.vector_store %arg6[%swap3A, %swap3A_39], %swap3A_42 {strides = array<i32>} : memref<128x16xf32, #tpu.memory_space<vmem>>, vector<1x16xf32>,
      %scan3A_43 = arith.constant 0 : i32
      scf.yield %scan3A_43 : i32
    }
    %scan3A_13 = arith.constant 128 : i32
    %scan3A_14 = arith.constant 0 : i32
    %scan3A_15 = arith.constant 0 : i32
    %scan3A_16 = arith.constant 5 : i32
    %scan3A_17 = arith.addi %scan3A_15, %scan3A_16 : i32
    %scan3A_18 = arith.constant 1 : i32
    %scan3A_19 = scf.for %scan3A_36 = %scan3A_15 to %scan3A_17 step %scan3A_18 iter_args(%scan3A_37 = %scan3A_14) -> (i32)  : i32 {
      %mul3A_38 = arith.constant 3200 : i32
      %mul3A_39 = arith.muli %arg1, %mul3A_38 : i32
      %mul3A_40 = arith.constant 640 : i32
      %mul3A_41 = arith.muli %scan3A_36, %mul3A_40 : i32
      %add3A_42 = arith.addi %mul3A_39, %mul3A_41 : i32
      "tpu.region"() ({
        %run_scoped3A = tpu.sem_alloc : memref<!tpu.dma_semaphore, #tpu.memory_space<semaphore_mem>>
        %dma_start3A = arith.constant 0 : i32
        %dma_start3A_44 = tpu.memref_slice %arg8[%add3A_42, %dma_start3A] : memref<51200x16xf32, #tpu.memory_space<vmem_shared>> -> memref<640x16xf32, #tpu.memory_space<vmem_shared>>
        %dma_start3A_45 = arith.constant 0 : i32
        %dma_start3A_46 = tpu.memref_slice %arg8[%add3A_42, %dma_start3A_45] : memref<51200x16xf32, #tpu.memory_space<vmem_shared>> -> memref<640x16xf32, #tpu.memory_space<vmem_shared>>
        tpu.enqueue_dma source(%arg7 : memref<640x16xf32, #tpu.memory_space<vmem>>) target(%dma_start3A_46 : memref<640x16xf32, #tpu.memory_space<vmem_shared>>) target_semaphore(%run_scoped3A : memref<!tpu.dma_semaphore, #tpu.memory_space<semaphore_mem>>)
        %dma_wait3A = arith.constant 0 : i32
        %dma_wait3A_47 = tpu.memref_slice %arg8[%add3A_42, %dma_wait3A] : memref<51200x16xf32, #tpu.memory_space<vmem_shared>> -> memref<640x16xf32, #tpu.memory_space<vmem_shared>>
        %dma_wait3A_48 = arith.constant 0 : i32
        %dma_wait3A_49 = tpu.memref_slice %arg8[%add3A_42, %dma_wait3A_48] : memref<51200x16xf32, #tpu.memory_space<vmem_shared>> -> memref<640x16xf32, #tpu.memory_space<vmem_shared>>
        tpu.wait_dma2 semaphore(%run_scoped3A : memref<!tpu.dma_semaphore, #tpu.memory_space<semaphore_mem>>) src(%arg7 : memref<640x16xf32, #tpu.memory_space<vmem>>) dst(%dma_wait3A_49 : memref<640x16xf32, #tpu.memory_space<vmem_shared>>)
        tpu.yield
      }) : () -> ()
      %scan3A_43 = arith.constant 0 : i32
      scf.yield %scan3A_43 : i32
    }
    %scan3A_20 = arith.constant 5 : i32
    %barrier3A = arith.constant 0 : index
    tpu.barrier barrier_id(%barrier3A)
    %scan3A_21 = arith.constant 0 : i32
    %scan3A_22 = arith.constant 0 : i32
    %scan3A_23 = arith.constant 196 : i32
    %scan3A_24 = arith.addi %scan3A_22, %scan3A_23 : i32
    %scan3A_25 = arith.constant 1 : i32
    %scan3A_26 = scf.for %scan3A_36 = %scan3A_22 to %scan3A_24 step %scan3A_25 iter_args(%scan3A_37 = %scan3A_21) -> (i32)  : i32 {
      %mul3A_38 = arith.constant 196 : i32
      %mul3A_39 = arith.muli %add3A, %mul3A_38 : i32
      %add3A_40 = arith.addi %mul3A_39, %scan3A_36 : i32
      %lt3A = arith.constant 6250 : i32
      %lt3A_41 = arith.cmpi slt, %add3A_40, %lt3A : i32
      %convert_element_type3A = arith.extui %lt3A_41 : i1 to i32
      %cond3A = arith.constant 0 : i32
      %cond3A_42 = arith.cmpi ne, %convert_element_type3A, %cond3A : i32
      scf.if %cond3A_42 {
        "tpu.region"() ({
          %run_scoped3A = tpu.sem_alloc : memref<!tpu.dma_semaphore, #tpu.memory_space<semaphore_mem>>
          %dma_start3A = arith.constant 0 : i32
          %dma_start3A_44 = tpu.memref_slice %arg3[%add3A_40, %dma_start3A] : memref<6250x128xi32, #tpu.memory_space<hbm>> -> memref<1x128xi32, #tpu.memory_space<hbm>>
          %dma_start3A_45 = tpu.memref_squeeze %dma_start3A_44 : memref<1x128xi32, #tpu.memory_space<hbm>> -> memref<128xi32, #tpu.memory_space<hbm>>
          %dma_start3A_46 = arith.constant 0 : i32
          %dma_start3A_47 = tpu.memref_slice %arg3[%add3A_40, %dma_start3A_46] : memref<6250x128xi32, #tpu.memory_space<hbm>> -> memref<1x128xi32, #tpu.memory_space<hbm>>
          %dma_start3A_48 = tpu.memref_squeeze %dma_start3A_47 : memref<1x128xi32, #tpu.memory_space<hbm>> -> memref<128xi32, #tpu.memory_space<hbm>>
          tpu.enqueue_dma source(%dma_start3A_48 : memref<128xi32, #tpu.memory_space<hbm>>) target(%arg5 : memref<128xi32, #tpu.memory_space<vmem>>) target_semaphore(%run_scoped3A : memref<!tpu.dma_semaphore, #tpu.memory_space<semaphore_mem>>)
          %dma_wait3A = arith.constant 0 : i32
          %dma_wait3A_49 = tpu.memref_slice %arg3[%add3A_40, %dma_wait3A] : memref<6250x128xi32, #tpu.memory_space<hbm>> -> memref<1x128xi32, #tpu.memory_space<hbm>>
          %dma_wait3A_50 = tpu.memref_squeeze %dma_wait3A_49 : memref<1x128xi32, #tpu.memory_space<hbm>> -> memref<128xi32, #tpu.memory_space<hbm>>
          %dma_wait3A_51 = arith.constant 0 : i32
          %dma_wait3A_52 = tpu.memref_slice %arg3[%add3A_40, %dma_wait3A_51] : memref<6250x128xi32, #tpu.memory_space<hbm>> -> memref<1x128xi32, #tpu.memory_space<hbm>>
          %dma_wait3A_53 = tpu.memref_squeeze %dma_wait3A_52 : memref<1x128xi32, #tpu.memory_space<hbm>> -> memref<128xi32, #tpu.memory_space<hbm>>
          tpu.wait_dma2 semaphore(%run_scoped3A : memref<!tpu.dma_semaphore, #tpu.memory_space<semaphore_mem>>) src(%dma_wait3A_53 : memref<128xi32, #tpu.memory_space<hbm>>) dst(%arg5 : memref<128xi32, #tpu.memory_space<vmem>>)
          tpu.yield
        }) : () -> ()
        "tpu.region"() ({
          %run_scoped3A = tpu.sem_alloc : memref<!tpu.dma_semaphore, #tpu.memory_space<semaphore_mem>>
          %dma_start3A = arith.constant 0 : i32
          %dma_start3A_44 = arith.constant 0 : i32
          %dma_start3A_45 = tpu.memref_slice %arg8[%dma_start3A, %dma_start3A_44] : memref<51200x16xf32, #tpu.memory_space<vmem_shared>> -> memref<51200x16xf32, #tpu.memory_space<vmem_shared>>
          tpu.enqueue_indirect_dma source(%arg6 : memref<128x16xf32, #tpu.memory_space<vmem>>) target(%dma_start3A_45 : memref<51200x16xf32, #tpu.memory_space<vmem_shared>>) offsets(%arg5 : memref<128xi32, #tpu.memory_space<vmem>>) semaphore(%run_scoped3A : memref<!tpu.dma_semaphore, #tpu.memory_space<semaphore_mem>>) {add = true}
          %dma_wait3A = arith.constant 0 : i32
          %dma_wait3A_46 = arith.constant 0 : i32
          %dma_wait3A_47 = tpu.memref_slice %arg8[%dma_wait3A, %dma_wait3A_46] : memref<51200x16xf32, #tpu.memory_space<vmem_shared>> -> memref<51200x16xf32, #tpu.memory_space<vmem_shared>>
          tpu.wait_indirect_dma semaphore(%run_scoped3A : memref<!tpu.dma_semaphore, #tpu.memory_space<semaphore_mem>>) src(%arg6 : memref<128x16xf32, #tpu.memory_space<vmem>>) dst(%dma_wait3A_47 : memref<51200x16xf32, #tpu.memory_space<vmem_shared>>)
          tpu.yield
        }) : () -> ()
      } else {
      }
      %scan3A_43 = arith.constant 0 : i32
      scf.yield %scan3A_43 : i32
    }
    %scan3A_27 = arith.constant 196 : i32
    %barrier3A_28 = arith.constant 0 : index
    tpu.barrier barrier_id(%barrier3A_28)
    %scan3A_29 = arith.constant 0 : i32
    %scan3A_30 = arith.constant 0 : i32
    %scan3A_31 = arith.constant 5 : i32
    %scan3A_32 = arith.addi %scan3A_30, %scan3A_31 : i32
    %scan3A_33 = arith.constant 1 : i32
    %scan3A_34 = scf.for %scan3A_36 = %scan3A_30 to %scan3A_32 step %scan3A_33 iter_args(%scan3A_37 = %scan3A_29) -> (i32)  : i32 {
      %mul3A_38 = arith.constant 3200 : i32
      %mul3A_39 = arith.muli %arg1, %mul3A_38 : i32
      %mul3A_40 = arith.constant 640 : i32
      %mul3A_41 = arith.muli %scan3A_36, %mul3A_40 : i32
      %add3A_42 = arith.addi %mul3A_39, %mul3A_41 : i32
      "tpu.region"() ({
        %run_scoped3A = tpu.sem_alloc : memref<!tpu.dma_semaphore, #tpu.memory_space<semaphore_mem>>
        %dma_start3A = arith.constant 0 : i32
        %dma_start3A_44 = tpu.memref_slice %arg8[%add3A_42, %dma_start3A] : memref<51200x16xf32, #tpu.memory_space<vmem_shared>> -> memref<640x16xf32, #tpu.memory_space<vmem_shared>>
        %dma_start3A_45 = arith.constant 0 : i32
        %dma_start3A_46 = tpu.memref_slice %arg8[%add3A_42, %dma_start3A_45] : memref<51200x16xf32, #tpu.memory_space<vmem_shared>> -> memref<640x16xf32, #tpu.memory_space<vmem_shared>>
        tpu.enqueue_dma source(%dma_start3A_46 : memref<640x16xf32, #tpu.memory_space<vmem_shared>>) target(%arg7 : memref<640x16xf32, #tpu.memory_space<vmem>>) target_semaphore(%run_scoped3A : memref<!tpu.dma_semaphore, #tpu.memory_space<semaphore_mem>>)
        %dma_wait3A = arith.constant 0 : i32
        %dma_wait3A_47 = tpu.memref_slice %arg8[%add3A_42, %dma_wait3A] : memref<51200x16xf32, #tpu.memory_space<vmem_shared>> -> memref<640x16xf32, #tpu.memory_space<vmem_shared>>
        %dma_wait3A_48 = arith.constant 0 : i32
        %dma_wait3A_49 = tpu.memref_slice %arg8[%add3A_42, %dma_wait3A_48] : memref<51200x16xf32, #tpu.memory_space<vmem_shared>> -> memref<640x16xf32, #tpu.memory_space<vmem_shared>>
        tpu.wait_dma2 semaphore(%run_scoped3A : memref<!tpu.dma_semaphore, #tpu.memory_space<semaphore_mem>>) src(%dma_wait3A_49 : memref<640x16xf32, #tpu.memory_space<vmem_shared>>) dst(%arg7 : memref<640x16xf32, #tpu.memory_space<vmem>>)
        tpu.yield
      }) : () -> ()
      "tpu.region"() ({
        %run_scoped3A = tpu.sem_alloc : memref<!tpu.dma_semaphore, #tpu.memory_space<semaphore_mem>>
        %dma_start3A = arith.constant 0 : i32
        %dma_start3A_44 = arith.constant 0 : i32
        %dma_start3A_45 = tpu.memref_slice %arg4[%arg0, %dma_start3A, %dma_start3A_44] : memref<2x51200x16xf32, #tpu.memory_space<hbm>> -> memref<1x51200x16xf32, #tpu.memory_space<hbm>>
        %dma_start3A_46 = tpu.memref_squeeze %dma_start3A_45 : memref<1x51200x16xf32, #tpu.memory_space<hbm>> -> memref<51200x16xf32, #tpu.memory_space<hbm>>
        %dma_start3A_47 = arith.constant 0 : i32
        %dma_start3A_48 = tpu.memref_slice %dma_start3A_46[%add3A_42, %dma_start3A_47] : memref<51200x16xf32, #tpu.memory_space<hbm>> -> memref<640x16xf32, #tpu.memory_space<hbm>>
        %dma_start3A_49 = arith.constant 0 : i32
        %dma_start3A_50 = arith.constant 0 : i32
        %dma_start3A_51 = tpu.memref_slice %arg4[%arg0, %dma_start3A_49, %dma_start3A_50] : memref<2x51200x16xf32, #tpu.memory_space<hbm>> -> memref<1x51200x16xf32, #tpu.memory_space<hbm>>
        %dma_start3A_52 = tpu.memref_squeeze %dma_start3A_51 : memref<1x51200x16xf32, #tpu.memory_space<hbm>> -> memref<51200x16xf32, #tpu.memory_space<hbm>>
        %dma_start3A_53 = arith.constant 0 : i32
        %dma_start3A_54 = tpu.memref_slice %dma_start3A_52[%add3A_42, %dma_start3A_53] : memref<51200x16xf32, #tpu.memory_space<hbm>> -> memref<640x16xf32, #tpu.memory_space<hbm>>
        tpu.enqueue_dma source(%arg7 : memref<640x16xf32, #tpu.memory_space<vmem>>) target(%dma_start3A_54 : memref<640x16xf32, #tpu.memory_space<hbm>>) target_semaphore(%run_scoped3A : memref<!tpu.dma_semaphore, #tpu.memory_space<semaphore_mem>>)
        %dma_wait3A = arith.constant 0 : i32
        %dma_wait3A_55 = arith.constant 0 : i32
        %dma_wait3A_56 = tpu.memref_slice %arg4[%arg0, %dma_wait3A, %dma_wait3A_55] : memref<2x51200x16xf32, #tpu.memory_space<hbm>> -> memref<1x51200x16xf32, #tpu.memory_space<hbm>>
        %dma_wait3A_57 = tpu.memref_squeeze %dma_wait3A_56 : memref<1x51200x16xf32, #tpu.memory_space<hbm>> -> memref<51200x16xf32, #tpu.memory_space<hbm>>
        %dma_wait3A_58 = arith.constant 0 : i32
        %dma_wait3A_59 = tpu.memref_slice %dma_wait3A_57[%add3A_42, %dma_wait3A_58] : memref<51200x16xf32, #tpu.memory_space<hbm>> -> memref<640x16xf32, #tpu.memory_space<hbm>>
        %dma_wait3A_60 = arith.constant 0 : i32
        %dma_wait3A_61 = arith.constant 0 : i32
        %dma_wait3A_62 = tpu.memref_slice %arg4[%arg0, %dma_wait3A_60, %dma_wait3A_61] : memref<2x51200x16xf32, #tpu.memory_space<hbm>> -> memref<1x51200x16xf32, #tpu.memory_space<hbm>>
        %dma_wait3A_63 = tpu.memref_squeeze %dma_wait3A_62 : memref<1x51200x16xf32, #tpu.memory_space<hbm>> -> memref<51200x16xf32, #tpu.memory_space<hbm>>
        %dma_wait3A_64 = arith.constant 0 : i32
        %dma_wait3A_65 = tpu.memref_slice %dma_wait3A_63[%add3A_42, %dma_wait3A_64] : memref<51200x16xf32, #tpu.memory_space<hbm>> -> memref<640x16xf32, #tpu.memory_space<hbm>>
        tpu.wait_dma2 semaphore(%run_scoped3A : memref<!tpu.dma_semaphore, #tpu.memory_space<semaphore_mem>>) src(%arg7 : memref<640x16xf32, #tpu.memory_space<vmem>>) dst(%dma_wait3A_65 : memref<640x16xf32, #tpu.memory_space<hbm>>)
        tpu.yield
      }) : () -> ()
      %scan3A_43 = arith.constant 0 : i32
      scf.yield %scan3A_43 : i32
    }
    %scan3A_35 = arith.constant 5 : i32
    return
  }
}

#map = affine_map<(d0, d1) -> (0, 0)>
#map1 = affine_map<(d0, d1) -> (0, 0, 0)>
module attributes {stable_mosaic.version = 14 : i64} {
  func.func @body(%arg0: i32, %arg1: i32, %arg2: memref<800000x16xf32, #tpu.memory_space<hbm>>, %arg3: memref<6250x128xi32, #tpu.memory_space<hbm>>, %arg4: memref<2x51200x16xf32, #tpu.memory_space<hbm>>, %arg5: memref<128xi32, #tpu.memory_space<vmem>>, %arg6: memref<128x16xf32, #tpu.memory_space<vmem>>, %arg7: memref<640x16xf32, #tpu.memory_space<vmem>>, %arg8: memref<51200x16xf32, #tpu.memory_space<vmem_shared>>, %arg9: memref<!tpu.dma_semaphore, #tpu.memory_space<semaphore_mem>>) attributes {dimension_semantics = [#tpu.dimension_semantics<core_parallel>, #tpu.dimension_semantics<subcore_parallel>], iteration_bounds = array<i64: 2, 16>, scalar_prefetch = 0 : i64, scratch_operands = 5 : i64, tpu.core_type = #tpu.core_type<sc_vector_subcore>, window_params = [{transform_indices = #map}, {transform_indices = #map}, {transform_indices = #map1}]} {
    %mul3A = arith.constant 2 : i32
    %mul3A_0 = arith.muli %arg1, %mul3A : i32
    %add3A = arith.addi %mul3A_0, %arg0 : i32
    %scan3A = arith.constant 0 : i32
    %scan3A_1 = arith.constant 0 : i32
    %scan3A_2 = arith.constant 640 : i32
    %scan3A_3 = arith.addi %scan3A_1, %scan3A_2 : i32
    %scan3A_4 = arith.constant 1 : i32
    %scan3A_5 = scf.for %scan3A_29 = %scan3A_1 to %scan3A_3 step %scan3A_4 iter_args(%scan3A_30 = %scan3A) -> (i32)  : i32 {
      %broadcast_in_dim3A = arith.constant 0.000000e+00 : f32
      %broadcast_in_dim3A_31 = vector.broadcast %broadcast_in_dim3A : f32 to vector<16xf32>
      %swap3A = arith.index_cast %scan3A_29 : i32 to index
      %swap3A_32 = arith.constant 0 : index
      %swap3A_33 = tpu.vector_load %arg7[%swap3A, %swap3A_32] {strides = array<i32>} : memref<640x16xf32, #tpu.memory_space<vmem>>, vector<1x16xf32>,
      %swap3A_34 = vector.shape_cast %swap3A_33 : vector<1x16xf32> to vector<16xf32>
      %swap3A_35 = vector.shape_cast %broadcast_in_dim3A_31 : vector<16xf32> to vector<1x16xf32>
      tpu.vector_store %arg7[%swap3A, %swap3A_32], %swap3A_35 {strides = array<i32>} : memref<640x16xf32, #tpu.memory_space<vmem>>, vector<1x16xf32>,
      %scan3A_36 = arith.constant 0 : i32
      scf.yield %scan3A_36 : i32
    }
    %scan3A_6 = arith.constant 640 : i32
    %scan3A_7 = arith.constant 0 : i32
    %scan3A_8 = arith.constant 0 : i32
    %scan3A_9 = arith.constant 5 : i32
    %scan3A_10 = arith.addi %scan3A_8, %scan3A_9 : i32
    %scan3A_11 = arith.constant 1 : i32
    %scan3A_12 = scf.for %scan3A_29 = %scan3A_8 to %scan3A_10 step %scan3A_11 iter_args(%scan3A_30 = %scan3A_7) -> (i32)  : i32 {
      %mul3A_31 = arith.constant 3200 : i32
      %mul3A_32 = arith.muli %arg1, %mul3A_31 : i32
      %mul3A_33 = arith.constant 640 : i32
      %mul3A_34 = arith.muli %scan3A_29, %mul3A_33 : i32
      %add3A_35 = arith.addi %mul3A_32, %mul3A_34 : i32
      "tpu.region"() ({
        %run_scoped3A = tpu.sem_alloc : memref<!tpu.dma_semaphore, #tpu.memory_space<semaphore_mem>>
        %dma_start3A = arith.constant 0 : i32
        %dma_start3A_37 = tpu.memref_slice %arg8[%add3A_35, %dma_start3A] : memref<51200x16xf32, #tpu.memory_space<vmem_shared>> -> memref<640x16xf32, #tpu.memory_space<vmem_shared>>
        %dma_start3A_38 = arith.constant 0 : i32
        %dma_start3A_39 = tpu.memref_slice %arg8[%add3A_35, %dma_start3A_38] : memref<51200x16xf32, #tpu.memory_space<vmem_shared>> -> memref<640x16xf32, #tpu.memory_space<vmem_shared>>
        tpu.enqueue_dma source(%arg7 : memref<640x16xf32, #tpu.memory_space<vmem>>) target(%dma_start3A_39 : memref<640x16xf32, #tpu.memory_space<vmem_shared>>) target_semaphore(%run_scoped3A : memref<!tpu.dma_semaphore, #tpu.memory_space<semaphore_mem>>)
        %dma_wait3A = arith.constant 0 : i32
        %dma_wait3A_40 = tpu.memref_slice %arg8[%add3A_35, %dma_wait3A] : memref<51200x16xf32, #tpu.memory_space<vmem_shared>> -> memref<640x16xf32, #tpu.memory_space<vmem_shared>>
        %dma_wait3A_41 = arith.constant 0 : i32
        %dma_wait3A_42 = tpu.memref_slice %arg8[%add3A_35, %dma_wait3A_41] : memref<51200x16xf32, #tpu.memory_space<vmem_shared>> -> memref<640x16xf32, #tpu.memory_space<vmem_shared>>
        tpu.wait_dma2 semaphore(%run_scoped3A : memref<!tpu.dma_semaphore, #tpu.memory_space<semaphore_mem>>) src(%arg7 : memref<640x16xf32, #tpu.memory_space<vmem>>) dst(%dma_wait3A_42 : memref<640x16xf32, #tpu.memory_space<vmem_shared>>)
        tpu.yield
      }) : () -> ()
      %scan3A_36 = arith.constant 0 : i32
      scf.yield %scan3A_36 : i32
    }
    %scan3A_13 = arith.constant 5 : i32
    %barrier3A = arith.constant 0 : index
    tpu.barrier barrier_id(%barrier3A)
    %scan3A_14 = arith.constant 0 : i32
    %scan3A_15 = arith.constant 0 : i32
    %scan3A_16 = arith.constant 196 : i32
    %scan3A_17 = arith.addi %scan3A_15, %scan3A_16 : i32
    %scan3A_18 = arith.constant 1 : i32
    %scan3A_19 = scf.for %scan3A_29 = %scan3A_15 to %scan3A_17 step %scan3A_18 iter_args(%scan3A_30 = %scan3A_14) -> (i32)  : i32 {
      %mul3A_31 = arith.constant 196 : i32
      %mul3A_32 = arith.muli %add3A, %mul3A_31 : i32
      %add3A_33 = arith.addi %mul3A_32, %scan3A_29 : i32
      %lt3A = arith.constant 6250 : i32
      %lt3A_34 = arith.cmpi slt, %add3A_33, %lt3A : i32
      %convert_element_type3A = arith.extui %lt3A_34 : i1 to i32
      %cond3A = arith.constant 0 : i32
      %cond3A_35 = arith.cmpi ne, %convert_element_type3A, %cond3A : i32
      scf.if %cond3A_35 {
        "tpu.region"() ({
          %run_scoped3A = tpu.sem_alloc : memref<!tpu.dma_semaphore, #tpu.memory_space<semaphore_mem>>
          %dma_start3A = arith.constant 0 : i32
          %dma_start3A_39 = tpu.memref_slice %arg3[%add3A_33, %dma_start3A] : memref<6250x128xi32, #tpu.memory_space<hbm>> -> memref<1x128xi32, #tpu.memory_space<hbm>>
          %dma_start3A_40 = tpu.memref_squeeze %dma_start3A_39 : memref<1x128xi32, #tpu.memory_space<hbm>> -> memref<128xi32, #tpu.memory_space<hbm>>
          %dma_start3A_41 = arith.constant 0 : i32
          %dma_start3A_42 = tpu.memref_slice %arg3[%add3A_33, %dma_start3A_41] : memref<6250x128xi32, #tpu.memory_space<hbm>> -> memref<1x128xi32, #tpu.memory_space<hbm>>
          %dma_start3A_43 = tpu.memref_squeeze %dma_start3A_42 : memref<1x128xi32, #tpu.memory_space<hbm>> -> memref<128xi32, #tpu.memory_space<hbm>>
          tpu.enqueue_dma source(%dma_start3A_43 : memref<128xi32, #tpu.memory_space<hbm>>) target(%arg5 : memref<128xi32, #tpu.memory_space<vmem>>) target_semaphore(%run_scoped3A : memref<!tpu.dma_semaphore, #tpu.memory_space<semaphore_mem>>)
          %dma_wait3A = arith.constant 0 : i32
          %dma_wait3A_44 = tpu.memref_slice %arg3[%add3A_33, %dma_wait3A] : memref<6250x128xi32, #tpu.memory_space<hbm>> -> memref<1x128xi32, #tpu.memory_space<hbm>>
          %dma_wait3A_45 = tpu.memref_squeeze %dma_wait3A_44 : memref<1x128xi32, #tpu.memory_space<hbm>> -> memref<128xi32, #tpu.memory_space<hbm>>
          %dma_wait3A_46 = arith.constant 0 : i32
          %dma_wait3A_47 = tpu.memref_slice %arg3[%add3A_33, %dma_wait3A_46] : memref<6250x128xi32, #tpu.memory_space<hbm>> -> memref<1x128xi32, #tpu.memory_space<hbm>>
          %dma_wait3A_48 = tpu.memref_squeeze %dma_wait3A_47 : memref<1x128xi32, #tpu.memory_space<hbm>> -> memref<128xi32, #tpu.memory_space<hbm>>
          tpu.wait_dma2 semaphore(%run_scoped3A : memref<!tpu.dma_semaphore, #tpu.memory_space<semaphore_mem>>) src(%dma_wait3A_48 : memref<128xi32, #tpu.memory_space<hbm>>) dst(%arg5 : memref<128xi32, #tpu.memory_space<vmem>>)
          tpu.yield
        }) : () -> ()
        %mul3A_37 = arith.constant 128 : i32
        %mul3A_38 = arith.muli %add3A_33, %mul3A_37 : i32
        "tpu.region"() ({
          %run_scoped3A = tpu.sem_alloc : memref<!tpu.dma_semaphore, #tpu.memory_space<semaphore_mem>>
          %dma_start3A = arith.constant 0 : i32
          %dma_start3A_39 = tpu.memref_slice %arg2[%mul3A_38, %dma_start3A] : memref<800000x16xf32, #tpu.memory_space<hbm>> -> memref<128x16xf32, #tpu.memory_space<hbm>>
          %dma_start3A_40 = arith.constant 0 : i32
          %dma_start3A_41 = tpu.memref_slice %arg2[%mul3A_38, %dma_start3A_40] : memref<800000x16xf32, #tpu.memory_space<hbm>> -> memref<128x16xf32, #tpu.memory_space<hbm>>
          tpu.enqueue_dma source(%dma_start3A_41 : memref<128x16xf32, #tpu.memory_space<hbm>>) target(%arg6 : memref<128x16xf32, #tpu.memory_space<vmem>>) target_semaphore(%run_scoped3A : memref<!tpu.dma_semaphore, #tpu.memory_space<semaphore_mem>>)
          %dma_wait3A = arith.constant 0 : i32
          %dma_wait3A_42 = tpu.memref_slice %arg2[%mul3A_38, %dma_wait3A] : memref<800000x16xf32, #tpu.memory_space<hbm>> -> memref<128x16xf32, #tpu.memory_space<hbm>>
          %dma_wait3A_43 = arith.constant 0 : i32
          %dma_wait3A_44 = tpu.memref_slice %arg2[%mul3A_38, %dma_wait3A_43] : memref<800000x16xf32, #tpu.memory_space<hbm>> -> memref<128x16xf32, #tpu.memory_space<hbm>>
          tpu.wait_dma2 semaphore(%run_scoped3A : memref<!tpu.dma_semaphore, #tpu.memory_space<semaphore_mem>>) src(%dma_wait3A_44 : memref<128x16xf32, #tpu.memory_space<hbm>>) dst(%arg6 : memref<128x16xf32, #tpu.memory_space<vmem>>)
          tpu.yield
        }) : () -> ()
        "tpu.region"() ({
          %run_scoped3A = tpu.sem_alloc : memref<!tpu.dma_semaphore, #tpu.memory_space<semaphore_mem>>
          %dma_start3A = arith.constant 0 : i32
          %dma_start3A_39 = arith.constant 0 : i32
          %dma_start3A_40 = tpu.memref_slice %arg8[%dma_start3A, %dma_start3A_39] : memref<51200x16xf32, #tpu.memory_space<vmem_shared>> -> memref<51200x16xf32, #tpu.memory_space<vmem_shared>>
          tpu.enqueue_indirect_dma source(%arg6 : memref<128x16xf32, #tpu.memory_space<vmem>>) target(%dma_start3A_40 : memref<51200x16xf32, #tpu.memory_space<vmem_shared>>) offsets(%arg5 : memref<128xi32, #tpu.memory_space<vmem>>) semaphore(%run_scoped3A : memref<!tpu.dma_semaphore, #tpu.memory_space<semaphore_mem>>) {add = true}
          %dma_wait3A = arith.constant 0 : i32
          %dma_wait3A_41 = arith.constant 0 : i32
          %dma_wait3A_42 = tpu.memref_slice %arg8[%dma_wait3A, %dma_wait3A_41] : memref<51200x16xf32, #tpu.memory_space<vmem_shared>> -> memref<51200x16xf32, #tpu.memory_space<vmem_shared>>
          tpu.wait_indirect_dma semaphore(%run_scoped3A : memref<!tpu.dma_semaphore, #tpu.memory_space<semaphore_mem>>) src(%arg6 : memref<128x16xf32, #tpu.memory_space<vmem>>) dst(%dma_wait3A_42 : memref<51200x16xf32, #tpu.memory_space<vmem_shared>>)
          tpu.yield
        }) : () -> ()
      } else {
      }
      %scan3A_36 = arith.constant 0 : i32
      scf.yield %scan3A_36 : i32
    }
    %scan3A_20 = arith.constant 196 : i32
    %barrier3A_21 = arith.constant 0 : index
    tpu.barrier barrier_id(%barrier3A_21)
    %scan3A_22 = arith.constant 0 : i32
    %scan3A_23 = arith.constant 0 : i32
    %scan3A_24 = arith.constant 5 : i32
    %scan3A_25 = arith.addi %scan3A_23, %scan3A_24 : i32
    %scan3A_26 = arith.constant 1 : i32
    %scan3A_27 = scf.for %scan3A_29 = %scan3A_23 to %scan3A_25 step %scan3A_26 iter_args(%scan3A_30 = %scan3A_22) -> (i32)  : i32 {
      %mul3A_31 = arith.constant 3200 : i32
      %mul3A_32 = arith.muli %arg1, %mul3A_31 : i32
      %mul3A_33 = arith.constant 640 : i32
      %mul3A_34 = arith.muli %scan3A_29, %mul3A_33 : i32
      %add3A_35 = arith.addi %mul3A_32, %mul3A_34 : i32
      "tpu.region"() ({
        %run_scoped3A = tpu.sem_alloc : memref<!tpu.dma_semaphore, #tpu.memory_space<semaphore_mem>>
        %dma_start3A = arith.constant 0 : i32
        %dma_start3A_37 = tpu.memref_slice %arg8[%add3A_35, %dma_start3A] : memref<51200x16xf32, #tpu.memory_space<vmem_shared>> -> memref<640x16xf32, #tpu.memory_space<vmem_shared>>
        %dma_start3A_38 = arith.constant 0 : i32
        %dma_start3A_39 = tpu.memref_slice %arg8[%add3A_35, %dma_start3A_38] : memref<51200x16xf32, #tpu.memory_space<vmem_shared>> -> memref<640x16xf32, #tpu.memory_space<vmem_shared>>
        tpu.enqueue_dma source(%dma_start3A_39 : memref<640x16xf32, #tpu.memory_space<vmem_shared>>) target(%arg7 : memref<640x16xf32, #tpu.memory_space<vmem>>) target_semaphore(%run_scoped3A : memref<!tpu.dma_semaphore, #tpu.memory_space<semaphore_mem>>)
        %dma_wait3A = arith.constant 0 : i32
        %dma_wait3A_40 = tpu.memref_slice %arg8[%add3A_35, %dma_wait3A] : memref<51200x16xf32, #tpu.memory_space<vmem_shared>> -> memref<640x16xf32, #tpu.memory_space<vmem_shared>>
        %dma_wait3A_41 = arith.constant 0 : i32
        %dma_wait3A_42 = tpu.memref_slice %arg8[%add3A_35, %dma_wait3A_41] : memref<51200x16xf32, #tpu.memory_space<vmem_shared>> -> memref<640x16xf32, #tpu.memory_space<vmem_shared>>
        tpu.wait_dma2 semaphore(%run_scoped3A : memref<!tpu.dma_semaphore, #tpu.memory_space<semaphore_mem>>) src(%dma_wait3A_42 : memref<640x16xf32, #tpu.memory_space<vmem_shared>>) dst(%arg7 : memref<640x16xf32, #tpu.memory_space<vmem>>)
        tpu.yield
      }) : () -> ()
      "tpu.region"() ({
        %run_scoped3A = tpu.sem_alloc : memref<!tpu.dma_semaphore, #tpu.memory_space<semaphore_mem>>
        %dma_start3A = arith.constant 0 : i32
        %dma_start3A_37 = arith.constant 0 : i32
        %dma_start3A_38 = tpu.memref_slice %arg4[%arg0, %dma_start3A, %dma_start3A_37] : memref<2x51200x16xf32, #tpu.memory_space<hbm>> -> memref<1x51200x16xf32, #tpu.memory_space<hbm>>
        %dma_start3A_39 = tpu.memref_squeeze %dma_start3A_38 : memref<1x51200x16xf32, #tpu.memory_space<hbm>> -> memref<51200x16xf32, #tpu.memory_space<hbm>>
        %dma_start3A_40 = arith.constant 0 : i32
        %dma_start3A_41 = tpu.memref_slice %dma_start3A_39[%add3A_35, %dma_start3A_40] : memref<51200x16xf32, #tpu.memory_space<hbm>> -> memref<640x16xf32, #tpu.memory_space<hbm>>
        %dma_start3A_42 = arith.constant 0 : i32
        %dma_start3A_43 = arith.constant 0 : i32
        %dma_start3A_44 = tpu.memref_slice %arg4[%arg0, %dma_start3A_42, %dma_start3A_43] : memref<2x51200x16xf32, #tpu.memory_space<hbm>> -> memref<1x51200x16xf32, #tpu.memory_space<hbm>>
        %dma_start3A_45 = tpu.memref_squeeze %dma_start3A_44 : memref<1x51200x16xf32, #tpu.memory_space<hbm>> -> memref<51200x16xf32, #tpu.memory_space<hbm>>
        %dma_start3A_46 = arith.constant 0 : i32
        %dma_start3A_47 = tpu.memref_slice %dma_start3A_45[%add3A_35, %dma_start3A_46] : memref<51200x16xf32, #tpu.memory_space<hbm>> -> memref<640x16xf32, #tpu.memory_space<hbm>>
        tpu.enqueue_dma source(%arg7 : memref<640x16xf32, #tpu.memory_space<vmem>>) target(%dma_start3A_47 : memref<640x16xf32, #tpu.memory_space<hbm>>) target_semaphore(%run_scoped3A : memref<!tpu.dma_semaphore, #tpu.memory_space<semaphore_mem>>)
        %dma_wait3A = arith.constant 0 : i32
        %dma_wait3A_48 = arith.constant 0 : i32
        %dma_wait3A_49 = tpu.memref_slice %arg4[%arg0, %dma_wait3A, %dma_wait3A_48] : memref<2x51200x16xf32, #tpu.memory_space<hbm>> -> memref<1x51200x16xf32, #tpu.memory_space<hbm>>
        %dma_wait3A_50 = tpu.memref_squeeze %dma_wait3A_49 : memref<1x51200x16xf32, #tpu.memory_space<hbm>> -> memref<51200x16xf32, #tpu.memory_space<hbm>>
        %dma_wait3A_51 = arith.constant 0 : i32
        %dma_wait3A_52 = tpu.memref_slice %dma_wait3A_50[%add3A_35, %dma_wait3A_51] : memref<51200x16xf32, #tpu.memory_space<hbm>> -> memref<640x16xf32, #tpu.memory_space<hbm>>
        %dma_wait3A_53 = arith.constant 0 : i32
        %dma_wait3A_54 = arith.constant 0 : i32
        %dma_wait3A_55 = tpu.memref_slice %arg4[%arg0, %dma_wait3A_53, %dma_wait3A_54] : memref<2x51200x16xf32, #tpu.memory_space<hbm>> -> memref<1x51200x16xf32, #tpu.memory_space<hbm>>
        %dma_wait3A_56 = tpu.memref_squeeze %dma_wait3A_55 : memref<1x51200x16xf32, #tpu.memory_space<hbm>> -> memref<51200x16xf32, #tpu.memory_space<hbm>>
        %dma_wait3A_57 = arith.constant 0 : i32
        %dma_wait3A_58 = tpu.memref_slice %dma_wait3A_56[%add3A_35, %dma_wait3A_57] : memref<51200x16xf32, #tpu.memory_space<hbm>> -> memref<640x16xf32, #tpu.memory_space<hbm>>
        tpu.wait_dma2 semaphore(%run_scoped3A : memref<!tpu.dma_semaphore, #tpu.memory_space<semaphore_mem>>) src(%arg7 : memref<640x16xf32, #tpu.memory_space<vmem>>) dst(%dma_wait3A_58 : memref<640x16xf32, #tpu.memory_space<hbm>>)
        tpu.yield
      }) : () -> ()
      %scan3A_36 = arith.constant 0 : i32
      scf.yield %scan3A_36 : i32
    }
    %scan3A_28 = arith.constant 5 : i32
    return
  }
}

#map = affine_map<(d0, d1) -> (0, 0)>
module attributes {stable_mosaic.version = 14 : i64} {
  func.func @_sc_gather_body(%arg0: i32, %arg1: i32, %arg2: memref<51200x16xf32, #tpu.memory_space<hbm>>, %arg3: memref<6250x128xi32, #tpu.memory_space<hbm>>, %arg4: memref<800000x16xf32, #tpu.memory_space<hbm>>, %arg5: memref<128xi32, #tpu.memory_space<vmem>>, %arg6: memref<128x16xf32, #tpu.memory_space<vmem>>, %arg7: memref<!tpu.dma_semaphore, #tpu.memory_space<semaphore_mem>>) attributes {dimension_semantics = [#tpu.dimension_semantics<core_parallel>, #tpu.dimension_semantics<subcore_parallel>], iteration_bounds = array<i64: 2, 16>, scalar_prefetch = 0 : i64, scratch_operands = 3 : i64, tpu.core_type = #tpu.core_type<sc_vector_subcore>, window_params = [{transform_indices = #map}, {transform_indices = #map}, {transform_indices = #map}]} {
    %mul3A = arith.constant 2 : i32
    %mul3A_0 = arith.muli %arg1, %mul3A : i32
    %add3A = arith.addi %mul3A_0, %arg0 : i32
    %scan3A = arith.constant 0 : i32
    %scan3A_1 = arith.constant 0 : i32
    %scan3A_2 = arith.constant 196 : i32
    %scan3A_3 = arith.addi %scan3A_1, %scan3A_2 : i32
    %scan3A_4 = arith.constant 1 : i32
    %scan3A_5 = scf.for %scan3A_7 = %scan3A_1 to %scan3A_3 step %scan3A_4 iter_args(%scan3A_8 = %scan3A) -> (i32)  : i32 {
      %mul3A_9 = arith.constant 196 : i32
      %mul3A_10 = arith.muli %add3A, %mul3A_9 : i32
      %add3A_11 = arith.addi %mul3A_10, %scan3A_7 : i32
      %lt3A = arith.constant 6250 : i32
      %lt3A_12 = arith.cmpi slt, %add3A_11, %lt3A : i32
      %convert_element_type3A = arith.extui %lt3A_12 : i1 to i32
      %cond3A = arith.constant 0 : i32
      %cond3A_13 = arith.cmpi ne, %convert_element_type3A, %cond3A : i32
      scf.if %cond3A_13 {
        "tpu.region"() ({
          %run_scoped3A = tpu.sem_alloc : memref<!tpu.dma_semaphore, #tpu.memory_space<semaphore_mem>>
          %dma_start3A_21 = arith.constant 0 : i32
          %dma_start3A_22 = tpu.memref_slice %arg3[%add3A_11, %dma_start3A_21] : memref<6250x128xi32, #tpu.memory_space<hbm>> -> memref<1x128xi32, #tpu.memory_space<hbm>>
          %dma_start3A_23 = tpu.memref_squeeze %dma_start3A_22 : memref<1x128xi32, #tpu.memory_space<hbm>> -> memref<128xi32, #tpu.memory_space<hbm>>
          %dma_start3A_24 = arith.constant 0 : i32
          %dma_start3A_25 = tpu.memref_slice %arg3[%add3A_11, %dma_start3A_24] : memref<6250x128xi32, #tpu.memory_space<hbm>> -> memref<1x128xi32, #tpu.memory_space<hbm>>
          %dma_start3A_26 = tpu.memref_squeeze %dma_start3A_25 : memref<1x128xi32, #tpu.memory_space<hbm>> -> memref<128xi32, #tpu.memory_space<hbm>>
          tpu.enqueue_dma source(%dma_start3A_26 : memref<128xi32, #tpu.memory_space<hbm>>) target(%arg5 : memref<128xi32, #tpu.memory_space<vmem>>) target_semaphore(%run_scoped3A : memref<!tpu.dma_semaphore, #tpu.memory_space<semaphore_mem>>)
          %dma_wait3A_27 = arith.constant 0 : i32
          %dma_wait3A_28 = tpu.memref_slice %arg3[%add3A_11, %dma_wait3A_27] : memref<6250x128xi32, #tpu.memory_space<hbm>> -> memref<1x128xi32, #tpu.memory_space<hbm>>
          %dma_wait3A_29 = tpu.memref_squeeze %dma_wait3A_28 : memref<1x128xi32, #tpu.memory_space<hbm>> -> memref<128xi32, #tpu.memory_space<hbm>>
          %dma_wait3A_30 = arith.constant 0 : i32
          %dma_wait3A_31 = tpu.memref_slice %arg3[%add3A_11, %dma_wait3A_30] : memref<6250x128xi32, #tpu.memory_space<hbm>> -> memref<1x128xi32, #tpu.memory_space<hbm>>
          %dma_wait3A_32 = tpu.memref_squeeze %dma_wait3A_31 : memref<1x128xi32, #tpu.memory_space<hbm>> -> memref<128xi32, #tpu.memory_space<hbm>>
          tpu.wait_dma2 semaphore(%run_scoped3A : memref<!tpu.dma_semaphore, #tpu.memory_space<semaphore_mem>>) src(%dma_wait3A_32 : memref<128xi32, #tpu.memory_space<hbm>>) dst(%arg5 : memref<128xi32, #tpu.memory_space<vmem>>)
          tpu.yield
        }) : () -> ()
        %dma_start3A = arith.constant 0 : i32
        %dma_start3A_15 = arith.constant 0 : i32
        %dma_start3A_16 = tpu.memref_slice %arg2[%dma_start3A, %dma_start3A_15] : memref<51200x16xf32, #tpu.memory_space<hbm>> -> memref<51200x16xf32, #tpu.memory_space<hbm>>
        tpu.enqueue_indirect_dma source(%dma_start3A_16 : memref<51200x16xf32, #tpu.memory_space<hbm>>) target(%arg6 : memref<128x16xf32, #tpu.memory_space<vmem>>) offsets(%arg5 : memref<128xi32, #tpu.memory_space<vmem>>) semaphore(%arg7 : memref<!tpu.dma_semaphore, #tpu.memory_space<semaphore_mem>>)
        %dma_wait3A = arith.constant 0 : i32
        %dma_wait3A_17 = arith.constant 0 : i32
        %dma_wait3A_18 = tpu.memref_slice %arg2[%dma_wait3A, %dma_wait3A_17] : memref<51200x16xf32, #tpu.memory_space<hbm>> -> memref<51200x16xf32, #tpu.memory_space<hbm>>
        tpu.wait_indirect_dma semaphore(%arg7 : memref<!tpu.dma_semaphore, #tpu.memory_space<semaphore_mem>>) src(%dma_wait3A_18 : memref<51200x16xf32, #tpu.memory_space<hbm>>) dst(%arg6 : memref<128x16xf32, #tpu.memory_space<vmem>>)
        %mul3A_19 = arith.constant 128 : i32
        %mul3A_20 = arith.muli %add3A_11, %mul3A_19 : i32
        "tpu.region"() ({
          %run_scoped3A = tpu.sem_alloc : memref<!tpu.dma_semaphore, #tpu.memory_space<semaphore_mem>>
          %dma_start3A_21 = arith.constant 0 : i32
          %dma_start3A_22 = tpu.memref_slice %arg4[%mul3A_20, %dma_start3A_21] : memref<800000x16xf32, #tpu.memory_space<hbm>> -> memref<128x16xf32, #tpu.memory_space<hbm>>
          %dma_start3A_23 = arith.constant 0 : i32
          %dma_start3A_24 = tpu.memref_slice %arg4[%mul3A_20, %dma_start3A_23] : memref<800000x16xf32, #tpu.memory_space<hbm>> -> memref<128x16xf32, #tpu.memory_space<hbm>>
          tpu.enqueue_dma source(%arg6 : memref<128x16xf32, #tpu.memory_space<vmem>>) target(%dma_start3A_24 : memref<128x16xf32, #tpu.memory_space<hbm>>) target_semaphore(%run_scoped3A : memref<!tpu.dma_semaphore, #tpu.memory_space<semaphore_mem>>)
          %dma_wait3A_25 = arith.constant 0 : i32
          %dma_wait3A_26 = tpu.memref_slice %arg4[%mul3A_20, %dma_wait3A_25] : memref<800000x16xf32, #tpu.memory_space<hbm>> -> memref<128x16xf32, #tpu.memory_space<hbm>>
          %dma_wait3A_27 = arith.constant 0 : i32
          %dma_wait3A_28 = tpu.memref_slice %arg4[%mul3A_20, %dma_wait3A_27] : memref<800000x16xf32, #tpu.memory_space<hbm>> -> memref<128x16xf32, #tpu.memory_space<hbm>>
          tpu.wait_dma2 semaphore(%run_scoped3A : memref<!tpu.dma_semaphore, #tpu.memory_space<semaphore_mem>>) src(%arg6 : memref<128x16xf32, #tpu.memory_space<vmem>>) dst(%dma_wait3A_28 : memref<128x16xf32, #tpu.memory_space<hbm>>)
          tpu.yield
        }) : () -> ()
      } else {
      }
      %scan3A_14 = arith.constant 0 : i32
      scf.yield %scan3A_14 : i32
    }
    %scan3A_6 = arith.constant 196 : i32
    return
  }
}

#map = affine_map<(d0, d1) -> (0, 0)>
#map1 = affine_map<(d0, d1) -> (0, 0, 0)>
module attributes {stable_mosaic.version = 14 : i64} {
  func.func @body(%arg0: i32, %arg1: i32, %arg2: memref<800000x16xf32, #tpu.memory_space<hbm>>, %arg3: memref<6250x128xi32, #tpu.memory_space<hbm>>, %arg4: memref<2x51200x16xf32, #tpu.memory_space<hbm>>, %arg5: memref<128xi32, #tpu.memory_space<vmem>>, %arg6: memref<128x16xf32, #tpu.memory_space<vmem>>, %arg7: memref<640x16xf32, #tpu.memory_space<vmem>>, %arg8: memref<51200x16xf32, #tpu.memory_space<vmem_shared>>, %arg9: memref<!tpu.dma_semaphore, #tpu.memory_space<semaphore_mem>>) attributes {dimension_semantics = [#tpu.dimension_semantics<core_parallel>, #tpu.dimension_semantics<subcore_parallel>], iteration_bounds = array<i64: 2, 16>, scalar_prefetch = 0 : i64, scratch_operands = 5 : i64, tpu.core_type = #tpu.core_type<sc_vector_subcore>, window_params = [{transform_indices = #map}, {transform_indices = #map}, {transform_indices = #map1}]} {
    %mul3A = arith.constant 2 : i32
    %mul3A_0 = arith.muli %arg1, %mul3A : i32
    %add3A = arith.addi %mul3A_0, %arg0 : i32
    %scan3A = arith.constant 0 : i32
    %scan3A_1 = arith.constant 0 : i32
    %scan3A_2 = arith.constant 640 : i32
    %scan3A_3 = arith.addi %scan3A_1, %scan3A_2 : i32
    %scan3A_4 = arith.constant 1 : i32
    %scan3A_5 = scf.for %scan3A_29 = %scan3A_1 to %scan3A_3 step %scan3A_4 iter_args(%scan3A_30 = %scan3A) -> (i32)  : i32 {
      %broadcast_in_dim3A = arith.constant 0.000000e+00 : f32
      %broadcast_in_dim3A_31 = vector.broadcast %broadcast_in_dim3A : f32 to vector<16xf32>
      %swap3A = arith.index_cast %scan3A_29 : i32 to index
      %swap3A_32 = arith.constant 0 : index
      %swap3A_33 = tpu.vector_load %arg7[%swap3A, %swap3A_32] {strides = array<i32>} : memref<640x16xf32, #tpu.memory_space<vmem>>, vector<1x16xf32>,
      %swap3A_34 = vector.shape_cast %swap3A_33 : vector<1x16xf32> to vector<16xf32>
      %swap3A_35 = vector.shape_cast %broadcast_in_dim3A_31 : vector<16xf32> to vector<1x16xf32>
      tpu.vector_store %arg7[%swap3A, %swap3A_32], %swap3A_35 {strides = array<i32>} : memref<640x16xf32, #tpu.memory_space<vmem>>, vector<1x16xf32>,
      %scan3A_36 = arith.constant 0 : i32
      scf.yield %scan3A_36 : i32
    }
    %scan3A_6 = arith.constant 640 : i32
    %scan3A_7 = arith.constant 0 : i32
    %scan3A_8 = arith.constant 0 : i32
    %scan3A_9 = arith.constant 5 : i32
    %scan3A_10 = arith.addi %scan3A_8, %scan3A_9 : i32
    %scan3A_11 = arith.constant 1 : i32
    %scan3A_12 = scf.for %scan3A_29 = %scan3A_8 to %scan3A_10 step %scan3A_11 iter_args(%scan3A_30 = %scan3A_7) -> (i32)  : i32 {
      %mul3A_31 = arith.constant 3200 : i32
      %mul3A_32 = arith.muli %arg1, %mul3A_31 : i32
      %mul3A_33 = arith.constant 640 : i32
      %mul3A_34 = arith.muli %scan3A_29, %mul3A_33 : i32
      %add3A_35 = arith.addi %mul3A_32, %mul3A_34 : i32
      "tpu.region"() ({
        %run_scoped3A = tpu.sem_alloc : memref<!tpu.dma_semaphore, #tpu.memory_space<semaphore_mem>>
        %dma_start3A = arith.constant 0 : i32
        %dma_start3A_37 = tpu.memref_slice %arg8[%add3A_35, %dma_start3A] : memref<51200x16xf32, #tpu.memory_space<vmem_shared>> -> memref<640x16xf32, #tpu.memory_space<vmem_shared>>
        %dma_start3A_38 = arith.constant 0 : i32
        %dma_start3A_39 = tpu.memref_slice %arg8[%add3A_35, %dma_start3A_38] : memref<51200x16xf32, #tpu.memory_space<vmem_shared>> -> memref<640x16xf32, #tpu.memory_space<vmem_shared>>
        tpu.enqueue_dma source(%arg7 : memref<640x16xf32, #tpu.memory_space<vmem>>) target(%dma_start3A_39 : memref<640x16xf32, #tpu.memory_space<vmem_shared>>) target_semaphore(%run_scoped3A : memref<!tpu.dma_semaphore, #tpu.memory_space<semaphore_mem>>)
        %dma_wait3A = arith.constant 0 : i32
        %dma_wait3A_40 = tpu.memref_slice %arg8[%add3A_35, %dma_wait3A] : memref<51200x16xf32, #tpu.memory_space<vmem_shared>> -> memref<640x16xf32, #tpu.memory_space<vmem_shared>>
        %dma_wait3A_41 = arith.constant 0 : i32
        %dma_wait3A_42 = tpu.memref_slice %arg8[%add3A_35, %dma_wait3A_41] : memref<51200x16xf32, #tpu.memory_space<vmem_shared>> -> memref<640x16xf32, #tpu.memory_space<vmem_shared>>
        tpu.wait_dma2 semaphore(%run_scoped3A : memref<!tpu.dma_semaphore, #tpu.memory_space<semaphore_mem>>) src(%arg7 : memref<640x16xf32, #tpu.memory_space<vmem>>) dst(%dma_wait3A_42 : memref<640x16xf32, #tpu.memory_space<vmem_shared>>)
        tpu.yield
      }) : () -> ()
      %scan3A_36 = arith.constant 0 : i32
      scf.yield %scan3A_36 : i32
    }
    %scan3A_13 = arith.constant 5 : i32
    %barrier3A = arith.constant 0 : index
    tpu.barrier barrier_id(%barrier3A)
    %scan3A_14 = arith.constant 0 : i32
    %scan3A_15 = arith.constant 0 : i32
    %scan3A_16 = arith.constant 196 : i32
    %scan3A_17 = arith.addi %scan3A_15, %scan3A_16 : i32
    %scan3A_18 = arith.constant 1 : i32
    %scan3A_19 = scf.for %scan3A_29 = %scan3A_15 to %scan3A_17 step %scan3A_18 iter_args(%scan3A_30 = %scan3A_14) -> (i32)  : i32 {
      %mul3A_31 = arith.constant 196 : i32
      %mul3A_32 = arith.muli %add3A, %mul3A_31 : i32
      %add3A_33 = arith.addi %mul3A_32, %scan3A_29 : i32
      %lt3A = arith.constant 6250 : i32
      %lt3A_34 = arith.cmpi slt, %add3A_33, %lt3A : i32
      %convert_element_type3A = arith.extui %lt3A_34 : i1 to i32
      %cond3A = arith.constant 0 : i32
      %cond3A_35 = arith.cmpi ne, %convert_element_type3A, %cond3A : i32
      scf.if %cond3A_35 {
        "tpu.region"() ({
          %run_scoped3A = tpu.sem_alloc : memref<!tpu.dma_semaphore, #tpu.memory_space<semaphore_mem>>
          %dma_start3A = arith.constant 0 : i32
          %dma_start3A_39 = tpu.memref_slice %arg3[%add3A_33, %dma_start3A] : memref<6250x128xi32, #tpu.memory_space<hbm>> -> memref<1x128xi32, #tpu.memory_space<hbm>>
          %dma_start3A_40 = tpu.memref_squeeze %dma_start3A_39 : memref<1x128xi32, #tpu.memory_space<hbm>> -> memref<128xi32, #tpu.memory_space<hbm>>
          %dma_start3A_41 = arith.constant 0 : i32
          %dma_start3A_42 = tpu.memref_slice %arg3[%add3A_33, %dma_start3A_41] : memref<6250x128xi32, #tpu.memory_space<hbm>> -> memref<1x128xi32, #tpu.memory_space<hbm>>
          %dma_start3A_43 = tpu.memref_squeeze %dma_start3A_42 : memref<1x128xi32, #tpu.memory_space<hbm>> -> memref<128xi32, #tpu.memory_space<hbm>>
          tpu.enqueue_dma source(%dma_start3A_43 : memref<128xi32, #tpu.memory_space<hbm>>) target(%arg5 : memref<128xi32, #tpu.memory_space<vmem>>) target_semaphore(%run_scoped3A : memref<!tpu.dma_semaphore, #tpu.memory_space<semaphore_mem>>)
          %dma_wait3A = arith.constant 0 : i32
          %dma_wait3A_44 = tpu.memref_slice %arg3[%add3A_33, %dma_wait3A] : memref<6250x128xi32, #tpu.memory_space<hbm>> -> memref<1x128xi32, #tpu.memory_space<hbm>>
          %dma_wait3A_45 = tpu.memref_squeeze %dma_wait3A_44 : memref<1x128xi32, #tpu.memory_space<hbm>> -> memref<128xi32, #tpu.memory_space<hbm>>
          %dma_wait3A_46 = arith.constant 0 : i32
          %dma_wait3A_47 = tpu.memref_slice %arg3[%add3A_33, %dma_wait3A_46] : memref<6250x128xi32, #tpu.memory_space<hbm>> -> memref<1x128xi32, #tpu.memory_space<hbm>>
          %dma_wait3A_48 = tpu.memref_squeeze %dma_wait3A_47 : memref<1x128xi32, #tpu.memory_space<hbm>> -> memref<128xi32, #tpu.memory_space<hbm>>
          tpu.wait_dma2 semaphore(%run_scoped3A : memref<!tpu.dma_semaphore, #tpu.memory_space<semaphore_mem>>) src(%dma_wait3A_48 : memref<128xi32, #tpu.memory_space<hbm>>) dst(%arg5 : memref<128xi32, #tpu.memory_space<vmem>>)
          tpu.yield
        }) : () -> ()
        %mul3A_37 = arith.constant 128 : i32
        %mul3A_38 = arith.muli %add3A_33, %mul3A_37 : i32
        "tpu.region"() ({
          %run_scoped3A = tpu.sem_alloc : memref<!tpu.dma_semaphore, #tpu.memory_space<semaphore_mem>>
          %dma_start3A = arith.constant 0 : i32
          %dma_start3A_39 = tpu.memref_slice %arg2[%mul3A_38, %dma_start3A] : memref<800000x16xf32, #tpu.memory_space<hbm>> -> memref<128x16xf32, #tpu.memory_space<hbm>>
          %dma_start3A_40 = arith.constant 0 : i32
          %dma_start3A_41 = tpu.memref_slice %arg2[%mul3A_38, %dma_start3A_40] : memref<800000x16xf32, #tpu.memory_space<hbm>> -> memref<128x16xf32, #tpu.memory_space<hbm>>
          tpu.enqueue_dma source(%dma_start3A_41 : memref<128x16xf32, #tpu.memory_space<hbm>>) target(%arg6 : memref<128x16xf32, #tpu.memory_space<vmem>>) target_semaphore(%run_scoped3A : memref<!tpu.dma_semaphore, #tpu.memory_space<semaphore_mem>>)
          %dma_wait3A = arith.constant 0 : i32
          %dma_wait3A_42 = tpu.memref_slice %arg2[%mul3A_38, %dma_wait3A] : memref<800000x16xf32, #tpu.memory_space<hbm>> -> memref<128x16xf32, #tpu.memory_space<hbm>>
          %dma_wait3A_43 = arith.constant 0 : i32
          %dma_wait3A_44 = tpu.memref_slice %arg2[%mul3A_38, %dma_wait3A_43] : memref<800000x16xf32, #tpu.memory_space<hbm>> -> memref<128x16xf32, #tpu.memory_space<hbm>>
          tpu.wait_dma2 semaphore(%run_scoped3A : memref<!tpu.dma_semaphore, #tpu.memory_space<semaphore_mem>>) src(%dma_wait3A_44 : memref<128x16xf32, #tpu.memory_space<hbm>>) dst(%arg6 : memref<128x16xf32, #tpu.memory_space<vmem>>)
          tpu.yield
        }) : () -> ()
        "tpu.region"() ({
          %run_scoped3A = tpu.sem_alloc : memref<!tpu.dma_semaphore, #tpu.memory_space<semaphore_mem>>
          %dma_start3A = arith.constant 0 : i32
          %dma_start3A_39 = arith.constant 0 : i32
          %dma_start3A_40 = tpu.memref_slice %arg8[%dma_start3A, %dma_start3A_39] : memref<51200x16xf32, #tpu.memory_space<vmem_shared>> -> memref<51200x16xf32, #tpu.memory_space<vmem_shared>>
          tpu.enqueue_indirect_dma source(%arg6 : memref<128x16xf32, #tpu.memory_space<vmem>>) target(%dma_start3A_40 : memref<51200x16xf32, #tpu.memory_space<vmem_shared>>) offsets(%arg5 : memref<128xi32, #tpu.memory_space<vmem>>) semaphore(%run_scoped3A : memref<!tpu.dma_semaphore, #tpu.memory_space<semaphore_mem>>) {add = true}
          %dma_wait3A = arith.constant 0 : i32
          %dma_wait3A_41 = arith.constant 0 : i32
          %dma_wait3A_42 = tpu.memref_slice %arg8[%dma_wait3A, %dma_wait3A_41] : memref<51200x16xf32, #tpu.memory_space<vmem_shared>> -> memref<51200x16xf32, #tpu.memory_space<vmem_shared>>
          tpu.wait_indirect_dma semaphore(%run_scoped3A : memref<!tpu.dma_semaphore, #tpu.memory_space<semaphore_mem>>) src(%arg6 : memref<128x16xf32, #tpu.memory_space<vmem>>) dst(%dma_wait3A_42 : memref<51200x16xf32, #tpu.memory_space<vmem_shared>>)
          tpu.yield
        }) : () -> ()
      } else {
      }
      %scan3A_36 = arith.constant 0 : i32
      scf.yield %scan3A_36 : i32
    }
    %scan3A_20 = arith.constant 196 : i32
    %barrier3A_21 = arith.constant 0 : index
    tpu.barrier barrier_id(%barrier3A_21)
    %scan3A_22 = arith.constant 0 : i32
    %scan3A_23 = arith.constant 0 : i32
    %scan3A_24 = arith.constant 5 : i32
    %scan3A_25 = arith.addi %scan3A_23, %scan3A_24 : i32
    %scan3A_26 = arith.constant 1 : i32
    %scan3A_27 = scf.for %scan3A_29 = %scan3A_23 to %scan3A_25 step %scan3A_26 iter_args(%scan3A_30 = %scan3A_22) -> (i32)  : i32 {
      %mul3A_31 = arith.constant 3200 : i32
      %mul3A_32 = arith.muli %arg1, %mul3A_31 : i32
      %mul3A_33 = arith.constant 640 : i32
      %mul3A_34 = arith.muli %scan3A_29, %mul3A_33 : i32
      %add3A_35 = arith.addi %mul3A_32, %mul3A_34 : i32
      "tpu.region"() ({
        %run_scoped3A = tpu.sem_alloc : memref<!tpu.dma_semaphore, #tpu.memory_space<semaphore_mem>>
        %dma_start3A = arith.constant 0 : i32
        %dma_start3A_37 = tpu.memref_slice %arg8[%add3A_35, %dma_start3A] : memref<51200x16xf32, #tpu.memory_space<vmem_shared>> -> memref<640x16xf32, #tpu.memory_space<vmem_shared>>
        %dma_start3A_38 = arith.constant 0 : i32
        %dma_start3A_39 = tpu.memref_slice %arg8[%add3A_35, %dma_start3A_38] : memref<51200x16xf32, #tpu.memory_space<vmem_shared>> -> memref<640x16xf32, #tpu.memory_space<vmem_shared>>
        tpu.enqueue_dma source(%dma_start3A_39 : memref<640x16xf32, #tpu.memory_space<vmem_shared>>) target(%arg7 : memref<640x16xf32, #tpu.memory_space<vmem>>) target_semaphore(%run_scoped3A : memref<!tpu.dma_semaphore, #tpu.memory_space<semaphore_mem>>)
        %dma_wait3A = arith.constant 0 : i32
        %dma_wait3A_40 = tpu.memref_slice %arg8[%add3A_35, %dma_wait3A] : memref<51200x16xf32, #tpu.memory_space<vmem_shared>> -> memref<640x16xf32, #tpu.memory_space<vmem_shared>>
        %dma_wait3A_41 = arith.constant 0 : i32
        %dma_wait3A_42 = tpu.memref_slice %arg8[%add3A_35, %dma_wait3A_41] : memref<51200x16xf32, #tpu.memory_space<vmem_shared>> -> memref<640x16xf32, #tpu.memory_space<vmem_shared>>
        tpu.wait_dma2 semaphore(%run_scoped3A : memref<!tpu.dma_semaphore, #tpu.memory_space<semaphore_mem>>) src(%dma_wait3A_42 : memref<640x16xf32, #tpu.memory_space<vmem_shared>>) dst(%arg7 : memref<640x16xf32, #tpu.memory_space<vmem>>)
        tpu.yield
      }) : () -> ()
      "tpu.region"() ({
        %run_scoped3A = tpu.sem_alloc : memref<!tpu.dma_semaphore, #tpu.memory_space<semaphore_mem>>
        %dma_start3A = arith.constant 0 : i32
        %dma_start3A_37 = arith.constant 0 : i32
        %dma_start3A_38 = tpu.memref_slice %arg4[%arg0, %dma_start3A, %dma_start3A_37] : memref<2x51200x16xf32, #tpu.memory_space<hbm>> -> memref<1x51200x16xf32, #tpu.memory_space<hbm>>
        %dma_start3A_39 = tpu.memref_squeeze %dma_start3A_38 : memref<1x51200x16xf32, #tpu.memory_space<hbm>> -> memref<51200x16xf32, #tpu.memory_space<hbm>>
        %dma_start3A_40 = arith.constant 0 : i32
        %dma_start3A_41 = tpu.memref_slice %dma_start3A_39[%add3A_35, %dma_start3A_40] : memref<51200x16xf32, #tpu.memory_space<hbm>> -> memref<640x16xf32, #tpu.memory_space<hbm>>
        %dma_start3A_42 = arith.constant 0 : i32
        %dma_start3A_43 = arith.constant 0 : i32
        %dma_start3A_44 = tpu.memref_slice %arg4[%arg0, %dma_start3A_42, %dma_start3A_43] : memref<2x51200x16xf32, #tpu.memory_space<hbm>> -> memref<1x51200x16xf32, #tpu.memory_space<hbm>>
        %dma_start3A_45 = tpu.memref_squeeze %dma_start3A_44 : memref<1x51200x16xf32, #tpu.memory_space<hbm>> -> memref<51200x16xf32, #tpu.memory_space<hbm>>
        %dma_start3A_46 = arith.constant 0 : i32
        %dma_start3A_47 = tpu.memref_slice %dma_start3A_45[%add3A_35, %dma_start3A_46] : memref<51200x16xf32, #tpu.memory_space<hbm>> -> memref<640x16xf32, #tpu.memory_space<hbm>>
        tpu.enqueue_dma source(%arg7 : memref<640x16xf32, #tpu.memory_space<vmem>>) target(%dma_start3A_47 : memref<640x16xf32, #tpu.memory_space<hbm>>) target_semaphore(%run_scoped3A : memref<!tpu.dma_semaphore, #tpu.memory_space<semaphore_mem>>)
        %dma_wait3A = arith.constant 0 : i32
        %dma_wait3A_48 = arith.constant 0 : i32
        %dma_wait3A_49 = tpu.memref_slice %arg4[%arg0, %dma_wait3A, %dma_wait3A_48] : memref<2x51200x16xf32, #tpu.memory_space<hbm>> -> memref<1x51200x16xf32, #tpu.memory_space<hbm>>
        %dma_wait3A_50 = tpu.memref_squeeze %dma_wait3A_49 : memref<1x51200x16xf32, #tpu.memory_space<hbm>> -> memref<51200x16xf32, #tpu.memory_space<hbm>>
        %dma_wait3A_51 = arith.constant 0 : i32
        %dma_wait3A_52 = tpu.memref_slice %dma_wait3A_50[%add3A_35, %dma_wait3A_51] : memref<51200x16xf32, #tpu.memory_space<hbm>> -> memref<640x16xf32, #tpu.memory_space<hbm>>
        %dma_wait3A_53 = arith.constant 0 : i32
        %dma_wait3A_54 = arith.constant 0 : i32
        %dma_wait3A_55 = tpu.memref_slice %arg4[%arg0, %dma_wait3A_53, %dma_wait3A_54] : memref<2x51200x16xf32, #tpu.memory_space<hbm>> -> memref<1x51200x16xf32, #tpu.memory_space<hbm>>
        %dma_wait3A_56 = tpu.memref_squeeze %dma_wait3A_55 : memref<1x51200x16xf32, #tpu.memory_space<hbm>> -> memref<51200x16xf32, #tpu.memory_space<hbm>>
        %dma_wait3A_57 = arith.constant 0 : i32
        %dma_wait3A_58 = tpu.memref_slice %dma_wait3A_56[%add3A_35, %dma_wait3A_57] : memref<51200x16xf32, #tpu.memory_space<hbm>> -> memref<640x16xf32, #tpu.memory_space<hbm>>
        tpu.wait_dma2 semaphore(%run_scoped3A : memref<!tpu.dma_semaphore, #tpu.memory_space<semaphore_mem>>) src(%arg7 : memref<640x16xf32, #tpu.memory_space<vmem>>) dst(%dma_wait3A_58 : memref<640x16xf32, #tpu.memory_space<hbm>>)
        tpu.yield
      }) : () -> ()
      %scan3A_36 = arith.constant 0 : i32
      scf.yield %scan3A_36 : i32
    }
    %scan3A_28 = arith.constant 5 : i32
    return
  }
}

#map = affine_map<(d0, d1) -> (0, 0)>
module attributes {stable_mosaic.version = 14 : i64} {
  func.func @_sc_gather_body(%arg0: i32, %arg1: i32, %arg2: memref<51200x16xf32, #tpu.memory_space<hbm>>, %arg3: memref<6250x128xi32, #tpu.memory_space<hbm>>, %arg4: memref<800000x16xf32, #tpu.memory_space<hbm>>, %arg5: memref<128xi32, #tpu.memory_space<vmem>>, %arg6: memref<128x16xf32, #tpu.memory_space<vmem>>, %arg7: memref<!tpu.dma_semaphore, #tpu.memory_space<semaphore_mem>>) attributes {dimension_semantics = [#tpu.dimension_semantics<core_parallel>, #tpu.dimension_semantics<subcore_parallel>], iteration_bounds = array<i64: 2, 16>, scalar_prefetch = 0 : i64, scratch_operands = 3 : i64, tpu.core_type = #tpu.core_type<sc_vector_subcore>, window_params = [{transform_indices = #map}, {transform_indices = #map}, {transform_indices = #map}]} {
    %mul3A = arith.constant 2 : i32
    %mul3A_0 = arith.muli %arg1, %mul3A : i32
    %add3A = arith.addi %mul3A_0, %arg0 : i32
    %scan3A = arith.constant 0 : i32
    %scan3A_1 = arith.constant 0 : i32
    %scan3A_2 = arith.constant 196 : i32
    %scan3A_3 = arith.addi %scan3A_1, %scan3A_2 : i32
    %scan3A_4 = arith.constant 1 : i32
    %scan3A_5 = scf.for %scan3A_7 = %scan3A_1 to %scan3A_3 step %scan3A_4 iter_args(%scan3A_8 = %scan3A) -> (i32)  : i32 {
      %mul3A_9 = arith.constant 196 : i32
      %mul3A_10 = arith.muli %add3A, %mul3A_9 : i32
      %add3A_11 = arith.addi %mul3A_10, %scan3A_7 : i32
      %lt3A = arith.constant 6250 : i32
      %lt3A_12 = arith.cmpi slt, %add3A_11, %lt3A : i32
      %convert_element_type3A = arith.extui %lt3A_12 : i1 to i32
      %cond3A = arith.constant 0 : i32
      %cond3A_13 = arith.cmpi ne, %convert_element_type3A, %cond3A : i32
      scf.if %cond3A_13 {
        "tpu.region"() ({
          %run_scoped3A = tpu.sem_alloc : memref<!tpu.dma_semaphore, #tpu.memory_space<semaphore_mem>>
          %dma_start3A_21 = arith.constant 0 : i32
          %dma_start3A_22 = tpu.memref_slice %arg3[%add3A_11, %dma_start3A_21] : memref<6250x128xi32, #tpu.memory_space<hbm>> -> memref<1x128xi32, #tpu.memory_space<hbm>>
          %dma_start3A_23 = tpu.memref_squeeze %dma_start3A_22 : memref<1x128xi32, #tpu.memory_space<hbm>> -> memref<128xi32, #tpu.memory_space<hbm>>
          %dma_start3A_24 = arith.constant 0 : i32
          %dma_start3A_25 = tpu.memref_slice %arg3[%add3A_11, %dma_start3A_24] : memref<6250x128xi32, #tpu.memory_space<hbm>> -> memref<1x128xi32, #tpu.memory_space<hbm>>
          %dma_start3A_26 = tpu.memref_squeeze %dma_start3A_25 : memref<1x128xi32, #tpu.memory_space<hbm>> -> memref<128xi32, #tpu.memory_space<hbm>>
          tpu.enqueue_dma source(%dma_start3A_26 : memref<128xi32, #tpu.memory_space<hbm>>) target(%arg5 : memref<128xi32, #tpu.memory_space<vmem>>) target_semaphore(%run_scoped3A : memref<!tpu.dma_semaphore, #tpu.memory_space<semaphore_mem>>)
          %dma_wait3A_27 = arith.constant 0 : i32
          %dma_wait3A_28 = tpu.memref_slice %arg3[%add3A_11, %dma_wait3A_27] : memref<6250x128xi32, #tpu.memory_space<hbm>> -> memref<1x128xi32, #tpu.memory_space<hbm>>
          %dma_wait3A_29 = tpu.memref_squeeze %dma_wait3A_28 : memref<1x128xi32, #tpu.memory_space<hbm>> -> memref<128xi32, #tpu.memory_space<hbm>>
          %dma_wait3A_30 = arith.constant 0 : i32
          %dma_wait3A_31 = tpu.memref_slice %arg3[%add3A_11, %dma_wait3A_30] : memref<6250x128xi32, #tpu.memory_space<hbm>> -> memref<1x128xi32, #tpu.memory_space<hbm>>
          %dma_wait3A_32 = tpu.memref_squeeze %dma_wait3A_31 : memref<1x128xi32, #tpu.memory_space<hbm>> -> memref<128xi32, #tpu.memory_space<hbm>>
          tpu.wait_dma2 semaphore(%run_scoped3A : memref<!tpu.dma_semaphore, #tpu.memory_space<semaphore_mem>>) src(%dma_wait3A_32 : memref<128xi32, #tpu.memory_space<hbm>>) dst(%arg5 : memref<128xi32, #tpu.memory_space<vmem>>)
          tpu.yield
        }) : () -> ()
        %dma_start3A = arith.constant 0 : i32
        %dma_start3A_15 = arith.constant 0 : i32
        %dma_start3A_16 = tpu.memref_slice %arg2[%dma_start3A, %dma_start3A_15] : memref<51200x16xf32, #tpu.memory_space<hbm>> -> memref<51200x16xf32, #tpu.memory_space<hbm>>
        tpu.enqueue_indirect_dma source(%dma_start3A_16 : memref<51200x16xf32, #tpu.memory_space<hbm>>) target(%arg6 : memref<128x16xf32, #tpu.memory_space<vmem>>) offsets(%arg5 : memref<128xi32, #tpu.memory_space<vmem>>) semaphore(%arg7 : memref<!tpu.dma_semaphore, #tpu.memory_space<semaphore_mem>>)
        %dma_wait3A = arith.constant 0 : i32
        %dma_wait3A_17 = arith.constant 0 : i32
        %dma_wait3A_18 = tpu.memref_slice %arg2[%dma_wait3A, %dma_wait3A_17] : memref<51200x16xf32, #tpu.memory_space<hbm>> -> memref<51200x16xf32, #tpu.memory_space<hbm>>
        tpu.wait_indirect_dma semaphore(%arg7 : memref<!tpu.dma_semaphore, #tpu.memory_space<semaphore_mem>>) src(%dma_wait3A_18 : memref<51200x16xf32, #tpu.memory_space<hbm>>) dst(%arg6 : memref<128x16xf32, #tpu.memory_space<vmem>>)
        %mul3A_19 = arith.constant 128 : i32
        %mul3A_20 = arith.muli %add3A_11, %mul3A_19 : i32
        "tpu.region"() ({
          %run_scoped3A = tpu.sem_alloc : memref<!tpu.dma_semaphore, #tpu.memory_space<semaphore_mem>>
          %dma_start3A_21 = arith.constant 0 : i32
          %dma_start3A_22 = tpu.memref_slice %arg4[%mul3A_20, %dma_start3A_21] : memref<800000x16xf32, #tpu.memory_space<hbm>> -> memref<128x16xf32, #tpu.memory_space<hbm>>
          %dma_start3A_23 = arith.constant 0 : i32
          %dma_start3A_24 = tpu.memref_slice %arg4[%mul3A_20, %dma_start3A_23] : memref<800000x16xf32, #tpu.memory_space<hbm>> -> memref<128x16xf32, #tpu.memory_space<hbm>>
          tpu.enqueue_dma source(%arg6 : memref<128x16xf32, #tpu.memory_space<vmem>>) target(%dma_start3A_24 : memref<128x16xf32, #tpu.memory_space<hbm>>) target_semaphore(%run_scoped3A : memref<!tpu.dma_semaphore, #tpu.memory_space<semaphore_mem>>)
          %dma_wait3A_25 = arith.constant 0 : i32
          %dma_wait3A_26 = tpu.memref_slice %arg4[%mul3A_20, %dma_wait3A_25] : memref<800000x16xf32, #tpu.memory_space<hbm>> -> memref<128x16xf32, #tpu.memory_space<hbm>>
          %dma_wait3A_27 = arith.constant 0 : i32
          %dma_wait3A_28 = tpu.memref_slice %arg4[%mul3A_20, %dma_wait3A_27] : memref<800000x16xf32, #tpu.memory_space<hbm>> -> memref<128x16xf32, #tpu.memory_space<hbm>>
          tpu.wait_dma2 semaphore(%run_scoped3A : memref<!tpu.dma_semaphore, #tpu.memory_space<semaphore_mem>>) src(%arg6 : memref<128x16xf32, #tpu.memory_space<vmem>>) dst(%dma_wait3A_28 : memref<128x16xf32, #tpu.memory_space<hbm>>)
          tpu.yield
        }) : () -> ()
      } else {
      }
      %scan3A_14 = arith.constant 0 : i32
      scf.yield %scan3A_14 : i32
    }
    %scan3A_6 = arith.constant 196 : i32
    return
  }
}

#map = affine_map<(d0, d1) -> (0, 0)>
#map1 = affine_map<(d0, d1) -> (0, 0, 0)>
module attributes {stable_mosaic.version = 14 : i64} {
  func.func @body(%arg0: i32, %arg1: i32, %arg2: memref<800000x16xf32, #tpu.memory_space<hbm>>, %arg3: memref<6250x128xi32, #tpu.memory_space<hbm>>, %arg4: memref<2x51200x16xf32, #tpu.memory_space<hbm>>, %arg5: memref<128xi32, #tpu.memory_space<vmem>>, %arg6: memref<128x16xf32, #tpu.memory_space<vmem>>, %arg7: memref<640x16xf32, #tpu.memory_space<vmem>>, %arg8: memref<51200x16xf32, #tpu.memory_space<vmem_shared>>, %arg9: memref<!tpu.dma_semaphore, #tpu.memory_space<semaphore_mem>>) attributes {dimension_semantics = [#tpu.dimension_semantics<core_parallel>, #tpu.dimension_semantics<subcore_parallel>], iteration_bounds = array<i64: 2, 16>, scalar_prefetch = 0 : i64, scratch_operands = 5 : i64, tpu.core_type = #tpu.core_type<sc_vector_subcore>, window_params = [{transform_indices = #map}, {transform_indices = #map}, {transform_indices = #map1}]} {
    %mul3A = arith.constant 2 : i32
    %mul3A_0 = arith.muli %arg1, %mul3A : i32
    %add3A = arith.addi %mul3A_0, %arg0 : i32
    %scan3A = arith.constant 0 : i32
    %scan3A_1 = arith.constant 0 : i32
    %scan3A_2 = arith.constant 640 : i32
    %scan3A_3 = arith.addi %scan3A_1, %scan3A_2 : i32
    %scan3A_4 = arith.constant 1 : i32
    %scan3A_5 = scf.for %scan3A_29 = %scan3A_1 to %scan3A_3 step %scan3A_4 iter_args(%scan3A_30 = %scan3A) -> (i32)  : i32 {
      %broadcast_in_dim3A = arith.constant 0.000000e+00 : f32
      %broadcast_in_dim3A_31 = vector.broadcast %broadcast_in_dim3A : f32 to vector<16xf32>
      %swap3A = arith.index_cast %scan3A_29 : i32 to index
      %swap3A_32 = arith.constant 0 : index
      %swap3A_33 = tpu.vector_load %arg7[%swap3A, %swap3A_32] {strides = array<i32>} : memref<640x16xf32, #tpu.memory_space<vmem>>, vector<1x16xf32>,
      %swap3A_34 = vector.shape_cast %swap3A_33 : vector<1x16xf32> to vector<16xf32>
      %swap3A_35 = vector.shape_cast %broadcast_in_dim3A_31 : vector<16xf32> to vector<1x16xf32>
      tpu.vector_store %arg7[%swap3A, %swap3A_32], %swap3A_35 {strides = array<i32>} : memref<640x16xf32, #tpu.memory_space<vmem>>, vector<1x16xf32>,
      %scan3A_36 = arith.constant 0 : i32
      scf.yield %scan3A_36 : i32
    }
    %scan3A_6 = arith.constant 640 : i32
    %scan3A_7 = arith.constant 0 : i32
    %scan3A_8 = arith.constant 0 : i32
    %scan3A_9 = arith.constant 5 : i32
    %scan3A_10 = arith.addi %scan3A_8, %scan3A_9 : i32
    %scan3A_11 = arith.constant 1 : i32
    %scan3A_12 = scf.for %scan3A_29 = %scan3A_8 to %scan3A_10 step %scan3A_11 iter_args(%scan3A_30 = %scan3A_7) -> (i32)  : i32 {
      %mul3A_31 = arith.constant 3200 : i32
      %mul3A_32 = arith.muli %arg1, %mul3A_31 : i32
      %mul3A_33 = arith.constant 640 : i32
      %mul3A_34 = arith.muli %scan3A_29, %mul3A_33 : i32
      %add3A_35 = arith.addi %mul3A_32, %mul3A_34 : i32
      "tpu.region"() ({
        %run_scoped3A = tpu.sem_alloc : memref<!tpu.dma_semaphore, #tpu.memory_space<semaphore_mem>>
        %dma_start3A = arith.constant 0 : i32
        %dma_start3A_37 = tpu.memref_slice %arg8[%add3A_35, %dma_start3A] : memref<51200x16xf32, #tpu.memory_space<vmem_shared>> -> memref<640x16xf32, #tpu.memory_space<vmem_shared>>
        %dma_start3A_38 = arith.constant 0 : i32
        %dma_start3A_39 = tpu.memref_slice %arg8[%add3A_35, %dma_start3A_38] : memref<51200x16xf32, #tpu.memory_space<vmem_shared>> -> memref<640x16xf32, #tpu.memory_space<vmem_shared>>
        tpu.enqueue_dma source(%arg7 : memref<640x16xf32, #tpu.memory_space<vmem>>) target(%dma_start3A_39 : memref<640x16xf32, #tpu.memory_space<vmem_shared>>) target_semaphore(%run_scoped3A : memref<!tpu.dma_semaphore, #tpu.memory_space<semaphore_mem>>)
        %dma_wait3A = arith.constant 0 : i32
        %dma_wait3A_40 = tpu.memref_slice %arg8[%add3A_35, %dma_wait3A] : memref<51200x16xf32, #tpu.memory_space<vmem_shared>> -> memref<640x16xf32, #tpu.memory_space<vmem_shared>>
        %dma_wait3A_41 = arith.constant 0 : i32
        %dma_wait3A_42 = tpu.memref_slice %arg8[%add3A_35, %dma_wait3A_41] : memref<51200x16xf32, #tpu.memory_space<vmem_shared>> -> memref<640x16xf32, #tpu.memory_space<vmem_shared>>
        tpu.wait_dma2 semaphore(%run_scoped3A : memref<!tpu.dma_semaphore, #tpu.memory_space<semaphore_mem>>) src(%arg7 : memref<640x16xf32, #tpu.memory_space<vmem>>) dst(%dma_wait3A_42 : memref<640x16xf32, #tpu.memory_space<vmem_shared>>)
        tpu.yield
      }) : () -> ()
      %scan3A_36 = arith.constant 0 : i32
      scf.yield %scan3A_36 : i32
    }
    %scan3A_13 = arith.constant 5 : i32
    %barrier3A = arith.constant 0 : index
    tpu.barrier barrier_id(%barrier3A)
    %scan3A_14 = arith.constant 0 : i32
    %scan3A_15 = arith.constant 0 : i32
    %scan3A_16 = arith.constant 196 : i32
    %scan3A_17 = arith.addi %scan3A_15, %scan3A_16 : i32
    %scan3A_18 = arith.constant 1 : i32
    %scan3A_19 = scf.for %scan3A_29 = %scan3A_15 to %scan3A_17 step %scan3A_18 iter_args(%scan3A_30 = %scan3A_14) -> (i32)  : i32 {
      %mul3A_31 = arith.constant 196 : i32
      %mul3A_32 = arith.muli %add3A, %mul3A_31 : i32
      %add3A_33 = arith.addi %mul3A_32, %scan3A_29 : i32
      %lt3A = arith.constant 6250 : i32
      %lt3A_34 = arith.cmpi slt, %add3A_33, %lt3A : i32
      %convert_element_type3A = arith.extui %lt3A_34 : i1 to i32
      %cond3A = arith.constant 0 : i32
      %cond3A_35 = arith.cmpi ne, %convert_element_type3A, %cond3A : i32
      scf.if %cond3A_35 {
        "tpu.region"() ({
          %run_scoped3A = tpu.sem_alloc : memref<!tpu.dma_semaphore, #tpu.memory_space<semaphore_mem>>
          %dma_start3A = arith.constant 0 : i32
          %dma_start3A_39 = tpu.memref_slice %arg3[%add3A_33, %dma_start3A] : memref<6250x128xi32, #tpu.memory_space<hbm>> -> memref<1x128xi32, #tpu.memory_space<hbm>>
          %dma_start3A_40 = tpu.memref_squeeze %dma_start3A_39 : memref<1x128xi32, #tpu.memory_space<hbm>> -> memref<128xi32, #tpu.memory_space<hbm>>
          %dma_start3A_41 = arith.constant 0 : i32
          %dma_start3A_42 = tpu.memref_slice %arg3[%add3A_33, %dma_start3A_41] : memref<6250x128xi32, #tpu.memory_space<hbm>> -> memref<1x128xi32, #tpu.memory_space<hbm>>
          %dma_start3A_43 = tpu.memref_squeeze %dma_start3A_42 : memref<1x128xi32, #tpu.memory_space<hbm>> -> memref<128xi32, #tpu.memory_space<hbm>>
          tpu.enqueue_dma source(%dma_start3A_43 : memref<128xi32, #tpu.memory_space<hbm>>) target(%arg5 : memref<128xi32, #tpu.memory_space<vmem>>) target_semaphore(%run_scoped3A : memref<!tpu.dma_semaphore, #tpu.memory_space<semaphore_mem>>)
          %dma_wait3A = arith.constant 0 : i32
          %dma_wait3A_44 = tpu.memref_slice %arg3[%add3A_33, %dma_wait3A] : memref<6250x128xi32, #tpu.memory_space<hbm>> -> memref<1x128xi32, #tpu.memory_space<hbm>>
          %dma_wait3A_45 = tpu.memref_squeeze %dma_wait3A_44 : memref<1x128xi32, #tpu.memory_space<hbm>> -> memref<128xi32, #tpu.memory_space<hbm>>
          %dma_wait3A_46 = arith.constant 0 : i32
          %dma_wait3A_47 = tpu.memref_slice %arg3[%add3A_33, %dma_wait3A_46] : memref<6250x128xi32, #tpu.memory_space<hbm>> -> memref<1x128xi32, #tpu.memory_space<hbm>>
          %dma_wait3A_48 = tpu.memref_squeeze %dma_wait3A_47 : memref<1x128xi32, #tpu.memory_space<hbm>> -> memref<128xi32, #tpu.memory_space<hbm>>
          tpu.wait_dma2 semaphore(%run_scoped3A : memref<!tpu.dma_semaphore, #tpu.memory_space<semaphore_mem>>) src(%dma_wait3A_48 : memref<128xi32, #tpu.memory_space<hbm>>) dst(%arg5 : memref<128xi32, #tpu.memory_space<vmem>>)
          tpu.yield
        }) : () -> ()
        %mul3A_37 = arith.constant 128 : i32
        %mul3A_38 = arith.muli %add3A_33, %mul3A_37 : i32
        "tpu.region"() ({
          %run_scoped3A = tpu.sem_alloc : memref<!tpu.dma_semaphore, #tpu.memory_space<semaphore_mem>>
          %dma_start3A = arith.constant 0 : i32
          %dma_start3A_39 = tpu.memref_slice %arg2[%mul3A_38, %dma_start3A] : memref<800000x16xf32, #tpu.memory_space<hbm>> -> memref<128x16xf32, #tpu.memory_space<hbm>>
          %dma_start3A_40 = arith.constant 0 : i32
          %dma_start3A_41 = tpu.memref_slice %arg2[%mul3A_38, %dma_start3A_40] : memref<800000x16xf32, #tpu.memory_space<hbm>> -> memref<128x16xf32, #tpu.memory_space<hbm>>
          tpu.enqueue_dma source(%dma_start3A_41 : memref<128x16xf32, #tpu.memory_space<hbm>>) target(%arg6 : memref<128x16xf32, #tpu.memory_space<vmem>>) target_semaphore(%run_scoped3A : memref<!tpu.dma_semaphore, #tpu.memory_space<semaphore_mem>>)
          %dma_wait3A = arith.constant 0 : i32
          %dma_wait3A_42 = tpu.memref_slice %arg2[%mul3A_38, %dma_wait3A] : memref<800000x16xf32, #tpu.memory_space<hbm>> -> memref<128x16xf32, #tpu.memory_space<hbm>>
          %dma_wait3A_43 = arith.constant 0 : i32
          %dma_wait3A_44 = tpu.memref_slice %arg2[%mul3A_38, %dma_wait3A_43] : memref<800000x16xf32, #tpu.memory_space<hbm>> -> memref<128x16xf32, #tpu.memory_space<hbm>>
          tpu.wait_dma2 semaphore(%run_scoped3A : memref<!tpu.dma_semaphore, #tpu.memory_space<semaphore_mem>>) src(%dma_wait3A_44 : memref<128x16xf32, #tpu.memory_space<hbm>>) dst(%arg6 : memref<128x16xf32, #tpu.memory_space<vmem>>)
          tpu.yield
        }) : () -> ()
        "tpu.region"() ({
          %run_scoped3A = tpu.sem_alloc : memref<!tpu.dma_semaphore, #tpu.memory_space<semaphore_mem>>
          %dma_start3A = arith.constant 0 : i32
          %dma_start3A_39 = arith.constant 0 : i32
          %dma_start3A_40 = tpu.memref_slice %arg8[%dma_start3A, %dma_start3A_39] : memref<51200x16xf32, #tpu.memory_space<vmem_shared>> -> memref<51200x16xf32, #tpu.memory_space<vmem_shared>>
          tpu.enqueue_indirect_dma source(%arg6 : memref<128x16xf32, #tpu.memory_space<vmem>>) target(%dma_start3A_40 : memref<51200x16xf32, #tpu.memory_space<vmem_shared>>) offsets(%arg5 : memref<128xi32, #tpu.memory_space<vmem>>) semaphore(%run_scoped3A : memref<!tpu.dma_semaphore, #tpu.memory_space<semaphore_mem>>) {add = true}
          %dma_wait3A = arith.constant 0 : i32
          %dma_wait3A_41 = arith.constant 0 : i32
          %dma_wait3A_42 = tpu.memref_slice %arg8[%dma_wait3A, %dma_wait3A_41] : memref<51200x16xf32, #tpu.memory_space<vmem_shared>> -> memref<51200x16xf32, #tpu.memory_space<vmem_shared>>
          tpu.wait_indirect_dma semaphore(%run_scoped3A : memref<!tpu.dma_semaphore, #tpu.memory_space<semaphore_mem>>) src(%arg6 : memref<128x16xf32, #tpu.memory_space<vmem>>) dst(%dma_wait3A_42 : memref<51200x16xf32, #tpu.memory_space<vmem_shared>>)
          tpu.yield
        }) : () -> ()
      } else {
      }
      %scan3A_36 = arith.constant 0 : i32
      scf.yield %scan3A_36 : i32
    }
    %scan3A_20 = arith.constant 196 : i32
    %barrier3A_21 = arith.constant 0 : index
    tpu.barrier barrier_id(%barrier3A_21)
    %scan3A_22 = arith.constant 0 : i32
    %scan3A_23 = arith.constant 0 : i32
    %scan3A_24 = arith.constant 5 : i32
    %scan3A_25 = arith.addi %scan3A_23, %scan3A_24 : i32
    %scan3A_26 = arith.constant 1 : i32
    %scan3A_27 = scf.for %scan3A_29 = %scan3A_23 to %scan3A_25 step %scan3A_26 iter_args(%scan3A_30 = %scan3A_22) -> (i32)  : i32 {
      %mul3A_31 = arith.constant 3200 : i32
      %mul3A_32 = arith.muli %arg1, %mul3A_31 : i32
      %mul3A_33 = arith.constant 640 : i32
      %mul3A_34 = arith.muli %scan3A_29, %mul3A_33 : i32
      %add3A_35 = arith.addi %mul3A_32, %mul3A_34 : i32
      "tpu.region"() ({
        %run_scoped3A = tpu.sem_alloc : memref<!tpu.dma_semaphore, #tpu.memory_space<semaphore_mem>>
        %dma_start3A = arith.constant 0 : i32
        %dma_start3A_37 = tpu.memref_slice %arg8[%add3A_35, %dma_start3A] : memref<51200x16xf32, #tpu.memory_space<vmem_shared>> -> memref<640x16xf32, #tpu.memory_space<vmem_shared>>
        %dma_start3A_38 = arith.constant 0 : i32
        %dma_start3A_39 = tpu.memref_slice %arg8[%add3A_35, %dma_start3A_38] : memref<51200x16xf32, #tpu.memory_space<vmem_shared>> -> memref<640x16xf32, #tpu.memory_space<vmem_shared>>
        tpu.enqueue_dma source(%dma_start3A_39 : memref<640x16xf32, #tpu.memory_space<vmem_shared>>) target(%arg7 : memref<640x16xf32, #tpu.memory_space<vmem>>) target_semaphore(%run_scoped3A : memref<!tpu.dma_semaphore, #tpu.memory_space<semaphore_mem>>)
        %dma_wait3A = arith.constant 0 : i32
        %dma_wait3A_40 = tpu.memref_slice %arg8[%add3A_35, %dma_wait3A] : memref<51200x16xf32, #tpu.memory_space<vmem_shared>> -> memref<640x16xf32, #tpu.memory_space<vmem_shared>>
        %dma_wait3A_41 = arith.constant 0 : i32
        %dma_wait3A_42 = tpu.memref_slice %arg8[%add3A_35, %dma_wait3A_41] : memref<51200x16xf32, #tpu.memory_space<vmem_shared>> -> memref<640x16xf32, #tpu.memory_space<vmem_shared>>
        tpu.wait_dma2 semaphore(%run_scoped3A : memref<!tpu.dma_semaphore, #tpu.memory_space<semaphore_mem>>) src(%dma_wait3A_42 : memref<640x16xf32, #tpu.memory_space<vmem_shared>>) dst(%arg7 : memref<640x16xf32, #tpu.memory_space<vmem>>)
        tpu.yield
      }) : () -> ()
      "tpu.region"() ({
        %run_scoped3A = tpu.sem_alloc : memref<!tpu.dma_semaphore, #tpu.memory_space<semaphore_mem>>
        %dma_start3A = arith.constant 0 : i32
        %dma_start3A_37 = arith.constant 0 : i32
        %dma_start3A_38 = tpu.memref_slice %arg4[%arg0, %dma_start3A, %dma_start3A_37] : memref<2x51200x16xf32, #tpu.memory_space<hbm>> -> memref<1x51200x16xf32, #tpu.memory_space<hbm>>
        %dma_start3A_39 = tpu.memref_squeeze %dma_start3A_38 : memref<1x51200x16xf32, #tpu.memory_space<hbm>> -> memref<51200x16xf32, #tpu.memory_space<hbm>>
        %dma_start3A_40 = arith.constant 0 : i32
        %dma_start3A_41 = tpu.memref_slice %dma_start3A_39[%add3A_35, %dma_start3A_40] : memref<51200x16xf32, #tpu.memory_space<hbm>> -> memref<640x16xf32, #tpu.memory_space<hbm>>
        %dma_start3A_42 = arith.constant 0 : i32
        %dma_start3A_43 = arith.constant 0 : i32
        %dma_start3A_44 = tpu.memref_slice %arg4[%arg0, %dma_start3A_42, %dma_start3A_43] : memref<2x51200x16xf32, #tpu.memory_space<hbm>> -> memref<1x51200x16xf32, #tpu.memory_space<hbm>>
        %dma_start3A_45 = tpu.memref_squeeze %dma_start3A_44 : memref<1x51200x16xf32, #tpu.memory_space<hbm>> -> memref<51200x16xf32, #tpu.memory_space<hbm>>
        %dma_start3A_46 = arith.constant 0 : i32
        %dma_start3A_47 = tpu.memref_slice %dma_start3A_45[%add3A_35, %dma_start3A_46] : memref<51200x16xf32, #tpu.memory_space<hbm>> -> memref<640x16xf32, #tpu.memory_space<hbm>>
        tpu.enqueue_dma source(%arg7 : memref<640x16xf32, #tpu.memory_space<vmem>>) target(%dma_start3A_47 : memref<640x16xf32, #tpu.memory_space<hbm>>) target_semaphore(%run_scoped3A : memref<!tpu.dma_semaphore, #tpu.memory_space<semaphore_mem>>)
        %dma_wait3A = arith.constant 0 : i32
        %dma_wait3A_48 = arith.constant 0 : i32
        %dma_wait3A_49 = tpu.memref_slice %arg4[%arg0, %dma_wait3A, %dma_wait3A_48] : memref<2x51200x16xf32, #tpu.memory_space<hbm>> -> memref<1x51200x16xf32, #tpu.memory_space<hbm>>
        %dma_wait3A_50 = tpu.memref_squeeze %dma_wait3A_49 : memref<1x51200x16xf32, #tpu.memory_space<hbm>> -> memref<51200x16xf32, #tpu.memory_space<hbm>>
        %dma_wait3A_51 = arith.constant 0 : i32
        %dma_wait3A_52 = tpu.memref_slice %dma_wait3A_50[%add3A_35, %dma_wait3A_51] : memref<51200x16xf32, #tpu.memory_space<hbm>> -> memref<640x16xf32, #tpu.memory_space<hbm>>
        %dma_wait3A_53 = arith.constant 0 : i32
        %dma_wait3A_54 = arith.constant 0 : i32
        %dma_wait3A_55 = tpu.memref_slice %arg4[%arg0, %dma_wait3A_53, %dma_wait3A_54] : memref<2x51200x16xf32, #tpu.memory_space<hbm>> -> memref<1x51200x16xf32, #tpu.memory_space<hbm>>
        %dma_wait3A_56 = tpu.memref_squeeze %dma_wait3A_55 : memref<1x51200x16xf32, #tpu.memory_space<hbm>> -> memref<51200x16xf32, #tpu.memory_space<hbm>>
        %dma_wait3A_57 = arith.constant 0 : i32
        %dma_wait3A_58 = tpu.memref_slice %dma_wait3A_56[%add3A_35, %dma_wait3A_57] : memref<51200x16xf32, #tpu.memory_space<hbm>> -> memref<640x16xf32, #tpu.memory_space<hbm>>
        tpu.wait_dma2 semaphore(%run_scoped3A : memref<!tpu.dma_semaphore, #tpu.memory_space<semaphore_mem>>) src(%arg7 : memref<640x16xf32, #tpu.memory_space<vmem>>) dst(%dma_wait3A_58 : memref<640x16xf32, #tpu.memory_space<hbm>>)
        tpu.yield
      }) : () -> ()
      %scan3A_36 = arith.constant 0 : i32
      scf.yield %scan3A_36 : i32
    }
    %scan3A_28 = arith.constant 5 : i32
    return
  }
}

module attributes {stable_mosaic.version = 14 : i64} {
  func.func @_encode_body(%arg0: i32, %arg1: memref<1024x128xf32, #tpu.memory_space<vmem>>, %arg2: memref<1x50000xi32, #tpu.memory_space<vmem>>, %arg3: memref<128x16xf32, #tpu.memory_space<vmem>>, %arg4: memref<1x16xf32, #tpu.memory_space<vmem>>, %arg5: memref<16x16xf32, #tpu.memory_space<vmem>>, %arg6: memref<1x16xf32, #tpu.memory_space<vmem>>, %arg7: memref<16x12xf32, #tpu.memory_space<vmem>>, %arg8: memref<12x16xf32, #tpu.memory_space<vmem>>, %arg9: memref<12x16xf32, #tpu.memory_space<vmem>>, %arg10: memref<1x16xf32, #tpu.memory_space<vmem>>, %arg11: memref<16x12xf32, #tpu.memory_space<vmem>>, %arg12: memref<16x1xf32, #tpu.memory_space<vmem>>, %arg13: memref<16x16xf32, #tpu.memory_space<vmem>>, %arg14: memref<1x16xf32, #tpu.memory_space<vmem>>, %arg15: memref<16x16xf32, #tpu.memory_space<vmem>>, %arg16: memref<16x1xf32, #tpu.memory_space<vmem>>, %arg17: memref<16x51200xf32, #tpu.memory_space<vmem>>, %arg18: memref<16x16xf32, #tpu.memory_space<vmem>>, %arg19: memref<16x16xf32, #tpu.memory_space<vmem>>, %arg20: memref<16x1xf32, #tpu.memory_space<vmem>>) attributes {dimension_semantics = [#tpu.dimension_semantics<arbitrary>], iteration_bounds = array<i64: 50>, scalar_prefetch = 0 : i64, scratch_operands = 0 : i64, tpu.core_type = #tpu.core_type<tc>, window_params = [{transform_indices = @transform_0, window_bounds = array<i64: 1024, 128>}, {pipeline_mode = #tpu.pipeline_mode<synchronous>, transform_indices = @transform_1, window_bounds = array<i64: 1, 50000>}, {pipeline_mode = #tpu.pipeline_mode<synchronous>, transform_indices = @transform_2, window_bounds = array<i64: 128, 16>}, {pipeline_mode = #tpu.pipeline_mode<synchronous>, transform_indices = @transform_3, window_bounds = array<i64: 1, 16>}, {pipeline_mode = #tpu.pipeline_mode<synchronous>, transform_indices = @transform_4, window_bounds = array<i64: 16, 16>}, {pipeline_mode = #tpu.pipeline_mode<synchronous>, transform_indices = @transform_5, window_bounds = array<i64: 1, 16>}, {pipeline_mode = #tpu.pipeline_mode<synchronous>, transform_indices = @transform_6, window_bounds = array<i64: 16, 12>}, {pipeline_mode = #tpu.pipeline_mode<synchronous>, transform_indices = @transform_7, window_bounds = array<i64: 12, 16>}, {pipeline_mode = #tpu.pipeline_mode<synchronous>, transform_indices = @transform_8, window_bounds = array<i64: 12, 16>}, {pipeline_mode = #tpu.pipeline_mode<synchronous>, transform_indices = @transform_9, window_bounds = array<i64: 1, 16>}, {pipeline_mode = #tpu.pipeline_mode<synchronous>, transform_indices = @transform_10, window_bounds = array<i64: 16, 12>}, {pipeline_mode = #tpu.pipeline_mode<synchronous>, transform_indices = @transform_11, window_bounds = array<i64: 16, 1>}, {pipeline_mode = #tpu.pipeline_mode<synchronous>, transform_indices = @transform_12, window_bounds = array<i64: 16, 16>}, {pipeline_mode = #tpu.pipeline_mode<synchronous>, transform_indices = @transform_13, window_bounds = array<i64: 1, 16>}, {pipeline_mode = #tpu.pipeline_mode<synchronous>, transform_indices = @transform_14, window_bounds = array<i64: 16, 16>}, {pipeline_mode = #tpu.pipeline_mode<synchronous>, transform_indices = @transform_15, window_bounds = array<i64: 16, 1>}, {pipeline_mode = #tpu.pipeline_mode<synchronous>, transform_indices = @transform_16, window_bounds = array<i64: 16, 51200>}, {pipeline_mode = #tpu.pipeline_mode<synchronous>, transform_indices = @transform_17, window_bounds = array<i64: 16, 16>}, {pipeline_mode = #tpu.pipeline_mode<synchronous>, transform_indices = @transform_18, window_bounds = array<i64: 16, 16>}, {pipeline_mode = #tpu.pipeline_mode<synchronous>, transform_indices = @transform_19, window_bounds = array<i64: 16, 1>}]} {
    %get3A = arith.constant 0 : index
    %get3A_0 = arith.constant 0 : index
    %get3A_1 = vector.load %arg1[%get3A, %get3A_0] : memref<1024x128xf32, #tpu.memory_space<vmem>>, vector<1024x128xf32>
    %get3A_2 = arith.constant 0 : index
    %get3A_3 = arith.constant 0 : index
    %get3A_4 = vector.load %arg3[%get3A_2, %get3A_3] : memref<128x16xf32, #tpu.memory_space<vmem>>, vector<128x16xf32>
    %dot_general3A = arith.constant dense<0.000000e+00> : vector<1024x16xf32>
    %dot_general3A_5 = tpu.matmul %get3A_1, %get3A_4, %dot_general3A {dimension_numbers = #tpu.dot_dimension_numbers<[1], [0], [0], [1], [0, 0, 1, 1], [], []>, transpose_lhs_hint = false} : vector<1024x128xf32>, vector<128x16xf32>, vector<1024x16xf32> -> vector<1024x16xf32>
    %get3A_6 = arith.constant 0 : index
    %get3A_7 = arith.constant 0 : index
    %get3A_8 = vector.load %arg4[%get3A_6, %get3A_7] : memref<1x16xf32, #tpu.memory_space<vmem>>, vector<1x16xf32>
    %add3A = vector.broadcast %get3A_8 : vector<1x16xf32> to vector<1024x16xf32>
    %add3A_9 = arith.addf %dot_general3A_5, %add3A : vector<1024x16xf32>
    %max3A = arith.constant 0.000000e+00 : f32
    %max3A_10 = vector.broadcast %max3A : f32 to vector<1024x16xf32>
    %max3A_11 = arith.maximumf %add3A_9, %max3A_10 : vector<1024x16xf32>
    %get3A_12 = arith.constant 0 : index
    %get3A_13 = arith.constant 0 : index
    %get3A_14 = vector.load %arg5[%get3A_12, %get3A_13] : memref<16x16xf32, #tpu.memory_space<vmem>>, vector<16x16xf32>
    %dot_general3A_15 = arith.constant dense<0.000000e+00> : vector<1024x16xf32>
    %dot_general3A_16 = tpu.matmul %max3A_11, %get3A_14, %dot_general3A_15 {dimension_numbers = #tpu.dot_dimension_numbers<[1], [0], [0], [1], [0, 0, 1, 1], [], []>, transpose_lhs_hint = false} : vector<1024x16xf32>, vector<16x16xf32>, vector<1024x16xf32> -> vector<1024x16xf32>
    %get3A_17 = arith.constant 0 : index
    %get3A_18 = arith.constant 0 : index
    %get3A_19 = vector.load %arg6[%get3A_17, %get3A_18] : memref<1x16xf32, #tpu.memory_space<vmem>>, vector<1x16xf32>
    %add3A_20 = vector.broadcast %get3A_19 : vector<1x16xf32> to vector<1024x16xf32>
    %add3A_21 = arith.addf %dot_general3A_16, %add3A_20 : vector<1024x16xf32>
    %transpose3A = tpu.transpose %add3A_21, [1, 0] : vector<1024x16xf32> -> vector<16x1024xf32>
    %mul3A = arith.constant 1024 : i32
    %mul3A_22 = arith.muli %arg0, %mul3A : i32
    %swap3A = arith.constant 0 : index
    %swap3A_23 = arith.index_cast %mul3A_22 : i32 to index
    %swap3A_24 = vector.load %arg17[%swap3A, %swap3A_23] : memref<16x51200xf32, #tpu.memory_space<vmem>>, vector<16x1024xf32>
    tpu.vector_store %arg17[%swap3A, %swap3A_23], %transpose3A {strides = array<i32>} : memref<16x51200xf32, #tpu.memory_space<vmem>>, vector<16x1024xf32>,
    %eq3A = arith.constant 0 : i32
    %eq3A_25 = arith.cmpi eq, %arg0, %eq3A : i32
    %convert_element_type3A = arith.extui %eq3A_25 : i1 to i32
    %cond3A = arith.constant 0 : i32
    %cond3A_26 = arith.cmpi ne, %convert_element_type3A, %cond3A : i32
    scf.if %cond3A_26 {
      %get3A_27 = arith.constant 0 : index
      %get3A_28 = arith.constant 0 : index
      %get3A_29 = vector.load %arg2[%get3A_27, %get3A_28] : memref<1x50000xi32, #tpu.memory_space<vmem>>, vector<1x50000xi32>
      %iota3A = tpu.iota {dimensions = array<i32: 0>} : vector<16x1xi32>
      %eq3A_30 = vector.broadcast %get3A_29 : vector<1x50000xi32> to vector<16x50000xi32>
      %eq3A_31 = vector.broadcast %iota3A : vector<16x1xi32> to vector<16x50000xi32>
      %eq3A_32 = arith.cmpi eq, %eq3A_30, %eq3A_31 : vector<16x50000xi32>
      %convert_element_type3A_33 = arith.extui %eq3A_32 : vector<16x50000xi1> to vector<16x50000xi32>
      %convert_element_type3A_34 = arith.sitofp %convert_element_type3A_33 : vector<16x50000xi32> to vector<16x50000xf32>
      %broadcast_in_dim3A = arith.constant 1.000000e+00 : f32
      %broadcast_in_dim3A_35 = vector.broadcast %broadcast_in_dim3A : f32 to vector<50000x1xf32>
      %dot_general3A_36 = arith.constant dense<0.000000e+00> : vector<16x1xf32>
      %dot_general3A_37 = tpu.matmul %convert_element_type3A_34, %broadcast_in_dim3A_35, %dot_general3A_36 {dimension_numbers = #tpu.dot_dimension_numbers<[1], [0], [0], [1], [0, 0, 1, 1], [], []>, transpose_lhs_hint = false} : vector<16x50000xf32>, vector<50000x1xf32>, vector<16x1xf32> -> vector<16x1xf32>
      %swap3A_38 = arith.constant 0 : index
      %swap3A_39 = arith.constant 0 : index
      %swap3A_40 = vector.load %arg20[%swap3A_38, %swap3A_39] : memref<16x1xf32, #tpu.memory_space<vmem>>, vector<16x1xf32>
      tpu.vector_store %arg20[%swap3A_38, %swap3A_39], %dot_general3A_37 {strides = array<i32>} : memref<16x1xf32, #tpu.memory_space<vmem>>, vector<16x1xf32>,
      %get3A_41 = arith.constant 0 : index
      %get3A_42 = arith.constant 0 : index
      %get3A_43 = vector.load %arg7[%get3A_41, %get3A_42] : memref<16x12xf32, #tpu.memory_space<vmem>>, vector<16x12xf32>
      %get3A_44 = arith.constant 0 : index
      %get3A_45 = arith.constant 0 : index
      %get3A_46 = vector.load %arg9[%get3A_44, %get3A_45] : memref<12x16xf32, #tpu.memory_space<vmem>>, vector<12x16xf32>
      %dot_general3A_47 = arith.constant dense<0.000000e+00> : vector<16x16xf32>
      %dot_general3A_48 = tpu.matmul %get3A_43, %get3A_46, %dot_general3A_47 {dimension_numbers = #tpu.dot_dimension_numbers<[1], [0], [0], [1], [0, 0, 1, 1], [], []>, transpose_lhs_hint = false} : vector<16x12xf32>, vector<12x16xf32>, vector<16x16xf32> -> vector<16x16xf32>
      %get3A_49 = arith.constant 0 : index
      %get3A_50 = arith.constant 0 : index
      %get3A_51 = vector.load %arg10[%get3A_49, %get3A_50] : memref<1x16xf32, #tpu.memory_space<vmem>>, vector<1x16xf32>
      %add3A_52 = vector.broadcast %get3A_51 : vector<1x16xf32> to vector<16x16xf32>
      %add3A_53 = arith.addf %dot_general3A_48, %add3A_52 : vector<16x16xf32>
      %max3A_54 = arith.constant 0.000000e+00 : f32
      %max3A_55 = vector.broadcast %max3A_54 : f32 to vector<16x16xf32>
      %max3A_56 = arith.maximumf %add3A_53, %max3A_55 : vector<16x16xf32>
      %get3A_57 = arith.constant 0 : index
      %get3A_58 = arith.constant 0 : index
      %get3A_59 = vector.load %arg13[%get3A_57, %get3A_58] : memref<16x16xf32, #tpu.memory_space<vmem>>, vector<16x16xf32>
      %dot_general3A_60 = arith.constant dense<0.000000e+00> : vector<16x16xf32>
      %dot_general3A_61 = tpu.matmul %max3A_56, %get3A_59, %dot_general3A_60 {dimension_numbers = #tpu.dot_dimension_numbers<[1], [0], [0], [1], [0, 0, 1, 1], [], []>, transpose_lhs_hint = false} : vector<16x16xf32>, vector<16x16xf32>, vector<16x16xf32> -> vector<16x16xf32>
      %get3A_62 = arith.constant 0 : index
      %get3A_63 = arith.constant 0 : index
      %get3A_64 = vector.load %arg14[%get3A_62, %get3A_63] : memref<1x16xf32, #tpu.memory_space<vmem>>, vector<1x16xf32>
      %add3A_65 = vector.broadcast %get3A_64 : vector<1x16xf32> to vector<16x16xf32>
      %add3A_66 = arith.addf %dot_general3A_61, %add3A_65 : vector<16x16xf32>
      %swap3A_67 = arith.constant 0 : index
      %swap3A_68 = arith.constant 0 : index
      %swap3A_69 = vector.load %arg18[%swap3A_67, %swap3A_68] : memref<16x16xf32, #tpu.memory_space<vmem>>, vector<16x16xf32>
      tpu.vector_store %arg18[%swap3A_67, %swap3A_68], %add3A_66 {strides = array<i32>} : memref<16x16xf32, #tpu.memory_space<vmem>>, vector<16x16xf32>,
      %get3A_70 = arith.constant 0 : index
      %get3A_71 = arith.constant 0 : index
      %get3A_72 = vector.load %arg11[%get3A_70, %get3A_71] : memref<16x12xf32, #tpu.memory_space<vmem>>, vector<16x12xf32>
      %get3A_73 = arith.constant 0 : index
      %get3A_74 = arith.constant 0 : index
      %get3A_75 = vector.load %arg8[%get3A_73, %get3A_74] : memref<12x16xf32, #tpu.memory_space<vmem>>, vector<12x16xf32>
      %dot_general3A_76 = arith.constant dense<0.000000e+00> : vector<16x16xf32>
      %dot_general3A_77 = tpu.matmul %get3A_72, %get3A_75, %dot_general3A_76 {dimension_numbers = #tpu.dot_dimension_numbers<[1], [0], [0], [1], [0, 0, 1, 1], [], []>, transpose_lhs_hint = false} : vector<16x12xf32>, vector<12x16xf32>, vector<16x16xf32> -> vector<16x16xf32>
      %get3A_78 = arith.constant 0 : index
      %get3A_79 = arith.constant 0 : index
      %get3A_80 = vector.load %arg12[%get3A_78, %get3A_79] : memref<16x1xf32, #tpu.memory_space<vmem>>, vector<16x1xf32>
      %add3A_81 = vector.broadcast %get3A_80 : vector<16x1xf32> to vector<16x16xf32>
      %add3A_82 = arith.addf %dot_general3A_77, %add3A_81 : vector<16x16xf32>
      %max3A_83 = arith.constant 0.000000e+00 : f32
      %max3A_84 = vector.broadcast %max3A_83 : f32 to vector<16x16xf32>
      %max3A_85 = arith.maximumf %add3A_82, %max3A_84 : vector<16x16xf32>
      %get3A_86 = arith.constant 0 : index
      %get3A_87 = arith.constant 0 : index
      %get3A_88 = vector.load %arg15[%get3A_86, %get3A_87] : memref<16x16xf32, #tpu.memory_space<vmem>>, vector<16x16xf32>
      %dot_general3A_89 = arith.constant dense<0.000000e+00> : vector<16x16xf32>
      %dot_general3A_90 = tpu.matmul %get3A_88, %max3A_85, %dot_general3A_89 {dimension_numbers = #tpu.dot_dimension_numbers<[1], [0], [0], [1], [0, 0, 1, 1], [], []>, transpose_lhs_hint = false} : vector<16x16xf32>, vector<16x16xf32>, vector<16x16xf32> -> vector<16x16xf32>
      %get3A_91 = arith.constant 0 : index
      %get3A_92 = arith.constant 0 : index
      %get3A_93 = vector.load %arg16[%get3A_91, %get3A_92] : memref<16x1xf32, #tpu.memory_space<vmem>>, vector<16x1xf32>
      %add3A_94 = vector.broadcast %get3A_93 : vector<16x1xf32> to vector<16x16xf32>
      %add3A_95 = arith.addf %dot_general3A_90, %add3A_94 : vector<16x16xf32>
      %swap3A_96 = arith.constant 0 : index
      %swap3A_97 = arith.constant 0 : index
      %swap3A_98 = vector.load %arg19[%swap3A_96, %swap3A_97] : memref<16x16xf32, #tpu.memory_space<vmem>>, vector<16x16xf32>
      tpu.vector_store %arg19[%swap3A_96, %swap3A_97], %add3A_95 {strides = array<i32>} : memref<16x16xf32, #tpu.memory_space<vmem>>, vector<16x16xf32>,
    } else {
    }
    return
  }
  func.func @transform_0(%arg0: i32) -> (i32, i32) {
    %c0_i32 = arith.constant 0 : i32
    %c0_i32_0 = arith.constant 0 : i32
    return %arg0, %c0_i32 : i32, i32
  }
  func.func @transform_1(%arg0: i32) -> (i32, i32) {
    %c0_i32 = arith.constant 0 : i32
    %c0_i32_0 = arith.constant 0 : i32
    %c0_i32_1 = arith.constant 0 : i32
    return %c0_i32, %c0_i32_0 : i32, i32
  }
  func.func @transform_2(%arg0: i32) -> (i32, i32) {
    %c0_i32 = arith.constant 0 : i32
    %c0_i32_0 = arith.constant 0 : i32
    %c0_i32_1 = arith.constant 0 : i32
    return %c0_i32, %c0_i32_0 : i32, i32
  }
  func.func @transform_3(%arg0: i32) -> (i32, i32) {
    %c0_i32 = arith.constant 0 : i32
    %c0_i32_0 = arith.constant 0 : i32
    %c0_i32_1 = arith.constant 0 : i32
    return %c0_i32, %c0_i32_0 : i32, i32
  }
  func.func @transform_4(%arg0: i32) -> (i32, i32) {
    %c0_i32 = arith.constant 0 : i32
    %c0_i32_0 = arith.constant 0 : i32
    %c0_i32_1 = arith.constant 0 : i32
    return %c0_i32, %c0_i32_0 : i32, i32
  }
  func.func @transform_5(%arg0: i32) -> (i32, i32) {
    %c0_i32 = arith.constant 0 : i32
    %c0_i32_0 = arith.constant 0 : i32
    %c0_i32_1 = arith.constant 0 : i32
    return %c0_i32, %c0_i32_0 : i32, i32
  }
  func.func @transform_6(%arg0: i32) -> (i32, i32) {
    %c0_i32 = arith.constant 0 : i32
    %c0_i32_0 = arith.constant 0 : i32
    %c0_i32_1 = arith.constant 0 : i32
    return %c0_i32, %c0_i32_0 : i32, i32
  }
  func.func @transform_7(%arg0: i32) -> (i32, i32) {
    %c0_i32 = arith.constant 0 : i32
    %c0_i32_0 = arith.constant 0 : i32
    %c0_i32_1 = arith.constant 0 : i32
    return %c0_i32, %c0_i32_0 : i32, i32
  }
  func.func @transform_8(%arg0: i32) -> (i32, i32) {
    %c0_i32 = arith.constant 0 : i32
    %c0_i32_0 = arith.constant 0 : i32
    %c0_i32_1 = arith.constant 0 : i32
    return %c0_i32, %c0_i32_0 : i32, i32
  }
  func.func @transform_9(%arg0: i32) -> (i32, i32) {
    %c0_i32 = arith.constant 0 : i32
    %c0_i32_0 = arith.constant 0 : i32
    %c0_i32_1 = arith.constant 0 : i32
    return %c0_i32, %c0_i32_0 : i32, i32
  }
  func.func @transform_10(%arg0: i32) -> (i32, i32) {
    %c0_i32 = arith.constant 0 : i32
    %c0_i32_0 = arith.constant 0 : i32
    %c0_i32_1 = arith.constant 0 : i32
    return %c0_i32, %c0_i32_0 : i32, i32
  }
  func.func @transform_11(%arg0: i32) -> (i32, i32) {
    %c0_i32 = arith.constant 0 : i32
    %c0_i32_0 = arith.constant 0 : i32
    %c0_i32_1 = arith.constant 0 : i32
    return %c0_i32, %c0_i32_0 : i32, i32
  }
  func.func @transform_12(%arg0: i32) -> (i32, i32) {
    %c0_i32 = arith.constant 0 : i32
    %c0_i32_0 = arith.constant 0 : i32
    %c0_i32_1 = arith.constant 0 : i32
    return %c0_i32, %c0_i32_0 : i32, i32
  }
  func.func @transform_13(%arg0: i32) -> (i32, i32) {
    %c0_i32 = arith.constant 0 : i32
    %c0_i32_0 = arith.constant 0 : i32
    %c0_i32_1 = arith.constant 0 : i32
    return %c0_i32, %c0_i32_0 : i32, i32
  }
  func.func @transform_14(%arg0: i32) -> (i32, i32) {
    %c0_i32 = arith.constant 0 : i32
    %c0_i32_0 = arith.constant 0 : i32
    %c0_i32_1 = arith.constant 0 : i32
    return %c0_i32, %c0_i32_0 : i32, i32
  }
  func.func @transform_15(%arg0: i32) -> (i32, i32) {
    %c0_i32 = arith.constant 0 : i32
    %c0_i32_0 = arith.constant 0 : i32
    %c0_i32_1 = arith.constant 0 : i32
    return %c0_i32, %c0_i32_0 : i32, i32
  }
  func.func @transform_16(%arg0: i32) -> (i32, i32) {
    %c0_i32 = arith.constant 0 : i32
    %c0_i32_0 = arith.constant 0 : i32
    %c0_i32_1 = arith.constant 0 : i32
    return %c0_i32, %c0_i32_0 : i32, i32
  }
  func.func @transform_17(%arg0: i32) -> (i32, i32) {
    %c0_i32 = arith.constant 0 : i32
    %c0_i32_0 = arith.constant 0 : i32
    %c0_i32_1 = arith.constant 0 : i32
    return %c0_i32, %c0_i32_0 : i32, i32
  }
  func.func @transform_18(%arg0: i32) -> (i32, i32) {
    %c0_i32 = arith.constant 0 : i32
    %c0_i32_0 = arith.constant 0 : i32
    %c0_i32_1 = arith.constant 0 : i32
    return %c0_i32, %c0_i32_0 : i32, i32
  }
  func.func @transform_19(%arg0: i32) -> (i32, i32) {
    %c0_i32 = arith.constant 0 : i32
    %c0_i32_0 = arith.constant 0 : i32
    %c0_i32_1 = arith.constant 0 : i32
    return %c0_i32, %c0_i32_0 : i32, i32
  }
}

module attributes {stable_mosaic.version = 14 : i64} {
  func.func @_khnet_body(%arg0: i32, %arg1: memref<4x6400xf32, #tpu.memory_space<vmem>>, %arg2: memref<1x6400xi32, #tpu.memory_space<vmem>>, %arg3: memref<16x1xf32, #tpu.memory_space<vmem>>, %arg4: memref<16x16xf32, #tpu.memory_space<vmem>>, %arg5: memref<32x4xf32, #tpu.memory_space<vmem>>, %arg6: memref<32x16xf32, #tpu.memory_space<vmem>>, %arg7: memref<32x1xf32, #tpu.memory_space<vmem>>, %arg8: memref<64x32xf32, #tpu.memory_space<vmem>>, %arg9: memref<64x1xf32, #tpu.memory_space<vmem>>, %arg10: memref<16x16xf32, #tpu.memory_space<vmem>>, %arg11: memref<64x6400xf32, #tpu.memory_space<vmem>>) attributes {dimension_semantics = [#tpu.dimension_semantics<arbitrary>], iteration_bounds = array<i64: 125>, scalar_prefetch = 0 : i64, scratch_operands = 0 : i64, tpu.core_type = #tpu.core_type<tc>, window_params = [{transform_indices = @transform_0, window_bounds = array<i64: 4, 6400>}, {transform_indices = @transform_1, window_bounds = array<i64: 1, 6400>}, {pipeline_mode = #tpu.pipeline_mode<synchronous>, transform_indices = @transform_2, window_bounds = array<i64: 16, 1>}, {pipeline_mode = #tpu.pipeline_mode<synchronous>, transform_indices = @transform_3, window_bounds = array<i64: 16, 16>}, {pipeline_mode = #tpu.pipeline_mode<synchronous>, transform_indices = @transform_4, window_bounds = array<i64: 32, 4>}, {pipeline_mode = #tpu.pipeline_mode<synchronous>, transform_indices = @transform_5, window_bounds = array<i64: 32, 16>}, {pipeline_mode = #tpu.pipeline_mode<synchronous>, transform_indices = @transform_6, window_bounds = array<i64: 32, 1>}, {pipeline_mode = #tpu.pipeline_mode<synchronous>, transform_indices = @transform_7, window_bounds = array<i64: 64, 32>}, {pipeline_mode = #tpu.pipeline_mode<synchronous>, transform_indices = @transform_8, window_bounds = array<i64: 64, 1>}, {pipeline_mode = #tpu.pipeline_mode<synchronous>, transform_indices = @transform_9, window_bounds = array<i64: 16, 16>}, {transform_indices = @transform_10, window_bounds = array<i64: 64, 6400>}]} {
    %get3A = arith.constant 0 : index
    %get3A_0 = arith.constant 0 : index
    %get3A_1 = vector.load %arg10[%get3A, %get3A_0] : memref<16x16xf32, #tpu.memory_space<vmem>>, vector<16x16xf32>
    %get3A_2 = arith.constant 0 : index
    %get3A_3 = arith.constant 0 : index
    %get3A_4 = vector.load %arg3[%get3A_2, %get3A_3] : memref<16x1xf32, #tpu.memory_space<vmem>>, vector<16x1xf32>
    %dot_general3A = arith.constant dense<0.000000e+00> : vector<16x1xf32>
    %dot_general3A_5 = tpu.matmul %get3A_1, %get3A_4, %dot_general3A {dimension_numbers = #tpu.dot_dimension_numbers<[1], [0], [0], [1], [0, 0, 1, 1], [], []>, transpose_lhs_hint = false} : vector<16x16xf32>, vector<16x1xf32>, vector<16x1xf32> -> vector<16x1xf32>
    %get3A_6 = arith.constant 0 : index
    %get3A_7 = arith.constant 0 : index
    %get3A_8 = vector.load %arg2[%get3A_6, %get3A_7] : memref<1x6400xi32, #tpu.memory_space<vmem>>, vector<1x6400xi32>
    %convert_element_type3A = arith.sitofp %get3A_8 : vector<1x6400xi32> to vector<1x6400xf32>
    %ge3A = vector.broadcast %convert_element_type3A : vector<1x6400xf32> to vector<16x6400xf32>
    %ge3A_9 = vector.broadcast %dot_general3A_5 : vector<16x1xf32> to vector<16x6400xf32>
    %ge3A_10 = arith.cmpf oge, %ge3A, %ge3A_9 : vector<16x6400xf32>
    %convert_element_type3A_11 = arith.extui %ge3A_10 : vector<16x6400xi1> to vector<16x6400xi32>
    %convert_element_type3A_12 = arith.sitofp %convert_element_type3A_11 : vector<16x6400xi32> to vector<16x6400xf32>
    %slice3A = vector.extract_strided_slice %convert_element_type3A_12 {offsets = [1, 0], sizes = [15, 6400], strides = [1, 1]} : vector<16x6400xf32> to vector<15x6400xf32>
    %broadcast_in_dim3A = arith.constant 0.000000e+00 : f32
    %broadcast_in_dim3A_13 = vector.broadcast %broadcast_in_dim3A : f32 to vector<1x6400xf32>
    %concatenate3A = tpu.concatenate %slice3A, %broadcast_in_dim3A_13 in 0 : vector<15x6400xf32>, vector<1x6400xf32> -> vector<16x6400xf32>
    %sub3A = arith.subf %convert_element_type3A_12, %concatenate3A : vector<16x6400xf32>
    %get3A_14 = arith.constant 0 : index
    %get3A_15 = arith.constant 0 : index
    %get3A_16 = vector.load %arg4[%get3A_14, %get3A_15] : memref<16x16xf32, #tpu.memory_space<vmem>>, vector<16x16xf32>
    %dot_general3A_17 = arith.constant dense<0.000000e+00> : vector<16x6400xf32>
    %dot_general3A_18 = tpu.matmul %get3A_16, %sub3A, %dot_general3A_17 {dimension_numbers = #tpu.dot_dimension_numbers<[1], [0], [0], [1], [0, 0, 1, 1], [], []>, transpose_lhs_hint = false} : vector<16x16xf32>, vector<16x6400xf32>, vector<16x6400xf32> -> vector<16x6400xf32>
    %get3A_19 = arith.constant 0 : index
    %get3A_20 = arith.constant 0 : index
    %get3A_21 = vector.load %arg5[%get3A_19, %get3A_20] : memref<32x4xf32, #tpu.memory_space<vmem>>, vector<32x4xf32>
    %get3A_22 = arith.constant 0 : index
    %get3A_23 = arith.constant 0 : index
    %get3A_24 = vector.load %arg1[%get3A_22, %get3A_23] : memref<4x6400xf32, #tpu.memory_space<vmem>>, vector<4x6400xf32>
    %dot_general3A_25 = arith.constant dense<0.000000e+00> : vector<32x6400xf32>
    %dot_general3A_26 = tpu.matmul %get3A_21, %get3A_24, %dot_general3A_25 {dimension_numbers = #tpu.dot_dimension_numbers<[1], [0], [0], [1], [0, 0, 1, 1], [], []>, transpose_lhs_hint = false} : vector<32x4xf32>, vector<4x6400xf32>, vector<32x6400xf32> -> vector<32x6400xf32>
    %get3A_27 = arith.constant 0 : index
    %get3A_28 = arith.constant 0 : index
    %get3A_29 = vector.load %arg6[%get3A_27, %get3A_28] : memref<32x16xf32, #tpu.memory_space<vmem>>, vector<32x16xf32>
    %dot_general3A_30 = arith.constant dense<0.000000e+00> : vector<32x6400xf32>
    %dot_general3A_31 = tpu.matmul %get3A_29, %dot_general3A_18, %dot_general3A_30 {dimension_numbers = #tpu.dot_dimension_numbers<[1], [0], [0], [1], [0, 0, 1, 1], [], []>, transpose_lhs_hint = false} : vector<32x16xf32>, vector<16x6400xf32>, vector<32x6400xf32> -> vector<32x6400xf32>
    %add3A = arith.addf %dot_general3A_26, %dot_general3A_31 : vector<32x6400xf32>
    %get3A_32 = arith.constant 0 : index
    %get3A_33 = arith.constant 0 : index
    %get3A_34 = vector.load %arg7[%get3A_32, %get3A_33] : memref<32x1xf32, #tpu.memory_space<vmem>>, vector<32x1xf32>
    %add3A_35 = vector.broadcast %get3A_34 : vector<32x1xf32> to vector<32x6400xf32>
    %add3A_36 = arith.addf %add3A, %add3A_35 : vector<32x6400xf32>
    %max3A = arith.constant 0.000000e+00 : f32
    %max3A_37 = vector.broadcast %max3A : f32 to vector<32x6400xf32>
    %max3A_38 = arith.maximumf %add3A_36, %max3A_37 : vector<32x6400xf32>
    %get3A_39 = arith.constant 0 : index
    %get3A_40 = arith.constant 0 : index
    %get3A_41 = vector.load %arg8[%get3A_39, %get3A_40] : memref<64x32xf32, #tpu.memory_space<vmem>>, vector<64x32xf32>
    %dot_general3A_42 = arith.constant dense<0.000000e+00> : vector<64x6400xf32>
    %dot_general3A_43 = tpu.matmul %get3A_41, %max3A_38, %dot_general3A_42 {dimension_numbers = #tpu.dot_dimension_numbers<[1], [0], [0], [1], [0, 0, 1, 1], [], []>, transpose_lhs_hint = false} : vector<64x32xf32>, vector<32x6400xf32>, vector<64x6400xf32> -> vector<64x6400xf32>
    %get3A_44 = arith.constant 0 : index
    %get3A_45 = arith.constant 0 : index
    %get3A_46 = vector.load %arg9[%get3A_44, %get3A_45] : memref<64x1xf32, #tpu.memory_space<vmem>>, vector<64x1xf32>
    %add3A_47 = vector.broadcast %get3A_46 : vector<64x1xf32> to vector<64x6400xf32>
    %add3A_48 = arith.addf %dot_general3A_43, %add3A_47 : vector<64x6400xf32>
    %max3A_49 = arith.constant 0.000000e+00 : f32
    %max3A_50 = vector.broadcast %max3A_49 : f32 to vector<64x6400xf32>
    %max3A_51 = arith.maximumf %add3A_48, %max3A_50 : vector<64x6400xf32>
    %swap3A = arith.constant 0 : index
    %swap3A_52 = arith.constant 0 : index
    %swap3A_53 = vector.load %arg11[%swap3A, %swap3A_52] : memref<64x6400xf32, #tpu.memory_space<vmem>>, vector<64x6400xf32>
    tpu.vector_store %arg11[%swap3A, %swap3A_52], %max3A_51 {strides = array<i32>} : memref<64x6400xf32, #tpu.memory_space<vmem>>, vector<64x6400xf32>,
    return
  }
  func.func @transform_0(%arg0: i32) -> (i32, i32) {
    %c0_i32 = arith.constant 0 : i32
    %c0_i32_0 = arith.constant 0 : i32
    return %c0_i32, %arg0 : i32, i32
  }
  func.func @transform_1(%arg0: i32) -> (i32, i32) {
    %c0_i32 = arith.constant 0 : i32
    %c0_i32_0 = arith.constant 0 : i32
    return %c0_i32, %arg0 : i32, i32
  }
  func.func @transform_2(%arg0: i32) -> (i32, i32) {
    %c0_i32 = arith.constant 0 : i32
    %c0_i32_0 = arith.constant 0 : i32
    %c0_i32_1 = arith.constant 0 : i32
    return %c0_i32, %c0_i32_0 : i32, i32
  }
  func.func @transform_3(%arg0: i32) -> (i32, i32) {
    %c0_i32 = arith.constant 0 : i32
    %c0_i32_0 = arith.constant 0 : i32
    %c0_i32_1 = arith.constant 0 : i32
    return %c0_i32, %c0_i32_0 : i32, i32
  }
  func.func @transform_4(%arg0: i32) -> (i32, i32) {
    %c0_i32 = arith.constant 0 : i32
    %c0_i32_0 = arith.constant 0 : i32
    %c0_i32_1 = arith.constant 0 : i32
    return %c0_i32, %c0_i32_0 : i32, i32
  }
  func.func @transform_5(%arg0: i32) -> (i32, i32) {
    %c0_i32 = arith.constant 0 : i32
    %c0_i32_0 = arith.constant 0 : i32
    %c0_i32_1 = arith.constant 0 : i32
    return %c0_i32, %c0_i32_0 : i32, i32
  }
  func.func @transform_6(%arg0: i32) -> (i32, i32) {
    %c0_i32 = arith.constant 0 : i32
    %c0_i32_0 = arith.constant 0 : i32
    %c0_i32_1 = arith.constant 0 : i32
    return %c0_i32, %c0_i32_0 : i32, i32
  }
  func.func @transform_7(%arg0: i32) -> (i32, i32) {
    %c0_i32 = arith.constant 0 : i32
    %c0_i32_0 = arith.constant 0 : i32
    %c0_i32_1 = arith.constant 0 : i32
    return %c0_i32, %c0_i32_0 : i32, i32
  }
  func.func @transform_8(%arg0: i32) -> (i32, i32) {
    %c0_i32 = arith.constant 0 : i32
    %c0_i32_0 = arith.constant 0 : i32
    %c0_i32_1 = arith.constant 0 : i32
    return %c0_i32, %c0_i32_0 : i32, i32
  }
  func.func @transform_9(%arg0: i32) -> (i32, i32) {
    %c0_i32 = arith.constant 0 : i32
    %c0_i32_0 = arith.constant 0 : i32
    %c0_i32_1 = arith.constant 0 : i32
    return %c0_i32, %c0_i32_0 : i32, i32
  }
  func.func @transform_10(%arg0: i32) -> (i32, i32) {
    %c0_i32 = arith.constant 0 : i32
    %c0_i32_0 = arith.constant 0 : i32
    return %c0_i32, %arg0 : i32, i32
  }
}

module attributes {stable_mosaic.version = 14 : i64} {
  func.func @_msg_body(%arg0: i32, %arg1: memref<64x6400xf32, #tpu.memory_space<vmem>>, %arg2: memref<16x6400xf32, #tpu.memory_space<vmem>>, %arg3: memref<256x64xf32, #tpu.memory_space<vmem>>, %arg4: memref<256x1xf32, #tpu.memory_space<vmem>>, %arg5: memref<16x6400xf32, #tpu.memory_space<vmem>>) attributes {dimension_semantics = [#tpu.dimension_semantics<arbitrary>], iteration_bounds = array<i64: 125>, scalar_prefetch = 0 : i64, scratch_operands = 0 : i64, tpu.core_type = #tpu.core_type<tc>, window_params = [{transform_indices = @transform_0, window_bounds = array<i64: 64, 6400>}, {transform_indices = @transform_1, window_bounds = array<i64: 16, 6400>}, {pipeline_mode = #tpu.pipeline_mode<synchronous>, transform_indices = @transform_2, window_bounds = array<i64: 256, 64>}, {pipeline_mode = #tpu.pipeline_mode<synchronous>, transform_indices = @transform_3, window_bounds = array<i64: 256, 1>}, {transform_indices = @transform_4, window_bounds = array<i64: 16, 6400>}]} {
    %get3A = arith.constant 0 : index
    %get3A_0 = arith.constant 0 : index
    %get3A_1 = vector.load %arg3[%get3A, %get3A_0] : memref<256x64xf32, #tpu.memory_space<vmem>>, vector<256x64xf32>
    %get3A_2 = arith.constant 0 : index
    %get3A_3 = arith.constant 0 : index
    %get3A_4 = vector.load %arg1[%get3A_2, %get3A_3] : memref<64x6400xf32, #tpu.memory_space<vmem>>, vector<64x6400xf32>
    %dot_general3A = arith.constant dense<0.000000e+00> : vector<256x6400xf32>
    %dot_general3A_5 = tpu.matmul %get3A_1, %get3A_4, %dot_general3A {dimension_numbers = #tpu.dot_dimension_numbers<[1], [0], [0], [1], [0, 0, 1, 1], [], []>, transpose_lhs_hint = false} : vector<256x64xf32>, vector<64x6400xf32>, vector<256x6400xf32> -> vector<256x6400xf32>
    %get3A_6 = arith.constant 0 : index
    %get3A_7 = arith.constant 0 : index
    %get3A_8 = vector.load %arg4[%get3A_6, %get3A_7] : memref<256x1xf32, #tpu.memory_space<vmem>>, vector<256x1xf32>
    %add3A = vector.broadcast %get3A_8 : vector<256x1xf32> to vector<256x6400xf32>
    %add3A_9 = arith.addf %dot_general3A_5, %add3A : vector<256x6400xf32>
    %get3A_10 = arith.constant 0 : index
    %get3A_11 = arith.constant 0 : index
    %get3A_12 = vector.load %arg2[%get3A_10, %get3A_11] : memref<16x6400xf32, #tpu.memory_space<vmem>>, vector<16x6400xf32>
    %slice3A = vector.extract_strided_slice %get3A_12 {offsets = [0, 0], sizes = [1, 6400], strides = [1, 1]} : vector<16x6400xf32> to vector<1x6400xf32>
    %slice3A_13 = vector.extract_strided_slice %add3A_9 {offsets = [0, 0], sizes = [16, 6400], strides = [1, 1]} : vector<256x6400xf32> to vector<16x6400xf32>
    %mul3A = vector.broadcast %slice3A : vector<1x6400xf32> to vector<16x6400xf32>
    %mul3A_14 = arith.mulf %mul3A, %slice3A_13 : vector<16x6400xf32>
    %slice3A_15 = vector.extract_strided_slice %get3A_12 {offsets = [1, 0], sizes = [1, 6400], strides = [1, 1]} : vector<16x6400xf32> to vector<1x6400xf32>
    %slice3A_16 = vector.extract_strided_slice %add3A_9 {offsets = [16, 0], sizes = [16, 6400], strides = [1, 1]} : vector<256x6400xf32> to vector<16x6400xf32>
    %mul3A_17 = vector.broadcast %slice3A_15 : vector<1x6400xf32> to vector<16x6400xf32>
    %mul3A_18 = arith.mulf %mul3A_17, %slice3A_16 : vector<16x6400xf32>
    %add3A_19 = arith.addf %mul3A_14, %mul3A_18 : vector<16x6400xf32>
    %slice3A_20 = vector.extract_strided_slice %get3A_12 {offsets = [2, 0], sizes = [1, 6400], strides = [1, 1]} : vector<16x6400xf32> to vector<1x6400xf32>
    %slice3A_21 = vector.extract_strided_slice %add3A_9 {offsets = [32, 0], sizes = [16, 6400], strides = [1, 1]} : vector<256x6400xf32> to vector<16x6400xf32>
    %mul3A_22 = vector.broadcast %slice3A_20 : vector<1x6400xf32> to vector<16x6400xf32>
    %mul3A_23 = arith.mulf %mul3A_22, %slice3A_21 : vector<16x6400xf32>
    %add3A_24 = arith.addf %add3A_19, %mul3A_23 : vector<16x6400xf32>
    %slice3A_25 = vector.extract_strided_slice %get3A_12 {offsets = [3, 0], sizes = [1, 6400], strides = [1, 1]} : vector<16x6400xf32> to vector<1x6400xf32>
    %slice3A_26 = vector.extract_strided_slice %add3A_9 {offsets = [48, 0], sizes = [16, 6400], strides = [1, 1]} : vector<256x6400xf32> to vector<16x6400xf32>
    %mul3A_27 = vector.broadcast %slice3A_25 : vector<1x6400xf32> to vector<16x6400xf32>
    %mul3A_28 = arith.mulf %mul3A_27, %slice3A_26 : vector<16x6400xf32>
    %add3A_29 = arith.addf %add3A_24, %mul3A_28 : vector<16x6400xf32>
    %slice3A_30 = vector.extract_strided_slice %get3A_12 {offsets = [4, 0], sizes = [1, 6400], strides = [1, 1]} : vector<16x6400xf32> to vector<1x6400xf32>
    %slice3A_31 = vector.extract_strided_slice %add3A_9 {offsets = [64, 0], sizes = [16, 6400], strides = [1, 1]} : vector<256x6400xf32> to vector<16x6400xf32>
    %mul3A_32 = vector.broadcast %slice3A_30 : vector<1x6400xf32> to vector<16x6400xf32>
    %mul3A_33 = arith.mulf %mul3A_32, %slice3A_31 : vector<16x6400xf32>
    %add3A_34 = arith.addf %add3A_29, %mul3A_33 : vector<16x6400xf32>
    %slice3A_35 = vector.extract_strided_slice %get3A_12 {offsets = [5, 0], sizes = [1, 6400], strides = [1, 1]} : vector<16x6400xf32> to vector<1x6400xf32>
    %slice3A_36 = vector.extract_strided_slice %add3A_9 {offsets = [80, 0], sizes = [16, 6400], strides = [1, 1]} : vector<256x6400xf32> to vector<16x6400xf32>
    %mul3A_37 = vector.broadcast %slice3A_35 : vector<1x6400xf32> to vector<16x6400xf32>
    %mul3A_38 = arith.mulf %mul3A_37, %slice3A_36 : vector<16x6400xf32>
    %add3A_39 = arith.addf %add3A_34, %mul3A_38 : vector<16x6400xf32>
    %slice3A_40 = vector.extract_strided_slice %get3A_12 {offsets = [6, 0], sizes = [1, 6400], strides = [1, 1]} : vector<16x6400xf32> to vector<1x6400xf32>
    %slice3A_41 = vector.extract_strided_slice %add3A_9 {offsets = [96, 0], sizes = [16, 6400], strides = [1, 1]} : vector<256x6400xf32> to vector<16x6400xf32>
    %mul3A_42 = vector.broadcast %slice3A_40 : vector<1x6400xf32> to vector<16x6400xf32>
    %mul3A_43 = arith.mulf %mul3A_42, %slice3A_41 : vector<16x6400xf32>
    %add3A_44 = arith.addf %add3A_39, %mul3A_43 : vector<16x6400xf32>
    %slice3A_45 = vector.extract_strided_slice %get3A_12 {offsets = [7, 0], sizes = [1, 6400], strides = [1, 1]} : vector<16x6400xf32> to vector<1x6400xf32>
    %slice3A_46 = vector.extract_strided_slice %add3A_9 {offsets = [112, 0], sizes = [16, 6400], strides = [1, 1]} : vector<256x6400xf32> to vector<16x6400xf32>
    %mul3A_47 = vector.broadcast %slice3A_45 : vector<1x6400xf32> to vector<16x6400xf32>
    %mul3A_48 = arith.mulf %mul3A_47, %slice3A_46 : vector<16x6400xf32>
    %add3A_49 = arith.addf %add3A_44, %mul3A_48 : vector<16x6400xf32>
    %slice3A_50 = vector.extract_strided_slice %get3A_12 {offsets = [8, 0], sizes = [1, 6400], strides = [1, 1]} : vector<16x6400xf32> to vector<1x6400xf32>
    %slice3A_51 = vector.extract_strided_slice %add3A_9 {offsets = [128, 0], sizes = [16, 6400], strides = [1, 1]} : vector<256x6400xf32> to vector<16x6400xf32>
    %mul3A_52 = vector.broadcast %slice3A_50 : vector<1x6400xf32> to vector<16x6400xf32>
    %mul3A_53 = arith.mulf %mul3A_52, %slice3A_51 : vector<16x6400xf32>
    %add3A_54 = arith.addf %add3A_49, %mul3A_53 : vector<16x6400xf32>
    %slice3A_55 = vector.extract_strided_slice %get3A_12 {offsets = [9, 0], sizes = [1, 6400], strides = [1, 1]} : vector<16x6400xf32> to vector<1x6400xf32>
    %slice3A_56 = vector.extract_strided_slice %add3A_9 {offsets = [144, 0], sizes = [16, 6400], strides = [1, 1]} : vector<256x6400xf32> to vector<16x6400xf32>
    %mul3A_57 = vector.broadcast %slice3A_55 : vector<1x6400xf32> to vector<16x6400xf32>
    %mul3A_58 = arith.mulf %mul3A_57, %slice3A_56 : vector<16x6400xf32>
    %add3A_59 = arith.addf %add3A_54, %mul3A_58 : vector<16x6400xf32>
    %slice3A_60 = vector.extract_strided_slice %get3A_12 {offsets = [10, 0], sizes = [1, 6400], strides = [1, 1]} : vector<16x6400xf32> to vector<1x6400xf32>
    %slice3A_61 = vector.extract_strided_slice %add3A_9 {offsets = [160, 0], sizes = [16, 6400], strides = [1, 1]} : vector<256x6400xf32> to vector<16x6400xf32>
    %mul3A_62 = vector.broadcast %slice3A_60 : vector<1x6400xf32> to vector<16x6400xf32>
    %mul3A_63 = arith.mulf %mul3A_62, %slice3A_61 : vector<16x6400xf32>
    %add3A_64 = arith.addf %add3A_59, %mul3A_63 : vector<16x6400xf32>
    %slice3A_65 = vector.extract_strided_slice %get3A_12 {offsets = [11, 0], sizes = [1, 6400], strides = [1, 1]} : vector<16x6400xf32> to vector<1x6400xf32>
    %slice3A_66 = vector.extract_strided_slice %add3A_9 {offsets = [176, 0], sizes = [16, 6400], strides = [1, 1]} : vector<256x6400xf32> to vector<16x6400xf32>
    %mul3A_67 = vector.broadcast %slice3A_65 : vector<1x6400xf32> to vector<16x6400xf32>
    %mul3A_68 = arith.mulf %mul3A_67, %slice3A_66 : vector<16x6400xf32>
    %add3A_69 = arith.addf %add3A_64, %mul3A_68 : vector<16x6400xf32>
    %slice3A_70 = vector.extract_strided_slice %get3A_12 {offsets = [12, 0], sizes = [1, 6400], strides = [1, 1]} : vector<16x6400xf32> to vector<1x6400xf32>
    %slice3A_71 = vector.extract_strided_slice %add3A_9 {offsets = [192, 0], sizes = [16, 6400], strides = [1, 1]} : vector<256x6400xf32> to vector<16x6400xf32>
    %mul3A_72 = vector.broadcast %slice3A_70 : vector<1x6400xf32> to vector<16x6400xf32>
    %mul3A_73 = arith.mulf %mul3A_72, %slice3A_71 : vector<16x6400xf32>
    %add3A_74 = arith.addf %add3A_69, %mul3A_73 : vector<16x6400xf32>
    %slice3A_75 = vector.extract_strided_slice %get3A_12 {offsets = [13, 0], sizes = [1, 6400], strides = [1, 1]} : vector<16x6400xf32> to vector<1x6400xf32>
    %slice3A_76 = vector.extract_strided_slice %add3A_9 {offsets = [208, 0], sizes = [16, 6400], strides = [1, 1]} : vector<256x6400xf32> to vector<16x6400xf32>
    %mul3A_77 = vector.broadcast %slice3A_75 : vector<1x6400xf32> to vector<16x6400xf32>
    %mul3A_78 = arith.mulf %mul3A_77, %slice3A_76 : vector<16x6400xf32>
    %add3A_79 = arith.addf %add3A_74, %mul3A_78 : vector<16x6400xf32>
    %slice3A_80 = vector.extract_strided_slice %get3A_12 {offsets = [14, 0], sizes = [1, 6400], strides = [1, 1]} : vector<16x6400xf32> to vector<1x6400xf32>
    %slice3A_81 = vector.extract_strided_slice %add3A_9 {offsets = [224, 0], sizes = [16, 6400], strides = [1, 1]} : vector<256x6400xf32> to vector<16x6400xf32>
    %mul3A_82 = vector.broadcast %slice3A_80 : vector<1x6400xf32> to vector<16x6400xf32>
    %mul3A_83 = arith.mulf %mul3A_82, %slice3A_81 : vector<16x6400xf32>
    %add3A_84 = arith.addf %add3A_79, %mul3A_83 : vector<16x6400xf32>
    %slice3A_85 = vector.extract_strided_slice %get3A_12 {offsets = [15, 0], sizes = [1, 6400], strides = [1, 1]} : vector<16x6400xf32> to vector<1x6400xf32>
    %slice3A_86 = vector.extract_strided_slice %add3A_9 {offsets = [240, 0], sizes = [16, 6400], strides = [1, 1]} : vector<256x6400xf32> to vector<16x6400xf32>
    %mul3A_87 = vector.broadcast %slice3A_85 : vector<1x6400xf32> to vector<16x6400xf32>
    %mul3A_88 = arith.mulf %mul3A_87, %slice3A_86 : vector<16x6400xf32>
    %add3A_89 = arith.addf %add3A_84, %mul3A_88 : vector<16x6400xf32>
    %swap3A = arith.constant 0 : index
    %swap3A_90 = arith.constant 0 : index
    %swap3A_91 = vector.load %arg5[%swap3A, %swap3A_90] : memref<16x6400xf32, #tpu.memory_space<vmem>>, vector<16x6400xf32>
    tpu.vector_store %arg5[%swap3A, %swap3A_90], %add3A_89 {strides = array<i32>} : memref<16x6400xf32, #tpu.memory_space<vmem>>, vector<16x6400xf32>,
    return
  }
  func.func @transform_0(%arg0: i32) -> (i32, i32) {
    %c0_i32 = arith.constant 0 : i32
    %c0_i32_0 = arith.constant 0 : i32
    return %c0_i32, %arg0 : i32, i32
  }
  func.func @transform_1(%arg0: i32) -> (i32, i32) {
    %c0_i32 = arith.constant 0 : i32
    %c0_i32_0 = arith.constant 0 : i32
    return %c0_i32, %arg0 : i32, i32
  }
  func.func @transform_2(%arg0: i32) -> (i32, i32) {
    %c0_i32 = arith.constant 0 : i32
    %c0_i32_0 = arith.constant 0 : i32
    %c0_i32_1 = arith.constant 0 : i32
    return %c0_i32, %c0_i32_0 : i32, i32
  }
  func.func @transform_3(%arg0: i32) -> (i32, i32) {
    %c0_i32 = arith.constant 0 : i32
    %c0_i32_0 = arith.constant 0 : i32
    %c0_i32_1 = arith.constant 0 : i32
    return %c0_i32, %c0_i32_0 : i32, i32
  }
  func.func @transform_4(%arg0: i32) -> (i32, i32) {
    %c0_i32 = arith.constant 0 : i32
    %c0_i32_0 = arith.constant 0 : i32
    return %c0_i32, %arg0 : i32, i32
  }
}

module attributes {stable_mosaic.version = 14 : i64} {
  func.func @_upd_body(%arg0: memref<16x51200xf32, #tpu.memory_space<vmem>>, %arg1: memref<16x51200xf32, #tpu.memory_space<vmem>>, %arg2: memref<16x51200xf32, #tpu.memory_space<vmem>>, %arg3: memref<16x51200xf32, #tpu.memory_space<vmem>>, %arg4: memref<16x51200xf32, #tpu.memory_space<vmem>>, %arg5: memref<16x16xf32, #tpu.memory_space<vmem>>, %arg6: memref<16x1xf32, #tpu.memory_space<vmem>>, %arg7: memref<1x16xf32, #tpu.memory_space<vmem>>, %arg8: memref<1x1xf32, #tpu.memory_space<vmem>>, %arg9: memref<16x51200xf32, #tpu.memory_space<vmem>>, %arg10: memref<1x51200xf32, #tpu.memory_space<vmem>>) attributes {dimension_semantics = [], scalar_prefetch = 0 : i64, scratch_operands = 0 : i64, tpu.core_type = #tpu.core_type<tc>} {
    %get3A = arith.constant 0 : index
    %get3A_0 = arith.constant 0 : index
    %get3A_1 = vector.load %arg2[%get3A, %get3A_0] : memref<16x51200xf32, #tpu.memory_space<vmem>>, vector<16x51200xf32>
    %get3A_2 = arith.constant 0 : index
    %get3A_3 = arith.constant 0 : index
    %get3A_4 = vector.load %arg3[%get3A_2, %get3A_3] : memref<16x51200xf32, #tpu.memory_space<vmem>>, vector<16x51200xf32>
    %add3A = arith.addf %get3A_1, %get3A_4 : vector<16x51200xf32>
    %max3A = arith.constant 1.000000e+00 : f32
    %max3A_5 = vector.broadcast %max3A : f32 to vector<16x51200xf32>
    %max3A_6 = arith.maximumf %add3A, %max3A_5 : vector<16x51200xf32>
    %get3A_7 = arith.constant 0 : index
    %get3A_8 = arith.constant 0 : index
    %get3A_9 = vector.load %arg0[%get3A_7, %get3A_8] : memref<16x51200xf32, #tpu.memory_space<vmem>>, vector<16x51200xf32>
    %get3A_10 = arith.constant 0 : index
    %get3A_11 = arith.constant 0 : index
    %get3A_12 = vector.load %arg1[%get3A_10, %get3A_11] : memref<16x51200xf32, #tpu.memory_space<vmem>>, vector<16x51200xf32>
    %add3A_13 = arith.addf %get3A_9, %get3A_12 : vector<16x51200xf32>
    %div3A = arith.divf %add3A_13, %max3A_6 : vector<16x51200xf32>
    %get3A_14 = arith.constant 0 : index
    %get3A_15 = arith.constant 0 : index
    %get3A_16 = vector.load %arg5[%get3A_14, %get3A_15] : memref<16x16xf32, #tpu.memory_space<vmem>>, vector<16x16xf32>
    %get3A_17 = arith.constant 0 : index
    %get3A_18 = arith.constant 0 : index
    %get3A_19 = vector.load %arg4[%get3A_17, %get3A_18] : memref<16x51200xf32, #tpu.memory_space<vmem>>, vector<16x51200xf32>
    %dot_general3A = arith.constant dense<0.000000e+00> : vector<16x51200xf32>
    %dot_general3A_20 = tpu.matmul %get3A_16, %get3A_19, %dot_general3A {dimension_numbers = #tpu.dot_dimension_numbers<[1], [0], [0], [1], [0, 0, 1, 1], [], []>, transpose_lhs_hint = false} : vector<16x16xf32>, vector<16x51200xf32>, vector<16x51200xf32> -> vector<16x51200xf32>
    %add3A_21 = arith.addf %div3A, %dot_general3A_20 : vector<16x51200xf32>
    %get3A_22 = arith.constant 0 : index
    %get3A_23 = arith.constant 0 : index
    %get3A_24 = vector.load %arg6[%get3A_22, %get3A_23] : memref<16x1xf32, #tpu.memory_space<vmem>>, vector<16x1xf32>
    %add3A_25 = vector.broadcast %get3A_24 : vector<16x1xf32> to vector<16x51200xf32>
    %add3A_26 = arith.addf %add3A_21, %add3A_25 : vector<16x51200xf32>
    %max3A_27 = arith.constant 0.000000e+00 : f32
    %max3A_28 = vector.broadcast %max3A_27 : f32 to vector<16x51200xf32>
    %max3A_29 = arith.maximumf %add3A_26, %max3A_28 : vector<16x51200xf32>
    %swap3A = arith.constant 0 : index
    %swap3A_30 = arith.constant 0 : index
    %swap3A_31 = vector.load %arg9[%swap3A, %swap3A_30] : memref<16x51200xf32, #tpu.memory_space<vmem>>, vector<16x51200xf32>
    tpu.vector_store %arg9[%swap3A, %swap3A_30], %max3A_29 {strides = array<i32>} : memref<16x51200xf32, #tpu.memory_space<vmem>>, vector<16x51200xf32>,
    %get3A_32 = arith.constant 0 : index
    %get3A_33 = arith.constant 0 : index
    %get3A_34 = vector.load %arg7[%get3A_32, %get3A_33] : memref<1x16xf32, #tpu.memory_space<vmem>>, vector<1x16xf32>
    %dot_general3A_35 = arith.constant dense<0.000000e+00> : vector<1x51200xf32>
    %dot_general3A_36 = tpu.matmul %get3A_34, %max3A_29, %dot_general3A_35 {dimension_numbers = #tpu.dot_dimension_numbers<[1], [0], [0], [1], [0, 0, 1, 1], [], []>, transpose_lhs_hint = false} : vector<1x16xf32>, vector<16x51200xf32>, vector<1x51200xf32> -> vector<1x51200xf32>
    %get3A_37 = arith.constant 0 : index
    %get3A_38 = arith.constant 0 : index
    %get3A_39 = vector.load %arg8[%get3A_37, %get3A_38] : memref<1x1xf32, #tpu.memory_space<vmem>>, vector<1x1xf32>
    %add3A_40 = vector.broadcast %get3A_39 : vector<1x1xf32> to vector<1x51200xf32>
    %add3A_41 = arith.addf %dot_general3A_36, %add3A_40 : vector<1x51200xf32>
    %swap3A_42 = arith.constant 0 : index
    %swap3A_43 = arith.constant 0 : index
    %swap3A_44 = vector.load %arg10[%swap3A_42, %swap3A_43] : memref<1x51200xf32, #tpu.memory_space<vmem>>, vector<1x51200xf32>
    tpu.vector_store %arg10[%swap3A_42, %swap3A_43], %add3A_41 {strides = array<i32>} : memref<1x51200xf32, #tpu.memory_space<vmem>>, vector<1x51200xf32>,
    return
  }
}

module attributes {stable_mosaic.version = 14 : i64} {
  func.func @_upd_body(%arg0: memref<16x51200xf32, #tpu.memory_space<vmem>>, %arg1: memref<16x51200xf32, #tpu.memory_space<vmem>>, %arg2: memref<16x51200xf32, #tpu.memory_space<vmem>>, %arg3: memref<16x51200xf32, #tpu.memory_space<vmem>>, %arg4: memref<16x51200xf32, #tpu.memory_space<vmem>>, %arg5: memref<16x16xf32, #tpu.memory_space<vmem>>, %arg6: memref<16x1xf32, #tpu.memory_space<vmem>>, %arg7: memref<1x16xf32, #tpu.memory_space<vmem>>, %arg8: memref<1x1xf32, #tpu.memory_space<vmem>>, %arg9: memref<16x51200xf32, #tpu.memory_space<vmem>>, %arg10: memref<1x51200xf32, #tpu.memory_space<vmem>>) attributes {dimension_semantics = [], scalar_prefetch = 0 : i64, scratch_operands = 0 : i64, tpu.core_type = #tpu.core_type<tc>} {
    %get3A = arith.constant 0 : index
    %get3A_0 = arith.constant 0 : index
    %get3A_1 = vector.load %arg2[%get3A, %get3A_0] : memref<16x51200xf32, #tpu.memory_space<vmem>>, vector<16x51200xf32>
    %get3A_2 = arith.constant 0 : index
    %get3A_3 = arith.constant 0 : index
    %get3A_4 = vector.load %arg3[%get3A_2, %get3A_3] : memref<16x51200xf32, #tpu.memory_space<vmem>>, vector<16x51200xf32>
    %add3A = arith.addf %get3A_1, %get3A_4 : vector<16x51200xf32>
    %max3A = arith.constant 1.000000e+00 : f32
    %max3A_5 = vector.broadcast %max3A : f32 to vector<16x51200xf32>
    %max3A_6 = arith.maximumf %add3A, %max3A_5 : vector<16x51200xf32>
    %get3A_7 = arith.constant 0 : index
    %get3A_8 = arith.constant 0 : index
    %get3A_9 = vector.load %arg0[%get3A_7, %get3A_8] : memref<16x51200xf32, #tpu.memory_space<vmem>>, vector<16x51200xf32>
    %get3A_10 = arith.constant 0 : index
    %get3A_11 = arith.constant 0 : index
    %get3A_12 = vector.load %arg1[%get3A_10, %get3A_11] : memref<16x51200xf32, #tpu.memory_space<vmem>>, vector<16x51200xf32>
    %add3A_13 = arith.addf %get3A_9, %get3A_12 : vector<16x51200xf32>
    %div3A = arith.divf %add3A_13, %max3A_6 : vector<16x51200xf32>
    %get3A_14 = arith.constant 0 : index
    %get3A_15 = arith.constant 0 : index
    %get3A_16 = vector.load %arg5[%get3A_14, %get3A_15] : memref<16x16xf32, #tpu.memory_space<vmem>>, vector<16x16xf32>
    %get3A_17 = arith.constant 0 : index
    %get3A_18 = arith.constant 0 : index
    %get3A_19 = vector.load %arg4[%get3A_17, %get3A_18] : memref<16x51200xf32, #tpu.memory_space<vmem>>, vector<16x51200xf32>
    %dot_general3A = arith.constant dense<0.000000e+00> : vector<16x51200xf32>
    %dot_general3A_20 = tpu.matmul %get3A_16, %get3A_19, %dot_general3A {dimension_numbers = #tpu.dot_dimension_numbers<[1], [0], [0], [1], [0, 0, 1, 1], [], []>, transpose_lhs_hint = false} : vector<16x16xf32>, vector<16x51200xf32>, vector<16x51200xf32> -> vector<16x51200xf32>
    %add3A_21 = arith.addf %div3A, %dot_general3A_20 : vector<16x51200xf32>
    %get3A_22 = arith.constant 0 : index
    %get3A_23 = arith.constant 0 : index
    %get3A_24 = vector.load %arg6[%get3A_22, %get3A_23] : memref<16x1xf32, #tpu.memory_space<vmem>>, vector<16x1xf32>
    %add3A_25 = vector.broadcast %get3A_24 : vector<16x1xf32> to vector<16x51200xf32>
    %add3A_26 = arith.addf %add3A_21, %add3A_25 : vector<16x51200xf32>
    %max3A_27 = arith.constant 0.000000e+00 : f32
    %max3A_28 = vector.broadcast %max3A_27 : f32 to vector<16x51200xf32>
    %max3A_29 = arith.maximumf %add3A_26, %max3A_28 : vector<16x51200xf32>
    %swap3A = arith.constant 0 : index
    %swap3A_30 = arith.constant 0 : index
    %swap3A_31 = vector.load %arg9[%swap3A, %swap3A_30] : memref<16x51200xf32, #tpu.memory_space<vmem>>, vector<16x51200xf32>
    tpu.vector_store %arg9[%swap3A, %swap3A_30], %max3A_29 {strides = array<i32>} : memref<16x51200xf32, #tpu.memory_space<vmem>>, vector<16x51200xf32>,
    %get3A_32 = arith.constant 0 : index
    %get3A_33 = arith.constant 0 : index
    %get3A_34 = vector.load %arg7[%get3A_32, %get3A_33] : memref<1x16xf32, #tpu.memory_space<vmem>>, vector<1x16xf32>
    %dot_general3A_35 = arith.constant dense<0.000000e+00> : vector<1x51200xf32>
    %dot_general3A_36 = tpu.matmul %get3A_34, %max3A_29, %dot_general3A_35 {dimension_numbers = #tpu.dot_dimension_numbers<[1], [0], [0], [1], [0, 0, 1, 1], [], []>, transpose_lhs_hint = false} : vector<1x16xf32>, vector<16x51200xf32>, vector<1x51200xf32> -> vector<1x51200xf32>
    %get3A_37 = arith.constant 0 : index
    %get3A_38 = arith.constant 0 : index
    %get3A_39 = vector.load %arg8[%get3A_37, %get3A_38] : memref<1x1xf32, #tpu.memory_space<vmem>>, vector<1x1xf32>
    %add3A_40 = vector.broadcast %get3A_39 : vector<1x1xf32> to vector<1x51200xf32>
    %add3A_41 = arith.addf %dot_general3A_36, %add3A_40 : vector<1x51200xf32>
    %swap3A_42 = arith.constant 0 : index
    %swap3A_43 = arith.constant 0 : index
    %swap3A_44 = vector.load %arg10[%swap3A_42, %swap3A_43] : memref<1x51200xf32, #tpu.memory_space<vmem>>, vector<1x51200xf32>
    tpu.vector_store %arg10[%swap3A_42, %swap3A_43], %add3A_41 {strides = array<i32>} : memref<1x51200xf32, #tpu.memory_space<vmem>>, vector<1x51200xf32>,
    return
  }
}

</mosaic_0001>

<sc_bundles>
// kernel: kernel.17.cloned.1.call-start
scs
__scs_entry_jumppad:
0x0: {  	(pc) =	sbr.rel $0x88, $3  }
0x1: {  	(tag) =	ssettag $0x0;
	lr =	simm.s32 $0x1  }
0x2: {  	[smem:$0x3F89] =	sst lr;
	_ =	strace $0xD0000000  }
0x3: {  	_ = 	snop  }
0x4: {  	_ = 	snop  }
0x5: {  	_ = 	snop  }
0x6: {  	_ = 	snop  }
0x7: {  	_ = 	snop  }
__scs_overlays_trampoline_lowered:
0x8: {  	[smem:$0x3F98] =	sst s0  }
0x9: {  	[smem:$0x3F99] =	sst s1  }
0xa: {  	[smem:$0x3F9A] =	sst s2  }
0xb: {  	[smem:$0x3F9B] =	sst s3  }
0xc: {  	[smem:$0x3F9C] =	sst s4  }
0xd: {  	[smem:$0x3F9D] =	sst s5  }
0xe: {  	[smem:$0x3F9E] =	sst s6  }
0xf: {  	[smem:$0x3F9F] =	sst s7  }
0x10: {  	[smem:$0x3FA0] =	sst s8  }
0x11: {  	[smem:$0x3FA1] =	sst s9;
	s0 =	simm.s32 @!p0 $0x0  }
0x12: {  	s1 =	sld [smem:$0x3F87];
	s0 =	simm.s32 @p0 $0x1  }
0x13: {  	[smem:$0x3FA2] =	sst s0;
	s0 =	simm.s32 @!p1 $0x0  }
0x14: {  	s2 =	sld [smem:$0x3F86];
	s0 =	simm.s32 @p1 $0x1  }
0x15: {  	[smem:$0x3FA3] =	sst s0;
	s0 =	simm.s32 @!p2 $0x0  }
0x16: {  	s3 =	sld [smem:$0x3FDB];
	s0 =	simm.s32 @p2 $0x1  }
0x17: {  	s4 =	simm.s32 $0x1BF5;
	[smem:$0x3FA5] =	sst s0  }
0x18: {  	s0 =	sld [smem:$0x3F88];
	_ =	swait.ge [sflag:s4], $0x0  }
0x19: {  	s7 =	sld [smem:$0x3F89]  }
0x1a: {  	s8 =	sadd.s32 $0xFFFFE003, lr  }
0x1b: {  	s9 =	sadd.s32 $0xFFFFFEF7, lr;
	s5 =	simm.s32 $0xFFFFFFFF;
	p2 =	slt.u32 s8, $0xFFFFF086  }
0x1c: {  	p1 =	slt.u32 s9, $0xF7A;
	s5 =	simm.s32 @!p2 $0x0  }
0x1d: {  	s5 =	simm.s32 @p1 $0x1;
	p0 =	seq.s32 s7, s2  }
0x1e: {  	s7 =	smul.u32 @!p0 $0xF7A, s2;
	p2 =	seq.s32 @!p0 s5, $0x0  }
0x1f: {  	s9 =	smul.u32 $0xF7A, s1;
	s8 =	simm.s32 @!p0 $0x1BF5;
	p2 =	por !p2, p0  }
0x20: {  	[sflag:s8] =	ssyncset.s32 @!p0 $0xFFFFF086;
	s6 =	sadd.s32 @!p0 s3, s7;
	s7 =	simm.s32 @!p0 $0x108  }
0x21: {  	s3 =	sadd.s32 s3, s9;
	s6 =	sadd.s32 @!p0 $0x88, s6;
	s7 =	simm.s32 @p2 $0x1082  }
0x22: {  	[simem:s7], [sflag:s8] =	dma.local @!p0 [hbm:s6], $0xF7A  }
0x23: {  	s9 =	sor.u32 $0xD0000000, s2;
	s6 =	simm.s32 $0x108;
	_ =	swait.ge @!p0 [sflag:s8], $0x0  }
0x24: {  	s3 =	sadd.s32 $0x88, s3;
	s6 =	simm.s32 @!p1 $0x1082;
	[sflag:s4] =	ssyncset.s32 $0xFFFFF086  }
0x25: {  	[simem:s6], [sflag:s4] =	dma.local [hbm:s3], $0xF7A  }
0x26: {  	[smem:$0x3F89] =	sst s1;
	(tag) =	ssettag s2;
	_ =	strace s9  }
0x27: {  	s1 =	sld [smem:$0x3F99]  }
0x28: {  	s2 =	sld [smem:$0x3F9A]  }
0x29: {  	s4 =	sld [smem:$0x3F9C]  }
0x2a: {  	p0 =	seq.s32 s5, $0x0;
	s5 =	sld [smem:$0x3F9D]  }
0x2b: {  	s6 =	sld [smem:$0x3F9E]  }
0x2c: {  	s7 =	sld [smem:$0x3F9F]  }
0x2d: {  	s3 =	simm.s32 $0x108;
	s8 =	sld [smem:$0x3FA0]  }
0x2e: {  	s3 =	simm.s32 @!p0 $0x1082;
	s9 =	sld [smem:$0x3FA1]  }
0x2f: {  	lr =	sadd.s32 s0, s3;
	s0 =	sld [smem:$0x3F98]  }
0x30: {  	s3 =	sld [smem:$0x3F9B]  }
0x31: {  	[smem:$0x3FA4] =	sst s10  }
0x32: {  	s10 =	sld [smem:$0x3FA2];
	_ =	sdelay $0x3  }
0x33: {  	p0 =	seq.s32 s10, $0x1;
	s10 =	sld [smem:$0x3FA4];
	_ =	sdelay $0x3  }
0x34: {  	[smem:$0x3FA4] =	sst s10  }
0x35: {  	s10 =	sld [smem:$0x3FA3];
	_ =	sdelay $0x3  }
0x36: {  	p1 =	seq.s32 s10, $0x1;
	s10 =	sld [smem:$0x3FA4];
	_ =	sdelay $0x3  }
0x37: {  	[smem:$0x3FA4] =	sst s10  }
0x38: {  	s10 =	sld [smem:$0x3FA5]  }
0x39: {  	_ = 	snop;
	(pc) =	sbr.ind lr, $3  }
0x3a: {  	_ = 	snop  }
0x3b: {  	_ = 	snop  }
0x3c: {  	p2 =	seq.s32 s10, $0x1;
	s10 =	sld [smem:$0x3FA4]  }
0x3d: {  	_ =	shalt  }
0x3e: {  	_ =	shalt  }
0x3f: {  	_ =	shalt  }
0x40: {  	_ =	shalt  }
0x41: {  	_ =	shalt  }
0x42: {  	_ =	shalt  }
0x43: {  	_ =	shalt  }
0x44: {  	_ =	shalt  }
0x45: {  	_ =	shalt  }
0x46: {  	_ =	shalt  }
0x47: {  	_ =	shalt  }
0x48: {  	_ =	shalt  }
0x49: {  	_ =	shalt  }
0x4a: {  	_ =	shalt  }
0x4b: {  	_ =	shalt  }
0x4c: {  	_ =	shalt  }
0x4d: {  	_ =	shalt  }
0x4e: {  	_ =	shalt  }
0x4f: {  	_ =	shalt  }
0x50: {  	_ =	shalt  }
0x51: {  	_ =	shalt  }
0x52: {  	_ =	shalt  }
0x53: {  	_ =	shalt  }
0x54: {  	_ =	shalt  }
0x55: {  	_ =	shalt  }
0x56: {  	_ =	shalt  }
0x57: {  	_ =	shalt  }
0x58: {  	_ =	shalt  }
0x59: {  	_ =	shalt  }
0x5a: {  	_ =	shalt  }
0x5b: {  	_ =	shalt  }
0x5c: {  	_ =	shalt  }
0x5d: {  	_ =	shalt  }
0x5e: {  	_ =	shalt  }
0x5f: {  	_ =	shalt  }
0x60: {  	_ =	shalt  }
0x61: {  	_ =	shalt  }
0x62: {  	_ =	shalt  }
0x63: {  	_ =	shalt  }
0x64: {  	_ =	shalt  }
0x65: {  	_ =	shalt  }
0x66: {  	_ =	shalt  }
0x67: {  	_ =	shalt  }
0x68: {  	_ =	shalt  }
0x69: {  	_ =	shalt  }
0x6a: {  	_ =	shalt  }
0x6b: {  	_ =	shalt  }
0x6c: {  	_ =	shalt  }
0x6d: {  	_ =	shalt  }
0x6e: {  	_ =	shalt  }
0x6f: {  	_ =	shalt  }
0x70: {  	_ =	shalt  }
0x71: {  	_ =	shalt  }
0x72: {  	_ =	shalt  }
0x73: {  	_ =	shalt  }
0x74: {  	_ =	shalt  }
0x75: {  	_ =	shalt  }
0x76: {  	_ =	shalt  }
0x77: {  	_ =	shalt  }
0x78: {  	_ =	shalt  }
0x79: {  	_ =	shalt  }
0x7a: {  	_ =	shalt  }
0x7b: {  	_ =	shalt  }
0x7c: {  	_ =	shalt  }
0x7d: {  	_ =	shalt  }
0x7e: {  	_ =	shalt  }
0x7f: {  	_ =	shalt  }
0x80: {  	_ =	shalt  }
0x81: {  	_ =	shalt  }
0x82: {  	_ =	shalt  }
0x83: {  	_ =	shalt  }
0x84: {  	_ =	shalt  }
0x85: {  	_ =	shalt  }
0x86: {  	_ =	shalt  }
0x87: {  	_ =	shalt  }
.Lfunc_end0:
.L_simem_size_0:
called_computation.3_lowered:
.L_overlay_start_0:
0x88: {  	s2 =	sld [smem:$0x3FD9]  }
0x89: {  	s3 =	sld [smem:$0x3FFE];
	_ =	sdelay $0x1  }
0x8a: {  	s1 =	srdreg.scid  }
0x8b: {  	s0 =	sand.u32 $0x1, s1  }
0x8c: {  	s17 =	sshll.u32 s0, $0xA;
	s2 =	sadd.s32 s3, s2  }
0x8d: {  	s2 =	sadd.s32 s2, s17  }
0x8e: {  	[smem:$0x3FB0] =	sst s2  }
0x8f: {  	_ = 	snop  }
0x90: {  	(tm) =	ssettm $0x1  }
0x91: {  	s18 =	sld [smem:$0x3FFB];
	_ =	sdelay $0x3  }
0x92: {  	_ =	strace s18  }
0x93: {  	s2 =	sld [smem:$0x3FFC];
	_ =	sdelay $0x3  }
0x94: {  	_ =	strace s2  }
0x95: {  	s2 =	sld [smem:$0x3FFD];
	_ =	sdelay $0x3  }
0x96: {  	_ =	strace s2  }
0x97: {  	_ =	strace $0x8FFFFFFF  }
0x98: {  	s19 =	sld [smem:$0x3FDB];
	_ =	sdelay $0x1  }
0x99: {  	s20 =	simm.s32 $_scs_section_size  }
0x9a: {  	s4 =	simm.s32 $_size__tile_overlayer_lowered;
	s5 =	simm.s32 $_tile_overlayer_lowered  }
0x9b: {  	s6 =	simm.s32 $0x1BFF;
	s21 =	sshll.u32 s5, $0x1;
	s3 =	sadd.s32 s20, s19  }
0x9c: {  	s22 =	simm.s32 $0x0;
	s4 =	sshll.u32 s4, $0x1;
	s5 =	sadd.s32 s21, s3  }
0x9d: {  	[timem:s22], [sflag:s6] =	dma.local [hbm:s5], s4  }
0x9e: {  	_ =	swait.ge [sflag:s6], s4  }
0x9f: {  	s4 =	ssub.s32 $0x0, s4;
	[sflag:s6] =	ssyncset.done $0x0  }
0xa0: {  	[sflag:s6] =	ssyncadd.s32 s4;
	_ =	sdelay $0x1  }
0xa1: {  	s23 =	simm.s32 $0x1B8B  }
0xa2: {  	_ =	swait.ge [sflag:s23], $0x1  }
0xa3: {  	[sflag:s23] =	ssyncset.done $0x0  }
0xa4: {  	[sflag:s23] =	ssyncadd.s32 $0xFFFFFFFF  }
0xa5: {  	s4 =	sld [smem:$0x0]  }
0xa6: {  	s5 =	sand.u32 $0xFFFFFFFE, s1  }
0xa7: {  	p0 =	sne.s32 s1, s5  }
0xa8: {  	s5 =	sshll.u32 @p0 s5, $0xE  }
0xa9: {  	s5 =	sadd.s32 @p0 $0x11B8D, s5;
	s6 =	sshll.u32 @p0 s4, $0x11  }
0xaa: {  	s5 =	sor.u32 @p0 s6, s5  }
0xab: {  	[sflag:s5] =	ssyncadd.remote.s32 @p0 $0x1;
	_ =	sdelay $0x1  }
0xac: {  	s5 =	simm.s32 @p0 $0x1B8D  }
0xad: {  	_ =	swait.eq @p0 [sflag:s5], $0x1  }
0xae: {  	[sflag:s5] =	ssyncadd.s32 @p0 $0xFFFFFFFF  }
0xaf: {  	s6 =	sshll.u32 @!p0 s1, $0xE  }
0xb0: {  	s6 =	sor.u32 @!p0 $0x4000, s6;
	s5 =	simm.s32 @!p0 $0x1B8D  }
0xb1: {  	s4 =	sshll.u32 @!p0 s4, $0x11;
	s6 =	sadd.s32 @!p0 $0x11B8D, s6;
	_ =	swait.eq @!p0 [sflag:s5], $0x1  }
0xb2: {  	s4 =	sor.u32 @!p0 s4, s6;
	[sflag:s5] =	ssyncadd.s32 @!p0 $0xFFFFFFFF  }
0xb3: {  	s25 =	simm.s32 $0x1B8E;
	s24 =	sld [smem:$0x3FFE];
	[sflag:s4] =	ssyncadd.remote.s32 @!p0 $0x1  }
0xb4: {  	s26 =	simm.s32 $execute0_lowered;
	[smem:$0x3FD2] =	sst s25  }
0xb5: {  	s5 =	sshll.u32 s26, $0x1;
	_ =	strace $0x8000004C;
	[dreg:$0x1] =	wrdreg $0xFFFFFFFF  }
0xb6: {  	s28 =	simm.s32 $_size_execute0_lowered;
	s3 =	sadd.s32 s3, s5;
	[dreg:$0x0] =	wrdreg $0x0  }
0xb7: {  	s5 =	sshll.u32 s28, $0x1;
	[dreg:$0x2] =	wrdreg s3  }
0xb8: {  	[dreg:$0x3] =	wrdreg s5  }
0xb9: {  	[dreg:$0x4] =	wrdreg $0xC0  }
0xba: {  	_ =	task [dreg:s22], $0x5FFFF  }
0xbb: {  	[dreg:$0x1] =	wrdreg $0xFFFFFFFF  }
0xbc: {  	[dreg:$0x0] =	wrdreg $0x60  }
0xbd: {  	[dreg:$0x2] =	wrdreg s24  }
0xbe: {  	[dreg:$0x3] =	wrdreg $0x30800  }
0xbf: {  	[dreg:$0x4] =	wrdreg $0x9  }
0xc0: {  	_ =	task.clear_ibuf [dreg:s22], $0x5FFFF;
	_ =	strace $0x9000004C  }
0xc1: {  	s29 =	simm.s32 $0x9;
	_ =	strace $0x8000004E  }
0xc2: {  	_ =	swait.ge [sflag:s29], $0x1  }
0xc3: {  	[sflag:s29] =	ssyncadd.s32 $0xFFFFFFFF  }
0xc4: {  	_ =	strace $0x9000004E  }
0xc5: {  	_ =	sfence  }
0xc6: {  	s30 =	sld [smem:$0x0];
	_ =	sdelay $0x2  }
0xc7: {  	s31 =	sshll.u32 s1, $0xD;
	s1 =	sshrl.u32 s1, $0x2  }
0xc8: {  	s4 =	sand.u32 $0x4000, s31;
	s1 =	sadd.s32 s1, s30  }
0xc9: {  	s0 =	sor.u32 s4, s0;
	s1 =	sshll.u32 s1, $0x11  }
0xca: {  	s0 =	sor.u32 s1, s0  }
0xcb: {  	s0 =	sadd.s32 $0x8F2B, s0  }
0xcc: {  	[sflag:s0] =	ssyncadd.remote.s32 $0x1  }
0xcd: {  	_ =	sfence.sel $0xFFFF  }
0xce: {  	[dreg:$0x0] =	wrdreg $0xFFFFFFFF;
	(pc) =	sbr.abs _section_cstart, $3  }
0xcf: {  	[dreg:$0x1] =	wrdreg $0xFFFFFFFF  }
0xd0: {  	_ =	task.clear_ibuf [dreg:s22], $0x2FFFF;
	_ =	strace $0x9FFFFFFF  }
0xd1: {  	(tm) =	ssettm $0x7FFFFFFF  }
tec
execute0_lowered:
.L_overlay_start_1:
0x0: {  	(tag) =	ssettag $0x1  }
0x1: {  	s1 =	stileid.u32  }
0x2: {  	s4 =	rddreg [dreg:$0x0];
	s6 =	smul.u32 $0x1880, s1  }
0x3: {  	s2 =	rddreg [dreg:$0x1];
	s7 =	smul.u32 $0x32000, s1  }
0x4: {  	s0 =	rddreg [dreg:$0x2];
	s8 =	smul.u32 $0xC80, s1  }
0x5: {  	s5 =	srdreg.scid;
	s16 =	smul.u32 $0x1900, s1  }
0x6: {  	s3 =	simm.s32 $0x0;
	s10 =	sand.u32 $0x1, s5;
	s29 =	smul.u32 $0x188, s1  }
0x7: {  	[smem:$0x7FF] =	sst s3;
	s5 =	smul.u32 $0x19000, s10  }
0x8: {  	_ =	strace $0x8000004D;
	s22 =	ssub.s32 $0x2, s10;
	s17 =	smul.u32 $0xC40, s10  }
0x9: {  	s30 =	smul.u32 $0xC4, s10;
	s11 =	sadd.s32 s6, s4;
	s23 =	sshrl.u32 s22, $0x1  }
0xa: {  	s24 =	sshrl.u32 s7, $0x2;
	s12 =	sadd.s32 $0x280, s8;
	s13 =	sadd.s32 $0x500, s8  }
0xb: {  	s14 =	sadd.s32 $0x780, s8;
	s15 =	sadd.s32 $0xA00, s8;
	s4 =	sadd.s32 s5, s4  }
0xc: {  	s5 =	ssub.s32 s22, s23;
	s25 =	sshll.u32 s12, $0x4;
	s26 =	sshll.u32 s13, $0x4  }
0xd: {  	s9 =	sshll.u32 s14, $0x4;
	s28 =	sshll.u32 s15, $0x4;
	s19 =	sshll.u32 s12, $0x1  }
0xe: {  	s20 =	sshll.u32 s13, $0x1;
	s11 =	sadd.s32 s17, s11;
	s31 =	sshll.u32 s14, $0x1  }
0xf: {  	s21 =	sshll.u32 s15, $0x1;
	s12 =	simm.s32 $0x880;
	s13 =	simm.s32 $0x1  }
0x10: {  	s18 =	sadd.s32 $0xE41800, s4;
	s4 =	sadd.s32 s24, s2;
	s5 =	smax.u32 s5, $0x1  }
0x11: {  	s6 =	sadd.s32 s25, s2;
	s7 =	sadd.s32 s26, s2;
	s8 =	sadd.s32 s9, s2  }
0x12: {  	s9 =	sadd.s32 s28, s2;
	s10 =	sadd.s32 $0x3B200, s11;
	s11 =	sadd.s32 s30, s29  }
0x13: {  	s14 =	sadd.s32 s16, s18;
	s15 =	sadd.s32 s19, s18;
	s16 =	sadd.s32 s20, s18  }
0x14: {  	v0 =	vimm.f32 $0.0e+00;
	v1 =	vimm.f32 $1.000000000e+00;
	s17 =	sadd.s32 s31, s18;
	s18 =	sadd.s32 s21, s18;
	s19 =	simm.s32 $0x0  }
.LBB2_1:
0x15: {  	s20 =	simm.s32 $0x0  }
.LBB2_2:
0x16: {  	p0 =	sne.s32 s20, $0x9FC0  }
.Ltmp0:
0x17: {  	_ = 	snop;
	(pc) =	sbr.rel @p0 .LBB2_2-.Ltmp0, $3  }
0x18: {  	_ =	sdelay $0x1  }
0x19: {  	s21 =	sshra.s32 s20, $0x2  }
0x1a: {  	s20 =	sadd.s32 $0x40, s20;
	[tilespmem:s21+$0x880] =	vst v0  }
0x1b: {  	s20 =	simm.s32 $0x40;
	s21 =	simm.s32 $0x0  }
.LBB2_4:
0x1c: {  	p0 =	sne.s32 s20, $0x1FC0;
	[tilespmem:s21+$0x80] =	vst v1;
	s21 =	smov.u32 s20;
	s20 =	sadd.s32 $0x40, s20  }
.Ltmp1:
0x1d: {  	(pc) =	sbr.rel @p0 .LBB2_4-.Ltmp1, $2  }
0x1e: {  	_ =	sdelay $0x2  }
0x1f: {  	s21 =	sshra.s32 s21, $0x2  }
0x20: {  	[tilespmem:s21+$0x80] =	vst v1  }
0x21: {  	[spmem:s4] =	stream.linear.scatter [tilespmem:s12], [sflag:$0x1], $0x2800, $0x38;
	[tilespmem:$0xF880] =	vst v63  }
0x22: {  	_ =	swait.ge [sflag:s13], $0x2800  }
0x23: {  	[sflag:s13] =	ssyncset.done $0x0  }
0x24: {  	[sflag:s13] =	ssyncadd.s32 $0xFFFFD800  }
0x25: {  	[spmem:s6] =	stream.linear.scatter [tilespmem:s12], [sflag:$0x1], $0x2800, $0x38;
	[tilespmem:$0xF880] =	vst v63  }
0x26: {  	_ =	swait.ge [sflag:s13], $0x2800  }
0x27: {  	[sflag:s13] =	ssyncset.done $0x0  }
0x28: {  	[sflag:s13] =	ssyncadd.s32 $0xFFFFD800  }
0x29: {  	[spmem:s7] =	stream.linear.scatter [tilespmem:s12], [sflag:$0x1], $0x2800, $0x38;
	[tilespmem:$0xF880] =	vst v63  }
0x2a: {  	_ =	swait.ge [sflag:s13], $0x2800  }
0x2b: {  	[sflag:s13] =	ssyncset.done $0x0  }
0x2c: {  	[sflag:s13] =	ssyncadd.s32 $0xFFFFD800  }
0x2d: {  	[spmem:s8] =	stream.linear.scatter [tilespmem:s12], [sflag:$0x1], $0x2800, $0x38;
	[tilespmem:$0xF880] =	vst v63  }
0x2e: {  	_ =	swait.ge [sflag:s13], $0x2800  }
0x2f: {  	[sflag:s13] =	ssyncset.done $0x0  }
0x30: {  	[sflag:s13] =	ssyncadd.s32 $0xFFFFD800  }
0x31: {  	[spmem:s9] =	stream.linear.scatter [tilespmem:s12], [sflag:$0x1], $0x2800, $0x38;
	[tilespmem:$0xF880] =	vst v63  }
0x32: {  	_ =	swait.ge [sflag:s13], $0x2800  }
0x33: {  	s20 =	sadd.s32 $0x0, s11;
	[sflag:s13] =	ssyncset.done $0x0  }
0x34: {  	p0 =	sgt.u32 s20, $0x1869;
	[sflag:s13] =	ssyncadd.s32 $0xFFFFD800  }
0x35: {  	s21 =	simm.s32 @!p0 $0x0;
	s22 =	simm.s32 @!p0 $0x2;
	[bflag:$0x0] =	sbarrier.arrive $0xFFFF  }
0x36: {  	[tilespmem:s21], [sflag:$0x2] =	stream.linear.gather @!p0 [hbm4b:s10+s21], $0x80, $0x38;
	[tilespmem:$0xF880] =	vst v63  }
0x37: {  	_ =	swait.ge @!p0 [sflag:s22], $0x80  }
0x38: {  	s31 =	sadd.s32 $0x1, s11;
	[sflag:s22] =	ssyncset.done @!p0 $0x0  }
0x39: {  	s23 =	simm.s32 @!p0 $0x80;
	[sflag:s22] =	ssyncadd.s32 @!p0 $0xFFFFFF80;
	s22 =	simm.s32 @!p0 $0x1  }
0x3a: {  	[spmem:s2] =	stream.indirect.scatter.add.f32 @!p0 [tilespmem:s23], [sflag:$0x1], $0x10, s21, s23, $0xb8;
	[tilespmem:$0xF880] =	vst v63  }
0x3b: {  	s20 =	simm.s32 $0x2;
	p1 =	por p0, p0;
	_ =	swait.ge @!p0 [sflag:s22], $0x800  }
0x3c: {  	s21 =	sadd.s32 $0x10, s10;
	p0 =	sgt.u32 s31, $0x1869;
	[sflag:s22] =	ssyncset.done @!p1 $0x0  }
.LBB2_6:
0x3d: {  	s23 =	simm.s32 @!p0 $0x0;
	s24 =	simm.s32 @!p0 $0x2  }
0x3e: {  	[sflag:s22] =	ssyncadd.s32 @!p1 $0xFFFFF800;
	s25 =	smov.u32 s20;
	s20 =	sadd.s32 $0x1, s20  }
0x3f: {  	[tilespmem:s23], [sflag:$0x2] =	stream.linear.gather @!p0 [hbm4b:s21+s23], $0x80, $0x38;
	[tilespmem:$0xF880] =	vst v63  }
0x40: {  	p2 =	sne.s32 s20, $0xC4;
	_ =	swait.ge @!p0 [sflag:s24], $0x80  }
.Ltmp2:
0x41: {  	[sflag:s24] =	ssyncset.done @!p0 $0x0;
	(pc) =	sbr.rel @p2 .LBB2_6-.Ltmp2, $4  }
0x42: {  	s22 =	simm.s32 @!p0 $0x1;
	[sflag:s24] =	ssyncadd.s32 @!p0 $0xFFFFFF80;
	s24 =	simm.s32 @!p0 $0x80  }
0x43: {  	[spmem:s2] =	stream.indirect.scatter.add.f32 @!p0 [tilespmem:s24], [sflag:$0x1], $0x10, s23, s24, $0xb8;
	[tilespmem:$0xF880] =	vst v63  }
0x44: {  	p1 =	por p0, p0;
	s23 =	sadd.s32 s25, s11;
	_ =	swait.ge @!p0 [sflag:s22], $0x800  }
0x45: {  	s21 =	sadd.s32 $0x10, s21;
	p0 =	sgt.u32 s23, $0x1869;
	[sflag:s22] =	ssyncset.done @!p1 $0x0  }
0x46: {  	s20 =	simm.s32 @!p0 $0x0;
	s23 =	simm.s32 @!p0 $0x2;
	[sflag:s22] =	ssyncadd.s32 @!p1 $0xFFFFF800  }
0x47: {  	[tilespmem:s20], [sflag:$0x2] =	stream.linear.gather @!p0 [hbm4b:s21+s20], $0x80, $0x38;
	[tilespmem:$0xF880] =	vst v63  }
0x48: {  	_ =	swait.ge @!p0 [sflag:s23], $0x80  }
0x49: {  	[sflag:s23] =	ssyncset.done @!p0 $0x0  }
0x4a: {  	s22 =	simm.s32 @!p0 $0x1;
	s21 =	simm.s32 @!p0 $0x80;
	[sflag:s23] =	ssyncadd.s32 @!p0 $0xFFFFFF80  }
0x4b: {  	[spmem:s2] =	stream.indirect.scatter.add.f32 @!p0 [tilespmem:s21], [sflag:$0x1], $0x10, s20, s21, $0xb8;
	[tilespmem:$0xF880] =	vst v63  }
0x4c: {  	_ =	swait.ge @!p0 [sflag:s22], $0x800;
	p0 =	por p0, p0  }
0x4d: {  	[sflag:s22] =	ssyncset.done @!p0 $0x0  }
0x4e: {  	[sflag:s22] =	ssyncadd.s32 @!p0 $0xFFFFF800  }
0x4f: {  	[bflag:$0x0] =	sbarrier.arrive $0xFFFF  }
0x50: {  	[tilespmem:s12], [sflag:$0x1] =	stream.linear.gather [spmem:s4], $0x2800, $0x38;
	[tilespmem:$0xF880] =	vst v63  }
0x51: {  	_ =	swait.ge [sflag:s13], $0x2800  }
0x52: {  	[sflag:s13] =	ssyncset.done $0x0  }
0x53: {  	[sflag:s13] =	ssyncadd.s32 $0xFFFFD800  }
0x54: {  	[hbm4b:s14+s3] =	stream.linear.scatter [tilespmem:s12], [sflag:$0x1], $0x2800, $0x38;
	[tilespmem:$0xF880] =	vst v63  }
0x55: {  	_ =	swait.ge [sflag:s13], $0x2800  }
0x56: {  	[sflag:s13] =	ssyncset.done $0x0  }
0x57: {  	[sflag:s13] =	ssyncadd.s32 $0xFFFFD800  }
0x58: {  	[tilespmem:s12], [sflag:$0x1] =	stream.linear.gather [spmem:s6], $0x2800, $0x38;
	[tilespmem:$0xF880] =	vst v63  }
0x59: {  	_ =	swait.ge [sflag:s13], $0x2800  }
0x5a: {  	[sflag:s13] =	ssyncset.done $0x0  }
0x5b: {  	[sflag:s13] =	ssyncadd.s32 $0xFFFFD800  }
0x5c: {  	[hbm4b:s15+s3] =	stream.linear.scatter [tilespmem:s12], [sflag:$0x1], $0x2800, $0x38;
	[tilespmem:$0xF880] =	vst v63  }
0x5d: {  	_ =	swait.ge [sflag:s13], $0x2800  }
0x5e: {  	[sflag:s13] =	ssyncset.done $0x0  }
0x5f: {  	[sflag:s13] =	ssyncadd.s32 $0xFFFFD800  }
0x60: {  	[tilespmem:s12], [sflag:$0x1] =	stream.linear.gather [spmem:s7], $0x2800, $0x38;
	[tilespmem:$0xF880] =	vst v63  }
0x61: {  	_ =	swait.ge [sflag:s13], $0x2800  }
0x62: {  	[sflag:s13] =	ssyncset.done $0x0  }
0x63: {  	[sflag:s13] =	ssyncadd.s32 $0xFFFFD800  }
0x64: {  	[hbm4b:s16+s3] =	stream.linear.scatter [tilespmem:s12], [sflag:$0x1], $0x2800, $0x38;
	[tilespmem:$0xF880] =	vst v63  }
0x65: {  	_ =	swait.ge [sflag:s13], $0x2800  }
0x66: {  	[sflag:s13] =	ssyncset.done $0x0  }
0x67: {  	[sflag:s13] =	ssyncadd.s32 $0xFFFFD800  }
0x68: {  	[tilespmem:s12], [sflag:$0x1] =	stream.linear.gather [spmem:s8], $0x2800, $0x38;
	[tilespmem:$0xF880] =	vst v63  }
0x69: {  	_ =	swait.ge [sflag:s13], $0x2800  }
0x6a: {  	[sflag:s13] =	ssyncset.done $0x0  }
0x6b: {  	[sflag:s13] =	ssyncadd.s32 $0xFFFFD800  }
0x6c: {  	[hbm4b:s17+s3] =	stream.linear.scatter [tilespmem:s12], [sflag:$0x1], $0x2800, $0x38;
	[tilespmem:$0xF880] =	vst v63  }
0x6d: {  	_ =	swait.ge [sflag:s13], $0x2800  }
0x6e: {  	[sflag:s13] =	ssyncset.done $0x0  }
0x6f: {  	[sflag:s13] =	ssyncadd.s32 $0xFFFFD800  }
0x70: {  	[tilespmem:s12], [sflag:$0x1] =	stream.linear.gather [spmem:s9], $0x2800, $0x38;
	[tilespmem:$0xF880] =	vst v63  }
0x71: {  	s19 =	sadd.s32 $0x1, s19;
	_ =	swait.ge [sflag:s13], $0x2800  }
0x72: {  	p0 =	sne.s32 s19, s5;
	[sflag:s13] =	ssyncset.done $0x0  }
.Ltmp3:
0x73: {  	[sflag:s13] =	ssyncadd.s32 $0xFFFFD800;
	(pc) =	sbr.rel @p0 .LBB2_1-.Ltmp3, $4  }
0x74: {  	[hbm4b:s18+s3] =	stream.linear.scatter [tilespmem:s12], [sflag:$0x1], $0x2800, $0x38;
	[tilespmem:$0xF880] =	vst v63  }
0x75: {  	_ =	swait.ge [sflag:s13], $0x2800  }
0x76: {  	[sflag:s13] =	ssyncset.done $0x0  }
0x77: {  	[sflag:s13] =	ssyncadd.s32 $0xFFFFD800  }
0x78: {  	_ =	sfence.sel $0x180000  }
0x79: {  	[bflag:$0x0] =	sbarrier.arrive $0xFFFF  }
0x7a: {  	p0 =	sne.s32 s1, $0x0;
	_ =	strace $0x9000004D  }
0x7b: {  	s0 =	sadd.s32 @!p0 $0x100000, s0;
	[bflag:$0x2] =	sbarrier.arrive $0xFFFF  }
0x7c: {  	[sflag:s0] =	ssyncadd.tile.s32 @!p0 $0x1;
	_ =	shalt  }
.Lfunc_end2:
_tile_overlayer_lowered:
.L_overlay_start_2:
0x7d: {  	(tag) =	ssettag $0x2  }
0x7e: {  	s0 =	rddreg [dreg:$0x0];
	s2 =	stileid.u32  }
0x7f: {  	s1 =	rddreg [dreg:$0x1];
	p0 =	sne.s32 s2, $0x0  }
0x80: {  	s3 =	rddreg [dreg:$0x2];
	[bflag:$0x3] =	sbarrier.arrive $0xFFFF;
	s2 =	simm.s32 @!p0 $0x1C01  }
0x81: {  	[timem:s3], [sflag:s2] =	dma.local @!p0 [hbm:s0], s1  }
0x82: {  	s0 =	simm.s32 @!p0 $0x1  }
0x83: {  	_ =	swait.ge @!p0 [sflag:s0], s1  }
0x84: {  	s1 =	ssub.s32 @!p0 $0x0, s1;
	[sflag:s0] =	ssyncset.done @!p0 $0x0  }
0x85: {  	[sflag:s0] =	ssyncadd.s32 @!p0 s1  }
0x86: {  	[bflag:$0x3] =	sbarrier.arrive $0xFFFF  }
0x87: {  	_ =	shalt  }

// kernel: kernel.20.cloned.1.call-start
scs
__scs_entry_jumppad:
0x0: {  	(pc) =	sbr.rel $0x88, $3  }
0x1: {  	(tag) =	ssettag $0x0;
	lr =	simm.s32 $0x1  }
0x2: {  	[smem:$0x3F89] =	sst lr;
	_ =	strace $0xD0000000  }
0x3: {  	_ = 	snop  }
0x4: {  	_ = 	snop  }
0x5: {  	_ = 	snop  }
0x6: {  	_ = 	snop  }
0x7: {  	_ = 	snop  }
__scs_overlays_trampoline_lowered:
0x8: {  	[smem:$0x3F98] =	sst s0  }
0x9: {  	[smem:$0x3F99] =	sst s1  }
0xa: {  	[smem:$0x3F9A] =	sst s2  }
0xb: {  	[smem:$0x3F9B] =	sst s3  }
0xc: {  	[smem:$0x3F9C] =	sst s4  }
0xd: {  	[smem:$0x3F9D] =	sst s5  }
0xe: {  	[smem:$0x3F9E] =	sst s6  }
0xf: {  	[smem:$0x3F9F] =	sst s7  }
0x10: {  	[smem:$0x3FA0] =	sst s8  }
0x11: {  	[smem:$0x3FA1] =	sst s9;
	s0 =	simm.s32 @!p0 $0x0  }
0x12: {  	s1 =	sld [smem:$0x3F87];
	s0 =	simm.s32 @p0 $0x1  }
0x13: {  	[smem:$0x3FA2] =	sst s0;
	s0 =	simm.s32 @!p1 $0x0  }
0x14: {  	s2 =	sld [smem:$0x3F86];
	s0 =	simm.s32 @p1 $0x1  }
0x15: {  	[smem:$0x3FA3] =	sst s0;
	s0 =	simm.s32 @!p2 $0x0  }
0x16: {  	s3 =	sld [smem:$0x3FDB];
	s0 =	simm.s32 @p2 $0x1  }
0x17: {  	s4 =	simm.s32 $0x1BF5;
	[smem:$0x3FA5] =	sst s0  }
0x18: {  	s0 =	sld [smem:$0x3F88];
	_ =	swait.ge [sflag:s4], $0x0  }
0x19: {  	s7 =	sld [smem:$0x3F89]  }
0x1a: {  	s8 =	sadd.s32 $0xFFFFE003, lr  }
0x1b: {  	s9 =	sadd.s32 $0xFFFFFEF7, lr;
	s5 =	simm.s32 $0xFFFFFFFF;
	p2 =	slt.u32 s8, $0xFFFFF086  }
0x1c: {  	p1 =	slt.u32 s9, $0xF7A;
	s5 =	simm.s32 @!p2 $0x0  }
0x1d: {  	s5 =	simm.s32 @p1 $0x1;
	p0 =	seq.s32 s7, s2  }
0x1e: {  	s7 =	smul.u32 @!p0 $0xF7A, s2;
	p2 =	seq.s32 @!p0 s5, $0x0  }
0x1f: {  	s9 =	smul.u32 $0xF7A, s1;
	s8 =	simm.s32 @!p0 $0x1BF5;
	p2 =	por !p2, p0  }
0x20: {  	[sflag:s8] =	ssyncset.s32 @!p0 $0xFFFFF086;
	s6 =	sadd.s32 @!p0 s3, s7;
	s7 =	simm.s32 @!p0 $0x108  }
0x21: {  	s3 =	sadd.s32 s3, s9;
	s6 =	sadd.s32 @!p0 $0x88, s6;
	s7 =	simm.s32 @p2 $0x1082  }
0x22: {  	[simem:s7], [sflag:s8] =	dma.local @!p0 [hbm:s6], $0xF7A  }
0x23: {  	s9 =	sor.u32 $0xD0000000, s2;
	s6 =	simm.s32 $0x108;
	_ =	swait.ge @!p0 [sflag:s8], $0x0  }
0x24: {  	s3 =	sadd.s32 $0x88, s3;
	s6 =	simm.s32 @!p1 $0x1082;
	[sflag:s4] =	ssyncset.s32 $0xFFFFF086  }
0x25: {  	[simem:s6], [sflag:s4] =	dma.local [hbm:s3], $0xF7A  }
0x26: {  	[smem:$0x3F89] =	sst s1;
	(tag) =	ssettag s2;
	_ =	strace s9  }
0x27: {  	s1 =	sld [smem:$0x3F99]  }
0x28: {  	s2 =	sld [smem:$0x3F9A]  }
0x29: {  	s4 =	sld [smem:$0x3F9C]  }
0x2a: {  	p0 =	seq.s32 s5, $0x0;
	s5 =	sld [smem:$0x3F9D]  }
0x2b: {  	s6 =	sld [smem:$0x3F9E]  }
0x2c: {  	s7 =	sld [smem:$0x3F9F]  }
0x2d: {  	s3 =	simm.s32 $0x108;
	s8 =	sld [smem:$0x3FA0]  }
0x2e: {  	s3 =	simm.s32 @!p0 $0x1082;
	s9 =	sld [smem:$0x3FA1]  }
0x2f: {  	lr =	sadd.s32 s0, s3;
	s0 =	sld [smem:$0x3F98]  }
0x30: {  	s3 =	sld [smem:$0x3F9B]  }
0x31: {  	[smem:$0x3FA4] =	sst s10  }
0x32: {  	s10 =	sld [smem:$0x3FA2];
	_ =	sdelay $0x3  }
0x33: {  	p0 =	seq.s32 s10, $0x1;
	s10 =	sld [smem:$0x3FA4];
	_ =	sdelay $0x3  }
0x34: {  	[smem:$0x3FA4] =	sst s10  }
0x35: {  	s10 =	sld [smem:$0x3FA3];
	_ =	sdelay $0x3  }
0x36: {  	p1 =	seq.s32 s10, $0x1;
	s10 =	sld [smem:$0x3FA4];
	_ =	sdelay $0x3  }
0x37: {  	[smem:$0x3FA4] =	sst s10  }
0x38: {  	s10 =	sld [smem:$0x3FA5]  }
0x39: {  	_ = 	snop;
	(pc) =	sbr.ind lr, $3  }
0x3a: {  	_ = 	snop  }
0x3b: {  	_ = 	snop  }
0x3c: {  	p2 =	seq.s32 s10, $0x1;
	s10 =	sld [smem:$0x3FA4]  }
0x3d: {  	_ =	shalt  }
0x3e: {  	_ =	shalt  }
0x3f: {  	_ =	shalt  }
0x40: {  	_ =	shalt  }
0x41: {  	_ =	shalt  }
0x42: {  	_ =	shalt  }
0x43: {  	_ =	shalt  }
0x44: {  	_ =	shalt  }
0x45: {  	_ =	shalt  }
0x46: {  	_ =	shalt  }
0x47: {  	_ =	shalt  }
0x48: {  	_ =	shalt  }
0x49: {  	_ =	shalt  }
0x4a: {  	_ =	shalt  }
0x4b: {  	_ =	shalt  }
0x4c: {  	_ =	shalt  }
0x4d: {  	_ =	shalt  }
0x4e: {  	_ =	shalt  }
0x4f: {  	_ =	shalt  }
0x50: {  	_ =	shalt  }
0x51: {  	_ =	shalt  }
0x52: {  	_ =	shalt  }
0x53: {  	_ =	shalt  }
0x54: {  	_ =	shalt  }
0x55: {  	_ =	shalt  }
0x56: {  	_ =	shalt  }
0x57: {  	_ =	shalt  }
0x58: {  	_ =	shalt  }
0x59: {  	_ =	shalt  }
0x5a: {  	_ =	shalt  }
0x5b: {  	_ =	shalt  }
0x5c: {  	_ =	shalt  }
0x5d: {  	_ =	shalt  }
0x5e: {  	_ =	shalt  }
0x5f: {  	_ =	shalt  }
0x60: {  	_ =	shalt  }
0x61: {  	_ =	shalt  }
0x62: {  	_ =	shalt  }
0x63: {  	_ =	shalt  }
0x64: {  	_ =	shalt  }
0x65: {  	_ =	shalt  }
0x66: {  	_ =	shalt  }
0x67: {  	_ =	shalt  }
0x68: {  	_ =	shalt  }
0x69: {  	_ =	shalt  }
0x6a: {  	_ =	shalt  }
0x6b: {  	_ =	shalt  }
0x6c: {  	_ =	shalt  }
0x6d: {  	_ =	shalt  }
0x6e: {  	_ =	shalt  }
0x6f: {  	_ =	shalt  }
0x70: {  	_ =	shalt  }
0x71: {  	_ =	shalt  }
0x72: {  	_ =	shalt  }
0x73: {  	_ =	shalt  }
0x74: {  	_ =	shalt  }
0x75: {  	_ =	shalt  }
0x76: {  	_ =	shalt  }
0x77: {  	_ =	shalt  }
0x78: {  	_ =	shalt  }
0x79: {  	_ =	shalt  }
0x7a: {  	_ =	shalt  }
0x7b: {  	_ =	shalt  }
0x7c: {  	_ =	shalt  }
0x7d: {  	_ =	shalt  }
0x7e: {  	_ =	shalt  }
0x7f: {  	_ =	shalt  }
0x80: {  	_ =	shalt  }
0x81: {  	_ =	shalt  }
0x82: {  	_ =	shalt  }
0x83: {  	_ =	shalt  }
0x84: {  	_ =	shalt  }
0x85: {  	_ =	shalt  }
0x86: {  	_ =	shalt  }
0x87: {  	_ =	shalt  }
.Lfunc_end0:
.L_simem_size_0:
called_computation.4_lowered:
.L_overlay_start_0:
0x88: {  	s2 =	sld [smem:$0x3FD9]  }
0x89: {  	s3 =	sld [smem:$0x3FFE];
	_ =	sdelay $0x1  }
0x8a: {  	s1 =	srdreg.scid  }
0x8b: {  	s0 =	sand.u32 $0x1, s1  }
0x8c: {  	s16 =	sshll.u32 s0, $0xA;
	s2 =	sadd.s32 s3, s2  }
0x8d: {  	s2 =	sadd.s32 s2, s16  }
0x8e: {  	[smem:$0x3FB0] =	sst s2  }
0x8f: {  	_ = 	snop  }
0x90: {  	(tm) =	ssettm $0x1  }
0x91: {  	s17 =	sld [smem:$0x3FFB];
	_ =	sdelay $0x3  }
0x92: {  	_ =	strace s17  }
0x93: {  	s2 =	sld [smem:$0x3FFC];
	_ =	sdelay $0x3  }
0x94: {  	_ =	strace s2  }
0x95: {  	s2 =	sld [smem:$0x3FFD];
	_ =	sdelay $0x3  }
0x96: {  	_ =	strace s2  }
0x97: {  	_ =	strace $0x8FFFFFFF  }
0x98: {  	s18 =	sld [smem:$0x3FDB];
	_ =	sdelay $0x1  }
0x99: {  	s19 =	simm.s32 $_scs_section_size  }
0x9a: {  	s4 =	simm.s32 $_size__tile_overlayer_lowered;
	s5 =	simm.s32 $_tile_overlayer_lowered  }
0x9b: {  	s22 =	simm.s32 $0x1BFF;
	s21 =	sshll.u32 s5, $0x1;
	s2 =	sadd.s32 s19, s18  }
0x9c: {  	s6 =	simm.s32 $0x0;
	s20 =	sshll.u32 s4, $0x1;
	s4 =	sadd.s32 s21, s2  }
0x9d: {  	[timem:s6], [sflag:s22] =	dma.local [hbm:s4], s20  }
0x9e: {  	_ =	swait.ge [sflag:s22], s20  }
0x9f: {  	s3 =	ssub.s32 $0x0, s20;
	[sflag:s22] =	ssyncset.done $0x0  }
0xa0: {  	[sflag:s22] =	ssyncadd.s32 s3;
	_ =	sdelay $0x1  }
0xa1: {  	s23 =	simm.s32 $0x1B8B  }
0xa2: {  	_ =	swait.ge [sflag:s23], $0x1  }
0xa3: {  	[sflag:s23] =	ssyncset.done $0x0  }
0xa4: {  	s25 =	simm.s32 $0x1B8E;
	s24 =	sld [smem:$0x3FFE];
	[sflag:s23] =	ssyncadd.s32 $0xFFFFFFFF  }
0xa5: {  	s26 =	simm.s32 $execute0_lowered;
	[smem:$0x3FD2] =	sst s25  }
0xa6: {  	s4 =	sshll.u32 s26, $0x1;
	_ =	strace $0x80000046;
	[dreg:$0x1] =	wrdreg $0xFFFFFFFF  }
0xa7: {  	s28 =	simm.s32 $_size_execute0_lowered;
	s2 =	sadd.s32 s2, s4;
	[dreg:$0x0] =	wrdreg $0x0  }
0xa8: {  	s4 =	sshll.u32 s28, $0x1;
	[dreg:$0x2] =	wrdreg s2  }
0xa9: {  	[dreg:$0x3] =	wrdreg s4  }
0xaa: {  	[dreg:$0x4] =	wrdreg $0xC0  }
0xab: {  	_ =	task [dreg:s6], $0x5FFFF  }
0xac: {  	[dreg:$0x1] =	wrdreg $0xFFFFFFFF  }
0xad: {  	[dreg:$0x0] =	wrdreg $0x60  }
0xae: {  	[dreg:$0x2] =	wrdreg s24  }
0xaf: {  	[dreg:$0x3] =	wrdreg $0x9  }
0xb0: {  	_ =	task.clear_ibuf [dreg:s6], $0x4FFFF;
	_ =	strace $0x90000046  }
0xb1: {  	s29 =	simm.s32 $0x9;
	_ =	strace $0x80000048  }
0xb2: {  	_ =	swait.ge [sflag:s29], $0x1  }
0xb3: {  	[sflag:s29] =	ssyncadd.s32 $0xFFFFFFFF  }
0xb4: {  	_ =	strace $0x90000048  }
0xb5: {  	_ =	sfence  }
0xb6: {  	s30 =	sld [smem:$0x0];
	_ =	sdelay $0x2  }
0xb7: {  	s31 =	sshll.u32 s1, $0xD;
	s1 =	sshrl.u32 s1, $0x2  }
0xb8: {  	s3 =	sand.u32 $0x4000, s31;
	s1 =	sadd.s32 s1, s30  }
0xb9: {  	s0 =	sor.u32 s3, s0;
	s1 =	sshll.u32 s1, $0x11  }
0xba: {  	s0 =	sor.u32 s1, s0  }
0xbb: {  	s0 =	sadd.s32 $0x8F2B, s0  }
0xbc: {  	[sflag:s0] =	ssyncadd.remote.s32 $0x1  }
0xbd: {  	_ =	sfence.sel $0xFFFF  }
0xbe: {  	[dreg:$0x0] =	wrdreg $0xFFFFFFFF;
	(pc) =	sbr.abs _section_cstart, $3  }
0xbf: {  	[dreg:$0x1] =	wrdreg $0xFFFFFFFF  }
0xc0: {  	_ =	task.clear_ibuf [dreg:s6], $0x2FFFF;
	_ =	strace $0x9FFFFFFF  }
0xc1: {  	(tm) =	ssettm $0x7FFFFFFF  }
tec
execute0_lowered:
.L_overlay_start_1:
0x0: {  	(tag) =	ssettag $0x1  }
0x1: {  	s0 =	stileid.u32  }
0x2: {  	s4 =	smul.u32 $0x1880, s0  }
0x3: {  	s1 =	srdreg.scid;
	s6 =	smul.u32 $0x18800, s0  }
0x4: {  	s5 =	sand.u32 $0x1, s1;
	s10 =	smul.u32 $0x188, s0  }
0x5: {  	s3 =	rddreg [dreg:$0x0];
	s9 =	smul.u32 $0xC40, s5  }
0x6: {  	s2 =	simm.s32 $0x0;
	s1 =	rddreg [dreg:$0x1];
	s30 =	smul.u32 $0xC400, s5  }
0x7: {  	[smem:$0x7FF] =	sst s2;
	s7 =	ssub.s32 $0x2, s5;
	s31 =	smul.u32 $0xC4, s5  }
0x8: {  	_ =	strace $0x80000047;
	s8 =	sshrl.u32 s7, $0x1;
	s4 =	sadd.s32 s4, s3  }
0x9: {  	s6 =	sadd.s32 s6, s3;
	s3 =	sadd.s32 $0x6CE00, s3;
	s7 =	ssub.s32 s7, s8  }
0xa: {  	s9 =	sadd.s32 s9, s4;
	s6 =	sadd.s32 s30, s6;
	s4 =	smax.u32 s7, $0x1  }
0xb: {  	s5 =	sadd.s32 $0x22A00, s9;
	s6 =	sadd.s32 $0x85E00, s6;
	s7 =	sadd.s32 s31, s10  }
.LBB2_1:
0xc: {  	s8 =	sadd.s32 $0x0, s7  }
0xd: {  	p0 =	sgt.u32 s8, $0x1869  }
0xe: {  	s8 =	simm.s32 @!p0 $0x0;
	s9 =	simm.s32 @!p0 $0x3  }
0xf: {  	[tilespmem:s8], [sflag:$0x3] =	stream.linear.gather @!p0 [hbm4b:s5+s8], $0x80, $0x38;
	[tilespmem:$0x880] =	vst v63  }
0x10: {  	_ =	swait.ge @!p0 [sflag:s9], $0x80  }
0x11: {  	[sflag:s9] =	ssyncset.done @!p0 $0x0;
	p0 =	por p0, p0  }
0x12: {  	[sflag:s9] =	ssyncadd.s32 @!p0 $0xFFFFFF80;
	s10 =	simm.s32 @!p0 $0x80;
	s11 =	simm.s32 @!p0 $0x1  }
0x13: {  	[tilespmem:s10], [sflag:$0x1] =	stream.indirect.gather @!p0 [hbm4b:s3+s10], $0x10, s8, s10, $0xb8;
	[tilespmem:$0x880] =	vst v63  }
0x14: {  	_ =	swait.ge @!p0 [sflag:s11], $0x800  }
0x15: {  	[sflag:s11] =	ssyncset.done @!p0 $0x0  }
0x16: {  	s31 =	sadd.s32 $0x1, s7;
	[sflag:s11] =	ssyncadd.s32 @!p0 $0xFFFFF800;
	s11 =	simm.s32 @!p0 $0x2  }
0x17: {  	[hbm4b:s6+s8] =	stream.linear.scatter @!p0 [tilespmem:s10], [sflag:$0x2], $0x800, $0x38;
	[tilespmem:$0x880] =	vst v63  }
0x18: {  	p1 =	sgt.u32 s31, $0x1869;
	s9 =	simm.s32 $0x2;
	_ =	swait.ge @!p0 [sflag:s11], $0x800  }
0x19: {  	s8 =	sadd.s32 $0x100, s6;
	s10 =	sadd.s32 $0x10, s5;
	[sflag:s11] =	ssyncset.done @!p0 $0x0  }
.LBB2_2:
0x1a: {  	s12 =	simm.s32 @!p1 $0x0;
	s13 =	simm.s32 @!p1 $0x3;
	[sflag:s11] =	ssyncadd.s32 @!p0 $0xFFFFF800  }
0x1b: {  	[tilespmem:s12], [sflag:$0x3] =	stream.linear.gather @!p1 [hbm4b:s10+s12], $0x80, $0x38;
	[tilespmem:$0x880] =	vst v63  }
0x1c: {  	s14 =	smov.u32 s9;
	s9 =	sadd.s32 $0x1, s9;
	_ =	swait.ge @!p1 [sflag:s13], $0x80  }
0x1d: {  	p0 =	por p1, p1;
	p2 =	sne.s32 s9, $0xC4;
	[sflag:s13] =	ssyncset.done @!p1 $0x0  }
0x1e: {  	s11 =	simm.s32 @!p0 $0x1;
	[sflag:s13] =	ssyncadd.s32 @!p0 $0xFFFFFF80;
	s13 =	simm.s32 @!p0 $0x80  }
0x1f: {  	[tilespmem:s13], [sflag:$0x1] =	stream.indirect.gather @!p0 [hbm4b:s3+s13], $0x10, s12, s13, $0xb8;
	[tilespmem:$0x880] =	vst v63  }
0x20: {  	_ =	swait.ge @!p0 [sflag:s11], $0x800  }
.Ltmp0:
0x21: {  	[sflag:s11] =	ssyncset.done @!p0 $0x0;
	(pc) =	sbr.rel @p2 .LBB2_2-.Ltmp0, $4  }
0x22: {  	[sflag:s11] =	ssyncadd.s32 @!p0 $0xFFFFF800;
	s11 =	simm.s32 @!p0 $0x2  }
0x23: {  	[hbm4b:s8+s12] =	stream.linear.scatter @!p0 [tilespmem:s13], [sflag:$0x2], $0x800, $0x38;
	[tilespmem:$0x880] =	vst v63  }
0x24: {  	s12 =	sadd.s32 s14, s7;
	s8 =	sadd.s32 $0x100, s8;
	_ =	swait.ge @!p0 [sflag:s11], $0x800  }
0x25: {  	s10 =	sadd.s32 $0x10, s10;
	p1 =	sgt.u32 s12, $0x1869;
	[sflag:s11] =	ssyncset.done @!p0 $0x0  }
0x26: {  	s9 =	simm.s32 @!p1 $0x0;
	s12 =	simm.s32 @!p1 $0x3;
	[sflag:s11] =	ssyncadd.s32 @!p0 $0xFFFFF800  }
0x27: {  	[tilespmem:s9], [sflag:$0x3] =	stream.linear.gather @!p1 [hbm4b:s10+s9], $0x80, $0x38;
	[tilespmem:$0x880] =	vst v63  }
0x28: {  	_ =	swait.ge @!p1 [sflag:s12], $0x80  }
0x29: {  	p0 =	por p1, p1;
	[sflag:s12] =	ssyncset.done @!p1 $0x0  }
0x2a: {  	s10 =	simm.s32 @!p0 $0x80;
	s11 =	simm.s32 @!p0 $0x1;
	[sflag:s12] =	ssyncadd.s32 @!p0 $0xFFFFFF80  }
0x2b: {  	[tilespmem:s10], [sflag:$0x1] =	stream.indirect.gather @!p0 [hbm4b:s3+s10], $0x10, s9, s10, $0xb8;
	[tilespmem:$0x880] =	vst v63  }
0x2c: {  	s2 =	sadd.s32 $0x1, s2;
	_ =	swait.ge @!p0 [sflag:s11], $0x800  }
0x2d: {  	p1 =	sne.s32 s2, s4;
	[sflag:s11] =	ssyncset.done @!p0 $0x0  }
.Ltmp1:
0x2e: {  	[sflag:s11] =	ssyncadd.s32 @!p0 $0xFFFFF800;
	s11 =	simm.s32 @!p0 $0x2;
	(pc) =	sbr.rel @p1 .LBB2_1-.Ltmp1, $4  }
0x2f: {  	[hbm4b:s8+s9] =	stream.linear.scatter @!p0 [tilespmem:s10], [sflag:$0x2], $0x800, $0x38;
	[tilespmem:$0x880] =	vst v63  }
0x30: {  	_ =	swait.ge @!p0 [sflag:s11], $0x800  }
0x31: {  	[sflag:s11] =	ssyncset.done @!p0 $0x0  }
0x32: {  	[sflag:s11] =	ssyncadd.s32 @!p0 $0xFFFFF800  }
0x33: {  	_ =	sfence.sel $0x180000  }
0x34: {  	[bflag:$0x0] =	sbarrier.arrive $0xFFFF  }
0x35: {  	p0 =	sne.s32 s0, $0x0;
	_ =	strace $0x90000047  }
0x36: {  	s0 =	sadd.s32 @!p0 $0x100000, s1;
	[bflag:$0x2] =	sbarrier.arrive $0xFFFF  }
0x37: {  	[sflag:s0] =	ssyncadd.tile.s32 @!p0 $0x1;
	_ =	shalt  }
.Lfunc_end2:
_tile_overlayer_lowered:
.L_overlay_start_2:
0x38: {  	(tag) =	ssettag $0x2  }
0x39: {  	s0 =	rddreg [dreg:$0x0];
	s2 =	stileid.u32  }
0x3a: {  	s1 =	rddreg [dreg:$0x1];
	p0 =	sne.s32 s2, $0x0  }
0x3b: {  	s3 =	rddreg [dreg:$0x2];
	[bflag:$0x3] =	sbarrier.arrive $0xFFFF;
	s2 =	simm.s32 @!p0 $0x1C02  }
0x3c: {  	[timem:s3], [sflag:s2] =	dma.local @!p0 [hbm:s0], s1  }
0x3d: {  	s0 =	simm.s32 @!p0 $0x2  }
0x3e: {  	_ =	swait.ge @!p0 [sflag:s0], s1  }
0x3f: {  	s1 =	ssub.s32 @!p0 $0x0, s1;
	[sflag:s0] =	ssyncset.done @!p0 $0x0  }
0x40: {  	[sflag:s0] =	ssyncadd.s32 @!p0 s1  }
0x41: {  	[bflag:$0x3] =	sbarrier.arrive $0xFFFF  }
0x42: {  	_ =	shalt  }

// kernel: kernel.23.cloned.1.call-start
scs
__scs_entry_jumppad:
0x0: {  	(pc) =	sbr.rel $0x88, $3  }
0x1: {  	(tag) =	ssettag $0x0;
	lr =	simm.s32 $0x1  }
0x2: {  	[smem:$0x3F89] =	sst lr;
	_ =	strace $0xD0000000  }
0x3: {  	_ = 	snop  }
0x4: {  	_ = 	snop  }
0x5: {  	_ = 	snop  }
0x6: {  	_ = 	snop  }
0x7: {  	_ = 	snop  }
__scs_overlays_trampoline_lowered:
0x8: {  	[smem:$0x3F98] =	sst s0  }
0x9: {  	[smem:$0x3F99] =	sst s1  }
0xa: {  	[smem:$0x3F9A] =	sst s2  }
0xb: {  	[smem:$0x3F9B] =	sst s3  }
0xc: {  	[smem:$0x3F9C] =	sst s4  }
0xd: {  	[smem:$0x3F9D] =	sst s5  }
0xe: {  	[smem:$0x3F9E] =	sst s6  }
0xf: {  	[smem:$0x3F9F] =	sst s7  }
0x10: {  	[smem:$0x3FA0] =	sst s8  }
0x11: {  	[smem:$0x3FA1] =	sst s9;
	s0 =	simm.s32 @!p0 $0x0  }
0x12: {  	s1 =	sld [smem:$0x3F87];
	s0 =	simm.s32 @p0 $0x1  }
0x13: {  	[smem:$0x3FA2] =	sst s0;
	s0 =	simm.s32 @!p1 $0x0  }
0x14: {  	s2 =	sld [smem:$0x3F86];
	s0 =	simm.s32 @p1 $0x1  }
0x15: {  	[smem:$0x3FA3] =	sst s0;
	s0 =	simm.s32 @!p2 $0x0  }
0x16: {  	s3 =	sld [smem:$0x3FDB];
	s0 =	simm.s32 @p2 $0x1  }
0x17: {  	s4 =	simm.s32 $0x1BF5;
	[smem:$0x3FA5] =	sst s0  }
0x18: {  	s0 =	sld [smem:$0x3F88];
	_ =	swait.ge [sflag:s4], $0x0  }
0x19: {  	s7 =	sld [smem:$0x3F89]  }
0x1a: {  	s8 =	sadd.s32 $0xFFFFE003, lr  }
0x1b: {  	s9 =	sadd.s32 $0xFFFFFEF7, lr;
	s5 =	simm.s32 $0xFFFFFFFF;
	p2 =	slt.u32 s8, $0xFFFFF086  }
0x1c: {  	p1 =	slt.u32 s9, $0xF7A;
	s5 =	simm.s32 @!p2 $0x0  }
0x1d: {  	s5 =	simm.s32 @p1 $0x1;
	p0 =	seq.s32 s7, s2  }
0x1e: {  	s7 =	smul.u32 @!p0 $0xF7A, s2;
	p2 =	seq.s32 @!p0 s5, $0x0  }
0x1f: {  	s9 =	smul.u32 $0xF7A, s1;
	s8 =	simm.s32 @!p0 $0x1BF5;
	p2 =	por !p2, p0  }
0x20: {  	[sflag:s8] =	ssyncset.s32 @!p0 $0xFFFFF086;
	s6 =	sadd.s32 @!p0 s3, s7;
	s7 =	simm.s32 @!p0 $0x108  }
0x21: {  	s3 =	sadd.s32 s3, s9;
	s6 =	sadd.s32 @!p0 $0x88, s6;
	s7 =	simm.s32 @p2 $0x1082  }
0x22: {  	[simem:s7], [sflag:s8] =	dma.local @!p0 [hbm:s6], $0xF7A  }
0x23: {  	s9 =	sor.u32 $0xD0000000, s2;
	s6 =	simm.s32 $0x108;
	_ =	swait.ge @!p0 [sflag:s8], $0x0  }
0x24: {  	s3 =	sadd.s32 $0x88, s3;
	s6 =	simm.s32 @!p1 $0x1082;
	[sflag:s4] =	ssyncset.s32 $0xFFFFF086  }
0x25: {  	[simem:s6], [sflag:s4] =	dma.local [hbm:s3], $0xF7A  }
0x26: {  	[smem:$0x3F89] =	sst s1;
	(tag) =	ssettag s2;
	_ =	strace s9  }
0x27: {  	s1 =	sld [smem:$0x3F99]  }
0x28: {  	s2 =	sld [smem:$0x3F9A]  }
0x29: {  	s4 =	sld [smem:$0x3F9C]  }
0x2a: {  	p0 =	seq.s32 s5, $0x0;
	s5 =	sld [smem:$0x3F9D]  }
0x2b: {  	s6 =	sld [smem:$0x3F9E]  }
0x2c: {  	s7 =	sld [smem:$0x3F9F]  }
0x2d: {  	s3 =	simm.s32 $0x108;
	s8 =	sld [smem:$0x3FA0]  }
0x2e: {  	s3 =	simm.s32 @!p0 $0x1082;
	s9 =	sld [smem:$0x3FA1]  }
0x2f: {  	lr =	sadd.s32 s0, s3;
	s0 =	sld [smem:$0x3F98]  }
0x30: {  	s3 =	sld [smem:$0x3F9B]  }
0x31: {  	[smem:$0x3FA4] =	sst s10  }
0x32: {  	s10 =	sld [smem:$0x3FA2];
	_ =	sdelay $0x3  }
0x33: {  	p0 =	seq.s32 s10, $0x1;
	s10 =	sld [smem:$0x3FA4];
	_ =	sdelay $0x3  }
0x34: {  	[smem:$0x3FA4] =	sst s10  }
0x35: {  	s10 =	sld [smem:$0x3FA3];
	_ =	sdelay $0x3  }
0x36: {  	p1 =	seq.s32 s10, $0x1;
	s10 =	sld [smem:$0x3FA4];
	_ =	sdelay $0x3  }
0x37: {  	[smem:$0x3FA4] =	sst s10  }
0x38: {  	s10 =	sld [smem:$0x3FA5]  }
0x39: {  	_ = 	snop;
	(pc) =	sbr.ind lr, $3  }
0x3a: {  	_ = 	snop  }
0x3b: {  	_ = 	snop  }
0x3c: {  	p2 =	seq.s32 s10, $0x1;
	s10 =	sld [smem:$0x3FA4]  }
0x3d: {  	_ =	shalt  }
0x3e: {  	_ =	shalt  }
0x3f: {  	_ =	shalt  }
0x40: {  	_ =	shalt  }
0x41: {  	_ =	shalt  }
0x42: {  	_ =	shalt  }
0x43: {  	_ =	shalt  }
0x44: {  	_ =	shalt  }
0x45: {  	_ =	shalt  }
0x46: {  	_ =	shalt  }
0x47: {  	_ =	shalt  }
0x48: {  	_ =	shalt  }
0x49: {  	_ =	shalt  }
0x4a: {  	_ =	shalt  }
0x4b: {  	_ =	shalt  }
0x4c: {  	_ =	shalt  }
0x4d: {  	_ =	shalt  }
0x4e: {  	_ =	shalt  }
0x4f: {  	_ =	shalt  }
0x50: {  	_ =	shalt  }
0x51: {  	_ =	shalt  }
0x52: {  	_ =	shalt  }
0x53: {  	_ =	shalt  }
0x54: {  	_ =	shalt  }
0x55: {  	_ =	shalt  }
0x56: {  	_ =	shalt  }
0x57: {  	_ =	shalt  }
0x58: {  	_ =	shalt  }
0x59: {  	_ =	shalt  }
0x5a: {  	_ =	shalt  }
0x5b: {  	_ =	shalt  }
0x5c: {  	_ =	shalt  }
0x5d: {  	_ =	shalt  }
0x5e: {  	_ =	shalt  }
0x5f: {  	_ =	shalt  }
0x60: {  	_ =	shalt  }
0x61: {  	_ =	shalt  }
0x62: {  	_ =	shalt  }
0x63: {  	_ =	shalt  }
0x64: {  	_ =	shalt  }
0x65: {  	_ =	shalt  }
0x66: {  	_ =	shalt  }
0x67: {  	_ =	shalt  }
0x68: {  	_ =	shalt  }
0x69: {  	_ =	shalt  }
0x6a: {  	_ =	shalt  }
0x6b: {  	_ =	shalt  }
0x6c: {  	_ =	shalt  }
0x6d: {  	_ =	shalt  }
0x6e: {  	_ =	shalt  }
0x6f: {  	_ =	shalt  }
0x70: {  	_ =	shalt  }
0x71: {  	_ =	shalt  }
0x72: {  	_ =	shalt  }
0x73: {  	_ =	shalt  }
0x74: {  	_ =	shalt  }
0x75: {  	_ =	shalt  }
0x76: {  	_ =	shalt  }
0x77: {  	_ =	shalt  }
0x78: {  	_ =	shalt  }
0x79: {  	_ =	shalt  }
0x7a: {  	_ =	shalt  }
0x7b: {  	_ =	shalt  }
0x7c: {  	_ =	shalt  }
0x7d: {  	_ =	shalt  }
0x7e: {  	_ =	shalt  }
0x7f: {  	_ =	shalt  }
0x80: {  	_ =	shalt  }
0x81: {  	_ =	shalt  }
0x82: {  	_ =	shalt  }
0x83: {  	_ =	shalt  }
0x84: {  	_ =	shalt  }
0x85: {  	_ =	shalt  }
0x86: {  	_ =	shalt  }
0x87: {  	_ =	shalt  }
.Lfunc_end0:
.L_simem_size_0:
called_computation.5_lowered:
.L_overlay_start_0:
0x88: {  	s2 =	sld [smem:$0x3FD9]  }
0x89: {  	s3 =	sld [smem:$0x3FFE];
	_ =	sdelay $0x1  }
0x8a: {  	s1 =	srdreg.scid  }
0x8b: {  	s0 =	sand.u32 $0x1, s1  }
0x8c: {  	s17 =	sshll.u32 s0, $0xA;
	s2 =	sadd.s32 s3, s2  }
0x8d: {  	s2 =	sadd.s32 s2, s17  }
0x8e: {  	[smem:$0x3FB0] =	sst s2  }
0x8f: {  	_ = 	snop  }
0x90: {  	(tm) =	ssettm $0x1  }
0x91: {  	s18 =	sld [smem:$0x3FFB];
	_ =	sdelay $0x3  }
0x92: {  	_ =	strace s18  }
0x93: {  	s2 =	sld [smem:$0x3FFC];
	_ =	sdelay $0x3  }
0x94: {  	_ =	strace s2  }
0x95: {  	s2 =	sld [smem:$0x3FFD];
	_ =	sdelay $0x3  }
0x96: {  	_ =	strace s2  }
0x97: {  	_ =	strace $0x8FFFFFFF  }
0x98: {  	s19 =	sld [smem:$0x3FDB];
	_ =	sdelay $0x1  }
0x99: {  	s20 =	simm.s32 $_scs_section_size  }
0x9a: {  	s4 =	simm.s32 $_size__tile_overlayer_lowered;
	s5 =	simm.s32 $_tile_overlayer_lowered  }
0x9b: {  	s6 =	simm.s32 $0x1BFF;
	s21 =	sshll.u32 s5, $0x1;
	s3 =	sadd.s32 s20, s19  }
0x9c: {  	s22 =	simm.s32 $0x0;
	s4 =	sshll.u32 s4, $0x1;
	s5 =	sadd.s32 s21, s3  }
0x9d: {  	[timem:s22], [sflag:s6] =	dma.local [hbm:s5], s4  }
0x9e: {  	_ =	swait.ge [sflag:s6], s4  }
0x9f: {  	s4 =	ssub.s32 $0x0, s4;
	[sflag:s6] =	ssyncset.done $0x0  }
0xa0: {  	[sflag:s6] =	ssyncadd.s32 s4;
	_ =	sdelay $0x1  }
0xa1: {  	s23 =	simm.s32 $0x1B8B  }
0xa2: {  	_ =	swait.ge [sflag:s23], $0x1  }
0xa3: {  	[sflag:s23] =	ssyncset.done $0x0  }
0xa4: {  	[sflag:s23] =	ssyncadd.s32 $0xFFFFFFFF  }
0xa5: {  	s4 =	sld [smem:$0x0]  }
0xa6: {  	s5 =	sand.u32 $0xFFFFFFFE, s1  }
0xa7: {  	p0 =	sne.s32 s1, s5  }
0xa8: {  	s5 =	sshll.u32 @p0 s5, $0xE  }
0xa9: {  	s5 =	sadd.s32 @p0 $0x11B8D, s5;
	s6 =	sshll.u32 @p0 s4, $0x11  }
0xaa: {  	s5 =	sor.u32 @p0 s6, s5  }
0xab: {  	[sflag:s5] =	ssyncadd.remote.s32 @p0 $0x1;
	_ =	sdelay $0x1  }
0xac: {  	s5 =	simm.s32 @p0 $0x1B8D  }
0xad: {  	_ =	swait.eq @p0 [sflag:s5], $0x1  }
0xae: {  	[sflag:s5] =	ssyncadd.s32 @p0 $0xFFFFFFFF  }
0xaf: {  	s6 =	sshll.u32 @!p0 s1, $0xE  }
0xb0: {  	s6 =	sor.u32 @!p0 $0x4000, s6;
	s5 =	simm.s32 @!p0 $0x1B8D  }
0xb1: {  	s4 =	sshll.u32 @!p0 s4, $0x11;
	s6 =	sadd.s32 @!p0 $0x11B8D, s6;
	_ =	swait.eq @!p0 [sflag:s5], $0x1  }
0xb2: {  	s4 =	sor.u32 @!p0 s4, s6;
	[sflag:s5] =	ssyncadd.s32 @!p0 $0xFFFFFFFF  }
0xb3: {  	s25 =	simm.s32 $0x1B8E;
	s24 =	sld [smem:$0x3FFE];
	[sflag:s4] =	ssyncadd.remote.s32 @!p0 $0x1  }
0xb4: {  	s26 =	simm.s32 $execute0_lowered;
	[smem:$0x3FD2] =	sst s25  }
0xb5: {  	s5 =	sshll.u32 s26, $0x1;
	_ =	strace $0x8000004F;
	[dreg:$0x1] =	wrdreg $0xFFFFFFFF  }
0xb6: {  	s28 =	simm.s32 $_size_execute0_lowered;
	s3 =	sadd.s32 s3, s5;
	[dreg:$0x0] =	wrdreg $0x0  }
0xb7: {  	s5 =	sshll.u32 s28, $0x1;
	[dreg:$0x2] =	wrdreg s3  }
0xb8: {  	[dreg:$0x3] =	wrdreg s5  }
0xb9: {  	[dreg:$0x4] =	wrdreg $0xC0  }
0xba: {  	_ =	task [dreg:s22], $0x5FFFF  }
0xbb: {  	[dreg:$0x1] =	wrdreg $0xFFFFFFFF  }
0xbc: {  	[dreg:$0x0] =	wrdreg $0x60  }
0xbd: {  	[dreg:$0x2] =	wrdreg s24  }
0xbe: {  	[dreg:$0x3] =	wrdreg $0x30800  }
0xbf: {  	[dreg:$0x4] =	wrdreg $0xA  }
0xc0: {  	_ =	task.clear_ibuf [dreg:s22], $0x5FFFF;
	_ =	strace $0x9000004F  }
0xc1: {  	s29 =	simm.s32 $0xA;
	_ =	strace $0x80000051  }
0xc2: {  	_ =	swait.ge [sflag:s29], $0x1  }
0xc3: {  	[sflag:s29] =	ssyncadd.s32 $0xFFFFFFFF  }
0xc4: {  	_ =	strace $0x90000051  }
0xc5: {  	_ =	sfence  }
0xc6: {  	s30 =	sld [smem:$0x0];
	_ =	sdelay $0x2  }
0xc7: {  	s31 =	sshll.u32 s1, $0xD;
	s1 =	sshrl.u32 s1, $0x2  }
0xc8: {  	s4 =	sand.u32 $0x4000, s31;
	s1 =	sadd.s32 s1, s30  }
0xc9: {  	s0 =	sor.u32 s4, s0;
	s1 =	sshll.u32 s1, $0x11  }
0xca: {  	s0 =	sor.u32 s1, s0  }
0xcb: {  	s0 =	sadd.s32 $0x8F2B, s0  }
0xcc: {  	[sflag:s0] =	ssyncadd.remote.s32 $0x1  }
0xcd: {  	_ =	sfence.sel $0xFFFF  }
0xce: {  	[dreg:$0x0] =	wrdreg $0xFFFFFFFF;
	(pc) =	sbr.abs _section_cstart, $3  }
0xcf: {  	[dreg:$0x1] =	wrdreg $0xFFFFFFFF  }
0xd0: {  	_ =	task.clear_ibuf [dreg:s22], $0x2FFFF;
	_ =	strace $0x9FFFFFFF  }
0xd1: {  	(tm) =	ssettm $0x7FFFFFFF  }
tec
execute0_lowered:
.L_overlay_start_1:
0x0: {  	(tag) =	ssettag $0x1  }
0x1: {  	s1 =	stileid.u32  }
0x2: {  	s5 =	smul.u32 $0x18800, s1  }
0x3: {  	s7 =	smul.u32 $0x1880, s1  }
0x4: {  	s21 =	smul.u32 $0x32000, s1  }
0x5: {  	s4 =	rddreg [dreg:$0x0];
	s8 =	smul.u32 $0xC80, s1  }
0x6: {  	s6 =	srdreg.scid;
	s17 =	smul.u32 $0x1900, s1  }
0x7: {  	s2 =	rddreg [dreg:$0x1];
	s10 =	sand.u32 $0x1, s6;
	s29 =	smul.u32 $0x188, s1  }
0x8: {  	s0 =	rddreg [dreg:$0x2];
	s3 =	simm.s32 $0x0;
	s20 =	smul.u32 $0x19000, s10  }
0x9: {  	[smem:$0x7FF] =	sst s3;
	s18 =	smul.u32 $0xC40, s10  }
0xa: {  	_ =	strace $0x80000050;
	s6 =	ssub.s32 $0x2, s10;
	s28 =	smul.u32 $0xC400, s10  }
0xb: {  	s31 =	smul.u32 $0xC4, s10;
	s11 =	sadd.s32 s5, s4;
	s12 =	sadd.s32 s7, s4  }
0xc: {  	s22 =	sshrl.u32 s6, $0x1;
	s23 =	sshrl.u32 s21, $0x2;
	s13 =	sadd.s32 $0x280, s8  }
0xd: {  	s14 =	sadd.s32 $0x500, s8;
	s15 =	sadd.s32 $0x780, s8;
	s16 =	sadd.s32 $0xA00, s8  }
0xe: {  	s4 =	sadd.s32 s20, s4;
	s5 =	ssub.s32 s6, s22;
	s24 =	sshll.u32 s13, $0x4  }
0xf: {  	s25 =	sshll.u32 s14, $0x4;
	s9 =	sshll.u32 s15, $0x4;
	s26 =	sshll.u32 s16, $0x4  }
0x10: {  	s20 =	sshll.u32 s13, $0x1;
	s21 =	sshll.u32 s14, $0x1;
	s12 =	sadd.s32 s18, s12  }
0x11: {  	s30 =	sshll.u32 s15, $0x1;
	s11 =	sadd.s32 s28, s11;
	s22 =	sshll.u32 s16, $0x1  }
0x12: {  	s13 =	simm.s32 $0x880;
	s14 =	simm.s32 $0x1;
	s19 =	sadd.s32 $0x1F4A00, s4  }
0x13: {  	s4 =	sadd.s32 s23, s2;
	s5 =	smax.u32 s5, $0x1;
	s6 =	sadd.s32 s24, s2  }
0x14: {  	s7 =	sadd.s32 s25, s2;
	s8 =	sadd.s32 s9, s2;
	s9 =	sadd.s32 s26, s2  }
0x15: {  	s10 =	sadd.s32 $0x3B200, s12;
	s11 =	sadd.s32 $0x6CA00, s11;
	s12 =	sadd.s32 s31, s29  }
0x16: {  	s15 =	sadd.s32 s17, s19;
	s16 =	sadd.s32 s20, s19;
	s17 =	sadd.s32 s21, s19  }
0x17: {  	v0 =	vimm.f32 $0.0e+00;
	s18 =	sadd.s32 s30, s19;
	s19 =	sadd.s32 s22, s19;
	s20 =	simm.s32 $0x0  }
.LBB2_1:
0x18: {  	s21 =	simm.s32 $0x40;
	s22 =	simm.s32 $0x0  }
.LBB2_2:
0x19: {  	p0 =	sne.s32 s21, $0x9FC0;
	[tilespmem:s22+$0x880] =	vst v0;
	s22 =	smov.u32 s21;
	s21 =	sadd.s32 $0x40, s21  }
.Ltmp0:
0x1a: {  	(pc) =	sbr.rel @p0 .LBB2_2-.Ltmp0, $2  }
0x1b: {  	_ =	sdelay $0x2  }
0x1c: {  	s22 =	sshra.s32 s22, $0x2  }
0x1d: {  	[tilespmem:s22+$0x880] =	vst v0  }
0x1e: {  	[spmem:s4] =	stream.linear.scatter [tilespmem:s13], [sflag:$0x1], $0x2800, $0x38;
	[tilespmem:$0xF880] =	vst v63  }
0x1f: {  	_ =	swait.ge [sflag:s14], $0x2800  }
0x20: {  	[sflag:s14] =	ssyncset.done $0x0  }
0x21: {  	[sflag:s14] =	ssyncadd.s32 $0xFFFFD800  }
0x22: {  	[spmem:s6] =	stream.linear.scatter [tilespmem:s13], [sflag:$0x1], $0x2800, $0x38;
	[tilespmem:$0xF880] =	vst v63  }
0x23: {  	_ =	swait.ge [sflag:s14], $0x2800  }
0x24: {  	[sflag:s14] =	ssyncset.done $0x0  }
0x25: {  	[sflag:s14] =	ssyncadd.s32 $0xFFFFD800  }
0x26: {  	[spmem:s7] =	stream.linear.scatter [tilespmem:s13], [sflag:$0x1], $0x2800, $0x38;
	[tilespmem:$0xF880] =	vst v63  }
0x27: {  	_ =	swait.ge [sflag:s14], $0x2800  }
0x28: {  	[sflag:s14] =	ssyncset.done $0x0  }
0x29: {  	[sflag:s14] =	ssyncadd.s32 $0xFFFFD800  }
0x2a: {  	[spmem:s8] =	stream.linear.scatter [tilespmem:s13], [sflag:$0x1], $0x2800, $0x38;
	[tilespmem:$0xF880] =	vst v63  }
0x2b: {  	_ =	swait.ge [sflag:s14], $0x2800  }
0x2c: {  	[sflag:s14] =	ssyncset.done $0x0  }
0x2d: {  	[sflag:s14] =	ssyncadd.s32 $0xFFFFD800  }
0x2e: {  	[spmem:s9] =	stream.linear.scatter [tilespmem:s13], [sflag:$0x1], $0x2800, $0x38;
	[tilespmem:$0xF880] =	vst v63  }
0x2f: {  	_ =	swait.ge [sflag:s14], $0x2800  }
0x30: {  	s21 =	sadd.s32 $0x0, s12;
	[sflag:s14] =	ssyncset.done $0x0  }
0x31: {  	p0 =	sgt.u32 s21, $0x1869;
	[sflag:s14] =	ssyncadd.s32 $0xFFFFD800  }
0x32: {  	s21 =	simm.s32 @!p0 $0x0;
	s23 =	simm.s32 @!p0 $0x2;
	[bflag:$0x0] =	sbarrier.arrive $0xFFFF  }
0x33: {  	[tilespmem:s21], [sflag:$0x2] =	stream.linear.gather @!p0 [hbm4b:s10+s21], $0x80, $0x38;
	[tilespmem:$0xF880] =	vst v63  }
0x34: {  	_ =	swait.ge @!p0 [sflag:s23], $0x80  }
0x35: {  	[sflag:s23] =	ssyncset.done @!p0 $0x0;
	p0 =	por p0, p0  }
0x36: {  	[sflag:s23] =	ssyncadd.s32 @!p0 $0xFFFFFF80;
	s25 =	simm.s32 @!p0 $0x80  }
0x37: {  	[tilespmem:s25], [sflag:$0x2] =	stream.linear.gather @!p0 [hbm4b:s11+s21], $0x800, $0x38;
	[tilespmem:$0xF880] =	vst v63  }
0x38: {  	_ =	swait.ge @!p0 [sflag:s23], $0x800  }
0x39: {  	[sflag:s23] =	ssyncset.done @!p0 $0x0  }
0x3a: {  	s31 =	sadd.s32 $0x1, s12;
	s24 =	simm.s32 @!p0 $0x1;
	[sflag:s23] =	ssyncadd.s32 @!p0 $0xFFFFF800  }
0x3b: {  	[spmem:s2] =	stream.indirect.scatter.add.f32 @!p0 [tilespmem:s25], [sflag:$0x1], $0x10, s21, s25, $0xb8;
	[tilespmem:$0xF880] =	vst v63  }
0x3c: {  	s22 =	simm.s32 $0x2;
	p1 =	sgt.u32 s31, $0x1869;
	_ =	swait.ge @!p0 [sflag:s24], $0x800  }
0x3d: {  	s23 =	sadd.s32 $0x10, s10;
	s21 =	sadd.s32 $0x100, s11;
	[sflag:s24] =	ssyncset.done @!p0 $0x0  }
.LBB2_4:
0x3e: {  	s25 =	simm.s32 @!p1 $0x0;
	s26 =	simm.s32 @!p1 $0x2;
	[sflag:s24] =	ssyncadd.s32 @!p0 $0xFFFFF800  }
0x3f: {  	[tilespmem:s25], [sflag:$0x2] =	stream.linear.gather @!p1 [hbm4b:s23+s25], $0x80, $0x38;
	[tilespmem:$0xF880] =	vst v63  }
0x40: {  	s28 =	smov.u32 s22;
	s22 =	sadd.s32 $0x1, s22;
	_ =	swait.ge @!p1 [sflag:s26], $0x80  }
0x41: {  	p0 =	por p1, p1;
	p2 =	sne.s32 s22, $0xC4;
	[sflag:s26] =	ssyncset.done @!p1 $0x0  }
0x42: {  	s29 =	simm.s32 @!p0 $0x80;
	[sflag:s26] =	ssyncadd.s32 @!p0 $0xFFFFFF80  }
0x43: {  	[tilespmem:s29], [sflag:$0x2] =	stream.linear.gather @!p0 [hbm4b:s21+s25], $0x800, $0x38;
	[tilespmem:$0xF880] =	vst v63  }
0x44: {  	_ =	swait.ge @!p0 [sflag:s26], $0x800  }
.Ltmp1:
0x45: {  	[sflag:s26] =	ssyncset.done @!p0 $0x0;
	(pc) =	sbr.rel @p2 .LBB2_4-.Ltmp1, $4  }
0x46: {  	s24 =	simm.s32 @!p0 $0x1;
	[sflag:s26] =	ssyncadd.s32 @!p0 $0xFFFFF800  }
0x47: {  	[spmem:s2] =	stream.indirect.scatter.add.f32 @!p0 [tilespmem:s29], [sflag:$0x1], $0x10, s25, s29, $0xb8;
	[tilespmem:$0xF880] =	vst v63  }
0x48: {  	s21 =	sadd.s32 $0x100, s21;
	s25 =	sadd.s32 s28, s12;
	_ =	swait.ge @!p0 [sflag:s24], $0x800  }
0x49: {  	s23 =	sadd.s32 $0x10, s23;
	p1 =	sgt.u32 s25, $0x1869;
	[sflag:s24] =	ssyncset.done @!p0 $0x0  }
0x4a: {  	s22 =	simm.s32 @!p1 $0x0;
	s25 =	simm.s32 @!p1 $0x2;
	[sflag:s24] =	ssyncadd.s32 @!p0 $0xFFFFF800  }
0x4b: {  	[tilespmem:s22], [sflag:$0x2] =	stream.linear.gather @!p1 [hbm4b:s23+s22], $0x80, $0x38;
	[tilespmem:$0xF880] =	vst v63  }
0x4c: {  	_ =	swait.ge @!p1 [sflag:s25], $0x80  }
0x4d: {  	p0 =	por p1, p1;
	[sflag:s25] =	ssyncset.done @!p1 $0x0  }
0x4e: {  	s23 =	simm.s32 @!p0 $0x80;
	[sflag:s25] =	ssyncadd.s32 @!p0 $0xFFFFFF80  }
0x4f: {  	[tilespmem:s23], [sflag:$0x2] =	stream.linear.gather @!p0 [hbm4b:s21+s22], $0x800, $0x38;
	[tilespmem:$0xF880] =	vst v63  }
0x50: {  	_ =	swait.ge @!p0 [sflag:s25], $0x800  }
0x51: {  	[sflag:s25] =	ssyncset.done @!p0 $0x0  }
0x52: {  	s21 =	simm.s32 @!p0 $0x1;
	[sflag:s25] =	ssyncadd.s32 @!p0 $0xFFFFF800  }
0x53: {  	[spmem:s2] =	stream.indirect.scatter.add.f32 @!p0 [tilespmem:s23], [sflag:$0x1], $0x10, s22, s23, $0xb8;
	[tilespmem:$0xF880] =	vst v63  }
0x54: {  	_ =	swait.ge @!p0 [sflag:s21], $0x800  }
0x55: {  	[sflag:s21] =	ssyncset.done @!p0 $0x0  }
0x56: {  	[sflag:s21] =	ssyncadd.s32 @!p0 $0xFFFFF800  }
0x57: {  	[bflag:$0x0] =	sbarrier.arrive $0xFFFF  }
0x58: {  	[tilespmem:s13], [sflag:$0x1] =	stream.linear.gather [spmem:s4], $0x2800, $0x38;
	[tilespmem:$0xF880] =	vst v63  }
0x59: {  	_ =	swait.ge [sflag:s14], $0x2800  }
0x5a: {  	[sflag:s14] =	ssyncset.done $0x0  }
0x5b: {  	[sflag:s14] =	ssyncadd.s32 $0xFFFFD800  }
0x5c: {  	[hbm4b:s15+s3] =	stream.linear.scatter [tilespmem:s13], [sflag:$0x1], $0x2800, $0x38;
	[tilespmem:$0xF880] =	vst v63  }
0x5d: {  	_ =	swait.ge [sflag:s14], $0x2800  }
0x5e: {  	[sflag:s14] =	ssyncset.done $0x0  }
0x5f: {  	[sflag:s14] =	ssyncadd.s32 $0xFFFFD800  }
0x60: {  	[tilespmem:s13], [sflag:$0x1] =	stream.linear.gather [spmem:s6], $0x2800, $0x38;
	[tilespmem:$0xF880] =	vst v63  }
0x61: {  	_ =	swait.ge [sflag:s14], $0x2800  }
0x62: {  	[sflag:s14] =	ssyncset.done $0x0  }
0x63: {  	[sflag:s14] =	ssyncadd.s32 $0xFFFFD800  }
0x64: {  	[hbm4b:s16+s3] =	stream.linear.scatter [tilespmem:s13], [sflag:$0x1], $0x2800, $0x38;
	[tilespmem:$0xF880] =	vst v63  }
0x65: {  	_ =	swait.ge [sflag:s14], $0x2800  }
0x66: {  	[sflag:s14] =	ssyncset.done $0x0  }
0x67: {  	[sflag:s14] =	ssyncadd.s32 $0xFFFFD800  }
0x68: {  	[tilespmem:s13], [sflag:$0x1] =	stream.linear.gather [spmem:s7], $0x2800, $0x38;
	[tilespmem:$0xF880] =	vst v63  }
0x69: {  	_ =	swait.ge [sflag:s14], $0x2800  }
0x6a: {  	[sflag:s14] =	ssyncset.done $0x0  }
0x6b: {  	[sflag:s14] =	ssyncadd.s32 $0xFFFFD800  }
0x6c: {  	[hbm4b:s17+s3] =	stream.linear.scatter [tilespmem:s13], [sflag:$0x1], $0x2800, $0x38;
	[tilespmem:$0xF880] =	vst v63  }
0x6d: {  	_ =	swait.ge [sflag:s14], $0x2800  }
0x6e: {  	[sflag:s14] =	ssyncset.done $0x0  }
0x6f: {  	[sflag:s14] =	ssyncadd.s32 $0xFFFFD800  }
0x70: {  	[tilespmem:s13], [sflag:$0x1] =	stream.linear.gather [spmem:s8], $0x2800, $0x38;
	[tilespmem:$0xF880] =	vst v63  }
0x71: {  	_ =	swait.ge [sflag:s14], $0x2800  }
0x72: {  	[sflag:s14] =	ssyncset.done $0x0  }
0x73: {  	[sflag:s14] =	ssyncadd.s32 $0xFFFFD800  }
0x74: {  	[hbm4b:s18+s3] =	stream.linear.scatter [tilespmem:s13], [sflag:$0x1], $0x2800, $0x38;
	[tilespmem:$0xF880] =	vst v63  }
0x75: {  	_ =	swait.ge [sflag:s14], $0x2800  }
0x76: {  	[sflag:s14] =	ssyncset.done $0x0  }
0x77: {  	[sflag:s14] =	ssyncadd.s32 $0xFFFFD800  }
0x78: {  	[tilespmem:s13], [sflag:$0x1] =	stream.linear.gather [spmem:s9], $0x2800, $0x38;
	[tilespmem:$0xF880] =	vst v63  }
0x79: {  	s20 =	sadd.s32 $0x1, s20;
	_ =	swait.ge [sflag:s14], $0x2800  }
0x7a: {  	p0 =	sne.s32 s20, s5;
	[sflag:s14] =	ssyncset.done $0x0  }
.Ltmp2:
0x7b: {  	[sflag:s14] =	ssyncadd.s32 $0xFFFFD800;
	(pc) =	sbr.rel @p0 .LBB2_1-.Ltmp2, $4  }
0x7c: {  	[hbm4b:s19+s3] =	stream.linear.scatter [tilespmem:s13], [sflag:$0x1], $0x2800, $0x38;
	[tilespmem:$0xF880] =	vst v63  }
0x7d: {  	_ =	swait.ge [sflag:s14], $0x2800  }
0x7e: {  	[sflag:s14] =	ssyncset.done $0x0  }
0x7f: {  	[sflag:s14] =	ssyncadd.s32 $0xFFFFD800  }
0x80: {  	_ =	sfence.sel $0x180000  }
0x81: {  	[bflag:$0x0] =	sbarrier.arrive $0xFFFF  }
0x82: {  	p0 =	sne.s32 s1, $0x0;
	_ =	strace $0x90000050  }
0x83: {  	s0 =	sadd.s32 @!p0 $0x100000, s0;
	[bflag:$0x2] =	sbarrier.arrive $0xFFFF  }
0x84: {  	[sflag:s0] =	ssyncadd.tile.s32 @!p0 $0x1;
	_ =	shalt  }
.Lfunc_end2:
_tile_overlayer_lowered:
.L_overlay_start_2:
0x85: {  	(tag) =	ssettag $0x2  }
0x86: {  	s0 =	rddreg [dreg:$0x0];
	s2 =	stileid.u32  }
0x87: {  	s1 =	rddreg [dreg:$0x1];
	p0 =	sne.s32 s2, $0x0  }
0x88: {  	s3 =	rddreg [dreg:$0x2];
	[bflag:$0x3] =	sbarrier.arrive $0xFFFF;
	s2 =	simm.s32 @!p0 $0x1C01  }
0x89: {  	[timem:s3], [sflag:s2] =	dma.local @!p0 [hbm:s0], s1  }
0x8a: {  	s0 =	simm.s32 @!p0 $0x1  }
0x8b: {  	_ =	swait.ge @!p0 [sflag:s0], s1  }
0x8c: {  	s1 =	ssub.s32 @!p0 $0x0, s1;
	[sflag:s0] =	ssyncset.done @!p0 $0x0  }
0x8d: {  	[sflag:s0] =	ssyncadd.s32 @!p0 s1  }
0x8e: {  	[bflag:$0x3] =	sbarrier.arrive $0xFFFF  }
0x8f: {  	_ =	shalt  }

// kernel: kernel.26.cloned.1.call-start
scs
__scs_entry_jumppad:
0x0: {  	(pc) =	sbr.rel $0x88, $3  }
0x1: {  	(tag) =	ssettag $0x0;
	lr =	simm.s32 $0x1  }
0x2: {  	[smem:$0x3F89] =	sst lr;
	_ =	strace $0xD0000000  }
0x3: {  	_ = 	snop  }
0x4: {  	_ = 	snop  }
0x5: {  	_ = 	snop  }
0x6: {  	_ = 	snop  }
0x7: {  	_ = 	snop  }
__scs_overlays_trampoline_lowered:
0x8: {  	[smem:$0x3F98] =	sst s0  }
0x9: {  	[smem:$0x3F99] =	sst s1  }
0xa: {  	[smem:$0x3F9A] =	sst s2  }
0xb: {  	[smem:$0x3F9B] =	sst s3  }
0xc: {  	[smem:$0x3F9C] =	sst s4  }
0xd: {  	[smem:$0x3F9D] =	sst s5  }
0xe: {  	[smem:$0x3F9E] =	sst s6  }
0xf: {  	[smem:$0x3F9F] =	sst s7  }
0x10: {  	[smem:$0x3FA0] =	sst s8  }
0x11: {  	[smem:$0x3FA1] =	sst s9;
	s0 =	simm.s32 @!p0 $0x0  }
0x12: {  	s1 =	sld [smem:$0x3F87];
	s0 =	simm.s32 @p0 $0x1  }
0x13: {  	[smem:$0x3FA2] =	sst s0;
	s0 =	simm.s32 @!p1 $0x0  }
0x14: {  	s2 =	sld [smem:$0x3F86];
	s0 =	simm.s32 @p1 $0x1  }
0x15: {  	[smem:$0x3FA3] =	sst s0;
	s0 =	simm.s32 @!p2 $0x0  }
0x16: {  	s3 =	sld [smem:$0x3FDB];
	s0 =	simm.s32 @p2 $0x1  }
0x17: {  	s4 =	simm.s32 $0x1BF5;
	[smem:$0x3FA5] =	sst s0  }
0x18: {  	s0 =	sld [smem:$0x3F88];
	_ =	swait.ge [sflag:s4], $0x0  }
0x19: {  	s7 =	sld [smem:$0x3F89]  }
0x1a: {  	s8 =	sadd.s32 $0xFFFFE003, lr  }
0x1b: {  	s9 =	sadd.s32 $0xFFFFFEF7, lr;
	s5 =	simm.s32 $0xFFFFFFFF;
	p2 =	slt.u32 s8, $0xFFFFF086  }
0x1c: {  	p1 =	slt.u32 s9, $0xF7A;
	s5 =	simm.s32 @!p2 $0x0  }
0x1d: {  	s5 =	simm.s32 @p1 $0x1;
	p0 =	seq.s32 s7, s2  }
0x1e: {  	s7 =	smul.u32 @!p0 $0xF7A, s2;
	p2 =	seq.s32 @!p0 s5, $0x0  }
0x1f: {  	s9 =	smul.u32 $0xF7A, s1;
	s8 =	simm.s32 @!p0 $0x1BF5;
	p2 =	por !p2, p0  }
0x20: {  	[sflag:s8] =	ssyncset.s32 @!p0 $0xFFFFF086;
	s6 =	sadd.s32 @!p0 s3, s7;
	s7 =	simm.s32 @!p0 $0x108  }
0x21: {  	s3 =	sadd.s32 s3, s9;
	s6 =	sadd.s32 @!p0 $0x88, s6;
	s7 =	simm.s32 @p2 $0x1082  }
0x22: {  	[simem:s7], [sflag:s8] =	dma.local @!p0 [hbm:s6], $0xF7A  }
0x23: {  	s9 =	sor.u32 $0xD0000000, s2;
	s6 =	simm.s32 $0x108;
	_ =	swait.ge @!p0 [sflag:s8], $0x0  }
0x24: {  	s3 =	sadd.s32 $0x88, s3;
	s6 =	simm.s32 @!p1 $0x1082;
	[sflag:s4] =	ssyncset.s32 $0xFFFFF086  }
0x25: {  	[simem:s6], [sflag:s4] =	dma.local [hbm:s3], $0xF7A  }
0x26: {  	[smem:$0x3F89] =	sst s1;
	(tag) =	ssettag s2;
	_ =	strace s9  }
0x27: {  	s1 =	sld [smem:$0x3F99]  }
0x28: {  	s2 =	sld [smem:$0x3F9A]  }
0x29: {  	s4 =	sld [smem:$0x3F9C]  }
0x2a: {  	p0 =	seq.s32 s5, $0x0;
	s5 =	sld [smem:$0x3F9D]  }
0x2b: {  	s6 =	sld [smem:$0x3F9E]  }
0x2c: {  	s7 =	sld [smem:$0x3F9F]  }
0x2d: {  	s3 =	simm.s32 $0x108;
	s8 =	sld [smem:$0x3FA0]  }
0x2e: {  	s3 =	simm.s32 @!p0 $0x1082;
	s9 =	sld [smem:$0x3FA1]  }
0x2f: {  	lr =	sadd.s32 s0, s3;
	s0 =	sld [smem:$0x3F98]  }
0x30: {  	s3 =	sld [smem:$0x3F9B]  }
0x31: {  	[smem:$0x3FA4] =	sst s10  }
0x32: {  	s10 =	sld [smem:$0x3FA2];
	_ =	sdelay $0x3  }
0x33: {  	p0 =	seq.s32 s10, $0x1;
	s10 =	sld [smem:$0x3FA4];
	_ =	sdelay $0x3  }
0x34: {  	[smem:$0x3FA4] =	sst s10  }
0x35: {  	s10 =	sld [smem:$0x3FA3];
	_ =	sdelay $0x3  }
0x36: {  	p1 =	seq.s32 s10, $0x1;
	s10 =	sld [smem:$0x3FA4];
	_ =	sdelay $0x3  }
0x37: {  	[smem:$0x3FA4] =	sst s10  }
0x38: {  	s10 =	sld [smem:$0x3FA5]  }
0x39: {  	_ = 	snop;
	(pc) =	sbr.ind lr, $3  }
0x3a: {  	_ = 	snop  }
0x3b: {  	_ = 	snop  }
0x3c: {  	p2 =	seq.s32 s10, $0x1;
	s10 =	sld [smem:$0x3FA4]  }
0x3d: {  	_ =	shalt  }
0x3e: {  	_ =	shalt  }
0x3f: {  	_ =	shalt  }
0x40: {  	_ =	shalt  }
0x41: {  	_ =	shalt  }
0x42: {  	_ =	shalt  }
0x43: {  	_ =	shalt  }
0x44: {  	_ =	shalt  }
0x45: {  	_ =	shalt  }
0x46: {  	_ =	shalt  }
0x47: {  	_ =	shalt  }
0x48: {  	_ =	shalt  }
0x49: {  	_ =	shalt  }
0x4a: {  	_ =	shalt  }
0x4b: {  	_ =	shalt  }
0x4c: {  	_ =	shalt  }
0x4d: {  	_ =	shalt  }
0x4e: {  	_ =	shalt  }
0x4f: {  	_ =	shalt  }
0x50: {  	_ =	shalt  }
0x51: {  	_ =	shalt  }
0x52: {  	_ =	shalt  }
0x53: {  	_ =	shalt  }
0x54: {  	_ =	shalt  }
0x55: {  	_ =	shalt  }
0x56: {  	_ =	shalt  }
0x57: {  	_ =	shalt  }
0x58: {  	_ =	shalt  }
0x59: {  	_ =	shalt  }
0x5a: {  	_ =	shalt  }
0x5b: {  	_ =	shalt  }
0x5c: {  	_ =	shalt  }
0x5d: {  	_ =	shalt  }
0x5e: {  	_ =	shalt  }
0x5f: {  	_ =	shalt  }
0x60: {  	_ =	shalt  }
0x61: {  	_ =	shalt  }
0x62: {  	_ =	shalt  }
0x63: {  	_ =	shalt  }
0x64: {  	_ =	shalt  }
0x65: {  	_ =	shalt  }
0x66: {  	_ =	shalt  }
0x67: {  	_ =	shalt  }
0x68: {  	_ =	shalt  }
0x69: {  	_ =	shalt  }
0x6a: {  	_ =	shalt  }
0x6b: {  	_ =	shalt  }
0x6c: {  	_ =	shalt  }
0x6d: {  	_ =	shalt  }
0x6e: {  	_ =	shalt  }
0x6f: {  	_ =	shalt  }
0x70: {  	_ =	shalt  }
0x71: {  	_ =	shalt  }
0x72: {  	_ =	shalt  }
0x73: {  	_ =	shalt  }
0x74: {  	_ =	shalt  }
0x75: {  	_ =	shalt  }
0x76: {  	_ =	shalt  }
0x77: {  	_ =	shalt  }
0x78: {  	_ =	shalt  }
0x79: {  	_ =	shalt  }
0x7a: {  	_ =	shalt  }
0x7b: {  	_ =	shalt  }
0x7c: {  	_ =	shalt  }
0x7d: {  	_ =	shalt  }
0x7e: {  	_ =	shalt  }
0x7f: {  	_ =	shalt  }
0x80: {  	_ =	shalt  }
0x81: {  	_ =	shalt  }
0x82: {  	_ =	shalt  }
0x83: {  	_ =	shalt  }
0x84: {  	_ =	shalt  }
0x85: {  	_ =	shalt  }
0x86: {  	_ =	shalt  }
0x87: {  	_ =	shalt  }
.Lfunc_end0:
.L_simem_size_0:
called_computation.6_lowered:
.L_overlay_start_0:
0x88: {  	s2 =	sld [smem:$0x3FD9]  }
0x89: {  	s3 =	sld [smem:$0x3FFE];
	_ =	sdelay $0x1  }
0x8a: {  	s1 =	srdreg.scid  }
0x8b: {  	s0 =	sand.u32 $0x1, s1  }
0x8c: {  	s16 =	sshll.u32 s0, $0xA;
	s2 =	sadd.s32 s3, s2  }
0x8d: {  	s2 =	sadd.s32 s2, s16  }
0x8e: {  	[smem:$0x3FB0] =	sst s2  }
0x8f: {  	_ = 	snop  }
0x90: {  	(tm) =	ssettm $0x1  }
0x91: {  	s17 =	sld [smem:$0x3FFB];
	_ =	sdelay $0x3  }
0x92: {  	_ =	strace s17  }
0x93: {  	s2 =	sld [smem:$0x3FFC];
	_ =	sdelay $0x3  }
0x94: {  	_ =	strace s2  }
0x95: {  	s2 =	sld [smem:$0x3FFD];
	_ =	sdelay $0x3  }
0x96: {  	_ =	strace s2  }
0x97: {  	_ =	strace $0x8FFFFFFF  }
0x98: {  	s18 =	sld [smem:$0x3FDB];
	_ =	sdelay $0x1  }
0x99: {  	s19 =	simm.s32 $_scs_section_size  }
0x9a: {  	s4 =	simm.s32 $_size__tile_overlayer_lowered;
	s5 =	simm.s32 $_tile_overlayer_lowered  }
0x9b: {  	s22 =	simm.s32 $0x1BFF;
	s21 =	sshll.u32 s5, $0x1;
	s2 =	sadd.s32 s19, s18  }
0x9c: {  	s6 =	simm.s32 $0x0;
	s20 =	sshll.u32 s4, $0x1;
	s4 =	sadd.s32 s21, s2  }
0x9d: {  	[timem:s6], [sflag:s22] =	dma.local [hbm:s4], s20  }
0x9e: {  	_ =	swait.ge [sflag:s22], s20  }
0x9f: {  	s3 =	ssub.s32 $0x0, s20;
	[sflag:s22] =	ssyncset.done $0x0  }
0xa0: {  	[sflag:s22] =	ssyncadd.s32 s3;
	_ =	sdelay $0x1  }
0xa1: {  	s23 =	simm.s32 $0x1B8B  }
0xa2: {  	_ =	swait.ge [sflag:s23], $0x1  }
0xa3: {  	[sflag:s23] =	ssyncset.done $0x0  }
0xa4: {  	s25 =	simm.s32 $0x1B8E;
	s24 =	sld [smem:$0x3FFE];
	[sflag:s23] =	ssyncadd.s32 $0xFFFFFFFF  }
0xa5: {  	s26 =	simm.s32 $execute0_lowered;
	[smem:$0x3FD2] =	sst s25  }
0xa6: {  	s4 =	sshll.u32 s26, $0x1;
	_ =	strace $0x80000052;
	[dreg:$0x1] =	wrdreg $0xFFFFFFFF  }
0xa7: {  	s28 =	simm.s32 $_size_execute0_lowered;
	s2 =	sadd.s32 s2, s4;
	[dreg:$0x0] =	wrdreg $0x0  }
0xa8: {  	s4 =	sshll.u32 s28, $0x1;
	[dreg:$0x2] =	wrdreg s2  }
0xa9: {  	[dreg:$0x3] =	wrdreg s4  }
0xaa: {  	[dreg:$0x4] =	wrdreg $0xC0  }
0xab: {  	_ =	task [dreg:s6], $0x5FFFF  }
0xac: {  	[dreg:$0x1] =	wrdreg $0xFFFFFFFF  }
0xad: {  	[dreg:$0x0] =	wrdreg $0x60  }
0xae: {  	[dreg:$0x2] =	wrdreg s24  }
0xaf: {  	[dreg:$0x3] =	wrdreg $0x9  }
0xb0: {  	_ =	task.clear_ibuf [dreg:s6], $0x4FFFF;
	_ =	strace $0x90000052  }
0xb1: {  	s29 =	simm.s32 $0x9;
	_ =	strace $0x80000054  }
0xb2: {  	_ =	swait.ge [sflag:s29], $0x1  }
0xb3: {  	[sflag:s29] =	ssyncadd.s32 $0xFFFFFFFF  }
0xb4: {  	_ =	strace $0x90000054  }
0xb5: {  	_ =	sfence  }
0xb6: {  	s30 =	sld [smem:$0x0];
	_ =	sdelay $0x2  }
0xb7: {  	s31 =	sshll.u32 s1, $0xD;
	s1 =	sshrl.u32 s1, $0x2  }
0xb8: {  	s3 =	sand.u32 $0x4000, s31;
	s1 =	sadd.s32 s1, s30  }
0xb9: {  	s0 =	sor.u32 s3, s0;
	s1 =	sshll.u32 s1, $0x11  }
0xba: {  	s0 =	sor.u32 s1, s0  }
0xbb: {  	s0 =	sadd.s32 $0x8F2B, s0  }
0xbc: {  	[sflag:s0] =	ssyncadd.remote.s32 $0x1  }
0xbd: {  	_ =	sfence.sel $0xFFFF  }
0xbe: {  	[dreg:$0x0] =	wrdreg $0xFFFFFFFF;
	(pc) =	sbr.abs _section_cstart, $3  }
0xbf: {  	[dreg:$0x1] =	wrdreg $0xFFFFFFFF  }
0xc0: {  	_ =	task.clear_ibuf [dreg:s6], $0x2FFFF;
	_ =	strace $0x9FFFFFFF  }
0xc1: {  	(tm) =	ssettm $0x7FFFFFFF  }
tec
execute0_lowered:
.L_overlay_start_1:
0x0: {  	(tag) =	ssettag $0x1  }
0x1: {  	s0 =	stileid.u32  }
0x2: {  	s4 =	smul.u32 $0x1880, s0  }
0x3: {  	s1 =	srdreg.scid;
	s6 =	smul.u32 $0x18800, s0  }
0x4: {  	s5 =	sand.u32 $0x1, s1;
	s10 =	smul.u32 $0x188, s0  }
0x5: {  	s3 =	rddreg [dreg:$0x0];
	s9 =	smul.u32 $0xC40, s5  }
0x6: {  	s2 =	simm.s32 $0x0;
	s1 =	rddreg [dreg:$0x1];
	s30 =	smul.u32 $0xC400, s5  }
0x7: {  	[smem:$0x7FF] =	sst s2;
	s7 =	ssub.s32 $0x2, s5;
	s31 =	smul.u32 $0xC4, s5  }
0x8: {  	_ =	strace $0x80000053;
	s8 =	sshrl.u32 s7, $0x1;
	s4 =	sadd.s32 s4, s3  }
0x9: {  	s6 =	sadd.s32 s6, s3;
	s3 =	sadd.s32 $0x20DA00, s3;
	s7 =	ssub.s32 s7, s8  }
0xa: {  	s9 =	sadd.s32 s9, s4;
	s6 =	sadd.s32 s30, s6;
	s4 =	smax.u32 s7, $0x1  }
0xb: {  	s5 =	sadd.s32 $0x22A00, s9;
	s6 =	sadd.s32 $0x53A00, s6;
	s7 =	sadd.s32 s31, s10  }
.LBB2_1:
0xc: {  	s8 =	sadd.s32 $0x0, s7  }
0xd: {  	p0 =	sgt.u32 s8, $0x1869  }
0xe: {  	s8 =	simm.s32 @!p0 $0x0;
	s9 =	simm.s32 @!p0 $0x3  }
0xf: {  	[tilespmem:s8], [sflag:$0x3] =	stream.linear.gather @!p0 [hbm4b:s5+s8], $0x80, $0x38;
	[tilespmem:$0x880] =	vst v63  }
0x10: {  	_ =	swait.ge @!p0 [sflag:s9], $0x80  }
0x11: {  	[sflag:s9] =	ssyncset.done @!p0 $0x0;
	p0 =	por p0, p0  }
0x12: {  	[sflag:s9] =	ssyncadd.s32 @!p0 $0xFFFFFF80;
	s10 =	simm.s32 @!p0 $0x80;
	s11 =	simm.s32 @!p0 $0x1  }
0x13: {  	[tilespmem:s10], [sflag:$0x1] =	stream.indirect.gather @!p0 [hbm4b:s3+s10], $0x10, s8, s10, $0xb8;
	[tilespmem:$0x880] =	vst v63  }
0x14: {  	_ =	swait.ge @!p0 [sflag:s11], $0x800  }
0x15: {  	[sflag:s11] =	ssyncset.done @!p0 $0x0  }
0x16: {  	s31 =	sadd.s32 $0x1, s7;
	[sflag:s11] =	ssyncadd.s32 @!p0 $0xFFFFF800;
	s11 =	simm.s32 @!p0 $0x2  }
0x17: {  	[hbm4b:s6+s8] =	stream.linear.scatter @!p0 [tilespmem:s10], [sflag:$0x2], $0x800, $0x38;
	[tilespmem:$0x880] =	vst v63  }
0x18: {  	p1 =	sgt.u32 s31, $0x1869;
	s9 =	simm.s32 $0x2;
	_ =	swait.ge @!p0 [sflag:s11], $0x800  }
0x19: {  	s8 =	sadd.s32 $0x100, s6;
	s10 =	sadd.s32 $0x10, s5;
	[sflag:s11] =	ssyncset.done @!p0 $0x0  }
.LBB2_2:
0x1a: {  	s12 =	simm.s32 @!p1 $0x0;
	s13 =	simm.s32 @!p1 $0x3;
	[sflag:s11] =	ssyncadd.s32 @!p0 $0xFFFFF800  }
0x1b: {  	[tilespmem:s12], [sflag:$0x3] =	stream.linear.gather @!p1 [hbm4b:s10+s12], $0x80, $0x38;
	[tilespmem:$0x880] =	vst v63  }
0x1c: {  	s14 =	smov.u32 s9;
	s9 =	sadd.s32 $0x1, s9;
	_ =	swait.ge @!p1 [sflag:s13], $0x80  }
0x1d: {  	p0 =	por p1, p1;
	p2 =	sne.s32 s9, $0xC4;
	[sflag:s13] =	ssyncset.done @!p1 $0x0  }
0x1e: {  	s11 =	simm.s32 @!p0 $0x1;
	[sflag:s13] =	ssyncadd.s32 @!p0 $0xFFFFFF80;
	s13 =	simm.s32 @!p0 $0x80  }
0x1f: {  	[tilespmem:s13], [sflag:$0x1] =	stream.indirect.gather @!p0 [hbm4b:s3+s13], $0x10, s12, s13, $0xb8;
	[tilespmem:$0x880] =	vst v63  }
0x20: {  	_ =	swait.ge @!p0 [sflag:s11], $0x800  }
.Ltmp0:
0x21: {  	[sflag:s11] =	ssyncset.done @!p0 $0x0;
	(pc) =	sbr.rel @p2 .LBB2_2-.Ltmp0, $4  }
0x22: {  	[sflag:s11] =	ssyncadd.s32 @!p0 $0xFFFFF800;
	s11 =	simm.s32 @!p0 $0x2  }
0x23: {  	[hbm4b:s8+s12] =	stream.linear.scatter @!p0 [tilespmem:s13], [sflag:$0x2], $0x800, $0x38;
	[tilespmem:$0x880] =	vst v63  }
0x24: {  	s12 =	sadd.s32 s14, s7;
	s8 =	sadd.s32 $0x100, s8;
	_ =	swait.ge @!p0 [sflag:s11], $0x800  }
0x25: {  	s10 =	sadd.s32 $0x10, s10;
	p1 =	sgt.u32 s12, $0x1869;
	[sflag:s11] =	ssyncset.done @!p0 $0x0  }
0x26: {  	s9 =	simm.s32 @!p1 $0x0;
	s12 =	simm.s32 @!p1 $0x3;
	[sflag:s11] =	ssyncadd.s32 @!p0 $0xFFFFF800  }
0x27: {  	[tilespmem:s9], [sflag:$0x3] =	stream.linear.gather @!p1 [hbm4b:s10+s9], $0x80, $0x38;
	[tilespmem:$0x880] =	vst v63  }
0x28: {  	_ =	swait.ge @!p1 [sflag:s12], $0x80  }
0x29: {  	p0 =	por p1, p1;
	[sflag:s12] =	ssyncset.done @!p1 $0x0  }
0x2a: {  	s10 =	simm.s32 @!p0 $0x80;
	s11 =	simm.s32 @!p0 $0x1;
	[sflag:s12] =	ssyncadd.s32 @!p0 $0xFFFFFF80  }
0x2b: {  	[tilespmem:s10], [sflag:$0x1] =	stream.indirect.gather @!p0 [hbm4b:s3+s10], $0x10, s9, s10, $0xb8;
	[tilespmem:$0x880] =	vst v63  }
0x2c: {  	s2 =	sadd.s32 $0x1, s2;
	_ =	swait.ge @!p0 [sflag:s11], $0x800  }
0x2d: {  	p1 =	sne.s32 s2, s4;
	[sflag:s11] =	ssyncset.done @!p0 $0x0  }
.Ltmp1:
0x2e: {  	[sflag:s11] =	ssyncadd.s32 @!p0 $0xFFFFF800;
	s11 =	simm.s32 @!p0 $0x2;
	(pc) =	sbr.rel @p1 .LBB2_1-.Ltmp1, $4  }
0x2f: {  	[hbm4b:s8+s9] =	stream.linear.scatter @!p0 [tilespmem:s10], [sflag:$0x2], $0x800, $0x38;
	[tilespmem:$0x880] =	vst v63  }
0x30: {  	_ =	swait.ge @!p0 [sflag:s11], $0x800  }
0x31: {  	[sflag:s11] =	ssyncset.done @!p0 $0x0  }
0x32: {  	[sflag:s11] =	ssyncadd.s32 @!p0 $0xFFFFF800  }
0x33: {  	_ =	sfence.sel $0x180000  }
0x34: {  	[bflag:$0x0] =	sbarrier.arrive $0xFFFF  }
0x35: {  	p0 =	sne.s32 s0, $0x0;
	_ =	strace $0x90000053  }
0x36: {  	s0 =	sadd.s32 @!p0 $0x100000, s1;
	[bflag:$0x2] =	sbarrier.arrive $0xFFFF  }
0x37: {  	[sflag:s0] =	ssyncadd.tile.s32 @!p0 $0x1;
	_ =	shalt  }
.Lfunc_end2:
_tile_overlayer_lowered:
.L_overlay_start_2:
0x38: {  	(tag) =	ssettag $0x2  }
0x39: {  	s0 =	rddreg [dreg:$0x0];
	s2 =	stileid.u32  }
0x3a: {  	s1 =	rddreg [dreg:$0x1];
	p0 =	sne.s32 s2, $0x0  }
0x3b: {  	s3 =	rddreg [dreg:$0x2];
	[bflag:$0x3] =	sbarrier.arrive $0xFFFF;
	s2 =	simm.s32 @!p0 $0x1C02  }
0x3c: {  	[timem:s3], [sflag:s2] =	dma.local @!p0 [hbm:s0], s1  }
0x3d: {  	s0 =	simm.s32 @!p0 $0x2  }
0x3e: {  	_ =	swait.ge @!p0 [sflag:s0], s1  }
0x3f: {  	s1 =	ssub.s32 @!p0 $0x0, s1;
	[sflag:s0] =	ssyncset.done @!p0 $0x0  }
0x40: {  	[sflag:s0] =	ssyncadd.s32 @!p0 s1  }
0x41: {  	[bflag:$0x3] =	sbarrier.arrive $0xFFFF  }
0x42: {  	_ =	shalt  }

// kernel: kernel.29.cloned.1.call-start
scs
__scs_entry_jumppad:
0x0: {  	(pc) =	sbr.rel $0x88, $3  }
0x1: {  	(tag) =	ssettag $0x0;
	lr =	simm.s32 $0x1  }
0x2: {  	[smem:$0x3F89] =	sst lr;
	_ =	strace $0xD0000000  }
0x3: {  	_ = 	snop  }
0x4: {  	_ = 	snop  }
0x5: {  	_ = 	snop  }
0x6: {  	_ = 	snop  }
0x7: {  	_ = 	snop  }
__scs_overlays_trampoline_lowered:
0x8: {  	[smem:$0x3F98] =	sst s0  }
0x9: {  	[smem:$0x3F99] =	sst s1  }
0xa: {  	[smem:$0x3F9A] =	sst s2  }
0xb: {  	[smem:$0x3F9B] =	sst s3  }
0xc: {  	[smem:$0x3F9C] =	sst s4  }
0xd: {  	[smem:$0x3F9D] =	sst s5  }
0xe: {  	[smem:$0x3F9E] =	sst s6  }
0xf: {  	[smem:$0x3F9F] =	sst s7  }
0x10: {  	[smem:$0x3FA0] =	sst s8  }
0x11: {  	[smem:$0x3FA1] =	sst s9;
	s0 =	simm.s32 @!p0 $0x0  }
0x12: {  	s1 =	sld [smem:$0x3F87];
	s0 =	simm.s32 @p0 $0x1  }
0x13: {  	[smem:$0x3FA2] =	sst s0;
	s0 =	simm.s32 @!p1 $0x0  }
0x14: {  	s2 =	sld [smem:$0x3F86];
	s0 =	simm.s32 @p1 $0x1  }
0x15: {  	[smem:$0x3FA3] =	sst s0;
	s0 =	simm.s32 @!p2 $0x0  }
0x16: {  	s3 =	sld [smem:$0x3FDB];
	s0 =	simm.s32 @p2 $0x1  }
0x17: {  	s4 =	simm.s32 $0x1BF5;
	[smem:$0x3FA5] =	sst s0  }
0x18: {  	s0 =	sld [smem:$0x3F88];
	_ =	swait.ge [sflag:s4], $0x0  }
0x19: {  	s7 =	sld [smem:$0x3F89]  }
0x1a: {  	s8 =	sadd.s32 $0xFFFFE003, lr  }
0x1b: {  	s9 =	sadd.s32 $0xFFFFFEF7, lr;
	s5 =	simm.s32 $0xFFFFFFFF;
	p2 =	slt.u32 s8, $0xFFFFF086  }
0x1c: {  	p1 =	slt.u32 s9, $0xF7A;
	s5 =	simm.s32 @!p2 $0x0  }
0x1d: {  	s5 =	simm.s32 @p1 $0x1;
	p0 =	seq.s32 s7, s2  }
0x1e: {  	s7 =	smul.u32 @!p0 $0xF7A, s2;
	p2 =	seq.s32 @!p0 s5, $0x0  }
0x1f: {  	s9 =	smul.u32 $0xF7A, s1;
	s8 =	simm.s32 @!p0 $0x1BF5;
	p2 =	por !p2, p0  }
0x20: {  	[sflag:s8] =	ssyncset.s32 @!p0 $0xFFFFF086;
	s6 =	sadd.s32 @!p0 s3, s7;
	s7 =	simm.s32 @!p0 $0x108  }
0x21: {  	s3 =	sadd.s32 s3, s9;
	s6 =	sadd.s32 @!p0 $0x88, s6;
	s7 =	simm.s32 @p2 $0x1082  }
0x22: {  	[simem:s7], [sflag:s8] =	dma.local @!p0 [hbm:s6], $0xF7A  }
0x23: {  	s9 =	sor.u32 $0xD0000000, s2;
	s6 =	simm.s32 $0x108;
	_ =	swait.ge @!p0 [sflag:s8], $0x0  }
0x24: {  	s3 =	sadd.s32 $0x88, s3;
	s6 =	simm.s32 @!p1 $0x1082;
	[sflag:s4] =	ssyncset.s32 $0xFFFFF086  }
0x25: {  	[simem:s6], [sflag:s4] =	dma.local [hbm:s3], $0xF7A  }
0x26: {  	[smem:$0x3F89] =	sst s1;
	(tag) =	ssettag s2;
	_ =	strace s9  }
0x27: {  	s1 =	sld [smem:$0x3F99]  }
0x28: {  	s2 =	sld [smem:$0x3F9A]  }
0x29: {  	s4 =	sld [smem:$0x3F9C]  }
0x2a: {  	p0 =	seq.s32 s5, $0x0;
	s5 =	sld [smem:$0x3F9D]  }
0x2b: {  	s6 =	sld [smem:$0x3F9E]  }
0x2c: {  	s7 =	sld [smem:$0x3F9F]  }
0x2d: {  	s3 =	simm.s32 $0x108;
	s8 =	sld [smem:$0x3FA0]  }
0x2e: {  	s3 =	simm.s32 @!p0 $0x1082;
	s9 =	sld [smem:$0x3FA1]  }
0x2f: {  	lr =	sadd.s32 s0, s3;
	s0 =	sld [smem:$0x3F98]  }
0x30: {  	s3 =	sld [smem:$0x3F9B]  }
0x31: {  	[smem:$0x3FA4] =	sst s10  }
0x32: {  	s10 =	sld [smem:$0x3FA2];
	_ =	sdelay $0x3  }
0x33: {  	p0 =	seq.s32 s10, $0x1;
	s10 =	sld [smem:$0x3FA4];
	_ =	sdelay $0x3  }
0x34: {  	[smem:$0x3FA4] =	sst s10  }
0x35: {  	s10 =	sld [smem:$0x3FA3];
	_ =	sdelay $0x3  }
0x36: {  	p1 =	seq.s32 s10, $0x1;
	s10 =	sld [smem:$0x3FA4];
	_ =	sdelay $0x3  }
0x37: {  	[smem:$0x3FA4] =	sst s10  }
0x38: {  	s10 =	sld [smem:$0x3FA5]  }
0x39: {  	_ = 	snop;
	(pc) =	sbr.ind lr, $3  }
0x3a: {  	_ = 	snop  }
0x3b: {  	_ = 	snop  }
0x3c: {  	p2 =	seq.s32 s10, $0x1;
	s10 =	sld [smem:$0x3FA4]  }
0x3d: {  	_ =	shalt  }
0x3e: {  	_ =	shalt  }
0x3f: {  	_ =	shalt  }
0x40: {  	_ =	shalt  }
0x41: {  	_ =	shalt  }
0x42: {  	_ =	shalt  }
0x43: {  	_ =	shalt  }
0x44: {  	_ =	shalt  }
0x45: {  	_ =	shalt  }
0x46: {  	_ =	shalt  }
0x47: {  	_ =	shalt  }
0x48: {  	_ =	shalt  }
0x49: {  	_ =	shalt  }
0x4a: {  	_ =	shalt  }
0x4b: {  	_ =	shalt  }
0x4c: {  	_ =	shalt  }
0x4d: {  	_ =	shalt  }
0x4e: {  	_ =	shalt  }
0x4f: {  	_ =	shalt  }
0x50: {  	_ =	shalt  }
0x51: {  	_ =	shalt  }
0x52: {  	_ =	shalt  }
0x53: {  	_ =	shalt  }
0x54: {  	_ =	shalt  }
0x55: {  	_ =	shalt  }
0x56: {  	_ =	shalt  }
0x57: {  	_ =	shalt  }
0x58: {  	_ =	shalt  }
0x59: {  	_ =	shalt  }
0x5a: {  	_ =	shalt  }
0x5b: {  	_ =	shalt  }
0x5c: {  	_ =	shalt  }
0x5d: {  	_ =	shalt  }
0x5e: {  	_ =	shalt  }
0x5f: {  	_ =	shalt  }
0x60: {  	_ =	shalt  }
0x61: {  	_ =	shalt  }
0x62: {  	_ =	shalt  }
0x63: {  	_ =	shalt  }
0x64: {  	_ =	shalt  }
0x65: {  	_ =	shalt  }
0x66: {  	_ =	shalt  }
0x67: {  	_ =	shalt  }
0x68: {  	_ =	shalt  }
0x69: {  	_ =	shalt  }
0x6a: {  	_ =	shalt  }
0x6b: {  	_ =	shalt  }
0x6c: {  	_ =	shalt  }
0x6d: {  	_ =	shalt  }
0x6e: {  	_ =	shalt  }
0x6f: {  	_ =	shalt  }
0x70: {  	_ =	shalt  }
0x71: {  	_ =	shalt  }
0x72: {  	_ =	shalt  }
0x73: {  	_ =	shalt  }
0x74: {  	_ =	shalt  }
0x75: {  	_ =	shalt  }
0x76: {  	_ =	shalt  }
0x77: {  	_ =	shalt  }
0x78: {  	_ =	shalt  }
0x79: {  	_ =	shalt  }
0x7a: {  	_ =	shalt  }
0x7b: {  	_ =	shalt  }
0x7c: {  	_ =	shalt  }
0x7d: {  	_ =	shalt  }
0x7e: {  	_ =	shalt  }
0x7f: {  	_ =	shalt  }
0x80: {  	_ =	shalt  }
0x81: {  	_ =	shalt  }
0x82: {  	_ =	shalt  }
0x83: {  	_ =	shalt  }
0x84: {  	_ =	shalt  }
0x85: {  	_ =	shalt  }
0x86: {  	_ =	shalt  }
0x87: {  	_ =	shalt  }
.Lfunc_end0:
.L_simem_size_0:
called_computation.7_lowered:
.L_overlay_start_0:
0x88: {  	s2 =	sld [smem:$0x3FD9]  }
0x89: {  	s3 =	sld [smem:$0x3FFE];
	_ =	sdelay $0x1  }
0x8a: {  	s1 =	srdreg.scid  }
0x8b: {  	s0 =	sand.u32 $0x1, s1  }
0x8c: {  	s16 =	sshll.u32 s0, $0xA;
	s2 =	sadd.s32 s3, s2  }
0x8d: {  	s2 =	sadd.s32 s2, s16  }
0x8e: {  	[smem:$0x3FB0] =	sst s2  }
0x8f: {  	_ = 	snop  }
0x90: {  	(tm) =	ssettm $0x1  }
0x91: {  	s17 =	sld [smem:$0x3FFB];
	_ =	sdelay $0x3  }
0x92: {  	_ =	strace s17  }
0x93: {  	s2 =	sld [smem:$0x3FFC];
	_ =	sdelay $0x3  }
0x94: {  	_ =	strace s2  }
0x95: {  	s2 =	sld [smem:$0x3FFD];
	_ =	sdelay $0x3  }
0x96: {  	_ =	strace s2  }
0x97: {  	_ =	strace $0x8FFFFFFF  }
0x98: {  	s18 =	sld [smem:$0x3FDB];
	_ =	sdelay $0x1  }
0x99: {  	s19 =	simm.s32 $_scs_section_size  }
0x9a: {  	s4 =	simm.s32 $_size__tile_overlayer_lowered;
	s5 =	simm.s32 $_tile_overlayer_lowered  }
0x9b: {  	s22 =	simm.s32 $0x1BFF;
	s21 =	sshll.u32 s5, $0x1;
	s2 =	sadd.s32 s19, s18  }
0x9c: {  	s6 =	simm.s32 $0x0;
	s20 =	sshll.u32 s4, $0x1;
	s4 =	sadd.s32 s21, s2  }
0x9d: {  	[timem:s6], [sflag:s22] =	dma.local [hbm:s4], s20  }
0x9e: {  	_ =	swait.ge [sflag:s22], s20  }
0x9f: {  	s3 =	ssub.s32 $0x0, s20;
	[sflag:s22] =	ssyncset.done $0x0  }
0xa0: {  	[sflag:s22] =	ssyncadd.s32 s3;
	_ =	sdelay $0x1  }
0xa1: {  	s23 =	simm.s32 $0x1B8B  }
0xa2: {  	_ =	swait.ge [sflag:s23], $0x1  }
0xa3: {  	[sflag:s23] =	ssyncset.done $0x0  }
0xa4: {  	s25 =	simm.s32 $0x1B8E;
	s24 =	sld [smem:$0x3FFE];
	[sflag:s23] =	ssyncadd.s32 $0xFFFFFFFF  }
0xa5: {  	s26 =	simm.s32 $execute0_lowered;
	[smem:$0x3FD2] =	sst s25  }
0xa6: {  	s4 =	sshll.u32 s26, $0x1;
	_ =	strace $0x80000058;
	[dreg:$0x1] =	wrdreg $0xFFFFFFFF  }
0xa7: {  	s28 =	simm.s32 $_size_execute0_lowered;
	s2 =	sadd.s32 s2, s4;
	[dreg:$0x0] =	wrdreg $0x0  }
0xa8: {  	s4 =	sshll.u32 s28, $0x1;
	[dreg:$0x2] =	wrdreg s2  }
0xa9: {  	[dreg:$0x3] =	wrdreg s4  }
0xaa: {  	[dreg:$0x4] =	wrdreg $0xC0  }
0xab: {  	_ =	task [dreg:s6], $0x5FFFF  }
0xac: {  	[dreg:$0x1] =	wrdreg $0xFFFFFFFF  }
0xad: {  	[dreg:$0x0] =	wrdreg $0x60  }
0xae: {  	[dreg:$0x2] =	wrdreg s24  }
0xaf: {  	[dreg:$0x3] =	wrdreg $0x30800  }
0xb0: {  	[dreg:$0x4] =	wrdreg $0x9  }
0xb1: {  	_ =	task.clear_ibuf [dreg:s6], $0x5FFFF;
	_ =	strace $0x90000058  }
0xb2: {  	s29 =	simm.s32 $0x9;
	_ =	strace $0x8000005A  }
0xb3: {  	_ =	swait.ge [sflag:s29], $0x1  }
0xb4: {  	[sflag:s29] =	ssyncadd.s32 $0xFFFFFFFF  }
0xb5: {  	_ =	strace $0x9000005A  }
0xb6: {  	_ =	sfence  }
0xb7: {  	s30 =	sld [smem:$0x0];
	_ =	sdelay $0x2  }
0xb8: {  	s31 =	sshll.u32 s1, $0xD;
	s1 =	sshrl.u32 s1, $0x2  }
0xb9: {  	s3 =	sand.u32 $0x4000, s31;
	s1 =	sadd.s32 s1, s30  }
0xba: {  	s0 =	sor.u32 s3, s0;
	s1 =	sshll.u32 s1, $0x11  }
0xbb: {  	s0 =	sor.u32 s1, s0  }
0xbc: {  	s0 =	sadd.s32 $0x8F2B, s0  }
0xbd: {  	[sflag:s0] =	ssyncadd.remote.s32 $0x1  }
0xbe: {  	_ =	sfence.sel $0xFFFF  }
0xbf: {  	[dreg:$0x0] =	wrdreg $0xFFFFFFFF;
	(pc) =	sbr.abs _section_cstart, $3  }
0xc0: {  	[dreg:$0x1] =	wrdreg $0xFFFFFFFF  }
0xc1: {  	_ =	task.clear_ibuf [dreg:s6], $0x2FFFF;
	_ =	strace $0x9FFFFFFF  }
0xc2: {  	(tm) =	ssettm $0x7FFFFFFF  }
0xc3: {  	_ =	shalt  }
tec
execute0_lowered:
.L_overlay_start_1:
0x0: {  	(tag) =	ssettag $0x1  }
0x1: {  	s1 =	stileid.u32  }
0x2: {  	s5 =	smul.u32 $0x18800, s1  }
0x3: {  	s7 =	smul.u32 $0x1880, s1  }
0x4: {  	s21 =	smul.u32 $0x32000, s1  }
0x5: {  	s4 =	rddreg [dreg:$0x0];
	s8 =	smul.u32 $0xC80, s1  }
0x6: {  	s6 =	srdreg.scid;
	s17 =	smul.u32 $0x1900, s1  }
0x7: {  	s2 =	rddreg [dreg:$0x1];
	s10 =	sand.u32 $0x1, s6;
	s29 =	smul.u32 $0x188, s1  }
0x8: {  	s0 =	rddreg [dreg:$0x2];
	s3 =	simm.s32 $0x0;
	s20 =	smul.u32 $0x19000, s10  }
0x9: {  	[smem:$0x7FF] =	sst s3;
	s18 =	smul.u32 $0xC40, s10  }
0xa: {  	_ =	strace $0x80000059;
	s6 =	ssub.s32 $0x2, s10;
	s28 =	smul.u32 $0xC400, s10  }
0xb: {  	s31 =	smul.u32 $0xC4, s10;
	s11 =	sadd.s32 s5, s4;
	s12 =	sadd.s32 s7, s4  }
0xc: {  	s22 =	sshrl.u32 s6, $0x1;
	s23 =	sshrl.u32 s21, $0x2;
	s13 =	sadd.s32 $0x280, s8  }
0xd: {  	s14 =	sadd.s32 $0x500, s8;
	s15 =	sadd.s32 $0x780, s8;
	s16 =	sadd.s32 $0xA00, s8  }
0xe: {  	s4 =	sadd.s32 s20, s4;
	s5 =	ssub.s32 s6, s22;
	s24 =	sshll.u32 s13, $0x4  }
0xf: {  	s25 =	sshll.u32 s14, $0x4;
	s9 =	sshll.u32 s15, $0x4;
	s26 =	sshll.u32 s16, $0x4  }
0x10: {  	s20 =	sshll.u32 s13, $0x1;
	s21 =	sshll.u32 s14, $0x1;
	s12 =	sadd.s32 s18, s12  }
0x11: {  	s30 =	sshll.u32 s15, $0x1;
	s11 =	sadd.s32 s28, s11;
	s22 =	sshll.u32 s16, $0x1  }
0x12: {  	s13 =	simm.s32 $0x880;
	s14 =	simm.s32 $0x1;
	s19 =	sadd.s32 $0x258A00, s4  }
0x13: {  	s4 =	sadd.s32 s23, s2;
	s5 =	smax.u32 s5, $0x1;
	s6 =	sadd.s32 s24, s2  }
0x14: {  	s7 =	sadd.s32 s25, s2;
	s8 =	sadd.s32 s9, s2;
	s9 =	sadd.s32 s26, s2  }
0x15: {  	s10 =	sadd.s32 $0x3B200, s12;
	s11 =	sadd.s32 $0x53A00, s11;
	s12 =	sadd.s32 s31, s29  }
0x16: {  	s15 =	sadd.s32 s17, s19;
	s16 =	sadd.s32 s20, s19;
	s17 =	sadd.s32 s21, s19  }
0x17: {  	v0 =	vimm.f32 $0.0e+00;
	s18 =	sadd.s32 s30, s19;
	s19 =	sadd.s32 s22, s19;
	s20 =	simm.s32 $0x0  }
.LBB2_1:
0x18: {  	s21 =	simm.s32 $0x40;
	s22 =	simm.s32 $0x0  }
.LBB2_2:
0x19: {  	p0 =	sne.s32 s21, $0x9FC0;
	[tilespmem:s22+$0x880] =	vst v0;
	s22 =	smov.u32 s21;
	s21 =	sadd.s32 $0x40, s21  }
.Ltmp0:
0x1a: {  	(pc) =	sbr.rel @p0 .LBB2_2-.Ltmp0, $2  }
0x1b: {  	_ =	sdelay $0x2  }
0x1c: {  	s22 =	sshra.s32 s22, $0x2  }
0x1d: {  	[tilespmem:s22+$0x880] =	vst v0  }
0x1e: {  	[spmem:s4] =	stream.linear.scatter [tilespmem:s13], [sflag:$0x1], $0x2800, $0x38;
	[tilespmem:$0xF880] =	vst v63  }
0x1f: {  	_ =	swait.ge [sflag:s14], $0x2800  }
0x20: {  	[sflag:s14] =	ssyncset.done $0x0  }
0x21: {  	[sflag:s14] =	ssyncadd.s32 $0xFFFFD800  }
0x22: {  	[spmem:s6] =	stream.linear.scatter [tilespmem:s13], [sflag:$0x1], $0x2800, $0x38;
	[tilespmem:$0xF880] =	vst v63  }
0x23: {  	_ =	swait.ge [sflag:s14], $0x2800  }
0x24: {  	[sflag:s14] =	ssyncset.done $0x0  }
0x25: {  	[sflag:s14] =	ssyncadd.s32 $0xFFFFD800  }
0x26: {  	[spmem:s7] =	stream.linear.scatter [tilespmem:s13], [sflag:$0x1], $0x2800, $0x38;
	[tilespmem:$0xF880] =	vst v63  }
0x27: {  	_ =	swait.ge [sflag:s14], $0x2800  }
0x28: {  	[sflag:s14] =	ssyncset.done $0x0  }
0x29: {  	[sflag:s14] =	ssyncadd.s32 $0xFFFFD800  }
0x2a: {  	[spmem:s8] =	stream.linear.scatter [tilespmem:s13], [sflag:$0x1], $0x2800, $0x38;
	[tilespmem:$0xF880] =	vst v63  }
0x2b: {  	_ =	swait.ge [sflag:s14], $0x2800  }
0x2c: {  	[sflag:s14] =	ssyncset.done $0x0  }
0x2d: {  	[sflag:s14] =	ssyncadd.s32 $0xFFFFD800  }
0x2e: {  	[spmem:s9] =	stream.linear.scatter [tilespmem:s13], [sflag:$0x1], $0x2800, $0x38;
	[tilespmem:$0xF880] =	vst v63  }
0x2f: {  	_ =	swait.ge [sflag:s14], $0x2800  }
0x30: {  	s21 =	sadd.s32 $0x0, s12;
	[sflag:s14] =	ssyncset.done $0x0  }
0x31: {  	p0 =	sgt.u32 s21, $0x1869;
	[sflag:s14] =	ssyncadd.s32 $0xFFFFD800  }
0x32: {  	s21 =	simm.s32 @!p0 $0x0;
	s23 =	simm.s32 @!p0 $0x2;
	[bflag:$0x0] =	sbarrier.arrive $0xFFFF  }
0x33: {  	[tilespmem:s21], [sflag:$0x2] =	stream.linear.gather @!p0 [hbm4b:s10+s21], $0x80, $0x38;
	[tilespmem:$0xF880] =	vst v63  }
0x34: {  	_ =	swait.ge @!p0 [sflag:s23], $0x80  }
0x35: {  	[sflag:s23] =	ssyncset.done @!p0 $0x0;
	p0 =	por p0, p0  }
0x36: {  	[sflag:s23] =	ssyncadd.s32 @!p0 $0xFFFFFF80;
	s25 =	simm.s32 @!p0 $0x80  }
0x37: {  	[tilespmem:s25], [sflag:$0x2] =	stream.linear.gather @!p0 [hbm4b:s11+s21], $0x800, $0x38;
	[tilespmem:$0xF880] =	vst v63  }
0x38: {  	_ =	swait.ge @!p0 [sflag:s23], $0x800  }
0x39: {  	[sflag:s23] =	ssyncset.done @!p0 $0x0  }
0x3a: {  	s31 =	sadd.s32 $0x1, s12;
	s24 =	simm.s32 @!p0 $0x1;
	[sflag:s23] =	ssyncadd.s32 @!p0 $0xFFFFF800  }
0x3b: {  	[spmem:s2] =	stream.indirect.scatter.add.f32 @!p0 [tilespmem:s25], [sflag:$0x1], $0x10, s21, s25, $0xb8;
	[tilespmem:$0xF880] =	vst v63  }
0x3c: {  	s22 =	simm.s32 $0x2;
	p1 =	sgt.u32 s31, $0x1869;
	_ =	swait.ge @!p0 [sflag:s24], $0x800  }
0x3d: {  	s23 =	sadd.s32 $0x10, s10;
	s21 =	sadd.s32 $0x100, s11;
	[sflag:s24] =	ssyncset.done @!p0 $0x0  }
.LBB2_4:
0x3e: {  	s25 =	simm.s32 @!p1 $0x0;
	s26 =	simm.s32 @!p1 $0x2;
	[sflag:s24] =	ssyncadd.s32 @!p0 $0xFFFFF800  }
0x3f: {  	[tilespmem:s25], [sflag:$0x2] =	stream.linear.gather @!p1 [hbm4b:s23+s25], $0x80, $0x38;
	[tilespmem:$0xF880] =	vst v63  }
0x40: {  	s28 =	smov.u32 s22;
	s22 =	sadd.s32 $0x1, s22;
	_ =	swait.ge @!p1 [sflag:s26], $0x80  }
0x41: {  	p0 =	por p1, p1;
	p2 =	sne.s32 s22, $0xC4;
	[sflag:s26] =	ssyncset.done @!p1 $0x0  }
0x42: {  	s29 =	simm.s32 @!p0 $0x80;
	[sflag:s26] =	ssyncadd.s32 @!p0 $0xFFFFFF80  }
0x43: {  	[tilespmem:s29], [sflag:$0x2] =	stream.linear.gather @!p0 [hbm4b:s21+s25], $0x800, $0x38;
	[tilespmem:$0xF880] =	vst v63  }
0x44: {  	_ =	swait.ge @!p0 [sflag:s26], $0x800  }
.Ltmp1:
0x45: {  	[sflag:s26] =	ssyncset.done @!p0 $0x0;
	(pc) =	sbr.rel @p2 .LBB2_4-.Ltmp1, $4  }
0x46: {  	s24 =	simm.s32 @!p0 $0x1;
	[sflag:s26] =	ssyncadd.s32 @!p0 $0xFFFFF800  }
0x47: {  	[spmem:s2] =	stream.indirect.scatter.add.f32 @!p0 [tilespmem:s29], [sflag:$0x1], $0x10, s25, s29, $0xb8;
	[tilespmem:$0xF880] =	vst v63  }
0x48: {  	s21 =	sadd.s32 $0x100, s21;
	s25 =	sadd.s32 s28, s12;
	_ =	swait.ge @!p0 [sflag:s24], $0x800  }
0x49: {  	s23 =	sadd.s32 $0x10, s23;
	p1 =	sgt.u32 s25, $0x1869;
	[sflag:s24] =	ssyncset.done @!p0 $0x0  }
0x4a: {  	s22 =	simm.s32 @!p1 $0x0;
	s25 =	simm.s32 @!p1 $0x2;
	[sflag:s24] =	ssyncadd.s32 @!p0 $0xFFFFF800  }
0x4b: {  	[tilespmem:s22], [sflag:$0x2] =	stream.linear.gather @!p1 [hbm4b:s23+s22], $0x80, $0x38;
	[tilespmem:$0xF880] =	vst v63  }
0x4c: {  	_ =	swait.ge @!p1 [sflag:s25], $0x80  }
0x4d: {  	p0 =	por p1, p1;
	[sflag:s25] =	ssyncset.done @!p1 $0x0  }
0x4e: {  	s23 =	simm.s32 @!p0 $0x80;
	[sflag:s25] =	ssyncadd.s32 @!p0 $0xFFFFFF80  }
0x4f: {  	[tilespmem:s23], [sflag:$0x2] =	stream.linear.gather @!p0 [hbm4b:s21+s22], $0x800, $0x38;
	[tilespmem:$0xF880] =	vst v63  }
0x50: {  	_ =	swait.ge @!p0 [sflag:s25], $0x800  }
0x51: {  	[sflag:s25] =	ssyncset.done @!p0 $0x0  }
0x52: {  	s21 =	simm.s32 @!p0 $0x1;
	[sflag:s25] =	ssyncadd.s32 @!p0 $0xFFFFF800  }
0x53: {  	[spmem:s2] =	stream.indirect.scatter.add.f32 @!p0 [tilespmem:s23], [sflag:$0x1], $0x10, s22, s23, $0xb8;
	[tilespmem:$0xF880] =	vst v63  }
0x54: {  	_ =	swait.ge @!p0 [sflag:s21], $0x800  }
0x55: {  	[sflag:s21] =	ssyncset.done @!p0 $0x0  }
0x56: {  	[sflag:s21] =	ssyncadd.s32 @!p0 $0xFFFFF800  }
0x57: {  	[bflag:$0x0] =	sbarrier.arrive $0xFFFF  }
0x58: {  	[tilespmem:s13], [sflag:$0x1] =	stream.linear.gather [spmem:s4], $0x2800, $0x38;
	[tilespmem:$0xF880] =	vst v63  }
0x59: {  	_ =	swait.ge [sflag:s14], $0x2800  }
0x5a: {  	[sflag:s14] =	ssyncset.done $0x0  }
0x5b: {  	[sflag:s14] =	ssyncadd.s32 $0xFFFFD800  }
0x5c: {  	[hbm4b:s15+s3] =	stream.linear.scatter [tilespmem:s13], [sflag:$0x1], $0x2800, $0x38;
	[tilespmem:$0xF880] =	vst v63  }
0x5d: {  	_ =	swait.ge [sflag:s14], $0x2800  }
0x5e: {  	[sflag:s14] =	ssyncset.done $0x0  }
0x5f: {  	[sflag:s14] =	ssyncadd.s32 $0xFFFFD800  }
0x60: {  	[tilespmem:s13], [sflag:$0x1] =	stream.linear.gather [spmem:s6], $0x2800, $0x38;
	[tilespmem:$0xF880] =	vst v63  }
0x61: {  	_ =	swait.ge [sflag:s14], $0x2800  }
0x62: {  	[sflag:s14] =	ssyncset.done $0x0  }
0x63: {  	[sflag:s14] =	ssyncadd.s32 $0xFFFFD800  }
0x64: {  	[hbm4b:s16+s3] =	stream.linear.scatter [tilespmem:s13], [sflag:$0x1], $0x2800, $0x38;
	[tilespmem:$0xF880] =	vst v63  }
0x65: {  	_ =	swait.ge [sflag:s14], $0x2800  }
0x66: {  	[sflag:s14] =	ssyncset.done $0x0  }
0x67: {  	[sflag:s14] =	ssyncadd.s32 $0xFFFFD800  }
0x68: {  	[tilespmem:s13], [sflag:$0x1] =	stream.linear.gather [spmem:s7], $0x2800, $0x38;
	[tilespmem:$0xF880] =	vst v63  }
0x69: {  	_ =	swait.ge [sflag:s14], $0x2800  }
0x6a: {  	[sflag:s14] =	ssyncset.done $0x0  }
0x6b: {  	[sflag:s14] =	ssyncadd.s32 $0xFFFFD800  }
0x6c: {  	[hbm4b:s17+s3] =	stream.linear.scatter [tilespmem:s13], [sflag:$0x1], $0x2800, $0x38;
	[tilespmem:$0xF880] =	vst v63  }
0x6d: {  	_ =	swait.ge [sflag:s14], $0x2800  }
0x6e: {  	[sflag:s14] =	ssyncset.done $0x0  }
0x6f: {  	[sflag:s14] =	ssyncadd.s32 $0xFFFFD800  }
0x70: {  	[tilespmem:s13], [sflag:$0x1] =	stream.linear.gather [spmem:s8], $0x2800, $0x38;
	[tilespmem:$0xF880] =	vst v63  }
0x71: {  	_ =	swait.ge [sflag:s14], $0x2800  }
0x72: {  	[sflag:s14] =	ssyncset.done $0x0  }
0x73: {  	[sflag:s14] =	ssyncadd.s32 $0xFFFFD800  }
0x74: {  	[hbm4b:s18+s3] =	stream.linear.scatter [tilespmem:s13], [sflag:$0x1], $0x2800, $0x38;
	[tilespmem:$0xF880] =	vst v63  }
0x75: {  	_ =	swait.ge [sflag:s14], $0x2800  }
0x76: {  	[sflag:s14] =	ssyncset.done $0x0  }
0x77: {  	[sflag:s14] =	ssyncadd.s32 $0xFFFFD800  }
0x78: {  	[tilespmem:s13], [sflag:$0x1] =	stream.linear.gather [spmem:s9], $0x2800, $0x38;
	[tilespmem:$0xF880] =	vst v63  }
0x79: {  	s20 =	sadd.s32 $0x1, s20;
	_ =	swait.ge [sflag:s14], $0x2800  }
0x7a: {  	p0 =	sne.s32 s20, s5;
	[sflag:s14] =	ssyncset.done $0x0  }
.Ltmp2:
0x7b: {  	[sflag:s14] =	ssyncadd.s32 $0xFFFFD800;
	(pc) =	sbr.rel @p0 .LBB2_1-.Ltmp2, $4  }
0x7c: {  	[hbm4b:s19+s3] =	stream.linear.scatter [tilespmem:s13], [sflag:$0x1], $0x2800, $0x38;
	[tilespmem:$0xF880] =	vst v63  }
0x7d: {  	_ =	swait.ge [sflag:s14], $0x2800  }
0x7e: {  	[sflag:s14] =	ssyncset.done $0x0  }
0x7f: {  	[sflag:s14] =	ssyncadd.s32 $0xFFFFD800  }
0x80: {  	_ =	sfence.sel $0x180000  }
0x81: {  	[bflag:$0x0] =	sbarrier.arrive $0xFFFF  }
0x82: {  	p0 =	sne.s32 s1, $0x0;
	_ =	strace $0x90000059  }
0x83: {  	s0 =	sadd.s32 @!p0 $0x100000, s0;
	[bflag:$0x2] =	sbarrier.arrive $0xFFFF  }
0x84: {  	[sflag:s0] =	ssyncadd.tile.s32 @!p0 $0x1;
	_ =	shalt  }
.Lfunc_end2:
_tile_overlayer_lowered:
.L_overlay_start_2:
0x85: {  	(tag) =	ssettag $0x2  }
0x86: {  	s0 =	rddreg [dreg:$0x0];
	s2 =	stileid.u32  }
0x87: {  	s1 =	rddreg [dreg:$0x1];
	p0 =	sne.s32 s2, $0x0  }
0x88: {  	s3 =	rddreg [dreg:$0x2];
	[bflag:$0x3] =	sbarrier.arrive $0xFFFF;
	s2 =	simm.s32 @!p0 $0x1C01  }
0x89: {  	[timem:s3], [sflag:s2] =	dma.local @!p0 [hbm:s0], s1  }
0x8a: {  	s0 =	simm.s32 @!p0 $0x1  }
0x8b: {  	_ =	swait.ge @!p0 [sflag:s0], s1  }
0x8c: {  	s1 =	ssub.s32 @!p0 $0x0, s1;
	[sflag:s0] =	ssyncset.done @!p0 $0x0  }
0x8d: {  	[sflag:s0] =	ssyncadd.s32 @!p0 s1  }
0x8e: {  	[bflag:$0x3] =	sbarrier.arrive $0xFFFF  }
0x8f: {  	_ =	shalt  }

// kernel: kernel.32.cloned.1.call-start
scs
__scs_entry_jumppad:
0x0: {  	(pc) =	sbr.rel $0x88, $3  }
0x1: {  	(tag) =	ssettag $0x0;
	lr =	simm.s32 $0x1  }
0x2: {  	[smem:$0x3F89] =	sst lr;
	_ =	strace $0xD0000000  }
0x3: {  	_ = 	snop  }
0x4: {  	_ = 	snop  }
0x5: {  	_ = 	snop  }
0x6: {  	_ = 	snop  }
0x7: {  	_ = 	snop  }
__scs_overlays_trampoline_lowered:
0x8: {  	[smem:$0x3F98] =	sst s0  }
0x9: {  	[smem:$0x3F99] =	sst s1  }
0xa: {  	[smem:$0x3F9A] =	sst s2  }
0xb: {  	[smem:$0x3F9B] =	sst s3  }
0xc: {  	[smem:$0x3F9C] =	sst s4  }
0xd: {  	[smem:$0x3F9D] =	sst s5  }
0xe: {  	[smem:$0x3F9E] =	sst s6  }
0xf: {  	[smem:$0x3F9F] =	sst s7  }
0x10: {  	[smem:$0x3FA0] =	sst s8  }
0x11: {  	[smem:$0x3FA1] =	sst s9;
	s0 =	simm.s32 @!p0 $0x0  }
0x12: {  	s1 =	sld [smem:$0x3F87];
	s0 =	simm.s32 @p0 $0x1  }
0x13: {  	[smem:$0x3FA2] =	sst s0;
	s0 =	simm.s32 @!p1 $0x0  }
0x14: {  	s2 =	sld [smem:$0x3F86];
	s0 =	simm.s32 @p1 $0x1  }
0x15: {  	[smem:$0x3FA3] =	sst s0;
	s0 =	simm.s32 @!p2 $0x0  }
0x16: {  	s3 =	sld [smem:$0x3FDB];
	s0 =	simm.s32 @p2 $0x1  }
0x17: {  	s4 =	simm.s32 $0x1BF5;
	[smem:$0x3FA5] =	sst s0  }
0x18: {  	s0 =	sld [smem:$0x3F88];
	_ =	swait.ge [sflag:s4], $0x0  }
0x19: {  	s7 =	sld [smem:$0x3F89]  }
0x1a: {  	s8 =	sadd.s32 $0xFFFFE003, lr  }
0x1b: {  	s9 =	sadd.s32 $0xFFFFFEF7, lr;
	s5 =	simm.s32 $0xFFFFFFFF;
	p2 =	slt.u32 s8, $0xFFFFF086  }
0x1c: {  	p1 =	slt.u32 s9, $0xF7A;
	s5 =	simm.s32 @!p2 $0x0  }
0x1d: {  	s5 =	simm.s32 @p1 $0x1;
	p0 =	seq.s32 s7, s2  }
0x1e: {  	s7 =	smul.u32 @!p0 $0xF7A, s2;
	p2 =	seq.s32 @!p0 s5, $0x0  }
0x1f: {  	s9 =	smul.u32 $0xF7A, s1;
	s8 =	simm.s32 @!p0 $0x1BF5;
	p2 =	por !p2, p0  }
0x20: {  	[sflag:s8] =	ssyncset.s32 @!p0 $0xFFFFF086;
	s6 =	sadd.s32 @!p0 s3, s7;
	s7 =	simm.s32 @!p0 $0x108  }
0x21: {  	s3 =	sadd.s32 s3, s9;
	s6 =	sadd.s32 @!p0 $0x88, s6;
	s7 =	simm.s32 @p2 $0x1082  }
0x22: {  	[simem:s7], [sflag:s8] =	dma.local @!p0 [hbm:s6], $0xF7A  }
0x23: {  	s9 =	sor.u32 $0xD0000000, s2;
	s6 =	simm.s32 $0x108;
	_ =	swait.ge @!p0 [sflag:s8], $0x0  }
0x24: {  	s3 =	sadd.s32 $0x88, s3;
	s6 =	simm.s32 @!p1 $0x1082;
	[sflag:s4] =	ssyncset.s32 $0xFFFFF086  }
0x25: {  	[simem:s6], [sflag:s4] =	dma.local [hbm:s3], $0xF7A  }
0x26: {  	[smem:$0x3F89] =	sst s1;
	(tag) =	ssettag s2;
	_ =	strace s9  }
0x27: {  	s1 =	sld [smem:$0x3F99]  }
0x28: {  	s2 =	sld [smem:$0x3F9A]  }
0x29: {  	s4 =	sld [smem:$0x3F9C]  }
0x2a: {  	p0 =	seq.s32 s5, $0x0;
	s5 =	sld [smem:$0x3F9D]  }
0x2b: {  	s6 =	sld [smem:$0x3F9E]  }
0x2c: {  	s7 =	sld [smem:$0x3F9F]  }
0x2d: {  	s3 =	simm.s32 $0x108;
	s8 =	sld [smem:$0x3FA0]  }
0x2e: {  	s3 =	simm.s32 @!p0 $0x1082;
	s9 =	sld [smem:$0x3FA1]  }
0x2f: {  	lr =	sadd.s32 s0, s3;
	s0 =	sld [smem:$0x3F98]  }
0x30: {  	s3 =	sld [smem:$0x3F9B]  }
0x31: {  	[smem:$0x3FA4] =	sst s10  }
0x32: {  	s10 =	sld [smem:$0x3FA2];
	_ =	sdelay $0x3  }
0x33: {  	p0 =	seq.s32 s10, $0x1;
	s10 =	sld [smem:$0x3FA4];
	_ =	sdelay $0x3  }
0x34: {  	[smem:$0x3FA4] =	sst s10  }
0x35: {  	s10 =	sld [smem:$0x3FA3];
	_ =	sdelay $0x3  }
0x36: {  	p1 =	seq.s32 s10, $0x1;
	s10 =	sld [smem:$0x3FA4];
	_ =	sdelay $0x3  }
0x37: {  	[smem:$0x3FA4] =	sst s10  }
0x38: {  	s10 =	sld [smem:$0x3FA5]  }
0x39: {  	_ = 	snop;
	(pc) =	sbr.ind lr, $3  }
0x3a: {  	_ = 	snop  }
0x3b: {  	_ = 	snop  }
0x3c: {  	p2 =	seq.s32 s10, $0x1;
	s10 =	sld [smem:$0x3FA4]  }
0x3d: {  	_ =	shalt  }
0x3e: {  	_ =	shalt  }
0x3f: {  	_ =	shalt  }
0x40: {  	_ =	shalt  }
0x41: {  	_ =	shalt  }
0x42: {  	_ =	shalt  }
0x43: {  	_ =	shalt  }
0x44: {  	_ =	shalt  }
0x45: {  	_ =	shalt  }
0x46: {  	_ =	shalt  }
0x47: {  	_ =	shalt  }
0x48: {  	_ =	shalt  }
0x49: {  	_ =	shalt  }
0x4a: {  	_ =	shalt  }
0x4b: {  	_ =	shalt  }
0x4c: {  	_ =	shalt  }
0x4d: {  	_ =	shalt  }
0x4e: {  	_ =	shalt  }
0x4f: {  	_ =	shalt  }
0x50: {  	_ =	shalt  }
0x51: {  	_ =	shalt  }
0x52: {  	_ =	shalt  }
0x53: {  	_ =	shalt  }
0x54: {  	_ =	shalt  }
0x55: {  	_ =	shalt  }
0x56: {  	_ =	shalt  }
0x57: {  	_ =	shalt  }
0x58: {  	_ =	shalt  }
0x59: {  	_ =	shalt  }
0x5a: {  	_ =	shalt  }
0x5b: {  	_ =	shalt  }
0x5c: {  	_ =	shalt  }
0x5d: {  	_ =	shalt  }
0x5e: {  	_ =	shalt  }
0x5f: {  	_ =	shalt  }
0x60: {  	_ =	shalt  }
0x61: {  	_ =	shalt  }
0x62: {  	_ =	shalt  }
0x63: {  	_ =	shalt  }
0x64: {  	_ =	shalt  }
0x65: {  	_ =	shalt  }
0x66: {  	_ =	shalt  }
0x67: {  	_ =	shalt  }
0x68: {  	_ =	shalt  }
0x69: {  	_ =	shalt  }
0x6a: {  	_ =	shalt  }
0x6b: {  	_ =	shalt  }
0x6c: {  	_ =	shalt  }
0x6d: {  	_ =	shalt  }
0x6e: {  	_ =	shalt  }
0x6f: {  	_ =	shalt  }
0x70: {  	_ =	shalt  }
0x71: {  	_ =	shalt  }
0x72: {  	_ =	shalt  }
0x73: {  	_ =	shalt  }
0x74: {  	_ =	shalt  }
0x75: {  	_ =	shalt  }
0x76: {  	_ =	shalt  }
0x77: {  	_ =	shalt  }
0x78: {  	_ =	shalt  }
0x79: {  	_ =	shalt  }
0x7a: {  	_ =	shalt  }
0x7b: {  	_ =	shalt  }
0x7c: {  	_ =	shalt  }
0x7d: {  	_ =	shalt  }
0x7e: {  	_ =	shalt  }
0x7f: {  	_ =	shalt  }
0x80: {  	_ =	shalt  }
0x81: {  	_ =	shalt  }
0x82: {  	_ =	shalt  }
0x83: {  	_ =	shalt  }
0x84: {  	_ =	shalt  }
0x85: {  	_ =	shalt  }
0x86: {  	_ =	shalt  }
0x87: {  	_ =	shalt  }
.Lfunc_end0:
.L_simem_size_0:
called_computation.8_lowered:
.L_overlay_start_0:
0x88: {  	s2 =	sld [smem:$0x3FD9]  }
0x89: {  	s3 =	sld [smem:$0x3FFE];
	_ =	sdelay $0x1  }
0x8a: {  	s1 =	srdreg.scid  }
0x8b: {  	s0 =	sand.u32 $0x1, s1  }
0x8c: {  	s16 =	sshll.u32 s0, $0xA;
	s2 =	sadd.s32 s3, s2  }
0x8d: {  	s2 =	sadd.s32 s2, s16  }
0x8e: {  	[smem:$0x3FB0] =	sst s2  }
0x8f: {  	_ = 	snop  }
0x90: {  	(tm) =	ssettm $0x1  }
0x91: {  	s17 =	sld [smem:$0x3FFB];
	_ =	sdelay $0x3  }
0x92: {  	_ =	strace s17  }
0x93: {  	s2 =	sld [smem:$0x3FFC];
	_ =	sdelay $0x3  }
0x94: {  	_ =	strace s2  }
0x95: {  	s2 =	sld [smem:$0x3FFD];
	_ =	sdelay $0x3  }
0x96: {  	_ =	strace s2  }
0x97: {  	_ =	strace $0x8FFFFFFF  }
0x98: {  	s18 =	sld [smem:$0x3FDB];
	_ =	sdelay $0x1  }
0x99: {  	s19 =	simm.s32 $_scs_section_size  }
0x9a: {  	s4 =	simm.s32 $_size__tile_overlayer_lowered;
	s5 =	simm.s32 $_tile_overlayer_lowered  }
0x9b: {  	s22 =	simm.s32 $0x1BFF;
	s21 =	sshll.u32 s5, $0x1;
	s2 =	sadd.s32 s19, s18  }
0x9c: {  	s6 =	simm.s32 $0x0;
	s20 =	sshll.u32 s4, $0x1;
	s4 =	sadd.s32 s21, s2  }
0x9d: {  	[timem:s6], [sflag:s22] =	dma.local [hbm:s4], s20  }
0x9e: {  	_ =	swait.ge [sflag:s22], s20  }
0x9f: {  	s3 =	ssub.s32 $0x0, s20;
	[sflag:s22] =	ssyncset.done $0x0  }
0xa0: {  	[sflag:s22] =	ssyncadd.s32 s3;
	_ =	sdelay $0x1  }
0xa1: {  	s23 =	simm.s32 $0x1B8B  }
0xa2: {  	_ =	swait.ge [sflag:s23], $0x1  }
0xa3: {  	[sflag:s23] =	ssyncset.done $0x0  }
0xa4: {  	s25 =	simm.s32 $0x1B8E;
	s24 =	sld [smem:$0x3FFE];
	[sflag:s23] =	ssyncadd.s32 $0xFFFFFFFF  }
0xa5: {  	s26 =	simm.s32 $execute0_lowered;
	[smem:$0x3FD2] =	sst s25  }
0xa6: {  	s4 =	sshll.u32 s26, $0x1;
	_ =	strace $0x8000005B;
	[dreg:$0x1] =	wrdreg $0xFFFFFFFF  }
0xa7: {  	s28 =	simm.s32 $_size_execute0_lowered;
	s2 =	sadd.s32 s2, s4;
	[dreg:$0x0] =	wrdreg $0x0  }
0xa8: {  	s4 =	sshll.u32 s28, $0x1;
	[dreg:$0x2] =	wrdreg s2  }
0xa9: {  	[dreg:$0x3] =	wrdreg s4  }
0xaa: {  	[dreg:$0x4] =	wrdreg $0xC0  }
0xab: {  	_ =	task [dreg:s6], $0x5FFFF  }
0xac: {  	[dreg:$0x1] =	wrdreg $0xFFFFFFFF  }
0xad: {  	[dreg:$0x0] =	wrdreg $0x60  }
0xae: {  	[dreg:$0x2] =	wrdreg s24  }
0xaf: {  	[dreg:$0x3] =	wrdreg $0x9  }
0xb0: {  	_ =	task.clear_ibuf [dreg:s6], $0x4FFFF;
	_ =	strace $0x9000005B  }
0xb1: {  	s29 =	simm.s32 $0x9;
	_ =	strace $0x8000005D  }
0xb2: {  	_ =	swait.ge [sflag:s29], $0x1  }
0xb3: {  	[sflag:s29] =	ssyncadd.s32 $0xFFFFFFFF  }
0xb4: {  	_ =	strace $0x9000005D  }
0xb5: {  	_ =	sfence  }
0xb6: {  	s30 =	sld [smem:$0x0];
	_ =	sdelay $0x2  }
0xb7: {  	s31 =	sshll.u32 s1, $0xD;
	s1 =	sshrl.u32 s1, $0x2  }
0xb8: {  	s3 =	sand.u32 $0x4000, s31;
	s1 =	sadd.s32 s1, s30  }
0xb9: {  	s0 =	sor.u32 s3, s0;
	s1 =	sshll.u32 s1, $0x11  }
0xba: {  	s0 =	sor.u32 s1, s0  }
0xbb: {  	s0 =	sadd.s32 $0x8F2B, s0  }
0xbc: {  	[sflag:s0] =	ssyncadd.remote.s32 $0x1  }
0xbd: {  	_ =	sfence.sel $0xFFFF  }
0xbe: {  	[dreg:$0x0] =	wrdreg $0xFFFFFFFF;
	(pc) =	sbr.abs _section_cstart, $3  }
0xbf: {  	[dreg:$0x1] =	wrdreg $0xFFFFFFFF  }
0xc0: {  	_ =	task.clear_ibuf [dreg:s6], $0x2FFFF;
	_ =	strace $0x9FFFFFFF  }
0xc1: {  	(tm) =	ssettm $0x7FFFFFFF  }
tec
execute0_lowered:
.L_overlay_start_1:
0x0: {  	(tag) =	ssettag $0x1  }
0x1: {  	s0 =	stileid.u32  }
0x2: {  	s4 =	smul.u32 $0x1880, s0  }
0x3: {  	s1 =	srdreg.scid;
	s6 =	smul.u32 $0x18800, s0  }
0x4: {  	s5 =	sand.u32 $0x1, s1;
	s10 =	smul.u32 $0x188, s0  }
0x5: {  	s3 =	rddreg [dreg:$0x0];
	s9 =	smul.u32 $0xC40, s5  }
0x6: {  	s2 =	simm.s32 $0x0;
	s1 =	rddreg [dreg:$0x1];
	s30 =	smul.u32 $0xC400, s5  }
0x7: {  	[smem:$0x7FF] =	sst s2;
	s7 =	ssub.s32 $0x2, s5;
	s31 =	smul.u32 $0xC4, s5  }
0x8: {  	_ =	strace $0x8000005C;
	s8 =	sshrl.u32 s7, $0x1;
	s4 =	sadd.s32 s4, s3  }
0x9: {  	s6 =	sadd.s32 s6, s3;
	s3 =	sadd.s32 $0x20DA00, s3;
	s7 =	ssub.s32 s7, s8  }
0xa: {  	s9 =	sadd.s32 s9, s4;
	s6 =	sadd.s32 s30, s6;
	s4 =	smax.u32 s7, $0x1  }
0xb: {  	s5 =	sadd.s32 $0x22A00, s9;
	s6 =	sadd.s32 $0x53A00, s6;
	s7 =	sadd.s32 s31, s10  }
.LBB2_1:
0xc: {  	s8 =	sadd.s32 $0x0, s7  }
0xd: {  	p0 =	sgt.u32 s8, $0x1869  }
0xe: {  	s8 =	simm.s32 @!p0 $0x0;
	s9 =	simm.s32 @!p0 $0x3  }
0xf: {  	[tilespmem:s8], [sflag:$0x3] =	stream.linear.gather @!p0 [hbm4b:s5+s8], $0x80, $0x38;
	[tilespmem:$0x880] =	vst v63  }
0x10: {  	_ =	swait.ge @!p0 [sflag:s9], $0x80  }
0x11: {  	[sflag:s9] =	ssyncset.done @!p0 $0x0;
	p0 =	por p0, p0  }
0x12: {  	[sflag:s9] =	ssyncadd.s32 @!p0 $0xFFFFFF80;
	s10 =	simm.s32 @!p0 $0x80;
	s11 =	simm.s32 @!p0 $0x1  }
0x13: {  	[tilespmem:s10], [sflag:$0x1] =	stream.indirect.gather @!p0 [hbm4b:s3+s10], $0x10, s8, s10, $0xb8;
	[tilespmem:$0x880] =	vst v63  }
0x14: {  	_ =	swait.ge @!p0 [sflag:s11], $0x800  }
0x15: {  	[sflag:s11] =	ssyncset.done @!p0 $0x0  }
0x16: {  	s31 =	sadd.s32 $0x1, s7;
	[sflag:s11] =	ssyncadd.s32 @!p0 $0xFFFFF800;
	s11 =	simm.s32 @!p0 $0x2  }
0x17: {  	[hbm4b:s6+s8] =	stream.linear.scatter @!p0 [tilespmem:s10], [sflag:$0x2], $0x800, $0x38;
	[tilespmem:$0x880] =	vst v63  }
0x18: {  	p1 =	sgt.u32 s31, $0x1869;
	s9 =	simm.s32 $0x2;
	_ =	swait.ge @!p0 [sflag:s11], $0x800  }
0x19: {  	s8 =	sadd.s32 $0x100, s6;
	s10 =	sadd.s32 $0x10, s5;
	[sflag:s11] =	ssyncset.done @!p0 $0x0  }
.LBB2_2:
0x1a: {  	s12 =	simm.s32 @!p1 $0x0;
	s13 =	simm.s32 @!p1 $0x3;
	[sflag:s11] =	ssyncadd.s32 @!p0 $0xFFFFF800  }
0x1b: {  	[tilespmem:s12], [sflag:$0x3] =	stream.linear.gather @!p1 [hbm4b:s10+s12], $0x80, $0x38;
	[tilespmem:$0x880] =	vst v63  }
0x1c: {  	s14 =	smov.u32 s9;
	s9 =	sadd.s32 $0x1, s9;
	_ =	swait.ge @!p1 [sflag:s13], $0x80  }
0x1d: {  	p0 =	por p1, p1;
	p2 =	sne.s32 s9, $0xC4;
	[sflag:s13] =	ssyncset.done @!p1 $0x0  }
0x1e: {  	s11 =	simm.s32 @!p0 $0x1;
	[sflag:s13] =	ssyncadd.s32 @!p0 $0xFFFFFF80;
	s13 =	simm.s32 @!p0 $0x80  }
0x1f: {  	[tilespmem:s13], [sflag:$0x1] =	stream.indirect.gather @!p0 [hbm4b:s3+s13], $0x10, s12, s13, $0xb8;
	[tilespmem:$0x880] =	vst v63  }
0x20: {  	_ =	swait.ge @!p0 [sflag:s11], $0x800  }
.Ltmp0:
0x21: {  	[sflag:s11] =	ssyncset.done @!p0 $0x0;
	(pc) =	sbr.rel @p2 .LBB2_2-.Ltmp0, $4  }
0x22: {  	[sflag:s11] =	ssyncadd.s32 @!p0 $0xFFFFF800;
	s11 =	simm.s32 @!p0 $0x2  }
0x23: {  	[hbm4b:s8+s12] =	stream.linear.scatter @!p0 [tilespmem:s13], [sflag:$0x2], $0x800, $0x38;
	[tilespmem:$0x880] =	vst v63  }
0x24: {  	s12 =	sadd.s32 s14, s7;
	s8 =	sadd.s32 $0x100, s8;
	_ =	swait.ge @!p0 [sflag:s11], $0x800  }
0x25: {  	s10 =	sadd.s32 $0x10, s10;
	p1 =	sgt.u32 s12, $0x1869;
	[sflag:s11] =	ssyncset.done @!p0 $0x0  }
0x26: {  	s9 =	simm.s32 @!p1 $0x0;
	s12 =	simm.s32 @!p1 $0x3;
	[sflag:s11] =	ssyncadd.s32 @!p0 $0xFFFFF800  }
0x27: {  	[tilespmem:s9], [sflag:$0x3] =	stream.linear.gather @!p1 [hbm4b:s10+s9], $0x80, $0x38;
	[tilespmem:$0x880] =	vst v63  }
0x28: {  	_ =	swait.ge @!p1 [sflag:s12], $0x80  }
0x29: {  	p0 =	por p1, p1;
	[sflag:s12] =	ssyncset.done @!p1 $0x0  }
0x2a: {  	s10 =	simm.s32 @!p0 $0x80;
	s11 =	simm.s32 @!p0 $0x1;
	[sflag:s12] =	ssyncadd.s32 @!p0 $0xFFFFFF80  }
0x2b: {  	[tilespmem:s10], [sflag:$0x1] =	stream.indirect.gather @!p0 [hbm4b:s3+s10], $0x10, s9, s10, $0xb8;
	[tilespmem:$0x880] =	vst v63  }
0x2c: {  	s2 =	sadd.s32 $0x1, s2;
	_ =	swait.ge @!p0 [sflag:s11], $0x800  }
0x2d: {  	p1 =	sne.s32 s2, s4;
	[sflag:s11] =	ssyncset.done @!p0 $0x0  }
.Ltmp1:
0x2e: {  	[sflag:s11] =	ssyncadd.s32 @!p0 $0xFFFFF800;
	s11 =	simm.s32 @!p0 $0x2;
	(pc) =	sbr.rel @p1 .LBB2_1-.Ltmp1, $4  }
0x2f: {  	[hbm4b:s8+s9] =	stream.linear.scatter @!p0 [tilespmem:s10], [sflag:$0x2], $0x800, $0x38;
	[tilespmem:$0x880] =	vst v63  }
0x30: {  	_ =	swait.ge @!p0 [sflag:s11], $0x800  }
0x31: {  	[sflag:s11] =	ssyncset.done @!p0 $0x0  }
0x32: {  	[sflag:s11] =	ssyncadd.s32 @!p0 $0xFFFFF800  }
0x33: {  	_ =	sfence.sel $0x180000  }
0x34: {  	[bflag:$0x0] =	sbarrier.arrive $0xFFFF  }
0x35: {  	p0 =	sne.s32 s0, $0x0;
	_ =	strace $0x9000005C  }
0x36: {  	s0 =	sadd.s32 @!p0 $0x100000, s1;
	[bflag:$0x2] =	sbarrier.arrive $0xFFFF  }
0x37: {  	[sflag:s0] =	ssyncadd.tile.s32 @!p0 $0x1;
	_ =	shalt  }
.Lfunc_end2:
_tile_overlayer_lowered:
.L_overlay_start_2:
0x38: {  	(tag) =	ssettag $0x2  }
0x39: {  	s0 =	rddreg [dreg:$0x0];
	s2 =	stileid.u32  }
0x3a: {  	s1 =	rddreg [dreg:$0x1];
	p0 =	sne.s32 s2, $0x0  }
0x3b: {  	s3 =	rddreg [dreg:$0x2];
	[bflag:$0x3] =	sbarrier.arrive $0xFFFF;
	s2 =	simm.s32 @!p0 $0x1C02  }
0x3c: {  	[timem:s3], [sflag:s2] =	dma.local @!p0 [hbm:s0], s1  }
0x3d: {  	s0 =	simm.s32 @!p0 $0x2  }
0x3e: {  	_ =	swait.ge @!p0 [sflag:s0], s1  }
0x3f: {  	s1 =	ssub.s32 @!p0 $0x0, s1;
	[sflag:s0] =	ssyncset.done @!p0 $0x0  }
0x40: {  	[sflag:s0] =	ssyncadd.s32 @!p0 s1  }
0x41: {  	[bflag:$0x3] =	sbarrier.arrive $0xFFFF  }
0x42: {  	_ =	shalt  }

// kernel: kernel.35.cloned.1.call-start
scs
__scs_entry_jumppad:
0x0: {  	(pc) =	sbr.rel $0x88, $3  }
0x1: {  	(tag) =	ssettag $0x0;
	lr =	simm.s32 $0x1  }
0x2: {  	[smem:$0x3F89] =	sst lr;
	_ =	strace $0xD0000000  }
0x3: {  	_ = 	snop  }
0x4: {  	_ = 	snop  }
0x5: {  	_ = 	snop  }
0x6: {  	_ = 	snop  }
0x7: {  	_ = 	snop  }
__scs_overlays_trampoline_lowered:
0x8: {  	[smem:$0x3F98] =	sst s0  }
0x9: {  	[smem:$0x3F99] =	sst s1  }
0xa: {  	[smem:$0x3F9A] =	sst s2  }
0xb: {  	[smem:$0x3F9B] =	sst s3  }
0xc: {  	[smem:$0x3F9C] =	sst s4  }
0xd: {  	[smem:$0x3F9D] =	sst s5  }
0xe: {  	[smem:$0x3F9E] =	sst s6  }
0xf: {  	[smem:$0x3F9F] =	sst s7  }
0x10: {  	[smem:$0x3FA0] =	sst s8  }
0x11: {  	[smem:$0x3FA1] =	sst s9;
	s0 =	simm.s32 @!p0 $0x0  }
0x12: {  	s1 =	sld [smem:$0x3F87];
	s0 =	simm.s32 @p0 $0x1  }
0x13: {  	[smem:$0x3FA2] =	sst s0;
	s0 =	simm.s32 @!p1 $0x0  }
0x14: {  	s2 =	sld [smem:$0x3F86];
	s0 =	simm.s32 @p1 $0x1  }
0x15: {  	[smem:$0x3FA3] =	sst s0;
	s0 =	simm.s32 @!p2 $0x0  }
0x16: {  	s3 =	sld [smem:$0x3FDB];
	s0 =	simm.s32 @p2 $0x1  }
0x17: {  	s4 =	simm.s32 $0x1BF5;
	[smem:$0x3FA5] =	sst s0  }
0x18: {  	s0 =	sld [smem:$0x3F88];
	_ =	swait.ge [sflag:s4], $0x0  }
0x19: {  	s7 =	sld [smem:$0x3F89]  }
0x1a: {  	s8 =	sadd.s32 $0xFFFFE003, lr  }
0x1b: {  	s9 =	sadd.s32 $0xFFFFFEF7, lr;
	s5 =	simm.s32 $0xFFFFFFFF;
	p2 =	slt.u32 s8, $0xFFFFF086  }
0x1c: {  	p1 =	slt.u32 s9, $0xF7A;
	s5 =	simm.s32 @!p2 $0x0  }
0x1d: {  	s5 =	simm.s32 @p1 $0x1;
	p0 =	seq.s32 s7, s2  }
0x1e: {  	s7 =	smul.u32 @!p0 $0xF7A, s2;
	p2 =	seq.s32 @!p0 s5, $0x0  }
0x1f: {  	s9 =	smul.u32 $0xF7A, s1;
	s8 =	simm.s32 @!p0 $0x1BF5;
	p2 =	por !p2, p0  }
0x20: {  	[sflag:s8] =	ssyncset.s32 @!p0 $0xFFFFF086;
	s6 =	sadd.s32 @!p0 s3, s7;
	s7 =	simm.s32 @!p0 $0x108  }
0x21: {  	s3 =	sadd.s32 s3, s9;
	s6 =	sadd.s32 @!p0 $0x88, s6;
	s7 =	simm.s32 @p2 $0x1082  }
0x22: {  	[simem:s7], [sflag:s8] =	dma.local @!p0 [hbm:s6], $0xF7A  }
0x23: {  	s9 =	sor.u32 $0xD0000000, s2;
	s6 =	simm.s32 $0x108;
	_ =	swait.ge @!p0 [sflag:s8], $0x0  }
0x24: {  	s3 =	sadd.s32 $0x88, s3;
	s6 =	simm.s32 @!p1 $0x1082;
	[sflag:s4] =	ssyncset.s32 $0xFFFFF086  }
0x25: {  	[simem:s6], [sflag:s4] =	dma.local [hbm:s3], $0xF7A  }
0x26: {  	[smem:$0x3F89] =	sst s1;
	(tag) =	ssettag s2;
	_ =	strace s9  }
0x27: {  	s1 =	sld [smem:$0x3F99]  }
0x28: {  	s2 =	sld [smem:$0x3F9A]  }
0x29: {  	s4 =	sld [smem:$0x3F9C]  }
0x2a: {  	p0 =	seq.s32 s5, $0x0;
	s5 =	sld [smem:$0x3F9D]  }
0x2b: {  	s6 =	sld [smem:$0x3F9E]  }
0x2c: {  	s7 =	sld [smem:$0x3F9F]  }
0x2d: {  	s3 =	simm.s32 $0x108;
	s8 =	sld [smem:$0x3FA0]  }
0x2e: {  	s3 =	simm.s32 @!p0 $0x1082;
	s9 =	sld [smem:$0x3FA1]  }
0x2f: {  	lr =	sadd.s32 s0, s3;
	s0 =	sld [smem:$0x3F98]  }
0x30: {  	s3 =	sld [smem:$0x3F9B]  }
0x31: {  	[smem:$0x3FA4] =	sst s10  }
0x32: {  	s10 =	sld [smem:$0x3FA2];
	_ =	sdelay $0x3  }
0x33: {  	p0 =	seq.s32 s10, $0x1;
	s10 =	sld [smem:$0x3FA4];
	_ =	sdelay $0x3  }
0x34: {  	[smem:$0x3FA4] =	sst s10  }
0x35: {  	s10 =	sld [smem:$0x3FA3];
	_ =	sdelay $0x3  }
0x36: {  	p1 =	seq.s32 s10, $0x1;
	s10 =	sld [smem:$0x3FA4];
	_ =	sdelay $0x3  }
0x37: {  	[smem:$0x3FA4] =	sst s10  }
0x38: {  	s10 =	sld [smem:$0x3FA5]  }
0x39: {  	_ = 	snop;
	(pc) =	sbr.ind lr, $3  }
0x3a: {  	_ = 	snop  }
0x3b: {  	_ = 	snop  }
0x3c: {  	p2 =	seq.s32 s10, $0x1;
	s10 =	sld [smem:$0x3FA4]  }
0x3d: {  	_ =	shalt  }
0x3e: {  	_ =	shalt  }
0x3f: {  	_ =	shalt  }
0x40: {  	_ =	shalt  }
0x41: {  	_ =	shalt  }
0x42: {  	_ =	shalt  }
0x43: {  	_ =	shalt  }
0x44: {  	_ =	shalt  }
0x45: {  	_ =	shalt  }
0x46: {  	_ =	shalt  }
0x47: {  	_ =	shalt  }
0x48: {  	_ =	shalt  }
0x49: {  	_ =	shalt  }
0x4a: {  	_ =	shalt  }
0x4b: {  	_ =	shalt  }
0x4c: {  	_ =	shalt  }
0x4d: {  	_ =	shalt  }
0x4e: {  	_ =	shalt  }
0x4f: {  	_ =	shalt  }
0x50: {  	_ =	shalt  }
0x51: {  	_ =	shalt  }
0x52: {  	_ =	shalt  }
0x53: {  	_ =	shalt  }
0x54: {  	_ =	shalt  }
0x55: {  	_ =	shalt  }
0x56: {  	_ =	shalt  }
0x57: {  	_ =	shalt  }
0x58: {  	_ =	shalt  }
0x59: {  	_ =	shalt  }
0x5a: {  	_ =	shalt  }
0x5b: {  	_ =	shalt  }
0x5c: {  	_ =	shalt  }
0x5d: {  	_ =	shalt  }
0x5e: {  	_ =	shalt  }
0x5f: {  	_ =	shalt  }
0x60: {  	_ =	shalt  }
0x61: {  	_ =	shalt  }
0x62: {  	_ =	shalt  }
0x63: {  	_ =	shalt  }
0x64: {  	_ =	shalt  }
0x65: {  	_ =	shalt  }
0x66: {  	_ =	shalt  }
0x67: {  	_ =	shalt  }
0x68: {  	_ =	shalt  }
0x69: {  	_ =	shalt  }
0x6a: {  	_ =	shalt  }
0x6b: {  	_ =	shalt  }
0x6c: {  	_ =	shalt  }
0x6d: {  	_ =	shalt  }
0x6e: {  	_ =	shalt  }
0x6f: {  	_ =	shalt  }
0x70: {  	_ =	shalt  }
0x71: {  	_ =	shalt  }
0x72: {  	_ =	shalt  }
0x73: {  	_ =	shalt  }
0x74: {  	_ =	shalt  }
0x75: {  	_ =	shalt  }
0x76: {  	_ =	shalt  }
0x77: {  	_ =	shalt  }
0x78: {  	_ =	shalt  }
0x79: {  	_ =	shalt  }
0x7a: {  	_ =	shalt  }
0x7b: {  	_ =	shalt  }
0x7c: {  	_ =	shalt  }
0x7d: {  	_ =	shalt  }
0x7e: {  	_ =	shalt  }
0x7f: {  	_ =	shalt  }
0x80: {  	_ =	shalt  }
0x81: {  	_ =	shalt  }
0x82: {  	_ =	shalt  }
0x83: {  	_ =	shalt  }
0x84: {  	_ =	shalt  }
0x85: {  	_ =	shalt  }
0x86: {  	_ =	shalt  }
0x87: {  	_ =	shalt  }
.Lfunc_end0:
.L_simem_size_0:
called_computation.9_lowered:
.L_overlay_start_0:
0x88: {  	s2 =	sld [smem:$0x3FD9]  }
0x89: {  	s3 =	sld [smem:$0x3FFE];
	_ =	sdelay $0x1  }
0x8a: {  	s1 =	srdreg.scid  }
0x8b: {  	s0 =	sand.u32 $0x1, s1  }
0x8c: {  	s16 =	sshll.u32 s0, $0xA;
	s2 =	sadd.s32 s3, s2  }
0x8d: {  	s2 =	sadd.s32 s2, s16  }
0x8e: {  	[smem:$0x3FB0] =	sst s2  }
0x8f: {  	_ = 	snop  }
0x90: {  	(tm) =	ssettm $0x1  }
0x91: {  	s17 =	sld [smem:$0x3FFB];
	_ =	sdelay $0x3  }
0x92: {  	_ =	strace s17  }
0x93: {  	s2 =	sld [smem:$0x3FFC];
	_ =	sdelay $0x3  }
0x94: {  	_ =	strace s2  }
0x95: {  	s2 =	sld [smem:$0x3FFD];
	_ =	sdelay $0x3  }
0x96: {  	_ =	strace s2  }
0x97: {  	_ =	strace $0x8FFFFFFF  }
0x98: {  	s18 =	sld [smem:$0x3FDB];
	_ =	sdelay $0x1  }
0x99: {  	s19 =	simm.s32 $_scs_section_size  }
0x9a: {  	s4 =	simm.s32 $_size__tile_overlayer_lowered;
	s5 =	simm.s32 $_tile_overlayer_lowered  }
0x9b: {  	s22 =	simm.s32 $0x1BFF;
	s21 =	sshll.u32 s5, $0x1;
	s2 =	sadd.s32 s19, s18  }
0x9c: {  	s6 =	simm.s32 $0x0;
	s20 =	sshll.u32 s4, $0x1;
	s4 =	sadd.s32 s21, s2  }
0x9d: {  	[timem:s6], [sflag:s22] =	dma.local [hbm:s4], s20  }
0x9e: {  	_ =	swait.ge [sflag:s22], s20  }
0x9f: {  	s3 =	ssub.s32 $0x0, s20;
	[sflag:s22] =	ssyncset.done $0x0  }
0xa0: {  	[sflag:s22] =	ssyncadd.s32 s3;
	_ =	sdelay $0x1  }
0xa1: {  	s23 =	simm.s32 $0x1B8B  }
0xa2: {  	_ =	swait.ge [sflag:s23], $0x1  }
0xa3: {  	[sflag:s23] =	ssyncset.done $0x0  }
0xa4: {  	s25 =	simm.s32 $0x1B8E;
	s24 =	sld [smem:$0x3FFE];
	[sflag:s23] =	ssyncadd.s32 $0xFFFFFFFF  }
0xa5: {  	s26 =	simm.s32 $execute0_lowered;
	[smem:$0x3FD2] =	sst s25  }
0xa6: {  	s4 =	sshll.u32 s26, $0x1;
	_ =	strace $0x80000061;
	[dreg:$0x1] =	wrdreg $0xFFFFFFFF  }
0xa7: {  	s28 =	simm.s32 $_size_execute0_lowered;
	s2 =	sadd.s32 s2, s4;
	[dreg:$0x0] =	wrdreg $0x0  }
0xa8: {  	s4 =	sshll.u32 s28, $0x1;
	[dreg:$0x2] =	wrdreg s2  }
0xa9: {  	[dreg:$0x3] =	wrdreg s4  }
0xaa: {  	[dreg:$0x4] =	wrdreg $0xC0  }
0xab: {  	_ =	task [dreg:s6], $0x5FFFF  }
0xac: {  	[dreg:$0x1] =	wrdreg $0xFFFFFFFF  }
0xad: {  	[dreg:$0x0] =	wrdreg $0x60  }
0xae: {  	[dreg:$0x2] =	wrdreg s24  }
0xaf: {  	[dreg:$0x3] =	wrdreg $0x30800  }
0xb0: {  	[dreg:$0x4] =	wrdreg $0x9  }
0xb1: {  	_ =	task.clear_ibuf [dreg:s6], $0x5FFFF;
	_ =	strace $0x90000061  }
0xb2: {  	s29 =	simm.s32 $0x9;
	_ =	strace $0x80000063  }
0xb3: {  	_ =	swait.ge [sflag:s29], $0x1  }
0xb4: {  	[sflag:s29] =	ssyncadd.s32 $0xFFFFFFFF  }
0xb5: {  	_ =	strace $0x90000063  }
0xb6: {  	_ =	sfence  }
0xb7: {  	s30 =	sld [smem:$0x0];
	_ =	sdelay $0x2  }
0xb8: {  	s31 =	sshll.u32 s1, $0xD;
	s1 =	sshrl.u32 s1, $0x2  }
0xb9: {  	s3 =	sand.u32 $0x4000, s31;
	s1 =	sadd.s32 s1, s30  }
0xba: {  	s0 =	sor.u32 s3, s0;
	s1 =	sshll.u32 s1, $0x11  }
0xbb: {  	s0 =	sor.u32 s1, s0  }
0xbc: {  	s0 =	sadd.s32 $0x8F2B, s0  }
0xbd: {  	[sflag:s0] =	ssyncadd.remote.s32 $0x1  }
0xbe: {  	_ =	sfence.sel $0xFFFF  }
0xbf: {  	[dreg:$0x0] =	wrdreg $0xFFFFFFFF;
	(pc) =	sbr.abs _section_cstart, $3  }
0xc0: {  	[dreg:$0x1] =	wrdreg $0xFFFFFFFF  }
0xc1: {  	_ =	task.clear_ibuf [dreg:s6], $0x2FFFF;
	_ =	strace $0x9FFFFFFF  }
0xc2: {  	(tm) =	ssettm $0x7FFFFFFF  }
0xc3: {  	_ =	shalt  }
tec
execute0_lowered:
.L_overlay_start_1:
0x0: {  	(tag) =	ssettag $0x1  }
0x1: {  	s1 =	stileid.u32  }
0x2: {  	s5 =	smul.u32 $0x18800, s1  }
0x3: {  	s7 =	smul.u32 $0x1880, s1  }
0x4: {  	s21 =	smul.u32 $0x32000, s1  }
0x5: {  	s4 =	rddreg [dreg:$0x0];
	s8 =	smul.u32 $0xC80, s1  }
0x6: {  	s6 =	srdreg.scid;
	s17 =	smul.u32 $0x1900, s1  }
0x7: {  	s2 =	rddreg [dreg:$0x1];
	s10 =	sand.u32 $0x1, s6;
	s29 =	smul.u32 $0x188, s1  }
0x8: {  	s0 =	rddreg [dreg:$0x2];
	s3 =	simm.s32 $0x0;
	s20 =	smul.u32 $0x19000, s10  }
0x9: {  	[smem:$0x7FF] =	sst s3;
	s18 =	smul.u32 $0xC40, s10  }
0xa: {  	_ =	strace $0x80000062;
	s6 =	ssub.s32 $0x2, s10;
	s28 =	smul.u32 $0xC400, s10  }
0xb: {  	s31 =	smul.u32 $0xC4, s10;
	s11 =	sadd.s32 s5, s4;
	s12 =	sadd.s32 s7, s4  }
0xc: {  	s22 =	sshrl.u32 s6, $0x1;
	s23 =	sshrl.u32 s21, $0x2;
	s13 =	sadd.s32 $0x280, s8  }
0xd: {  	s14 =	sadd.s32 $0x500, s8;
	s15 =	sadd.s32 $0x780, s8;
	s16 =	sadd.s32 $0xA00, s8  }
0xe: {  	s4 =	sadd.s32 s20, s4;
	s5 =	ssub.s32 s6, s22;
	s24 =	sshll.u32 s13, $0x4  }
0xf: {  	s25 =	sshll.u32 s14, $0x4;
	s9 =	sshll.u32 s15, $0x4;
	s26 =	sshll.u32 s16, $0x4  }
0x10: {  	s20 =	sshll.u32 s13, $0x1;
	s21 =	sshll.u32 s14, $0x1;
	s12 =	sadd.s32 s18, s12  }
0x11: {  	s30 =	sshll.u32 s15, $0x1;
	s11 =	sadd.s32 s28, s11;
	s22 =	sshll.u32 s16, $0x1  }
0x12: {  	s13 =	simm.s32 $0x880;
	s14 =	simm.s32 $0x1;
	s19 =	sadd.s32 $0x53A00, s4  }
0x13: {  	s4 =	sadd.s32 s23, s2;
	s5 =	smax.u32 s5, $0x1;
	s6 =	sadd.s32 s24, s2  }
0x14: {  	s7 =	sadd.s32 s25, s2;
	s8 =	sadd.s32 s9, s2;
	s9 =	sadd.s32 s26, s2  }
0x15: {  	s10 =	sadd.s32 $0x3B200, s12;
	s11 =	sadd.s32 $0x258A00, s11;
	s12 =	sadd.s32 s31, s29  }
0x16: {  	s15 =	sadd.s32 s17, s19;
	s16 =	sadd.s32 s20, s19;
	s17 =	sadd.s32 s21, s19  }
0x17: {  	v0 =	vimm.f32 $0.0e+00;
	s18 =	sadd.s32 s30, s19;
	s19 =	sadd.s32 s22, s19;
	s20 =	simm.s32 $0x0  }
.LBB2_1:
0x18: {  	s21 =	simm.s32 $0x40;
	s22 =	simm.s32 $0x0  }
.LBB2_2:
0x19: {  	p0 =	sne.s32 s21, $0x9FC0;
	[tilespmem:s22+$0x880] =	vst v0;
	s22 =	smov.u32 s21;
	s21 =	sadd.s32 $0x40, s21  }
.Ltmp0:
0x1a: {  	(pc) =	sbr.rel @p0 .LBB2_2-.Ltmp0, $2  }
0x1b: {  	_ =	sdelay $0x2  }
0x1c: {  	s22 =	sshra.s32 s22, $0x2  }
0x1d: {  	[tilespmem:s22+$0x880] =	vst v0  }
0x1e: {  	[spmem:s4] =	stream.linear.scatter [tilespmem:s13], [sflag:$0x1], $0x2800, $0x38;
	[tilespmem:$0xF880] =	vst v63  }
0x1f: {  	_ =	swait.ge [sflag:s14], $0x2800  }
0x20: {  	[sflag:s14] =	ssyncset.done $0x0  }
0x21: {  	[sflag:s14] =	ssyncadd.s32 $0xFFFFD800  }
0x22: {  	[spmem:s6] =	stream.linear.scatter [tilespmem:s13], [sflag:$0x1], $0x2800, $0x38;
	[tilespmem:$0xF880] =	vst v63  }
0x23: {  	_ =	swait.ge [sflag:s14], $0x2800  }
0x24: {  	[sflag:s14] =	ssyncset.done $0x0  }
0x25: {  	[sflag:s14] =	ssyncadd.s32 $0xFFFFD800  }
0x26: {  	[spmem:s7] =	stream.linear.scatter [tilespmem:s13], [sflag:$0x1], $0x2800, $0x38;
	[tilespmem:$0xF880] =	vst v63  }
0x27: {  	_ =	swait.ge [sflag:s14], $0x2800  }
0x28: {  	[sflag:s14] =	ssyncset.done $0x0  }
0x29: {  	[sflag:s14] =	ssyncadd.s32 $0xFFFFD800  }
0x2a: {  	[spmem:s8] =	stream.linear.scatter [tilespmem:s13], [sflag:$0x1], $0x2800, $0x38;
	[tilespmem:$0xF880] =	vst v63  }
0x2b: {  	_ =	swait.ge [sflag:s14], $0x2800  }
0x2c: {  	[sflag:s14] =	ssyncset.done $0x0  }
0x2d: {  	[sflag:s14] =	ssyncadd.s32 $0xFFFFD800  }
0x2e: {  	[spmem:s9] =	stream.linear.scatter [tilespmem:s13], [sflag:$0x1], $0x2800, $0x38;
	[tilespmem:$0xF880] =	vst v63  }
0x2f: {  	_ =	swait.ge [sflag:s14], $0x2800  }
0x30: {  	s21 =	sadd.s32 $0x0, s12;
	[sflag:s14] =	ssyncset.done $0x0  }
0x31: {  	p0 =	sgt.u32 s21, $0x1869;
	[sflag:s14] =	ssyncadd.s32 $0xFFFFD800  }
0x32: {  	s21 =	simm.s32 @!p0 $0x0;
	s23 =	simm.s32 @!p0 $0x2;
	[bflag:$0x0] =	sbarrier.arrive $0xFFFF  }
0x33: {  	[tilespmem:s21], [sflag:$0x2] =	stream.linear.gather @!p0 [hbm4b:s10+s21], $0x80, $0x38;
	[tilespmem:$0xF880] =	vst v63  }
0x34: {  	_ =	swait.ge @!p0 [sflag:s23], $0x80  }
0x35: {  	[sflag:s23] =	ssyncset.done @!p0 $0x0;
	p0 =	por p0, p0  }
0x36: {  	[sflag:s23] =	ssyncadd.s32 @!p0 $0xFFFFFF80;
	s25 =	simm.s32 @!p0 $0x80  }
0x37: {  	[tilespmem:s25], [sflag:$0x2] =	stream.linear.gather @!p0 [hbm4b:s11+s21], $0x800, $0x38;
	[tilespmem:$0xF880] =	vst v63  }
0x38: {  	_ =	swait.ge @!p0 [sflag:s23], $0x800  }
0x39: {  	[sflag:s23] =	ssyncset.done @!p0 $0x0  }
0x3a: {  	s31 =	sadd.s32 $0x1, s12;
	s24 =	simm.s32 @!p0 $0x1;
	[sflag:s23] =	ssyncadd.s32 @!p0 $0xFFFFF800  }
0x3b: {  	[spmem:s2] =	stream.indirect.scatter.add.f32 @!p0 [tilespmem:s25], [sflag:$0x1], $0x10, s21, s25, $0xb8;
	[tilespmem:$0xF880] =	vst v63  }
0x3c: {  	s22 =	simm.s32 $0x2;
	p1 =	sgt.u32 s31, $0x1869;
	_ =	swait.ge @!p0 [sflag:s24], $0x800  }
0x3d: {  	s23 =	sadd.s32 $0x10, s10;
	s21 =	sadd.s32 $0x100, s11;
	[sflag:s24] =	ssyncset.done @!p0 $0x0  }
.LBB2_4:
0x3e: {  	s25 =	simm.s32 @!p1 $0x0;
	s26 =	simm.s32 @!p1 $0x2;
	[sflag:s24] =	ssyncadd.s32 @!p0 $0xFFFFF800  }
0x3f: {  	[tilespmem:s25], [sflag:$0x2] =	stream.linear.gather @!p1 [hbm4b:s23+s25], $0x80, $0x38;
	[tilespmem:$0xF880] =	vst v63  }
0x40: {  	s28 =	smov.u32 s22;
	s22 =	sadd.s32 $0x1, s22;
	_ =	swait.ge @!p1 [sflag:s26], $0x80  }
0x41: {  	p0 =	por p1, p1;
	p2 =	sne.s32 s22, $0xC4;
	[sflag:s26] =	ssyncset.done @!p1 $0x0  }
0x42: {  	s29 =	simm.s32 @!p0 $0x80;
	[sflag:s26] =	ssyncadd.s32 @!p0 $0xFFFFFF80  }
0x43: {  	[tilespmem:s29], [sflag:$0x2] =	stream.linear.gather @!p0 [hbm4b:s21+s25], $0x800, $0x38;
	[tilespmem:$0xF880] =	vst v63  }
0x44: {  	_ =	swait.ge @!p0 [sflag:s26], $0x800  }
.Ltmp1:
0x45: {  	[sflag:s26] =	ssyncset.done @!p0 $0x0;
	(pc) =	sbr.rel @p2 .LBB2_4-.Ltmp1, $4  }
0x46: {  	s24 =	simm.s32 @!p0 $0x1;
	[sflag:s26] =	ssyncadd.s32 @!p0 $0xFFFFF800  }
0x47: {  	[spmem:s2] =	stream.indirect.scatter.add.f32 @!p0 [tilespmem:s29], [sflag:$0x1], $0x10, s25, s29, $0xb8;
	[tilespmem:$0xF880] =	vst v63  }
0x48: {  	s21 =	sadd.s32 $0x100, s21;
	s25 =	sadd.s32 s28, s12;
	_ =	swait.ge @!p0 [sflag:s24], $0x800  }
0x49: {  	s23 =	sadd.s32 $0x10, s23;
	p1 =	sgt.u32 s25, $0x1869;
	[sflag:s24] =	ssyncset.done @!p0 $0x0  }
0x4a: {  	s22 =	simm.s32 @!p1 $0x0;
	s25 =	simm.s32 @!p1 $0x2;
	[sflag:s24] =	ssyncadd.s32 @!p0 $0xFFFFF800  }
0x4b: {  	[tilespmem:s22], [sflag:$0x2] =	stream.linear.gather @!p1 [hbm4b:s23+s22], $0x80, $0x38;
	[tilespmem:$0xF880] =	vst v63  }
0x4c: {  	_ =	swait.ge @!p1 [sflag:s25], $0x80  }
0x4d: {  	p0 =	por p1, p1;
	[sflag:s25] =	ssyncset.done @!p1 $0x0  }
0x4e: {  	s23 =	simm.s32 @!p0 $0x80;
	[sflag:s25] =	ssyncadd.s32 @!p0 $0xFFFFFF80  }
0x4f: {  	[tilespmem:s23], [sflag:$0x2] =	stream.linear.gather @!p0 [hbm4b:s21+s22], $0x800, $0x38;
	[tilespmem:$0xF880] =	vst v63  }
0x50: {  	_ =	swait.ge @!p0 [sflag:s25], $0x800  }
0x51: {  	[sflag:s25] =	ssyncset.done @!p0 $0x0  }
0x52: {  	s21 =	simm.s32 @!p0 $0x1;
	[sflag:s25] =	ssyncadd.s32 @!p0 $0xFFFFF800  }
0x53: {  	[spmem:s2] =	stream.indirect.scatter.add.f32 @!p0 [tilespmem:s23], [sflag:$0x1], $0x10, s22, s23, $0xb8;
	[tilespmem:$0xF880] =	vst v63  }
0x54: {  	_ =	swait.ge @!p0 [sflag:s21], $0x800  }
0x55: {  	[sflag:s21] =	ssyncset.done @!p0 $0x0  }
0x56: {  	[sflag:s21] =	ssyncadd.s32 @!p0 $0xFFFFF800  }
0x57: {  	[bflag:$0x0] =	sbarrier.arrive $0xFFFF  }
0x58: {  	[tilespmem:s13], [sflag:$0x1] =	stream.linear.gather [spmem:s4], $0x2800, $0x38;
	[tilespmem:$0xF880] =	vst v63  }
0x59: {  	_ =	swait.ge [sflag:s14], $0x2800  }
0x5a: {  	[sflag:s14] =	ssyncset.done $0x0  }
0x5b: {  	[sflag:s14] =	ssyncadd.s32 $0xFFFFD800  }
0x5c: {  	[hbm4b:s15+s3] =	stream.linear.scatter [tilespmem:s13], [sflag:$0x1], $0x2800, $0x38;
	[tilespmem:$0xF880] =	vst v63  }
0x5d: {  	_ =	swait.ge [sflag:s14], $0x2800  }
0x5e: {  	[sflag:s14] =	ssyncset.done $0x0  }
0x5f: {  	[sflag:s14] =	ssyncadd.s32 $0xFFFFD800  }
0x60: {  	[tilespmem:s13], [sflag:$0x1] =	stream.linear.gather [spmem:s6], $0x2800, $0x38;
	[tilespmem:$0xF880] =	vst v63  }
0x61: {  	_ =	swait.ge [sflag:s14], $0x2800  }
0x62: {  	[sflag:s14] =	ssyncset.done $0x0  }
0x63: {  	[sflag:s14] =	ssyncadd.s32 $0xFFFFD800  }
0x64: {  	[hbm4b:s16+s3] =	stream.linear.scatter [tilespmem:s13], [sflag:$0x1], $0x2800, $0x38;
	[tilespmem:$0xF880] =	vst v63  }
0x65: {  	_ =	swait.ge [sflag:s14], $0x2800  }
0x66: {  	[sflag:s14] =	ssyncset.done $0x0  }
0x67: {  	[sflag:s14] =	ssyncadd.s32 $0xFFFFD800  }
0x68: {  	[tilespmem:s13], [sflag:$0x1] =	stream.linear.gather [spmem:s7], $0x2800, $0x38;
	[tilespmem:$0xF880] =	vst v63  }
0x69: {  	_ =	swait.ge [sflag:s14], $0x2800  }
0x6a: {  	[sflag:s14] =	ssyncset.done $0x0  }
0x6b: {  	[sflag:s14] =	ssyncadd.s32 $0xFFFFD800  }
0x6c: {  	[hbm4b:s17+s3] =	stream.linear.scatter [tilespmem:s13], [sflag:$0x1], $0x2800, $0x38;
	[tilespmem:$0xF880] =	vst v63  }
0x6d: {  	_ =	swait.ge [sflag:s14], $0x2800  }
0x6e: {  	[sflag:s14] =	ssyncset.done $0x0  }
0x6f: {  	[sflag:s14] =	ssyncadd.s32 $0xFFFFD800  }
0x70: {  	[tilespmem:s13], [sflag:$0x1] =	stream.linear.gather [spmem:s8], $0x2800, $0x38;
	[tilespmem:$0xF880] =	vst v63  }
0x71: {  	_ =	swait.ge [sflag:s14], $0x2800  }
0x72: {  	[sflag:s14] =	ssyncset.done $0x0  }
0x73: {  	[sflag:s14] =	ssyncadd.s32 $0xFFFFD800  }
0x74: {  	[hbm4b:s18+s3] =	stream.linear.scatter [tilespmem:s13], [sflag:$0x1], $0x2800, $0x38;
	[tilespmem:$0xF880] =	vst v63  }
0x75: {  	_ =	swait.ge [sflag:s14], $0x2800  }
0x76: {  	[sflag:s14] =	ssyncset.done $0x0  }
0x77: {  	[sflag:s14] =	ssyncadd.s32 $0xFFFFD800  }
0x78: {  	[tilespmem:s13], [sflag:$0x1] =	stream.linear.gather [spmem:s9], $0x2800, $0x38;
	[tilespmem:$0xF880] =	vst v63  }
0x79: {  	s20 =	sadd.s32 $0x1, s20;
	_ =	swait.ge [sflag:s14], $0x2800  }
0x7a: {  	p0 =	sne.s32 s20, s5;
	[sflag:s14] =	ssyncset.done $0x0  }
.Ltmp2:
0x7b: {  	[sflag:s14] =	ssyncadd.s32 $0xFFFFD800;
	(pc) =	sbr.rel @p0 .LBB2_1-.Ltmp2, $4  }
0x7c: {  	[hbm4b:s19+s3] =	stream.linear.scatter [tilespmem:s13], [sflag:$0x1], $0x2800, $0x38;
	[tilespmem:$0xF880] =	vst v63  }
0x7d: {  	_ =	swait.ge [sflag:s14], $0x2800  }
0x7e: {  	[sflag:s14] =	ssyncset.done $0x0  }
0x7f: {  	[sflag:s14] =	ssyncadd.s32 $0xFFFFD800  }
0x80: {  	_ =	sfence.sel $0x180000  }
0x81: {  	[bflag:$0x0] =	sbarrier.arrive $0xFFFF  }
0x82: {  	p0 =	sne.s32 s1, $0x0;
	_ =	strace $0x90000062  }
0x83: {  	s0 =	sadd.s32 @!p0 $0x100000, s0;
	[bflag:$0x2] =	sbarrier.arrive $0xFFFF  }
0x84: {  	[sflag:s0] =	ssyncadd.tile.s32 @!p0 $0x1;
	_ =	shalt  }
.Lfunc_end2:
_tile_overlayer_lowered:
.L_overlay_start_2:
0x85: {  	(tag) =	ssettag $0x2  }
0x86: {  	s0 =	rddreg [dreg:$0x0];
	s2 =	stileid.u32  }
0x87: {  	s1 =	rddreg [dreg:$0x1];
	p0 =	sne.s32 s2, $0x0  }
0x88: {  	s3 =	rddreg [dreg:$0x2];
	[bflag:$0x3] =	sbarrier.arrive $0xFFFF;
	s2 =	simm.s32 @!p0 $0x1C01  }
0x89: {  	[timem:s3], [sflag:s2] =	dma.local @!p0 [hbm:s0], s1  }
0x8a: {  	s0 =	simm.s32 @!p0 $0x1  }
0x8b: {  	_ =	swait.ge @!p0 [sflag:s0], s1  }
0x8c: {  	s1 =	ssub.s32 @!p0 $0x0, s1;
	[sflag:s0] =	ssyncset.done @!p0 $0x0  }
0x8d: {  	[sflag:s0] =	ssyncadd.s32 @!p0 s1  }
0x8e: {  	[bflag:$0x3] =	sbarrier.arrive $0xFFFF  }
0x8f: {  	_ =	shalt  }

// kernel: sparse-core-data-format-call.1.cloned.1.call-start
scs
called_computation.1_lowered:
.L_overlay_start_0:
0x0: {  	s1 =	sld [smem:$0x3FD9]  }
0x1: {  	s2 =	sld [smem:$0x3FFE];
	_ =	sdelay $0x1  }
0x2: {  	s3 =	srdreg.scid  }
0x3: {  	s0 =	sand.u32 $0x1, s3  }
0x4: {  	s17 =	sshll.u32 s0, $0xA;
	s1 =	sadd.s32 s2, s1  }
0x5: {  	s1 =	sadd.s32 s1, s17  }
0x6: {  	[smem:$0x3FB0] =	sst s1  }
0x7: {  	_ = 	snop  }
0x8: {  	(tm) =	ssettm $0x1  }
0x9: {  	s18 =	sld [smem:$0x3FFB];
	_ =	sdelay $0x3  }
0xa: {  	_ =	strace s18  }
0xb: {  	s1 =	sld [smem:$0x3FFC];
	_ =	sdelay $0x3  }
0xc: {  	_ =	strace s1  }
0xd: {  	s1 =	sld [smem:$0x3FFD];
	_ =	sdelay $0x3  }
0xe: {  	_ =	strace s1  }
0xf: {  	_ =	strace $0x8FFFFFFF  }
0x10: {  	s19 =	sld [smem:$0x3FDB];
	_ =	sdelay $0x1  }
0x11: {  	s20 =	simm.s32 $_scs_section_size  }
0x12: {  	s4 =	simm.s32 $_size__tile_overlayer_lowered;
	s5 =	simm.s32 $_tile_overlayer_lowered  }
0x13: {  	s23 =	simm.s32 $0x1BFF;
	s22 =	sshll.u32 s5, $0x1;
	s1 =	sadd.s32 s20, s19  }
0x14: {  	s6 =	simm.s32 $0x0;
	s21 =	sshll.u32 s4, $0x1;
	s4 =	sadd.s32 s22, s1  }
0x15: {  	[timem:s6], [sflag:s23] =	dma.local [hbm:s4], s21  }
0x16: {  	_ =	swait.ge [sflag:s23], s21  }
0x17: {  	s2 =	ssub.s32 $0x0, s21;
	[sflag:s23] =	ssyncset.done $0x0  }
0x18: {  	[sflag:s23] =	ssyncadd.s32 s2;
	_ =	sdelay $0x1  }
0x19: {  	s24 =	simm.s32 $0x1B8B  }
0x1a: {  	_ =	swait.ge [sflag:s24], $0x1  }
0x1b: {  	[sflag:s24] =	ssyncset.done $0x0  }
0x1c: {  	s26 =	simm.s32 $0x1B8E;
	s25 =	sld [smem:$0x3FFE];
	[sflag:s24] =	ssyncadd.s32 $0xFFFFFFFF  }
0x1d: {  	s27 =	simm.s32 $execute0_lowered;
	[smem:$0x3FD2] =	sst s26  }
0x1e: {  	s4 =	sshll.u32 s27, $0x1;
	_ =	strace $0x80000055;
	[dreg:$0x1] =	wrdreg $0xFFFFFFFF  }
0x1f: {  	s28 =	simm.s32 $_size_execute0_lowered;
	s1 =	sadd.s32 s1, s4;
	[dreg:$0x0] =	wrdreg $0x0  }
0x20: {  	s4 =	sshll.u32 s28, $0x1;
	[dreg:$0x2] =	wrdreg s1  }
0x21: {  	[dreg:$0x3] =	wrdreg s4  }
0x22: {  	[dreg:$0x4] =	wrdreg $0xC0  }
0x23: {  	_ =	task [dreg:s6], $0x5FFFF  }
0x24: {  	[dreg:$0x1] =	wrdreg $0xFFFFFFFF  }
0x25: {  	[dreg:$0x0] =	wrdreg $0x60  }
0x26: {  	[dreg:$0x2] =	wrdreg s25  }
0x27: {  	[dreg:$0x3] =	wrdreg $0x9  }
0x28: {  	_ =	task.clear_ibuf [dreg:s6], $0x4FFFF;
	_ =	strace $0x90000055  }
0x29: {  	s29 =	simm.s32 $0x9;
	_ =	strace $0x80000057  }
0x2a: {  	_ =	swait.ge [sflag:s29], $0x1  }
0x2b: {  	[sflag:s29] =	ssyncadd.s32 $0xFFFFFFFF  }
0x2c: {  	_ =	strace $0x90000057  }
0x2d: {  	_ =	sfence  }
0x2e: {  	s30 =	sld [smem:$0x0];
	_ =	sdelay $0x2  }
0x2f: {  	s31 =	sshll.u32 s3, $0xD;
	s3 =	sshrl.u32 s3, $0x2  }
0x30: {  	s2 =	sand.u32 $0x4000, s31;
	s1 =	sadd.s32 s3, s30  }
0x31: {  	s0 =	sor.u32 s2, s0;
	s1 =	sshll.u32 s1, $0x11  }
0x32: {  	s0 =	sor.u32 s1, s0  }
0x33: {  	s0 =	sadd.s32 $0x8F2B, s0  }
0x34: {  	[sflag:s0] =	ssyncadd.remote.s32 $0x1  }
0x35: {  	_ =	sfence.sel $0xFFFF  }
0x36: {  	[dreg:$0x0] =	wrdreg $0xFFFFFFFF;
	(pc) =	sbr.abs _section_cstart, $3  }
0x37: {  	[dreg:$0x1] =	wrdreg $0xFFFFFFFF  }
0x38: {  	_ =	task.clear_ibuf [dreg:s6], $0x2FFFF;
	_ =	strace $0x9FFFFFFF  }
0x39: {  	(tm) =	ssettm $0x7FFFFFFF  }
tec
execute0_lowered:
.L_overlay_start_1:
0x0: {  	(tag) =	ssettag $0x1  }
0x1: {  	s0 =	srdreg.scid  }
0x2: {  	s1 =	sshll.u32 s0, $0x4  }
0x3: {  	s4 =	rddreg [dreg:$0x0];
	s0 =	stileid.u32;
	s1 =	sand.u32 $0x10, s1  }
0x4: {  	s7 =	simm.s32 $0x1;
	s8 =	simm.s32 $0x2;
	s1 =	sor.u32 s0, s1  }
0x5: {  	s11 =	simm.s32 $0x0;
	s10 =	simm.s32 $0x0;
	s2 =	sshll.u32 s1, $0x7  }
0x6: {  	s3 =	sadd.s32 $0x148E000, s4;
	s4 =	sadd.s32 $0x53A00, s4;
	s6 =	ssub.s32 $0xC3500, s2  }
.Ltmp0:
0x7: {  	s1 =	rddreg [dreg:$0x1];
	s5 =	sand.u32 $0xF80, s6;
	(pc) =	sbr.rel .LBB1_1-.Ltmp0, $4  }
0x8: {  	_ =	strace $0x80000056;
	s9 =	smov.u32 s2;
	p0 =	sne.s32 s5, $0x0  }
0x9: {  	s6 =	sshrl.u32 s6, $0xC;
	s5 =	simm.s32 $0x1;
	s7 =	simm.s32 @!p0 $0x0  }
0xa: {  	[sflag:s5] =	ssyncpa.u1 $0x0;
	p0 =	por $0x0, $0x0;
	s6 =	sadd.s32 s7, s6  }
0xb: {  	[sflag:s8] =	ssyncpa.u1 $0x0;
	s8 =	simm.s32 $0x61A800;
	s7 =	sadd.s32 $0x1, s6  }
.LBB1_4:
0xc: {  	s14 =	sshll.u32 s11, $0x3  }
0xd: {  	s14 =	sand.u32 $0xFFFFFC00, s14  }
0xe: {  	s15 =	sshrl.u32 s14, $0x8  }
0xf: {  	s15 =	smulhi.u32 $0x14F8B59, s15;
	_ =	sdelay $0x1  }
0x10: {  	s15 =	sshrl.u32 s15, $0x4  }
0x11: {  	s28 =	sand.u32 $0x7F, s11;
	s16 =	smul.u32 $0xC3500, s15  }
0x12: {  	[tilespmem:s12+$0xFFFFFFFC ss:$0x81] =	vst.msk $0xffff, v0;
	s11 =	sor.u32 s28, s14  }
0x13: {  	[tilespmem:s12+$0xFFFFFFFD ss:$0x81] =	vst.msk $0xffff, v3;
	s29 =	sand.u32 $0xF, s15;
	s11 =	ssub.s32 s11, s16  }
0x14: {  	[tilespmem:s12+$0xFFFFFFFE ss:$0x81] =	vst.msk $0xffff, v1;
	s14 =	smul.u32 $0x186A0, s29;
	s30 =	sshrl.u32 s11, $0x3;
	s11 =	sand.u32 $0x7, s11  }
0x15: {  	[tilespmem:s12+$0xFFFFFFFF ss:$0x81] =	vst.msk $0xffff, v4;
	s15 =	sadd.s32 s4, s30;
	s11 =	sshll.u32 s11, $0x12  }
0x16: {  	[tilespmem:s12+$0xFFFFFFF9 ss:$0x81] =	vst.msk $0xffff, v2;
	s31 =	sadd.s32 s14, s15;
	s11 =	sor.u32 $0x400, s11  }
0x17: {  	[hbm4b:s31+s11] =	stream.strided.scatter [tilespmem:s13], [sflag:$0x2], $0x800, s8, s11, $0x20;
	[tilespmem:$0x2020] =	vst v63  }
.LBB1_5:
0x18: {  	s13 =	sadd.s32 $0x1000, s9  }
0x19: {  	p2 =	sgt.s32 s13, $0xC34FF  }
0x1a: {  	s13 =	smov.u32 @p2 s2;
	p2 =	sne.s32 s10, s7  }
.Ltmp1:
0x1b: {  	p1 =	slt.u32 s10, $0x2;
	(pc) =	sbr.rel @!p2 .LBB1_6-.Ltmp1, $4  }
0x1c: {  	s12 =	simm.s32 @!p1 $0x2  }
0x1d: {  	s14 =	sadd.s32 $0x1, s10;
	_ =	swait.ge @!p1 [sflag:s12], $0x800  }
0x1e: {  	s11 =	smov.u32 s9;
	p0 =	por !p0, !p0;
	[sflag:s12] =	ssyncset.done @!p1 $0x0  }
0x1f: {  	s10 =	smov.u32 s14;
	s9 =	smov.u32 s13;
	[sflag:s12] =	ssyncadd.s32 @!p1 $0xFFFFF800  }
.LBB1_1:
0x20: {  	p1 =	sge.u32 s10, s6  }
0x21: {  	s12 =	sand.u32 @!p1 $0x1FFFFFF, s9  }
0x22: {  	s13 =	smulhi.u32 @!p1 $0x14F8B59, s12;
	_ =	sdelay $0x1  }
0x23: {  	s13 =	sshrl.u32 @!p1 s13, $0xC  }
0x24: {  	s13 =	smul.u32 @!p1 $0xC3500, s13;
	_ =	sdelay $0x1  }
0x25: {  	s31 =	sadd.s32 $0xFFFFFFFF, s10;
	s14 =	sxor.u32 @!p1 $0xFFFFFFFF, s10;
	s12 =	ssub.s32 @!p1 s12, s13  }
0x26: {  	s15 =	simm.s32 @!p1 $0x80;
	s14 =	sshll.u32 @!p1 s14, $0xB;
	s12 =	sshll.u32 @!p1 s12, $0x4  }
0x27: {  	s13 =	sand.u32 @!p1 $0x800, s14;
	s14 =	simm.s32 @!p1 $0x10;
	s12 =	sadd.s32 @!p1 s3, s12  }
0x28: {  	[tilespmem:s13], [sflag:$0x1] =	stream.strided.gather @!p1 [hbm4b:s12+s14], $0x800, s15, s14, $0x38;
	[tilespmem:$0x2020] =	vst v63  }
0x29: {  	p1 =	sge.u32 s31, s6  }
.Ltmp2:
0x2a: {  	_ = 	snop;
	(pc) =	sbr.rel @p1 .LBB1_5-.Ltmp2, $1  }
0x2b: {  	_ =	sdelay $0x3  }
0x2c: {  	s12 =	simm.s32 $0x1  }
0x2d: {  	_ =	swait.ge [sflag:s5], $0x800;
	s12 =	simm.s32 @!p0 $0x0  }
0x2e: {  	[sflag:s5] =	ssyncset.done $0x0;
	s13 =	sshll.u32 s12, $0xB  }
0x2f: {  	[sflag:s5] =	ssyncadd.s32 $0xFFFFF800;
	s15 =	sor.u32 $0x40, s13  }
0x30: {  	v2 =	vld [tilespmem:s15+$0x30]  }
0x31: {  	s12 =	smul.u32 $0x2040, s12;
	v4 =	vld [tilespmem:s15+$0xFFFFFFD0]  }
0x32: {  	v5 =	vld [tilespmem:s15+$0xFFFFFFE0]  }
0x33: {  	s31 =	sand.u32 $0x1, s10;
	s12 =	sshrl.u32 s12, $0x2;
	v0 =	vld [tilespmem:s15+$0xFFFFFFF0]  }
0x34: {  	s13 =	smul.u32 $0x2040, s31;
	v3 =	vld [tilespmem:s15+$0x0];
	s12 =	sor.u32 $0x1007, s12  }
0x35: {  	v1 =	vld [tilespmem:s15+$0x10];
	[tilespmem:s12+$0x0 ss:$0x81] =	vst.msk $0xffff, v2  }
0x36: {  	s13 =	sshrl.u32 s13, $0x2;
	[tilespmem:s12+$0xFFFFFFFA ss:$0x81] =	vst.msk $0xffff, v4;
	v4 =	vld [tilespmem:s15+$0x20]  }
0x37: {  	s14 =	simm.s32 $0x0;
	s13 =	sor.u32 $0x1000, s13;
	v2 =	vld [tilespmem:s15+$0xFFFFFFC0];
	[tilespmem:s12+$0xFFFFFFFB ss:$0x81] =	vst.msk $0xffff, v5;
	s15 =	sadd.s32 $0x80, s15  }
.LBB1_3:
0x38: {  	v5 =	vld [tilespmem:s15+$0x30];
	s14 =	sadd.s32 $0x8, s14;
	[tilespmem:s12+$0xFFFFFFFC ss:$0x81] =	vst.msk $0xffff, v0  }
0x39: {  	v6 =	vld [tilespmem:s15+$0xFFFFFFD0];
	p1 =	slt.u32 s14, $0x78;
	[tilespmem:s12+$0xFFFFFFFD ss:$0x81] =	vst.msk $0xffff, v3  }
0x3a: {  	v7 =	vld [tilespmem:s15+$0xFFFFFFE0];
	[tilespmem:s12+$0xFFFFFFFE ss:$0x81] =	vst.msk $0xffff, v1  }
.Ltmp3:
0x3b: {  	v0 =	vld [tilespmem:s15+$0xFFFFFFF0];
	[tilespmem:s12+$0xFFFFFFFF ss:$0x81] =	vst.msk $0xffff, v4;
	(pc) =	sbr.rel @p1 .LBB1_3-.Ltmp3, $4  }
0x3c: {  	v3 =	vld [tilespmem:s15+$0x0];
	[tilespmem:s12+$0xFFFFFFF9 ss:$0x81] =	vst.msk $0xffff, v2;
	s12 =	sadd.s32 $0x8, s12  }
0x3d: {  	v1 =	vld [tilespmem:s15+$0x10];
	[tilespmem:s12+$0x0 ss:$0x81] =	vst.msk $0xffff, v5  }
0x3e: {  	[tilespmem:s12+$0xFFFFFFFA ss:$0x81] =	vst.msk $0xffff, v6;
	v4 =	vld [tilespmem:s15+$0x20]  }
0x3f: {  	v2 =	vld [tilespmem:s15+$0xFFFFFFC0];
	[tilespmem:s12+$0xFFFFFFFB ss:$0x81] =	vst.msk $0xffff, v7;
	s15 =	sadd.s32 $0x80, s15  }
.Ltmp4:
0x40: {  	_ = 	snop;
	(pc) =	sbr.rel .LBB1_4-.Ltmp4, $1  }
0x41: {  	_ =	sdelay $0x3  }
.LBB1_6:
0x42: {  	_ =	sfence.sel $0x180000  }
0x43: {  	s2 =	simm.s32 $0x1;
	[bflag:$0x0] =	sbarrier.arrive $0xFFFF  }
0x44: {  	s31 =	simm.s32 $0x2;
	[sflag:s2] =	ssyncpa.u1 $0x1  }
0x45: {  	[sflag:s31] =	ssyncpa.u1 $0x1  }
0x46: {  	p0 =	sne.s32 s0, $0x0;
	_ =	strace $0x90000056  }
0x47: {  	s0 =	sadd.s32 @!p0 $0x100000, s1;
	[bflag:$0x2] =	sbarrier.arrive $0xFFFF  }
0x48: {  	[sflag:s0] =	ssyncadd.tile.s32 @!p0 $0x1;
	_ =	shalt  }
.Lfunc_end1:
_tile_overlayer_lowered:
.L_overlay_start_2:
0x49: {  	(tag) =	ssettag $0x2  }
0x4a: {  	s0 =	rddreg [dreg:$0x0];
	s2 =	stileid.u32  }
0x4b: {  	s1 =	rddreg [dreg:$0x1];
	p0 =	sne.s32 s2, $0x0  }
0x4c: {  	s3 =	rddreg [dreg:$0x2];
	[bflag:$0x3] =	sbarrier.arrive $0xFFFF;
	s2 =	simm.s32 @!p0 $0x1C01  }
0x4d: {  	[timem:s3], [sflag:s2] =	dma.local @!p0 [hbm:s0], s1  }
0x4e: {  	s0 =	simm.s32 @!p0 $0x1  }
0x4f: {  	_ =	swait.ge @!p0 [sflag:s0], s1  }
0x50: {  	s1 =	ssub.s32 @!p0 $0x0, s1;
	[sflag:s0] =	ssyncset.done @!p0 $0x0  }
0x51: {  	[sflag:s0] =	ssyncadd.s32 @!p0 s1  }
0x52: {  	[bflag:$0x3] =	sbarrier.arrive $0xFFFF  }
0x53: {  	_ =	shalt  }

// kernel: sparse-core-data-format-call.2.cloned.1.call-start
scs
called_computation.2_lowered:
.L_overlay_start_0:
0x0: {  	s1 =	sld [smem:$0x3FD9]  }
0x1: {  	s2 =	sld [smem:$0x3FFE];
	_ =	sdelay $0x1  }
0x2: {  	s3 =	srdreg.scid  }
0x3: {  	s0 =	sand.u32 $0x1, s3  }
0x4: {  	s17 =	sshll.u32 s0, $0xA;
	s1 =	sadd.s32 s2, s1  }
0x5: {  	s1 =	sadd.s32 s1, s17  }
0x6: {  	[smem:$0x3FB0] =	sst s1  }
0x7: {  	_ = 	snop  }
0x8: {  	(tm) =	ssettm $0x1  }
0x9: {  	s18 =	sld [smem:$0x3FFB];
	_ =	sdelay $0x3  }
0xa: {  	_ =	strace s18  }
0xb: {  	s1 =	sld [smem:$0x3FFC];
	_ =	sdelay $0x3  }
0xc: {  	_ =	strace s1  }
0xd: {  	s1 =	sld [smem:$0x3FFD];
	_ =	sdelay $0x3  }
0xe: {  	_ =	strace s1  }
0xf: {  	_ =	strace $0x8FFFFFFF  }
0x10: {  	s19 =	sld [smem:$0x3FDB];
	_ =	sdelay $0x1  }
0x11: {  	s20 =	simm.s32 $_scs_section_size  }
0x12: {  	s4 =	simm.s32 $_size__tile_overlayer_lowered;
	s5 =	simm.s32 $_tile_overlayer_lowered  }
0x13: {  	s23 =	simm.s32 $0x1BFF;
	s22 =	sshll.u32 s5, $0x1;
	s1 =	sadd.s32 s20, s19  }
0x14: {  	s6 =	simm.s32 $0x0;
	s21 =	sshll.u32 s4, $0x1;
	s4 =	sadd.s32 s22, s1  }
0x15: {  	[timem:s6], [sflag:s23] =	dma.local [hbm:s4], s21  }
0x16: {  	_ =	swait.ge [sflag:s23], s21  }
0x17: {  	s2 =	ssub.s32 $0x0, s21;
	[sflag:s23] =	ssyncset.done $0x0  }
0x18: {  	[sflag:s23] =	ssyncadd.s32 s2;
	_ =	sdelay $0x1  }
0x19: {  	s24 =	simm.s32 $0x1B8B  }
0x1a: {  	_ =	swait.ge [sflag:s24], $0x1  }
0x1b: {  	[sflag:s24] =	ssyncset.done $0x0  }
0x1c: {  	s26 =	simm.s32 $0x1B8E;
	s25 =	sld [smem:$0x3FFE];
	[sflag:s24] =	ssyncadd.s32 $0xFFFFFFFF  }
0x1d: {  	s27 =	simm.s32 $execute0_lowered;
	[smem:$0x3FD2] =	sst s26  }
0x1e: {  	s4 =	sshll.u32 s27, $0x1;
	_ =	strace $0x80000049;
	[dreg:$0x1] =	wrdreg $0xFFFFFFFF  }
0x1f: {  	s28 =	simm.s32 $_size_execute0_lowered;
	s1 =	sadd.s32 s1, s4;
	[dreg:$0x0] =	wrdreg $0x0  }
0x20: {  	s4 =	sshll.u32 s28, $0x1;
	[dreg:$0x2] =	wrdreg s1  }
0x21: {  	[dreg:$0x3] =	wrdreg s4  }
0x22: {  	[dreg:$0x4] =	wrdreg $0xC0  }
0x23: {  	_ =	task [dreg:s6], $0x5FFFF  }
0x24: {  	[dreg:$0x1] =	wrdreg $0xFFFFFFFF  }
0x25: {  	[dreg:$0x0] =	wrdreg $0x60  }
0x26: {  	[dreg:$0x2] =	wrdreg s25  }
0x27: {  	[dreg:$0x3] =	wrdreg $0xA  }
0x28: {  	_ =	task.clear_ibuf [dreg:s6], $0x4FFFF;
	_ =	strace $0x90000049  }
0x29: {  	s29 =	simm.s32 $0xA;
	_ =	strace $0x8000004B  }
0x2a: {  	_ =	swait.ge [sflag:s29], $0x1  }
0x2b: {  	[sflag:s29] =	ssyncadd.s32 $0xFFFFFFFF  }
0x2c: {  	_ =	strace $0x9000004B  }
0x2d: {  	_ =	sfence  }
0x2e: {  	s30 =	sld [smem:$0x0];
	_ =	sdelay $0x2  }
0x2f: {  	s31 =	sshll.u32 s3, $0xD;
	s3 =	sshrl.u32 s3, $0x2  }
0x30: {  	s2 =	sand.u32 $0x4000, s31;
	s1 =	sadd.s32 s3, s30  }
0x31: {  	s0 =	sor.u32 s2, s0;
	s1 =	sshll.u32 s1, $0x11  }
0x32: {  	s0 =	sor.u32 s1, s0  }
0x33: {  	s0 =	sadd.s32 $0x8F2B, s0  }
0x34: {  	[sflag:s0] =	ssyncadd.remote.s32 $0x1  }
0x35: {  	_ =	sfence.sel $0xFFFF  }
0x36: {  	[dreg:$0x0] =	wrdreg $0xFFFFFFFF;
	(pc) =	sbr.abs _section_cstart, $3  }
0x37: {  	[dreg:$0x1] =	wrdreg $0xFFFFFFFF  }
0x38: {  	_ =	task.clear_ibuf [dreg:s6], $0x2FFFF;
	_ =	strace $0x9FFFFFFF  }
0x39: {  	(tm) =	ssettm $0x7FFFFFFF  }
tec
execute0_lowered:
.L_overlay_start_1:
0x0: {  	(tag) =	ssettag $0x1  }
0x1: {  	s0 =	srdreg.scid  }
0x2: {  	s1 =	sshll.u32 s0, $0x4  }
0x3: {  	s4 =	rddreg [dreg:$0x0];
	s0 =	stileid.u32;
	s1 =	sand.u32 $0x10, s1  }
0x4: {  	s7 =	simm.s32 $0x1;
	s8 =	simm.s32 $0x2;
	s2 =	sor.u32 s0, s1  }
0x5: {  	s11 =	simm.s32 $0x0;
	s10 =	simm.s32 $0x0;
	s2 =	sshll.u32 s2, $0x7  }
0x6: {  	s3 =	sadd.s32 $0x20C800, s4;
	s4 =	sadd.s32 $0x6CE00, s4;
	s6 =	ssub.s32 $0xC3500, s2  }
.Ltmp0:
0x7: {  	s1 =	rddreg [dreg:$0x1];
	s5 =	sand.u32 $0xF80, s6;
	(pc) =	sbr.rel .LBB1_1-.Ltmp0, $4  }
0x8: {  	_ =	strace $0x8000004A;
	s9 =	smov.u32 s2;
	p0 =	sne.s32 s5, $0x0  }
0x9: {  	s6 =	sshrl.u32 s6, $0xC;
	s5 =	simm.s32 $0x1;
	s7 =	simm.s32 @!p0 $0x0  }
0xa: {  	[sflag:s5] =	ssyncpa.u1 $0x0;
	p0 =	por $0x0, $0x0;
	s6 =	sadd.s32 s7, s6  }
0xb: {  	[sflag:s8] =	ssyncpa.u1 $0x0;
	s8 =	simm.s32 $0x61A800;
	s7 =	sadd.s32 $0x1, s6  }
.LBB1_4:
0xc: {  	s14 =	sshll.u32 s11, $0x3  }
0xd: {  	s14 =	sand.u32 $0xFFFFFC00, s14  }
0xe: {  	s15 =	sshrl.u32 s14, $0x8  }
0xf: {  	s15 =	smulhi.u32 $0x14F8B59, s15;
	_ =	sdelay $0x1  }
0x10: {  	s15 =	sshrl.u32 s15, $0x4  }
0x11: {  	s28 =	sand.u32 $0x7F, s11;
	s16 =	smul.u32 $0xC3500, s15  }
0x12: {  	[tilespmem:s12+$0xFFFFFFFC ss:$0x81] =	vst.msk $0xffff, v0;
	s11 =	sor.u32 s28, s14  }
0x13: {  	[tilespmem:s12+$0xFFFFFFFD ss:$0x81] =	vst.msk $0xffff, v3;
	s29 =	sand.u32 $0xF, s15;
	s11 =	ssub.s32 s11, s16  }
0x14: {  	[tilespmem:s12+$0xFFFFFFFE ss:$0x81] =	vst.msk $0xffff, v1;
	s14 =	smul.u32 $0x186A0, s29;
	s30 =	sshrl.u32 s11, $0x3;
	s11 =	sand.u32 $0x7, s11  }
0x15: {  	[tilespmem:s12+$0xFFFFFFFF ss:$0x81] =	vst.msk $0xffff, v4;
	s15 =	sadd.s32 s4, s30;
	s11 =	sshll.u32 s11, $0x12  }
0x16: {  	[tilespmem:s12+$0xFFFFFFF9 ss:$0x81] =	vst.msk $0xffff, v2;
	s31 =	sadd.s32 s14, s15;
	s11 =	sor.u32 $0x400, s11  }
0x17: {  	[hbm4b:s31+s11] =	stream.strided.scatter [tilespmem:s13], [sflag:$0x2], $0x800, s8, s11, $0x20;
	[tilespmem:$0x2020] =	vst v63  }
.LBB1_5:
0x18: {  	s13 =	sadd.s32 $0x1000, s9  }
0x19: {  	p2 =	sgt.s32 s13, $0xC34FF  }
0x1a: {  	s13 =	smov.u32 @p2 s2;
	p2 =	sne.s32 s10, s7  }
.Ltmp1:
0x1b: {  	p1 =	slt.u32 s10, $0x2;
	(pc) =	sbr.rel @!p2 .LBB1_6-.Ltmp1, $4  }
0x1c: {  	s12 =	simm.s32 @!p1 $0x2  }
0x1d: {  	s14 =	sadd.s32 $0x1, s10;
	_ =	swait.ge @!p1 [sflag:s12], $0x800  }
0x1e: {  	s11 =	smov.u32 s9;
	p0 =	por !p0, !p0;
	[sflag:s12] =	ssyncset.done @!p1 $0x0  }
0x1f: {  	s10 =	smov.u32 s14;
	s9 =	smov.u32 s13;
	[sflag:s12] =	ssyncadd.s32 @!p1 $0xFFFFF800  }
.LBB1_1:
0x20: {  	p1 =	sge.u32 s10, s6  }
0x21: {  	s12 =	sand.u32 @!p1 $0x1FFFFFF, s9  }
0x22: {  	s13 =	smulhi.u32 @!p1 $0x14F8B59, s12;
	_ =	sdelay $0x1  }
0x23: {  	s13 =	sshrl.u32 @!p1 s13, $0xC  }
0x24: {  	s13 =	smul.u32 @!p1 $0xC3500, s13;
	_ =	sdelay $0x1  }
0x25: {  	s31 =	sadd.s32 $0xFFFFFFFF, s10;
	s14 =	sxor.u32 @!p1 $0xFFFFFFFF, s10;
	s12 =	ssub.s32 @!p1 s12, s13  }
0x26: {  	s15 =	simm.s32 @!p1 $0x80;
	s14 =	sshll.u32 @!p1 s14, $0xB;
	s12 =	sshll.u32 @!p1 s12, $0x4  }
0x27: {  	s13 =	sand.u32 @!p1 $0x800, s14;
	s14 =	simm.s32 @!p1 $0x10;
	s12 =	sadd.s32 @!p1 s3, s12  }
0x28: {  	[tilespmem:s13], [sflag:$0x1] =	stream.strided.gather @!p1 [hbm4b:s12+s14], $0x800, s15, s14, $0x38;
	[tilespmem:$0x2020] =	vst v63  }
0x29: {  	p1 =	sge.u32 s31, s6  }
.Ltmp2:
0x2a: {  	_ = 	snop;
	(pc) =	sbr.rel @p1 .LBB1_5-.Ltmp2, $1  }
0x2b: {  	_ =	sdelay $0x3  }
0x2c: {  	s12 =	simm.s32 $0x1  }
0x2d: {  	_ =	swait.ge [sflag:s5], $0x800;
	s12 =	simm.s32 @!p0 $0x0  }
0x2e: {  	[sflag:s5] =	ssyncset.done $0x0;
	s13 =	sshll.u32 s12, $0xB  }
0x2f: {  	[sflag:s5] =	ssyncadd.s32 $0xFFFFF800;
	s15 =	sor.u32 $0x40, s13  }
0x30: {  	v2 =	vld [tilespmem:s15+$0x30]  }
0x31: {  	s12 =	smul.u32 $0x2040, s12;
	v4 =	vld [tilespmem:s15+$0xFFFFFFD0]  }
0x32: {  	v5 =	vld [tilespmem:s15+$0xFFFFFFE0]  }
0x33: {  	s31 =	sand.u32 $0x1, s10;
	s12 =	sshrl.u32 s12, $0x2;
	v0 =	vld [tilespmem:s15+$0xFFFFFFF0]  }
0x34: {  	s13 =	smul.u32 $0x2040, s31;
	v3 =	vld [tilespmem:s15+$0x0];
	s12 =	sor.u32 $0x1007, s12  }
0x35: {  	v1 =	vld [tilespmem:s15+$0x10];
	[tilespmem:s12+$0x0 ss:$0x81] =	vst.msk $0xffff, v2  }
0x36: {  	s13 =	sshrl.u32 s13, $0x2;
	[tilespmem:s12+$0xFFFFFFFA ss:$0x81] =	vst.msk $0xffff, v4;
	v4 =	vld [tilespmem:s15+$0x20]  }
0x37: {  	s14 =	simm.s32 $0x0;
	s13 =	sor.u32 $0x1000, s13;
	v2 =	vld [tilespmem:s15+$0xFFFFFFC0];
	[tilespmem:s12+$0xFFFFFFFB ss:$0x81] =	vst.msk $0xffff, v5;
	s15 =	sadd.s32 $0x80, s15  }
.LBB1_3:
0x38: {  	v5 =	vld [tilespmem:s15+$0x30];
	s14 =	sadd.s32 $0x8, s14;
	[tilespmem:s12+$0xFFFFFFFC ss:$0x81] =	vst.msk $0xffff, v0  }
0x39: {  	v6 =	vld [tilespmem:s15+$0xFFFFFFD0];
	p1 =	slt.u32 s14, $0x78;
	[tilespmem:s12+$0xFFFFFFFD ss:$0x81] =	vst.msk $0xffff, v3  }
0x3a: {  	v7 =	vld [tilespmem:s15+$0xFFFFFFE0];
	[tilespmem:s12+$0xFFFFFFFE ss:$0x81] =	vst.msk $0xffff, v1  }
.Ltmp3:
0x3b: {  	v0 =	vld [tilespmem:s15+$0xFFFFFFF0];
	[tilespmem:s12+$0xFFFFFFFF ss:$0x81] =	vst.msk $0xffff, v4;
	(pc) =	sbr.rel @p1 .LBB1_3-.Ltmp3, $4  }
0x3c: {  	v3 =	vld [tilespmem:s15+$0x0];
	[tilespmem:s12+$0xFFFFFFF9 ss:$0x81] =	vst.msk $0xffff, v2;
	s12 =	sadd.s32 $0x8, s12  }
0x3d: {  	v1 =	vld [tilespmem:s15+$0x10];
	[tilespmem:s12+$0x0 ss:$0x81] =	vst.msk $0xffff, v5  }
0x3e: {  	[tilespmem:s12+$0xFFFFFFFA ss:$0x81] =	vst.msk $0xffff, v6;
	v4 =	vld [tilespmem:s15+$0x20]  }
0x3f: {  	v2 =	vld [tilespmem:s15+$0xFFFFFFC0];
	[tilespmem:s12+$0xFFFFFFFB ss:$0x81] =	vst.msk $0xffff, v7;
	s15 =	sadd.s32 $0x80, s15  }
.Ltmp4:
0x40: {  	_ = 	snop;
	(pc) =	sbr.rel .LBB1_4-.Ltmp4, $1  }
0x41: {  	_ =	sdelay $0x3  }
.LBB1_6:
0x42: {  	_ =	sfence.sel $0x180000  }
0x43: {  	s2 =	simm.s32 $0x1;
	[bflag:$0x0] =	sbarrier.arrive $0xFFFF  }
0x44: {  	s31 =	simm.s32 $0x2;
	[sflag:s2] =	ssyncpa.u1 $0x1  }
0x45: {  	[sflag:s31] =	ssyncpa.u1 $0x1  }
0x46: {  	p0 =	sne.s32 s0, $0x0;
	_ =	strace $0x9000004A  }
0x47: {  	s0 =	sadd.s32 @!p0 $0x100000, s1;
	[bflag:$0x2] =	sbarrier.arrive $0xFFFF  }
0x48: {  	[sflag:s0] =	ssyncadd.tile.s32 @!p0 $0x1;
	_ =	shalt  }
.Lfunc_end1:
_tile_overlayer_lowered:
.L_overlay_start_2:
0x49: {  	(tag) =	ssettag $0x2  }
0x4a: {  	s0 =	rddreg [dreg:$0x0];
	s2 =	stileid.u32  }
0x4b: {  	s1 =	rddreg [dreg:$0x1];
	p0 =	sne.s32 s2, $0x0  }
0x4c: {  	s3 =	rddreg [dreg:$0x2];
	[bflag:$0x3] =	sbarrier.arrive $0xFFFF;
	s2 =	simm.s32 @!p0 $0x1C01  }
0x4d: {  	[timem:s3], [sflag:s2] =	dma.local @!p0 [hbm:s0], s1  }
0x4e: {  	s0 =	simm.s32 @!p0 $0x1  }
0x4f: {  	_ =	swait.ge @!p0 [sflag:s0], s1  }
0x50: {  	s1 =	ssub.s32 @!p0 $0x0, s1;
	[sflag:s0] =	ssyncset.done @!p0 $0x0  }
0x51: {  	[sflag:s0] =	ssyncadd.s32 @!p0 s1  }
0x52: {  	[bflag:$0x3] =	sbarrier.arrive $0xFFFF  }
0x53: {  	_ =	shalt  }

// kernel: sparse-core-data-format-call.cloned.1.call-start
scs
called_computation_lowered:
.L_overlay_start_0:
0x0: {  	s1 =	sld [smem:$0x3FD9]  }
0x1: {  	s2 =	sld [smem:$0x3FFE];
	_ =	sdelay $0x1  }
0x2: {  	s3 =	srdreg.scid  }
0x3: {  	s0 =	sand.u32 $0x1, s3  }
0x4: {  	s17 =	sshll.u32 s0, $0xA;
	s1 =	sadd.s32 s2, s1  }
0x5: {  	s1 =	sadd.s32 s1, s17  }
0x6: {  	[smem:$0x3FB0] =	sst s1  }
0x7: {  	_ = 	snop  }
0x8: {  	(tm) =	ssettm $0x1  }
0x9: {  	s18 =	sld [smem:$0x3FFB];
	_ =	sdelay $0x3  }
0xa: {  	_ =	strace s18  }
0xb: {  	s1 =	sld [smem:$0x3FFC];
	_ =	sdelay $0x3  }
0xc: {  	_ =	strace s1  }
0xd: {  	s1 =	sld [smem:$0x3FFD];
	_ =	sdelay $0x3  }
0xe: {  	_ =	strace s1  }
0xf: {  	_ =	strace $0x8FFFFFFF  }
0x10: {  	s19 =	sld [smem:$0x3FDB];
	_ =	sdelay $0x1  }
0x11: {  	s20 =	simm.s32 $_scs_section_size  }
0x12: {  	s4 =	simm.s32 $_size__tile_overlayer_lowered;
	s5 =	simm.s32 $_tile_overlayer_lowered  }
0x13: {  	s23 =	simm.s32 $0x1BFF;
	s22 =	sshll.u32 s5, $0x1;
	s1 =	sadd.s32 s20, s19  }
0x14: {  	s6 =	simm.s32 $0x0;
	s21 =	sshll.u32 s4, $0x1;
	s4 =	sadd.s32 s22, s1  }
0x15: {  	[timem:s6], [sflag:s23] =	dma.local [hbm:s4], s21  }
0x16: {  	_ =	swait.ge [sflag:s23], s21  }
0x17: {  	s2 =	ssub.s32 $0x0, s21;
	[sflag:s23] =	ssyncset.done $0x0  }
0x18: {  	[sflag:s23] =	ssyncadd.s32 s2;
	_ =	sdelay $0x1  }
0x19: {  	s24 =	simm.s32 $0x1B8B  }
0x1a: {  	_ =	swait.ge [sflag:s24], $0x1  }
0x1b: {  	[sflag:s24] =	ssyncset.done $0x0  }
0x1c: {  	s26 =	simm.s32 $0x1B8E;
	s25 =	sld [smem:$0x3FFE];
	[sflag:s24] =	ssyncadd.s32 $0xFFFFFFFF  }
0x1d: {  	s27 =	simm.s32 $execute0_lowered;
	[smem:$0x3FD2] =	sst s26  }
0x1e: {  	s4 =	sshll.u32 s27, $0x1;
	_ =	strace $0x8000005E;
	[dreg:$0x1] =	wrdreg $0xFFFFFFFF  }
0x1f: {  	s28 =	simm.s32 $_size_execute0_lowered;
	s1 =	sadd.s32 s1, s4;
	[dreg:$0x0] =	wrdreg $0x0  }
0x20: {  	s4 =	sshll.u32 s28, $0x1;
	[dreg:$0x2] =	wrdreg s1  }
0x21: {  	[dreg:$0x3] =	wrdreg s4  }
0x22: {  	[dreg:$0x4] =	wrdreg $0xC0  }
0x23: {  	_ =	task [dreg:s6], $0x5FFFF  }
0x24: {  	[dreg:$0x1] =	wrdreg $0xFFFFFFFF  }
0x25: {  	[dreg:$0x0] =	wrdreg $0x60  }
0x26: {  	[dreg:$0x2] =	wrdreg s25  }
0x27: {  	[dreg:$0x3] =	wrdreg $0x9  }
0x28: {  	_ =	task.clear_ibuf [dreg:s6], $0x4FFFF;
	_ =	strace $0x9000005E  }
0x29: {  	s29 =	simm.s32 $0x9;
	_ =	strace $0x80000060  }
0x2a: {  	_ =	swait.ge [sflag:s29], $0x1  }
0x2b: {  	[sflag:s29] =	ssyncadd.s32 $0xFFFFFFFF  }
0x2c: {  	_ =	strace $0x90000060  }
0x2d: {  	_ =	sfence  }
0x2e: {  	s30 =	sld [smem:$0x0];
	_ =	sdelay $0x2  }
0x2f: {  	s31 =	sshll.u32 s3, $0xD;
	s3 =	sshrl.u32 s3, $0x2  }
0x30: {  	s2 =	sand.u32 $0x4000, s31;
	s1 =	sadd.s32 s3, s30  }
0x31: {  	s0 =	sor.u32 s2, s0;
	s1 =	sshll.u32 s1, $0x11  }
0x32: {  	s0 =	sor.u32 s1, s0  }
0x33: {  	s0 =	sadd.s32 $0x8F2B, s0  }
0x34: {  	[sflag:s0] =	ssyncadd.remote.s32 $0x1  }
0x35: {  	_ =	sfence.sel $0xFFFF  }
0x36: {  	[dreg:$0x0] =	wrdreg $0xFFFFFFFF;
	(pc) =	sbr.abs _section_cstart, $3  }
0x37: {  	[dreg:$0x1] =	wrdreg $0xFFFFFFFF  }
0x38: {  	_ =	task.clear_ibuf [dreg:s6], $0x2FFFF;
	_ =	strace $0x9FFFFFFF  }
0x39: {  	(tm) =	ssettm $0x7FFFFFFF  }
tec
execute0_lowered:
.L_overlay_start_1:
0x0: {  	(tag) =	ssettag $0x1  }
0x1: {  	s0 =	srdreg.scid  }
0x2: {  	s1 =	sshll.u32 s0, $0x4  }
0x3: {  	s4 =	rddreg [dreg:$0x0];
	s0 =	stileid.u32;
	s1 =	sand.u32 $0x10, s1  }
0x4: {  	s7 =	simm.s32 $0x1;
	s8 =	simm.s32 $0x2;
	s1 =	sor.u32 s0, s1  }
0x5: {  	s11 =	simm.s32 $0x0;
	s10 =	simm.s32 $0x0;
	s2 =	sshll.u32 s1, $0x7  }
0x6: {  	s3 =	sadd.s32 $0x148E000, s4;
	s4 =	sadd.s32 $0x53A00, s4;
	s6 =	ssub.s32 $0xC3500, s2  }
.Ltmp0:
0x7: {  	s1 =	rddreg [dreg:$0x1];
	s5 =	sand.u32 $0xF80, s6;
	(pc) =	sbr.rel .LBB1_1-.Ltmp0, $4  }
0x8: {  	_ =	strace $0x8000005F;
	s9 =	smov.u32 s2;
	p0 =	sne.s32 s5, $0x0  }
0x9: {  	s6 =	sshrl.u32 s6, $0xC;
	s5 =	simm.s32 $0x1;
	s7 =	simm.s32 @!p0 $0x0  }
0xa: {  	[sflag:s5] =	ssyncpa.u1 $0x0;
	p0 =	por $0x0, $0x0;
	s6 =	sadd.s32 s7, s6  }
0xb: {  	[sflag:s8] =	ssyncpa.u1 $0x0;
	s8 =	simm.s32 $0x61A800;
	s7 =	sadd.s32 $0x1, s6  }
.LBB1_4:
0xc: {  	s14 =	sshll.u32 s11, $0x3  }
0xd: {  	s14 =	sand.u32 $0xFFFFFC00, s14  }
0xe: {  	s15 =	sshrl.u32 s14, $0x8  }
0xf: {  	s15 =	smulhi.u32 $0x14F8B59, s15;
	_ =	sdelay $0x1  }
0x10: {  	s15 =	sshrl.u32 s15, $0x4  }
0x11: {  	s28 =	sand.u32 $0x7F, s11;
	s16 =	smul.u32 $0xC3500, s15  }
0x12: {  	[tilespmem:s12+$0xFFFFFFFC ss:$0x81] =	vst.msk $0xffff, v0;
	s11 =	sor.u32 s28, s14  }
0x13: {  	[tilespmem:s12+$0xFFFFFFFD ss:$0x81] =	vst.msk $0xffff, v3;
	s29 =	sand.u32 $0xF, s15;
	s11 =	ssub.s32 s11, s16  }
0x14: {  	[tilespmem:s12+$0xFFFFFFFE ss:$0x81] =	vst.msk $0xffff, v1;
	s14 =	smul.u32 $0x186A0, s29;
	s30 =	sshrl.u32 s11, $0x3;
	s11 =	sand.u32 $0x7, s11  }
0x15: {  	[tilespmem:s12+$0xFFFFFFFF ss:$0x81] =	vst.msk $0xffff, v4;
	s15 =	sadd.s32 s4, s30;
	s11 =	sshll.u32 s11, $0x12  }
0x16: {  	[tilespmem:s12+$0xFFFFFFF9 ss:$0x81] =	vst.msk $0xffff, v2;
	s31 =	sadd.s32 s14, s15;
	s11 =	sor.u32 $0x400, s11  }
0x17: {  	[hbm4b:s31+s11] =	stream.strided.scatter [tilespmem:s13], [sflag:$0x2], $0x800, s8, s11, $0x20;
	[tilespmem:$0x2020] =	vst v63  }
.LBB1_5:
0x18: {  	s13 =	sadd.s32 $0x1000, s9  }
0x19: {  	p2 =	sgt.s32 s13, $0xC34FF  }
0x1a: {  	s13 =	smov.u32 @p2 s2;
	p2 =	sne.s32 s10, s7  }
.Ltmp1:
0x1b: {  	p1 =	slt.u32 s10, $0x2;
	(pc) =	sbr.rel @!p2 .LBB1_6-.Ltmp1, $4  }
0x1c: {  	s12 =	simm.s32 @!p1 $0x2  }
0x1d: {  	s14 =	sadd.s32 $0x1, s10;
	_ =	swait.ge @!p1 [sflag:s12], $0x800  }
0x1e: {  	s11 =	smov.u32 s9;
	p0 =	por !p0, !p0;
	[sflag:s12] =	ssyncset.done @!p1 $0x0  }
0x1f: {  	s10 =	smov.u32 s14;
	s9 =	smov.u32 s13;
	[sflag:s12] =	ssyncadd.s32 @!p1 $0xFFFFF800  }
.LBB1_1:
0x20: {  	p1 =	sge.u32 s10, s6  }
0x21: {  	s12 =	sand.u32 @!p1 $0x1FFFFFF, s9  }
0x22: {  	s13 =	smulhi.u32 @!p1 $0x14F8B59, s12;
	_ =	sdelay $0x1  }
0x23: {  	s13 =	sshrl.u32 @!p1 s13, $0xC  }
0x24: {  	s13 =	smul.u32 @!p1 $0xC3500, s13;
	_ =	sdelay $0x1  }
0x25: {  	s31 =	sadd.s32 $0xFFFFFFFF, s10;
	s14 =	sxor.u32 @!p1 $0xFFFFFFFF, s10;
	s12 =	ssub.s32 @!p1 s12, s13  }
0x26: {  	s15 =	simm.s32 @!p1 $0x80;
	s14 =	sshll.u32 @!p1 s14, $0xB;
	s12 =	sshll.u32 @!p1 s12, $0x4  }
0x27: {  	s13 =	sand.u32 @!p1 $0x800, s14;
	s14 =	simm.s32 @!p1 $0x10;
	s12 =	sadd.s32 @!p1 s3, s12  }
0x28: {  	[tilespmem:s13], [sflag:$0x1] =	stream.strided.gather @!p1 [hbm4b:s12+s14], $0x800, s15, s14, $0x38;
	[tilespmem:$0x2020] =	vst v63  }
0x29: {  	p1 =	sge.u32 s31, s6  }
.Ltmp2:
0x2a: {  	_ = 	snop;
	(pc) =	sbr.rel @p1 .LBB1_5-.Ltmp2, $1  }
0x2b: {  	_ =	sdelay $0x3  }
0x2c: {  	s12 =	simm.s32 $0x1  }
0x2d: {  	_ =	swait.ge [sflag:s5], $0x800;
	s12 =	simm.s32 @!p0 $0x0  }
0x2e: {  	[sflag:s5] =	ssyncset.done $0x0;
	s13 =	sshll.u32 s12, $0xB  }
0x2f: {  	[sflag:s5] =	ssyncadd.s32 $0xFFFFF800;
	s15 =	sor.u32 $0x40, s13  }
0x30: {  	v2 =	vld [tilespmem:s15+$0x30]  }
0x31: {  	s12 =	smul.u32 $0x2040, s12;
	v4 =	vld [tilespmem:s15+$0xFFFFFFD0]  }
0x32: {  	v5 =	vld [tilespmem:s15+$0xFFFFFFE0]  }
0x33: {  	s31 =	sand.u32 $0x1, s10;
	s12 =	sshrl.u32 s12, $0x2;
	v0 =	vld [tilespmem:s15+$0xFFFFFFF0]  }
0x34: {  	s13 =	smul.u32 $0x2040, s31;
	v3 =	vld [tilespmem:s15+$0x0];
	s12 =	sor.u32 $0x1007, s12  }
0x35: {  	v1 =	vld [tilespmem:s15+$0x10];
	[tilespmem:s12+$0x0 ss:$0x81] =	vst.msk $0xffff, v2  }
0x36: {  	s13 =	sshrl.u32 s13, $0x2;
	[tilespmem:s12+$0xFFFFFFFA ss:$0x81] =	vst.msk $0xffff, v4;
	v4 =	vld [tilespmem:s15+$0x20]  }
0x37: {  	s14 =	simm.s32 $0x0;
	s13 =	sor.u32 $0x1000, s13;
	v2 =	vld [tilespmem:s15+$0xFFFFFFC0];
	[tilespmem:s12+$0xFFFFFFFB ss:$0x81] =	vst.msk $0xffff, v5;
	s15 =	sadd.s32 $0x80, s15  }
.LBB1_3:
0x38: {  	v5 =	vld [tilespmem:s15+$0x30];
	s14 =	sadd.s32 $0x8, s14;
	[tilespmem:s12+$0xFFFFFFFC ss:$0x81] =	vst.msk $0xffff, v0  }
0x39: {  	v6 =	vld [tilespmem:s15+$0xFFFFFFD0];
	p1 =	slt.u32 s14, $0x78;
	[tilespmem:s12+$0xFFFFFFFD ss:$0x81] =	vst.msk $0xffff, v3  }
0x3a: {  	v7 =	vld [tilespmem:s15+$0xFFFFFFE0];
	[tilespmem:s12+$0xFFFFFFFE ss:$0x81] =	vst.msk $0xffff, v1  }
.Ltmp3:
0x3b: {  	v0 =	vld [tilespmem:s15+$0xFFFFFFF0];
	[tilespmem:s12+$0xFFFFFFFF ss:$0x81] =	vst.msk $0xffff, v4;
	(pc) =	sbr.rel @p1 .LBB1_3-.Ltmp3, $4  }
0x3c: {  	v3 =	vld [tilespmem:s15+$0x0];
	[tilespmem:s12+$0xFFFFFFF9 ss:$0x81] =	vst.msk $0xffff, v2;
	s12 =	sadd.s32 $0x8, s12  }
0x3d: {  	v1 =	vld [tilespmem:s15+$0x10];
	[tilespmem:s12+$0x0 ss:$0x81] =	vst.msk $0xffff, v5  }
0x3e: {  	[tilespmem:s12+$0xFFFFFFFA ss:$0x81] =	vst.msk $0xffff, v6;
	v4 =	vld [tilespmem:s15+$0x20]  }
0x3f: {  	v2 =	vld [tilespmem:s15+$0xFFFFFFC0];
	[tilespmem:s12+$0xFFFFFFFB ss:$0x81] =	vst.msk $0xffff, v7;
	s15 =	sadd.s32 $0x80, s15  }
.Ltmp4:
0x40: {  	_ = 	snop;
	(pc) =	sbr.rel .LBB1_4-.Ltmp4, $1  }
0x41: {  	_ =	sdelay $0x3  }
.LBB1_6:
0x42: {  	_ =	sfence.sel $0x180000  }
0x43: {  	s2 =	simm.s32 $0x1;
	[bflag:$0x0] =	sbarrier.arrive $0xFFFF  }
0x44: {  	s31 =	simm.s32 $0x2;
	[sflag:s2] =	ssyncpa.u1 $0x1  }
0x45: {  	[sflag:s31] =	ssyncpa.u1 $0x1  }
0x46: {  	p0 =	sne.s32 s0, $0x0;
	_ =	strace $0x9000005F  }
0x47: {  	s0 =	sadd.s32 @!p0 $0x100000, s1;
	[bflag:$0x2] =	sbarrier.arrive $0xFFFF  }
0x48: {  	[sflag:s0] =	ssyncadd.tile.s32 @!p0 $0x1;
	_ =	shalt  }
.Lfunc_end1:
_tile_overlayer_lowered:
.L_overlay_start_2:
0x49: {  	(tag) =	ssettag $0x2  }
0x4a: {  	s0 =	rddreg [dreg:$0x0];
	s2 =	stileid.u32  }
0x4b: {  	s1 =	rddreg [dreg:$0x1];
	p0 =	sne.s32 s2, $0x0  }
0x4c: {  	s3 =	rddreg [dreg:$0x2];
	[bflag:$0x3] =	sbarrier.arrive $0xFFFF;
	s2 =	simm.s32 @!p0 $0x1C01  }
0x4d: {  	[timem:s3], [sflag:s2] =	dma.local @!p0 [hbm:s0], s1  }
0x4e: {  	s0 =	simm.s32 @!p0 $0x1  }
0x4f: {  	_ =	swait.ge @!p0 [sflag:s0], s1  }
0x50: {  	s1 =	ssub.s32 @!p0 $0x0, s1;
	[sflag:s0] =	ssyncset.done @!p0 $0x0  }
0x51: {  	[sflag:s0] =	ssyncadd.s32 @!p0 s1  }
0x52: {  	[bflag:$0x3] =	sbarrier.arrive $0xFFFF  }
0x53: {  	_ =	shalt  }

</sc_bundles>
